<compile_context>
chip_gen: v7x
topology: tpu7x:2x2x1
jax: 0.10.2.dev20260603
libtpu: 0.0.44.dev20260713+nightly
codegen_flags: <defaults>
</compile_context>

<pallas_src>
import functools

import jax
import jax.numpy as jnp
from jax import lax
from jax.experimental import pallas as pl
from jax.experimental.pallas import tpu as pltpu
from jax.experimental.pallas import tpu_sc as plsc
from jax._src.pallas import mpmd

_NUM_STEPS = 50
_NUM_ENVS = 4096
_FEAT = 128
_NUM_CORES = 2
_NUM_TILES = 32

_ENVS_SCS = 2048
_ENVS_TEC = _NUM_ENVS - _ENVS_SCS
_EPS = _ENVS_SCS // _NUM_CORES
_EPT = _ENVS_TEC // _NUM_TILES

_NBUF = 4
_DEPTH = 2


def _ring_copy(data_hbm, fresh_hbm, out_hbm, e0, epw, bufs, isems, osems):

    def src(s):
        if s == 0:
            return fresh_hbm.at[pl.ds(e0, epw), :]
        return data_hbm.at[s - 1, pl.ds(e0, epw), :]

    def dst(s):
        return out_hbm.at[pl.ds(e0, epw), pl.ds(s * _FEAT, _FEAT)]

    inc = [None] * _NUM_STEPS
    outc = [None] * _NUM_STEPS
    for s in range(_DEPTH):
        inc[s] = pltpu.async_copy(src(s), bufs[s % _NBUF], isems[s % _NBUF])
    for s in range(_NUM_STEPS):
        b = s % _NBUF
        inc[s].wait()
        outc[s] = pltpu.async_copy(bufs[b], dst(s), osems[b])
        ns = s + _DEPTH
        if ns < _NUM_STEPS:
            if ns >= _NBUF:
                outc[ns - _NBUF].wait()
            inc[ns] = pltpu.async_copy(src(ns), bufs[ns % _NBUF], isems[ns % _NBUF])
    for s in range(_NUM_STEPS - _NBUF, _NUM_STEPS):
        outc[s].wait()


def _scs_body(data_hbm, fresh_hbm, out_hbm, *scratch):
    sbufs = scratch[:_NBUF]
    ssems = scratch[2 * _NBUF:4 * _NBUF]
    cid = lax.axis_index("c")
    e0 = cid * _EPS
    _ring_copy(data_hbm, fresh_hbm, out_hbm, e0, _EPS,
               sbufs, ssems[:_NBUF], ssems[_NBUF:])


def _tec_body(data_hbm, fresh_hbm, out_hbm, *scratch):
    tbufs = scratch[_NBUF:2 * _NBUF]
    tsems = scratch[4 * _NBUF:]
    wid = lax.axis_index("s") * _NUM_CORES + lax.axis_index("c")
    e0 = _ENVS_SCS + wid * _EPT
    _ring_copy(data_hbm, fresh_hbm, out_hbm, e0, _EPT,
               tbufs, tsems[:_NBUF], tsems[_NBUF:])


def kernel(data, fresh_data):
    scs_mesh = plsc.ScalarSubcoreMesh(axis_name="c")
    tec_mesh = plsc.VectorSubcoreMesh(core_axis_name="c", subcore_axis_name="s")
    tec_vmem = pltpu.MemorySpace.VMEM @ tec_mesh
    run = mpmd.mpmd_map(
        [(scs_mesh, _scs_body), (tec_mesh, _tec_body)],
        out_types=jax.ShapeDtypeStruct((_NUM_ENVS, _NUM_STEPS * _FEAT), jnp.float32),
        scratch_types=(
            [pltpu.VMEM_SHARED((_EPS, _FEAT), jnp.float32) for _ in range(_NBUF)]
            + [tec_vmem((_EPT, _FEAT), jnp.float32) for _ in range(_NBUF)]
            + [pltpu.SemaphoreType.DMA @ scs_mesh for _ in range(2 * _NBUF)]
            + [pltpu.SemaphoreType.DMA @ tec_mesh for _ in range(2 * _NBUF)]
        ),
    )
    return run(data, fresh_data)

# --- scband reference (transcript-rebuilt; emitter-appended) ---
"""Pipeline reference for scband-history-buffer-55705725829765 (READ-ONLY COPY).

The authoritative reference and input builder live on the scoring server;
editing this copy changes nothing except your own understanding.
"""

import jax, jax.numpy as jnp
import numpy as np

NUM_STEPS = 50
NUM_ENVS = 4096
FEAT = 128


def setup_inputs(seed: int = 0) -> dict:
    key = jax.random.key(seed)
    k1, k2 = jax.random.split(key)
    # Buffer state: module initializes to zeros, but we fill with accumulated
    # history (randn) for a realistic steady-state workload.
    data = jax.random.normal(k1, (NUM_STEPS, NUM_ENVS, FEAT), dtype=jnp.float32)
    fresh_data = jax.random.normal(k2, (NUM_ENVS, FEAT), dtype=jnp.float32)
    return {"data": data, "fresh_data": fresh_data}


def reference(data, fresh_data):
    # HistoryBuffer.update(fresh_data):
    #   rotate(): roll buffer forward one timestep (oldest frame discarded)
    rolled = jnp.roll(data, shift=1, axis=0)
    #   set_curr(fresh_data): overwrite frame 0 with the new observation
    new_data = rolled.at[0].set(fresh_data)
    # get_all_flattened(): [num_envs, num_steps * feat]
    num_envs = new_data.shape[1]
    flat = jnp.transpose(new_data, (1, 0, 2)).reshape(num_envs, -1)
    return flat

if __name__ == "__main__":
    import jax
    _d = setup_inputs()
    print(jax.jit(kernel)(*tuple(_d.values())))

</pallas_src>

<mosaic_0001>
#map = affine_map<(d0) -> (0, 0, 0)>
#map1 = affine_map<(d0) -> (0, 0)>
#map2 = affine_map<(d0, d1) -> (0, 0, 0)>
#map3 = affine_map<(d0, d1) -> (0, 0)>
module attributes {stable_mosaic.version = 14 : i64} {
  func.func @_scs_body(%arg0: i32, %arg1: memref<50x4096x128xf32, #tpu.memory_space<hbm>>, %arg2: memref<4096x128xf32, #tpu.memory_space<hbm>>, %arg3: memref<4096x6400xf32, #tpu.memory_space<hbm>>, %arg4: memref<1024x128xf32, #tpu.memory_space<vmem_shared>>, %arg5: memref<1024x128xf32, #tpu.memory_space<vmem_shared>>, %arg6: memref<1024x128xf32, #tpu.memory_space<vmem_shared>>, %arg7: memref<1024x128xf32, #tpu.memory_space<vmem_shared>>, %arg8: memref<64x128xf32, #tpu.memory_space<vmem, sc_vector_subcore>>, %arg9: memref<64x128xf32, #tpu.memory_space<vmem, sc_vector_subcore>>, %arg10: memref<64x128xf32, #tpu.memory_space<vmem, sc_vector_subcore>>, %arg11: memref<64x128xf32, #tpu.memory_space<vmem, sc_vector_subcore>>, %arg12: memref<!tpu.dma_semaphore, #tpu.memory_space<semaphore_mem>>, %arg13: memref<!tpu.dma_semaphore, #tpu.memory_space<semaphore_mem>>, %arg14: memref<!tpu.dma_semaphore, #tpu.memory_space<semaphore_mem>>, %arg15: memref<!tpu.dma_semaphore, #tpu.memory_space<semaphore_mem>>, %arg16: memref<!tpu.dma_semaphore, #tpu.memory_space<semaphore_mem>>, %arg17: memref<!tpu.dma_semaphore, #tpu.memory_space<semaphore_mem>>, %arg18: memref<!tpu.dma_semaphore, #tpu.memory_space<semaphore_mem>>, %arg19: memref<!tpu.dma_semaphore, #tpu.memory_space<semaphore_mem>>, %arg20: memref<!tpu.dma_semaphore, #tpu.memory_space<semaphore_mem, sc_vector_subcore>>, %arg21: memref<!tpu.dma_semaphore, #tpu.memory_space<semaphore_mem, sc_vector_subcore>>, %arg22: memref<!tpu.dma_semaphore, #tpu.memory_space<semaphore_mem, sc_vector_subcore>>, %arg23: memref<!tpu.dma_semaphore, #tpu.memory_space<semaphore_mem, sc_vector_subcore>>, %arg24: memref<!tpu.dma_semaphore, #tpu.memory_space<semaphore_mem, sc_vector_subcore>>, %arg25: memref<!tpu.dma_semaphore, #tpu.memory_space<semaphore_mem, sc_vector_subcore>>, %arg26: memref<!tpu.dma_semaphore, #tpu.memory_space<semaphore_mem, sc_vector_subcore>>, %arg27: memref<!tpu.dma_semaphore, #tpu.memory_space<semaphore_mem, sc_vector_subcore>>) attributes {dimension_semantics = [#tpu.dimension_semantics<core_parallel>], iteration_bounds = array<i64: 2>, scalar_prefetch = 0 : i64, scratch_operands = 24 : i64, tpu.core_type = #tpu.core_type<sc_scalar_subcore>, window_params = [{transform_indices = #map}, {transform_indices = #map1}, {transform_indices = #map1}]} {
    %mul3A = arith.constant 1024 : i32
    %mul3A_0 = arith.muli %arg0, %mul3A : i32
    %dma_start3A = arith.constant 0 : i32
    %dma_start3A_1 = tpu.memref_slice %arg2[%mul3A_0, %dma_start3A] : memref<4096x128xf32, #tpu.memory_space<hbm>> -> memref<1024x128xf32, #tpu.memory_space<hbm>>
    tpu.enqueue_dma source(%dma_start3A_1 : memref<1024x128xf32, #tpu.memory_space<hbm>>) target(%arg4 : memref<1024x128xf32, #tpu.memory_space<vmem_shared>>) target_semaphore(%arg12 : memref<!tpu.dma_semaphore, #tpu.memory_space<semaphore_mem>>)
    %dma_start3A_2 = arith.constant 0 : i32
    %dma_start3A_3 = arith.constant 0 : i32
    %dma_start3A_4 = tpu.memref_slice %arg1[%dma_start3A_2, %mul3A_0, %dma_start3A_3] : memref<50x4096x128xf32, #tpu.memory_space<hbm>> -> memref<1x1024x128xf32, #tpu.memory_space<hbm>>
    %dma_start3A_5 = tpu.memref_squeeze %dma_start3A_4 : memref<1x1024x128xf32, #tpu.memory_space<hbm>> -> memref<1024x128xf32, #tpu.memory_space<hbm>>
    tpu.enqueue_dma source(%dma_start3A_5 : memref<1024x128xf32, #tpu.memory_space<hbm>>) target(%arg5 : memref<1024x128xf32, #tpu.memory_space<vmem_shared>>) target_semaphore(%arg13 : memref<!tpu.dma_semaphore, #tpu.memory_space<semaphore_mem>>)
    %dma_wait3A = arith.constant 0 : i32
    %dma_wait3A_6 = tpu.memref_slice %arg2[%mul3A_0, %dma_wait3A] : memref<4096x128xf32, #tpu.memory_space<hbm>> -> memref<1024x128xf32, #tpu.memory_space<hbm>>
    tpu.wait_dma2 semaphore(%arg12 : memref<!tpu.dma_semaphore, #tpu.memory_space<semaphore_mem>>) src(%dma_wait3A_6 : memref<1024x128xf32, #tpu.memory_space<hbm>>) dst(%arg4 : memref<1024x128xf32, #tpu.memory_space<vmem_shared>>)
    %dma_start3A_7 = arith.constant 0 : i32
    %dma_start3A_8 = tpu.memref_slice %arg3[%mul3A_0, %dma_start3A_7] : memref<4096x6400xf32, #tpu.memory_space<hbm>> -> memref<1024x128xf32, #tpu.memory_space<hbm>>
    tpu.enqueue_dma source(%arg4 : memref<1024x128xf32, #tpu.memory_space<vmem_shared>>) target(%dma_start3A_8 : memref<1024x128xf32, #tpu.memory_space<hbm>>) target_semaphore(%arg16 : memref<!tpu.dma_semaphore, #tpu.memory_space<semaphore_mem>>)
    %dma_start3A_9 = arith.constant 1 : i32
    %dma_start3A_10 = arith.constant 0 : i32
    %dma_start3A_11 = tpu.memref_slice %arg1[%dma_start3A_9, %mul3A_0, %dma_start3A_10] : memref<50x4096x128xf32, #tpu.memory_space<hbm>> -> memref<1x1024x128xf32, #tpu.memory_space<hbm>>
    %dma_start3A_12 = tpu.memref_squeeze %dma_start3A_11 : memref<1x1024x128xf32, #tpu.memory_space<hbm>> -> memref<1024x128xf32, #tpu.memory_space<hbm>>
    tpu.enqueue_dma source(%dma_start3A_12 : memref<1024x128xf32, #tpu.memory_space<hbm>>) target(%arg6 : memref<1024x128xf32, #tpu.memory_space<vmem_shared>>) target_semaphore(%arg14 : memref<!tpu.dma_semaphore, #tpu.memory_space<semaphore_mem>>)
    %dma_wait3A_13 = arith.constant 0 : i32
    %dma_wait3A_14 = arith.constant 0 : i32
    %dma_wait3A_15 = tpu.memref_slice %arg1[%dma_wait3A_13, %mul3A_0, %dma_wait3A_14] : memref<50x4096x128xf32, #tpu.memory_space<hbm>> -> memref<1x1024x128xf32, #tpu.memory_space<hbm>>
    %dma_wait3A_16 = tpu.memref_squeeze %dma_wait3A_15 : memref<1x1024x128xf32, #tpu.memory_space<hbm>> -> memref<1024x128xf32, #tpu.memory_space<hbm>>
    tpu.wait_dma2 semaphore(%arg13 : memref<!tpu.dma_semaphore, #tpu.memory_space<semaphore_mem>>) src(%dma_wait3A_16 : memref<1024x128xf32, #tpu.memory_space<hbm>>) dst(%arg5 : memref<1024x128xf32, #tpu.memory_space<vmem_shared>>)
    %dma_start3A_17 = arith.constant 128 : i32
    %dma_start3A_18 = tpu.memref_slice %arg3[%mul3A_0, %dma_start3A_17] : memref<4096x6400xf32, #tpu.memory_space<hbm>> -> memref<1024x128xf32, #tpu.memory_space<hbm>>
    tpu.enqueue_dma source(%arg5 : memref<1024x128xf32, #tpu.memory_space<vmem_shared>>) target(%dma_start3A_18 : memref<1024x128xf32, #tpu.memory_space<hbm>>) target_semaphore(%arg17 : memref<!tpu.dma_semaphore, #tpu.memory_space<semaphore_mem>>)
    %dma_start3A_19 = arith.constant 2 : i32
    %dma_start3A_20 = arith.constant 0 : i32
    %dma_start3A_21 = tpu.memref_slice %arg1[%dma_start3A_19, %mul3A_0, %dma_start3A_20] : memref<50x4096x128xf32, #tpu.memory_space<hbm>> -> memref<1x1024x128xf32, #tpu.memory_space<hbm>>
    %dma_start3A_22 = tpu.memref_squeeze %dma_start3A_21 : memref<1x1024x128xf32, #tpu.memory_space<hbm>> -> memref<1024x128xf32, #tpu.memory_space<hbm>>
    tpu.enqueue_dma source(%dma_start3A_22 : memref<1024x128xf32, #tpu.memory_space<hbm>>) target(%arg7 : memref<1024x128xf32, #tpu.memory_space<vmem_shared>>) target_semaphore(%arg15 : memref<!tpu.dma_semaphore, #tpu.memory_space<semaphore_mem>>)
    %dma_wait3A_23 = arith.constant 1 : i32
    %dma_wait3A_24 = arith.constant 0 : i32
    %dma_wait3A_25 = tpu.memref_slice %arg1[%dma_wait3A_23, %mul3A_0, %dma_wait3A_24] : memref<50x4096x128xf32, #tpu.memory_space<hbm>> -> memref<1x1024x128xf32, #tpu.memory_space<hbm>>
    %dma_wait3A_26 = tpu.memref_squeeze %dma_wait3A_25 : memref<1x1024x128xf32, #tpu.memory_space<hbm>> -> memref<1024x128xf32, #tpu.memory_space<hbm>>
    tpu.wait_dma2 semaphore(%arg14 : memref<!tpu.dma_semaphore, #tpu.memory_space<semaphore_mem>>) src(%dma_wait3A_26 : memref<1024x128xf32, #tpu.memory_space<hbm>>) dst(%arg6 : memref<1024x128xf32, #tpu.memory_space<vmem_shared>>)
    %dma_start3A_27 = arith.constant 256 : i32
    %dma_start3A_28 = tpu.memref_slice %arg3[%mul3A_0, %dma_start3A_27] : memref<4096x6400xf32, #tpu.memory_space<hbm>> -> memref<1024x128xf32, #tpu.memory_space<hbm>>
    tpu.enqueue_dma source(%arg6 : memref<1024x128xf32, #tpu.memory_space<vmem_shared>>) target(%dma_start3A_28 : memref<1024x128xf32, #tpu.memory_space<hbm>>) target_semaphore(%arg18 : memref<!tpu.dma_semaphore, #tpu.memory_space<semaphore_mem>>)
    %dma_wait3A_29 = arith.constant 0 : i32
    %dma_wait3A_30 = tpu.memref_slice %arg3[%mul3A_0, %dma_wait3A_29] : memref<4096x6400xf32, #tpu.memory_space<hbm>> -> memref<1024x128xf32, #tpu.memory_space<hbm>>
    tpu.wait_dma2 semaphore(%arg16 : memref<!tpu.dma_semaphore, #tpu.memory_space<semaphore_mem>>) src(%arg4 : memref<1024x128xf32, #tpu.memory_space<vmem_shared>>) dst(%dma_wait3A_30 : memref<1024x128xf32, #tpu.memory_space<hbm>>)
    %dma_start3A_31 = arith.constant 3 : i32
    %dma_start3A_32 = arith.constant 0 : i32
    %dma_start3A_33 = tpu.memref_slice %arg1[%dma_start3A_31, %mul3A_0, %dma_start3A_32] : memref<50x4096x128xf32, #tpu.memory_space<hbm>> -> memref<1x1024x128xf32, #tpu.memory_space<hbm>>
    %dma_start3A_34 = tpu.memref_squeeze %dma_start3A_33 : memref<1x1024x128xf32, #tpu.memory_space<hbm>> -> memref<1024x128xf32, #tpu.memory_space<hbm>>
    tpu.enqueue_dma source(%dma_start3A_34 : memref<1024x128xf32, #tpu.memory_space<hbm>>) target(%arg4 : memref<1024x128xf32, #tpu.memory_space<vmem_shared>>) target_semaphore(%arg12 : memref<!tpu.dma_semaphore, #tpu.memory_space<semaphore_mem>>)
    %dma_wait3A_35 = arith.constant 2 : i32
    %dma_wait3A_36 = arith.constant 0 : i32
    %dma_wait3A_37 = tpu.memref_slice %arg1[%dma_wait3A_35, %mul3A_0, %dma_wait3A_36] : memref<50x4096x128xf32, #tpu.memory_space<hbm>> -> memref<1x1024x128xf32, #tpu.memory_space<hbm>>
    %dma_wait3A_38 = tpu.memref_squeeze %dma_wait3A_37 : memref<1x1024x128xf32, #tpu.memory_space<hbm>> -> memref<1024x128xf32, #tpu.memory_space<hbm>>
    tpu.wait_dma2 semaphore(%arg15 : memref<!tpu.dma_semaphore, #tpu.memory_space<semaphore_mem>>) src(%dma_wait3A_38 : memref<1024x128xf32, #tpu.memory_space<hbm>>) dst(%arg7 : memref<1024x128xf32, #tpu.memory_space<vmem_shared>>)
    %dma_start3A_39 = arith.constant 384 : i32
    %dma_start3A_40 = tpu.memref_slice %arg3[%mul3A_0, %dma_start3A_39] : memref<4096x6400xf32, #tpu.memory_space<hbm>> -> memref<1024x128xf32, #tpu.memory_space<hbm>>
    tpu.enqueue_dma source(%arg7 : memref<1024x128xf32, #tpu.memory_space<vmem_shared>>) target(%dma_start3A_40 : memref<1024x128xf32, #tpu.memory_space<hbm>>) target_semaphore(%arg19 : memref<!tpu.dma_semaphore, #tpu.memory_space<semaphore_mem>>)
    %dma_wait3A_41 = arith.constant 128 : i32
    %dma_wait3A_42 = tpu.memref_slice %arg3[%mul3A_0, %dma_wait3A_41] : memref<4096x6400xf32, #tpu.memory_space<hbm>> -> memref<1024x128xf32, #tpu.memory_space<hbm>>
    tpu.wait_dma2 semaphore(%arg17 : memref<!tpu.dma_semaphore, #tpu.memory_space<semaphore_mem>>) src(%arg5 : memref<1024x128xf32, #tpu.memory_space<vmem_shared>>) dst(%dma_wait3A_42 : memref<1024x128xf32, #tpu.memory_space<hbm>>)
    %dma_start3A_43 = arith.constant 4 : i32
    %dma_start3A_44 = arith.constant 0 : i32
    %dma_start3A_45 = tpu.memref_slice %arg1[%dma_start3A_43, %mul3A_0, %dma_start3A_44] : memref<50x4096x128xf32, #tpu.memory_space<hbm>> -> memref<1x1024x128xf32, #tpu.memory_space<hbm>>
    %dma_start3A_46 = tpu.memref_squeeze %dma_start3A_45 : memref<1x1024x128xf32, #tpu.memory_space<hbm>> -> memref<1024x128xf32, #tpu.memory_space<hbm>>
    tpu.enqueue_dma source(%dma_start3A_46 : memref<1024x128xf32, #tpu.memory_space<hbm>>) target(%arg5 : memref<1024x128xf32, #tpu.memory_space<vmem_shared>>) target_semaphore(%arg13 : memref<!tpu.dma_semaphore, #tpu.memory_space<semaphore_mem>>)
    %dma_wait3A_47 = arith.constant 3 : i32
    %dma_wait3A_48 = arith.constant 0 : i32
    %dma_wait3A_49 = tpu.memref_slice %arg1[%dma_wait3A_47, %mul3A_0, %dma_wait3A_48] : memref<50x4096x128xf32, #tpu.memory_space<hbm>> -> memref<1x1024x128xf32, #tpu.memory_space<hbm>>
    %dma_wait3A_50 = tpu.memref_squeeze %dma_wait3A_49 : memref<1x1024x128xf32, #tpu.memory_space<hbm>> -> memref<1024x128xf32, #tpu.memory_space<hbm>>
    tpu.wait_dma2 semaphore(%arg12 : memref<!tpu.dma_semaphore, #tpu.memory_space<semaphore_mem>>) src(%dma_wait3A_50 : memref<1024x128xf32, #tpu.memory_space<hbm>>) dst(%arg4 : memref<1024x128xf32, #tpu.memory_space<vmem_shared>>)
    %dma_start3A_51 = arith.constant 512 : i32
    %dma_start3A_52 = tpu.memref_slice %arg3[%mul3A_0, %dma_start3A_51] : memref<4096x6400xf32, #tpu.memory_space<hbm>> -> memref<1024x128xf32, #tpu.memory_space<hbm>>
    tpu.enqueue_dma source(%arg4 : memref<1024x128xf32, #tpu.memory_space<vmem_shared>>) target(%dma_start3A_52 : memref<1024x128xf32, #tpu.memory_space<hbm>>) target_semaphore(%arg16 : memref<!tpu.dma_semaphore, #tpu.memory_space<semaphore_mem>>)
    %dma_wait3A_53 = arith.constant 256 : i32
    %dma_wait3A_54 = tpu.memref_slice %arg3[%mul3A_0, %dma_wait3A_53] : memref<4096x6400xf32, #tpu.memory_space<hbm>> -> memref<1024x128xf32, #tpu.memory_space<hbm>>
    tpu.wait_dma2 semaphore(%arg18 : memref<!tpu.dma_semaphore, #tpu.memory_space<semaphore_mem>>) src(%arg6 : memref<1024x128xf32, #tpu.memory_space<vmem_shared>>) dst(%dma_wait3A_54 : memref<1024x128xf32, #tpu.memory_space<hbm>>)
    %dma_start3A_55 = arith.constant 5 : i32
    %dma_start3A_56 = arith.constant 0 : i32
    %dma_start3A_57 = tpu.memref_slice %arg1[%dma_start3A_55, %mul3A_0, %dma_start3A_56] : memref<50x4096x128xf32, #tpu.memory_space<hbm>> -> memref<1x1024x128xf32, #tpu.memory_space<hbm>>
    %dma_start3A_58 = tpu.memref_squeeze %dma_start3A_57 : memref<1x1024x128xf32, #tpu.memory_space<hbm>> -> memref<1024x128xf32, #tpu.memory_space<hbm>>
    tpu.enqueue_dma source(%dma_start3A_58 : memref<1024x128xf32, #tpu.memory_space<hbm>>) target(%arg6 : memref<1024x128xf32, #tpu.memory_space<vmem_shared>>) target_semaphore(%arg14 : memref<!tpu.dma_semaphore, #tpu.memory_space<semaphore_mem>>)
    %dma_wait3A_59 = arith.constant 4 : i32
    %dma_wait3A_60 = arith.constant 0 : i32
    %dma_wait3A_61 = tpu.memref_slice %arg1[%dma_wait3A_59, %mul3A_0, %dma_wait3A_60] : memref<50x4096x128xf32, #tpu.memory_space<hbm>> -> memref<1x1024x128xf32, #tpu.memory_space<hbm>>
    %dma_wait3A_62 = tpu.memref_squeeze %dma_wait3A_61 : memref<1x1024x128xf32, #tpu.memory_space<hbm>> -> memref<1024x128xf32, #tpu.memory_space<hbm>>
    tpu.wait_dma2 semaphore(%arg13 : memref<!tpu.dma_semaphore, #tpu.memory_space<semaphore_mem>>) src(%dma_wait3A_62 : memref<1024x128xf32, #tpu.memory_space<hbm>>) dst(%arg5 : memref<1024x128xf32, #tpu.memory_space<vmem_shared>>)
    %dma_start3A_63 = arith.constant 640 : i32
    %dma_start3A_64 = tpu.memref_slice %arg3[%mul3A_0, %dma_start3A_63] : memref<4096x6400xf32, #tpu.memory_space<hbm>> -> memref<1024x128xf32, #tpu.memory_space<hbm>>
    tpu.enqueue_dma source(%arg5 : memref<1024x128xf32, #tpu.memory_space<vmem_shared>>) target(%dma_start3A_64 : memref<1024x128xf32, #tpu.memory_space<hbm>>) target_semaphore(%arg17 : memref<!tpu.dma_semaphore, #tpu.memory_space<semaphore_mem>>)
    %dma_wait3A_65 = arith.constant 384 : i32
    %dma_wait3A_66 = tpu.memref_slice %arg3[%mul3A_0, %dma_wait3A_65] : memref<4096x6400xf32, #tpu.memory_space<hbm>> -> memref<1024x128xf32, #tpu.memory_space<hbm>>
    tpu.wait_dma2 semaphore(%arg19 : memref<!tpu.dma_semaphore, #tpu.memory_space<semaphore_mem>>) src(%arg7 : memref<1024x128xf32, #tpu.memory_space<vmem_shared>>) dst(%dma_wait3A_66 : memref<1024x128xf32, #tpu.memory_space<hbm>>)
    %dma_start3A_67 = arith.constant 6 : i32
    %dma_start3A_68 = arith.constant 0 : i32
    %dma_start3A_69 = tpu.memref_slice %arg1[%dma_start3A_67, %mul3A_0, %dma_start3A_68] : memref<50x4096x128xf32, #tpu.memory_space<hbm>> -> memref<1x1024x128xf32, #tpu.memory_space<hbm>>
    %dma_start3A_70 = tpu.memref_squeeze %dma_start3A_69 : memref<1x1024x128xf32, #tpu.memory_space<hbm>> -> memref<1024x128xf32, #tpu.memory_space<hbm>>
    tpu.enqueue_dma source(%dma_start3A_70 : memref<1024x128xf32, #tpu.memory_space<hbm>>) target(%arg7 : memref<1024x128xf32, #tpu.memory_space<vmem_shared>>) target_semaphore(%arg15 : memref<!tpu.dma_semaphore, #tpu.memory_space<semaphore_mem>>)
    %dma_wait3A_71 = arith.constant 5 : i32
    %dma_wait3A_72 = arith.constant 0 : i32
    %dma_wait3A_73 = tpu.memref_slice %arg1[%dma_wait3A_71, %mul3A_0, %dma_wait3A_72] : memref<50x4096x128xf32, #tpu.memory_space<hbm>> -> memref<1x1024x128xf32, #tpu.memory_space<hbm>>
    %dma_wait3A_74 = tpu.memref_squeeze %dma_wait3A_73 : memref<1x1024x128xf32, #tpu.memory_space<hbm>> -> memref<1024x128xf32, #tpu.memory_space<hbm>>
    tpu.wait_dma2 semaphore(%arg14 : memref<!tpu.dma_semaphore, #tpu.memory_space<semaphore_mem>>) src(%dma_wait3A_74 : memref<1024x128xf32, #tpu.memory_space<hbm>>) dst(%arg6 : memref<1024x128xf32, #tpu.memory_space<vmem_shared>>)
    %dma_start3A_75 = arith.constant 768 : i32
    %dma_start3A_76 = tpu.memref_slice %arg3[%mul3A_0, %dma_start3A_75] : memref<4096x6400xf32, #tpu.memory_space<hbm>> -> memref<1024x128xf32, #tpu.memory_space<hbm>>
    tpu.enqueue_dma source(%arg6 : memref<1024x128xf32, #tpu.memory_space<vmem_shared>>) target(%dma_start3A_76 : memref<1024x128xf32, #tpu.memory_space<hbm>>) target_semaphore(%arg18 : memref<!tpu.dma_semaphore, #tpu.memory_space<semaphore_mem>>)
    %dma_wait3A_77 = arith.constant 512 : i32
    %dma_wait3A_78 = tpu.memref_slice %arg3[%mul3A_0, %dma_wait3A_77] : memref<4096x6400xf32, #tpu.memory_space<hbm>> -> memref<1024x128xf32, #tpu.memory_space<hbm>>
    tpu.wait_dma2 semaphore(%arg16 : memref<!tpu.dma_semaphore, #tpu.memory_space<semaphore_mem>>) src(%arg4 : memref<1024x128xf32, #tpu.memory_space<vmem_shared>>) dst(%dma_wait3A_78 : memref<1024x128xf32, #tpu.memory_space<hbm>>)
    %dma_start3A_79 = arith.constant 7 : i32
    %dma_start3A_80 = arith.constant 0 : i32
    %dma_start3A_81 = tpu.memref_slice %arg1[%dma_start3A_79, %mul3A_0, %dma_start3A_80] : memref<50x4096x128xf32, #tpu.memory_space<hbm>> -> memref<1x1024x128xf32, #tpu.memory_space<hbm>>
    %dma_start3A_82 = tpu.memref_squeeze %dma_start3A_81 : memref<1x1024x128xf32, #tpu.memory_space<hbm>> -> memref<1024x128xf32, #tpu.memory_space<hbm>>
    tpu.enqueue_dma source(%dma_start3A_82 : memref<1024x128xf32, #tpu.memory_space<hbm>>) target(%arg4 : memref<1024x128xf32, #tpu.memory_space<vmem_shared>>) target_semaphore(%arg12 : memref<!tpu.dma_semaphore, #tpu.memory_space<semaphore_mem>>)
    %dma_wait3A_83 = arith.constant 6 : i32
    %dma_wait3A_84 = arith.constant 0 : i32
    %dma_wait3A_85 = tpu.memref_slice %arg1[%dma_wait3A_83, %mul3A_0, %dma_wait3A_84] : memref<50x4096x128xf32, #tpu.memory_space<hbm>> -> memref<1x1024x128xf32, #tpu.memory_space<hbm>>
    %dma_wait3A_86 = tpu.memref_squeeze %dma_wait3A_85 : memref<1x1024x128xf32, #tpu.memory_space<hbm>> -> memref<1024x128xf32, #tpu.memory_space<hbm>>
    tpu.wait_dma2 semaphore(%arg15 : memref<!tpu.dma_semaphore, #tpu.memory_space<semaphore_mem>>) src(%dma_wait3A_86 : memref<1024x128xf32, #tpu.memory_space<hbm>>) dst(%arg7 : memref<1024x128xf32, #tpu.memory_space<vmem_shared>>)
    %dma_start3A_87 = arith.constant 896 : i32
    %dma_start3A_88 = tpu.memref_slice %arg3[%mul3A_0, %dma_start3A_87] : memref<4096x6400xf32, #tpu.memory_space<hbm>> -> memref<1024x128xf32, #tpu.memory_space<hbm>>
    tpu.enqueue_dma source(%arg7 : memref<1024x128xf32, #tpu.memory_space<vmem_shared>>) target(%dma_start3A_88 : memref<1024x128xf32, #tpu.memory_space<hbm>>) target_semaphore(%arg19 : memref<!tpu.dma_semaphore, #tpu.memory_space<semaphore_mem>>)
    %dma_wait3A_89 = arith.constant 640 : i32
    %dma_wait3A_90 = tpu.memref_slice %arg3[%mul3A_0, %dma_wait3A_89] : memref<4096x6400xf32, #tpu.memory_space<hbm>> -> memref<1024x128xf32, #tpu.memory_space<hbm>>
    tpu.wait_dma2 semaphore(%arg17 : memref<!tpu.dma_semaphore, #tpu.memory_space<semaphore_mem>>) src(%arg5 : memref<1024x128xf32, #tpu.memory_space<vmem_shared>>) dst(%dma_wait3A_90 : memref<1024x128xf32, #tpu.memory_space<hbm>>)
    %dma_start3A_91 = arith.constant 8 : i32
    %dma_start3A_92 = arith.constant 0 : i32
    %dma_start3A_93 = tpu.memref_slice %arg1[%dma_start3A_91, %mul3A_0, %dma_start3A_92] : memref<50x4096x128xf32, #tpu.memory_space<hbm>> -> memref<1x1024x128xf32, #tpu.memory_space<hbm>>
    %dma_start3A_94 = tpu.memref_squeeze %dma_start3A_93 : memref<1x1024x128xf32, #tpu.memory_space<hbm>> -> memref<1024x128xf32, #tpu.memory_space<hbm>>
    tpu.enqueue_dma source(%dma_start3A_94 : memref<1024x128xf32, #tpu.memory_space<hbm>>) target(%arg5 : memref<1024x128xf32, #tpu.memory_space<vmem_shared>>) target_semaphore(%arg13 : memref<!tpu.dma_semaphore, #tpu.memory_space<semaphore_mem>>)
    %dma_wait3A_95 = arith.constant 7 : i32
    %dma_wait3A_96 = arith.constant 0 : i32
    %dma_wait3A_97 = tpu.memref_slice %arg1[%dma_wait3A_95, %mul3A_0, %dma_wait3A_96] : memref<50x4096x128xf32, #tpu.memory_space<hbm>> -> memref<1x1024x128xf32, #tpu.memory_space<hbm>>
    %dma_wait3A_98 = tpu.memref_squeeze %dma_wait3A_97 : memref<1x1024x128xf32, #tpu.memory_space<hbm>> -> memref<1024x128xf32, #tpu.memory_space<hbm>>
    tpu.wait_dma2 semaphore(%arg12 : memref<!tpu.dma_semaphore, #tpu.memory_space<semaphore_mem>>) src(%dma_wait3A_98 : memref<1024x128xf32, #tpu.memory_space<hbm>>) dst(%arg4 : memref<1024x128xf32, #tpu.memory_space<vmem_shared>>)
    %dma_start3A_99 = arith.constant 1024 : i32
    %dma_start3A_100 = tpu.memref_slice %arg3[%mul3A_0, %dma_start3A_99] : memref<4096x6400xf32, #tpu.memory_space<hbm>> -> memref<1024x128xf32, #tpu.memory_space<hbm>>
    tpu.enqueue_dma source(%arg4 : memref<1024x128xf32, #tpu.memory_space<vmem_shared>>) target(%dma_start3A_100 : memref<1024x128xf32, #tpu.memory_space<hbm>>) target_semaphore(%arg16 : memref<!tpu.dma_semaphore, #tpu.memory_space<semaphore_mem>>)
    %dma_wait3A_101 = arith.constant 768 : i32
    %dma_wait3A_102 = tpu.memref_slice %arg3[%mul3A_0, %dma_wait3A_101] : memref<4096x6400xf32, #tpu.memory_space<hbm>> -> memref<1024x128xf32, #tpu.memory_space<hbm>>
    tpu.wait_dma2 semaphore(%arg18 : memref<!tpu.dma_semaphore, #tpu.memory_space<semaphore_mem>>) src(%arg6 : memref<1024x128xf32, #tpu.memory_space<vmem_shared>>) dst(%dma_wait3A_102 : memref<1024x128xf32, #tpu.memory_space<hbm>>)
    %dma_start3A_103 = arith.constant 9 : i32
    %dma_start3A_104 = arith.constant 0 : i32
    %dma_start3A_105 = tpu.memref_slice %arg1[%dma_start3A_103, %mul3A_0, %dma_start3A_104] : memref<50x4096x128xf32, #tpu.memory_space<hbm>> -> memref<1x1024x128xf32, #tpu.memory_space<hbm>>
    %dma_start3A_106 = tpu.memref_squeeze %dma_start3A_105 : memref<1x1024x128xf32, #tpu.memory_space<hbm>> -> memref<1024x128xf32, #tpu.memory_space<hbm>>
    tpu.enqueue_dma source(%dma_start3A_106 : memref<1024x128xf32, #tpu.memory_space<hbm>>) target(%arg6 : memref<1024x128xf32, #tpu.memory_space<vmem_shared>>) target_semaphore(%arg14 : memref<!tpu.dma_semaphore, #tpu.memory_space<semaphore_mem>>)
    %dma_wait3A_107 = arith.constant 8 : i32
    %dma_wait3A_108 = arith.constant 0 : i32
    %dma_wait3A_109 = tpu.memref_slice %arg1[%dma_wait3A_107, %mul3A_0, %dma_wait3A_108] : memref<50x4096x128xf32, #tpu.memory_space<hbm>> -> memref<1x1024x128xf32, #tpu.memory_space<hbm>>
    %dma_wait3A_110 = tpu.memref_squeeze %dma_wait3A_109 : memref<1x1024x128xf32, #tpu.memory_space<hbm>> -> memref<1024x128xf32, #tpu.memory_space<hbm>>
    tpu.wait_dma2 semaphore(%arg13 : memref<!tpu.dma_semaphore, #tpu.memory_space<semaphore_mem>>) src(%dma_wait3A_110 : memref<1024x128xf32, #tpu.memory_space<hbm>>) dst(%arg5 : memref<1024x128xf32, #tpu.memory_space<vmem_shared>>)
    %dma_start3A_111 = arith.constant 1152 : i32
    %dma_start3A_112 = tpu.memref_slice %arg3[%mul3A_0, %dma_start3A_111] : memref<4096x6400xf32, #tpu.memory_space<hbm>> -> memref<1024x128xf32, #tpu.memory_space<hbm>>
    tpu.enqueue_dma source(%arg5 : memref<1024x128xf32, #tpu.memory_space<vmem_shared>>) target(%dma_start3A_112 : memref<1024x128xf32, #tpu.memory_space<hbm>>) target_semaphore(%arg17 : memref<!tpu.dma_semaphore, #tpu.memory_space<semaphore_mem>>)
    %dma_wait3A_113 = arith.constant 896 : i32
    %dma_wait3A_114 = tpu.memref_slice %arg3[%mul3A_0, %dma_wait3A_113] : memref<4096x6400xf32, #tpu.memory_space<hbm>> -> memref<1024x128xf32, #tpu.memory_space<hbm>>
    tpu.wait_dma2 semaphore(%arg19 : memref<!tpu.dma_semaphore, #tpu.memory_space<semaphore_mem>>) src(%arg7 : memref<1024x128xf32, #tpu.memory_space<vmem_shared>>) dst(%dma_wait3A_114 : memref<1024x128xf32, #tpu.memory_space<hbm>>)
    %dma_start3A_115 = arith.constant 10 : i32
    %dma_start3A_116 = arith.constant 0 : i32
    %dma_start3A_117 = tpu.memref_slice %arg1[%dma_start3A_115, %mul3A_0, %dma_start3A_116] : memref<50x4096x128xf32, #tpu.memory_space<hbm>> -> memref<1x1024x128xf32, #tpu.memory_space<hbm>>
    %dma_start3A_118 = tpu.memref_squeeze %dma_start3A_117 : memref<1x1024x128xf32, #tpu.memory_space<hbm>> -> memref<1024x128xf32, #tpu.memory_space<hbm>>
    tpu.enqueue_dma source(%dma_start3A_118 : memref<1024x128xf32, #tpu.memory_space<hbm>>) target(%arg7 : memref<1024x128xf32, #tpu.memory_space<vmem_shared>>) target_semaphore(%arg15 : memref<!tpu.dma_semaphore, #tpu.memory_space<semaphore_mem>>)
    %dma_wait3A_119 = arith.constant 9 : i32
    %dma_wait3A_120 = arith.constant 0 : i32
    %dma_wait3A_121 = tpu.memref_slice %arg1[%dma_wait3A_119, %mul3A_0, %dma_wait3A_120] : memref<50x4096x128xf32, #tpu.memory_space<hbm>> -> memref<1x1024x128xf32, #tpu.memory_space<hbm>>
    %dma_wait3A_122 = tpu.memref_squeeze %dma_wait3A_121 : memref<1x1024x128xf32, #tpu.memory_space<hbm>> -> memref<1024x128xf32, #tpu.memory_space<hbm>>
    tpu.wait_dma2 semaphore(%arg14 : memref<!tpu.dma_semaphore, #tpu.memory_space<semaphore_mem>>) src(%dma_wait3A_122 : memref<1024x128xf32, #tpu.memory_space<hbm>>) dst(%arg6 : memref<1024x128xf32, #tpu.memory_space<vmem_shared>>)
    %dma_start3A_123 = arith.constant 1280 : i32
    %dma_start3A_124 = tpu.memref_slice %arg3[%mul3A_0, %dma_start3A_123] : memref<4096x6400xf32, #tpu.memory_space<hbm>> -> memref<1024x128xf32, #tpu.memory_space<hbm>>
    tpu.enqueue_dma source(%arg6 : memref<1024x128xf32, #tpu.memory_space<vmem_shared>>) target(%dma_start3A_124 : memref<1024x128xf32, #tpu.memory_space<hbm>>) target_semaphore(%arg18 : memref<!tpu.dma_semaphore, #tpu.memory_space<semaphore_mem>>)
    %dma_wait3A_125 = arith.constant 1024 : i32
    %dma_wait3A_126 = tpu.memref_slice %arg3[%mul3A_0, %dma_wait3A_125] : memref<4096x6400xf32, #tpu.memory_space<hbm>> -> memref<1024x128xf32, #tpu.memory_space<hbm>>
    tpu.wait_dma2 semaphore(%arg16 : memref<!tpu.dma_semaphore, #tpu.memory_space<semaphore_mem>>) src(%arg4 : memref<1024x128xf32, #tpu.memory_space<vmem_shared>>) dst(%dma_wait3A_126 : memref<1024x128xf32, #tpu.memory_space<hbm>>)
    %dma_start3A_127 = arith.constant 11 : i32
    %dma_start3A_128 = arith.constant 0 : i32
    %dma_start3A_129 = tpu.memref_slice %arg1[%dma_start3A_127, %mul3A_0, %dma_start3A_128] : memref<50x4096x128xf32, #tpu.memory_space<hbm>> -> memref<1x1024x128xf32, #tpu.memory_space<hbm>>
    %dma_start3A_130 = tpu.memref_squeeze %dma_start3A_129 : memref<1x1024x128xf32, #tpu.memory_space<hbm>> -> memref<1024x128xf32, #tpu.memory_space<hbm>>
    tpu.enqueue_dma source(%dma_start3A_130 : memref<1024x128xf32, #tpu.memory_space<hbm>>) target(%arg4 : memref<1024x128xf32, #tpu.memory_space<vmem_shared>>) target_semaphore(%arg12 : memref<!tpu.dma_semaphore, #tpu.memory_space<semaphore_mem>>)
    %dma_wait3A_131 = arith.constant 10 : i32
    %dma_wait3A_132 = arith.constant 0 : i32
    %dma_wait3A_133 = tpu.memref_slice %arg1[%dma_wait3A_131, %mul3A_0, %dma_wait3A_132] : memref<50x4096x128xf32, #tpu.memory_space<hbm>> -> memref<1x1024x128xf32, #tpu.memory_space<hbm>>
    %dma_wait3A_134 = tpu.memref_squeeze %dma_wait3A_133 : memref<1x1024x128xf32, #tpu.memory_space<hbm>> -> memref<1024x128xf32, #tpu.memory_space<hbm>>
    tpu.wait_dma2 semaphore(%arg15 : memref<!tpu.dma_semaphore, #tpu.memory_space<semaphore_mem>>) src(%dma_wait3A_134 : memref<1024x128xf32, #tpu.memory_space<hbm>>) dst(%arg7 : memref<1024x128xf32, #tpu.memory_space<vmem_shared>>)
    %dma_start3A_135 = arith.constant 1408 : i32
    %dma_start3A_136 = tpu.memref_slice %arg3[%mul3A_0, %dma_start3A_135] : memref<4096x6400xf32, #tpu.memory_space<hbm>> -> memref<1024x128xf32, #tpu.memory_space<hbm>>
    tpu.enqueue_dma source(%arg7 : memref<1024x128xf32, #tpu.memory_space<vmem_shared>>) target(%dma_start3A_136 : memref<1024x128xf32, #tpu.memory_space<hbm>>) target_semaphore(%arg19 : memref<!tpu.dma_semaphore, #tpu.memory_space<semaphore_mem>>)
    %dma_wait3A_137 = arith.constant 1152 : i32
    %dma_wait3A_138 = tpu.memref_slice %arg3[%mul3A_0, %dma_wait3A_137] : memref<4096x6400xf32, #tpu.memory_space<hbm>> -> memref<1024x128xf32, #tpu.memory_space<hbm>>
    tpu.wait_dma2 semaphore(%arg17 : memref<!tpu.dma_semaphore, #tpu.memory_space<semaphore_mem>>) src(%arg5 : memref<1024x128xf32, #tpu.memory_space<vmem_shared>>) dst(%dma_wait3A_138 : memref<1024x128xf32, #tpu.memory_space<hbm>>)
    %dma_start3A_139 = arith.constant 12 : i32
    %dma_start3A_140 = arith.constant 0 : i32
    %dma_start3A_141 = tpu.memref_slice %arg1[%dma_start3A_139, %mul3A_0, %dma_start3A_140] : memref<50x4096x128xf32, #tpu.memory_space<hbm>> -> memref<1x1024x128xf32, #tpu.memory_space<hbm>>
    %dma_start3A_142 = tpu.memref_squeeze %dma_start3A_141 : memref<1x1024x128xf32, #tpu.memory_space<hbm>> -> memref<1024x128xf32, #tpu.memory_space<hbm>>
    tpu.enqueue_dma source(%dma_start3A_142 : memref<1024x128xf32, #tpu.memory_space<hbm>>) target(%arg5 : memref<1024x128xf32, #tpu.memory_space<vmem_shared>>) target_semaphore(%arg13 : memref<!tpu.dma_semaphore, #tpu.memory_space<semaphore_mem>>)
    %dma_wait3A_143 = arith.constant 11 : i32
    %dma_wait3A_144 = arith.constant 0 : i32
    %dma_wait3A_145 = tpu.memref_slice %arg1[%dma_wait3A_143, %mul3A_0, %dma_wait3A_144] : memref<50x4096x128xf32, #tpu.memory_space<hbm>> -> memref<1x1024x128xf32, #tpu.memory_space<hbm>>
    %dma_wait3A_146 = tpu.memref_squeeze %dma_wait3A_145 : memref<1x1024x128xf32, #tpu.memory_space<hbm>> -> memref<1024x128xf32, #tpu.memory_space<hbm>>
    tpu.wait_dma2 semaphore(%arg12 : memref<!tpu.dma_semaphore, #tpu.memory_space<semaphore_mem>>) src(%dma_wait3A_146 : memref<1024x128xf32, #tpu.memory_space<hbm>>) dst(%arg4 : memref<1024x128xf32, #tpu.memory_space<vmem_shared>>)
    %dma_start3A_147 = arith.constant 1536 : i32
    %dma_start3A_148 = tpu.memref_slice %arg3[%mul3A_0, %dma_start3A_147] : memref<4096x6400xf32, #tpu.memory_space<hbm>> -> memref<1024x128xf32, #tpu.memory_space<hbm>>
    tpu.enqueue_dma source(%arg4 : memref<1024x128xf32, #tpu.memory_space<vmem_shared>>) target(%dma_start3A_148 : memref<1024x128xf32, #tpu.memory_space<hbm>>) target_semaphore(%arg16 : memref<!tpu.dma_semaphore, #tpu.memory_space<semaphore_mem>>)
    %dma_wait3A_149 = arith.constant 1280 : i32
    %dma_wait3A_150 = tpu.memref_slice %arg3[%mul3A_0, %dma_wait3A_149] : memref<4096x6400xf32, #tpu.memory_space<hbm>> -> memref<1024x128xf32, #tpu.memory_space<hbm>>
    tpu.wait_dma2 semaphore(%arg18 : memref<!tpu.dma_semaphore, #tpu.memory_space<semaphore_mem>>) src(%arg6 : memref<1024x128xf32, #tpu.memory_space<vmem_shared>>) dst(%dma_wait3A_150 : memref<1024x128xf32, #tpu.memory_space<hbm>>)
    %dma_start3A_151 = arith.constant 13 : i32
    %dma_start3A_152 = arith.constant 0 : i32
    %dma_start3A_153 = tpu.memref_slice %arg1[%dma_start3A_151, %mul3A_0, %dma_start3A_152] : memref<50x4096x128xf32, #tpu.memory_space<hbm>> -> memref<1x1024x128xf32, #tpu.memory_space<hbm>>
    %dma_start3A_154 = tpu.memref_squeeze %dma_start3A_153 : memref<1x1024x128xf32, #tpu.memory_space<hbm>> -> memref<1024x128xf32, #tpu.memory_space<hbm>>
    tpu.enqueue_dma source(%dma_start3A_154 : memref<1024x128xf32, #tpu.memory_space<hbm>>) target(%arg6 : memref<1024x128xf32, #tpu.memory_space<vmem_shared>>) target_semaphore(%arg14 : memref<!tpu.dma_semaphore, #tpu.memory_space<semaphore_mem>>)
    %dma_wait3A_155 = arith.constant 12 : i32
    %dma_wait3A_156 = arith.constant 0 : i32
    %dma_wait3A_157 = tpu.memref_slice %arg1[%dma_wait3A_155, %mul3A_0, %dma_wait3A_156] : memref<50x4096x128xf32, #tpu.memory_space<hbm>> -> memref<1x1024x128xf32, #tpu.memory_space<hbm>>
    %dma_wait3A_158 = tpu.memref_squeeze %dma_wait3A_157 : memref<1x1024x128xf32, #tpu.memory_space<hbm>> -> memref<1024x128xf32, #tpu.memory_space<hbm>>
    tpu.wait_dma2 semaphore(%arg13 : memref<!tpu.dma_semaphore, #tpu.memory_space<semaphore_mem>>) src(%dma_wait3A_158 : memref<1024x128xf32, #tpu.memory_space<hbm>>) dst(%arg5 : memref<1024x128xf32, #tpu.memory_space<vmem_shared>>)
    %dma_start3A_159 = arith.constant 1664 : i32
    %dma_start3A_160 = tpu.memref_slice %arg3[%mul3A_0, %dma_start3A_159] : memref<4096x6400xf32, #tpu.memory_space<hbm>> -> memref<1024x128xf32, #tpu.memory_space<hbm>>
    tpu.enqueue_dma source(%arg5 : memref<1024x128xf32, #tpu.memory_space<vmem_shared>>) target(%dma_start3A_160 : memref<1024x128xf32, #tpu.memory_space<hbm>>) target_semaphore(%arg17 : memref<!tpu.dma_semaphore, #tpu.memory_space<semaphore_mem>>)
    %dma_wait3A_161 = arith.constant 1408 : i32
    %dma_wait3A_162 = tpu.memref_slice %arg3[%mul3A_0, %dma_wait3A_161] : memref<4096x6400xf32, #tpu.memory_space<hbm>> -> memref<1024x128xf32, #tpu.memory_space<hbm>>
    tpu.wait_dma2 semaphore(%arg19 : memref<!tpu.dma_semaphore, #tpu.memory_space<semaphore_mem>>) src(%arg7 : memref<1024x128xf32, #tpu.memory_space<vmem_shared>>) dst(%dma_wait3A_162 : memref<1024x128xf32, #tpu.memory_space<hbm>>)
    %dma_start3A_163 = arith.constant 14 : i32
    %dma_start3A_164 = arith.constant 0 : i32
    %dma_start3A_165 = tpu.memref_slice %arg1[%dma_start3A_163, %mul3A_0, %dma_start3A_164] : memref<50x4096x128xf32, #tpu.memory_space<hbm>> -> memref<1x1024x128xf32, #tpu.memory_space<hbm>>
    %dma_start3A_166 = tpu.memref_squeeze %dma_start3A_165 : memref<1x1024x128xf32, #tpu.memory_space<hbm>> -> memref<1024x128xf32, #tpu.memory_space<hbm>>
    tpu.enqueue_dma source(%dma_start3A_166 : memref<1024x128xf32, #tpu.memory_space<hbm>>) target(%arg7 : memref<1024x128xf32, #tpu.memory_space<vmem_shared>>) target_semaphore(%arg15 : memref<!tpu.dma_semaphore, #tpu.memory_space<semaphore_mem>>)
    %dma_wait3A_167 = arith.constant 13 : i32
    %dma_wait3A_168 = arith.constant 0 : i32
    %dma_wait3A_169 = tpu.memref_slice %arg1[%dma_wait3A_167, %mul3A_0, %dma_wait3A_168] : memref<50x4096x128xf32, #tpu.memory_space<hbm>> -> memref<1x1024x128xf32, #tpu.memory_space<hbm>>
    %dma_wait3A_170 = tpu.memref_squeeze %dma_wait3A_169 : memref<1x1024x128xf32, #tpu.memory_space<hbm>> -> memref<1024x128xf32, #tpu.memory_space<hbm>>
    tpu.wait_dma2 semaphore(%arg14 : memref<!tpu.dma_semaphore, #tpu.memory_space<semaphore_mem>>) src(%dma_wait3A_170 : memref<1024x128xf32, #tpu.memory_space<hbm>>) dst(%arg6 : memref<1024x128xf32, #tpu.memory_space<vmem_shared>>)
    %dma_start3A_171 = arith.constant 1792 : i32
    %dma_start3A_172 = tpu.memref_slice %arg3[%mul3A_0, %dma_start3A_171] : memref<4096x6400xf32, #tpu.memory_space<hbm>> -> memref<1024x128xf32, #tpu.memory_space<hbm>>
    tpu.enqueue_dma source(%arg6 : memref<1024x128xf32, #tpu.memory_space<vmem_shared>>) target(%dma_start3A_172 : memref<1024x128xf32, #tpu.memory_space<hbm>>) target_semaphore(%arg18 : memref<!tpu.dma_semaphore, #tpu.memory_space<semaphore_mem>>)
    %dma_wait3A_173 = arith.constant 1536 : i32
    %dma_wait3A_174 = tpu.memref_slice %arg3[%mul3A_0, %dma_wait3A_173] : memref<4096x6400xf32, #tpu.memory_space<hbm>> -> memref<1024x128xf32, #tpu.memory_space<hbm>>
    tpu.wait_dma2 semaphore(%arg16 : memref<!tpu.dma_semaphore, #tpu.memory_space<semaphore_mem>>) src(%arg4 : memref<1024x128xf32, #tpu.memory_space<vmem_shared>>) dst(%dma_wait3A_174 : memref<1024x128xf32, #tpu.memory_space<hbm>>)
    %dma_start3A_175 = arith.constant 15 : i32
    %dma_start3A_176 = arith.constant 0 : i32
    %dma_start3A_177 = tpu.memref_slice %arg1[%dma_start3A_175, %mul3A_0, %dma_start3A_176] : memref<50x4096x128xf32, #tpu.memory_space<hbm>> -> memref<1x1024x128xf32, #tpu.memory_space<hbm>>
    %dma_start3A_178 = tpu.memref_squeeze %dma_start3A_177 : memref<1x1024x128xf32, #tpu.memory_space<hbm>> -> memref<1024x128xf32, #tpu.memory_space<hbm>>
    tpu.enqueue_dma source(%dma_start3A_178 : memref<1024x128xf32, #tpu.memory_space<hbm>>) target(%arg4 : memref<1024x128xf32, #tpu.memory_space<vmem_shared>>) target_semaphore(%arg12 : memref<!tpu.dma_semaphore, #tpu.memory_space<semaphore_mem>>)
    %dma_wait3A_179 = arith.constant 14 : i32
    %dma_wait3A_180 = arith.constant 0 : i32
    %dma_wait3A_181 = tpu.memref_slice %arg1[%dma_wait3A_179, %mul3A_0, %dma_wait3A_180] : memref<50x4096x128xf32, #tpu.memory_space<hbm>> -> memref<1x1024x128xf32, #tpu.memory_space<hbm>>
    %dma_wait3A_182 = tpu.memref_squeeze %dma_wait3A_181 : memref<1x1024x128xf32, #tpu.memory_space<hbm>> -> memref<1024x128xf32, #tpu.memory_space<hbm>>
    tpu.wait_dma2 semaphore(%arg15 : memref<!tpu.dma_semaphore, #tpu.memory_space<semaphore_mem>>) src(%dma_wait3A_182 : memref<1024x128xf32, #tpu.memory_space<hbm>>) dst(%arg7 : memref<1024x128xf32, #tpu.memory_space<vmem_shared>>)
    %dma_start3A_183 = arith.constant 1920 : i32
    %dma_start3A_184 = tpu.memref_slice %arg3[%mul3A_0, %dma_start3A_183] : memref<4096x6400xf32, #tpu.memory_space<hbm>> -> memref<1024x128xf32, #tpu.memory_space<hbm>>
    tpu.enqueue_dma source(%arg7 : memref<1024x128xf32, #tpu.memory_space<vmem_shared>>) target(%dma_start3A_184 : memref<1024x128xf32, #tpu.memory_space<hbm>>) target_semaphore(%arg19 : memref<!tpu.dma_semaphore, #tpu.memory_space<semaphore_mem>>)
    %dma_wait3A_185 = arith.constant 1664 : i32
    %dma_wait3A_186 = tpu.memref_slice %arg3[%mul3A_0, %dma_wait3A_185] : memref<4096x6400xf32, #tpu.memory_space<hbm>> -> memref<1024x128xf32, #tpu.memory_space<hbm>>
    tpu.wait_dma2 semaphore(%arg17 : memref<!tpu.dma_semaphore, #tpu.memory_space<semaphore_mem>>) src(%arg5 : memref<1024x128xf32, #tpu.memory_space<vmem_shared>>) dst(%dma_wait3A_186 : memref<1024x128xf32, #tpu.memory_space<hbm>>)
    %dma_start3A_187 = arith.constant 16 : i32
    %dma_start3A_188 = arith.constant 0 : i32
    %dma_start3A_189 = tpu.memref_slice %arg1[%dma_start3A_187, %mul3A_0, %dma_start3A_188] : memref<50x4096x128xf32, #tpu.memory_space<hbm>> -> memref<1x1024x128xf32, #tpu.memory_space<hbm>>
    %dma_start3A_190 = tpu.memref_squeeze %dma_start3A_189 : memref<1x1024x128xf32, #tpu.memory_space<hbm>> -> memref<1024x128xf32, #tpu.memory_space<hbm>>
    tpu.enqueue_dma source(%dma_start3A_190 : memref<1024x128xf32, #tpu.memory_space<hbm>>) target(%arg5 : memref<1024x128xf32, #tpu.memory_space<vmem_shared>>) target_semaphore(%arg13 : memref<!tpu.dma_semaphore, #tpu.memory_space<semaphore_mem>>)
    %dma_wait3A_191 = arith.constant 15 : i32
    %dma_wait3A_192 = arith.constant 0 : i32
    %dma_wait3A_193 = tpu.memref_slice %arg1[%dma_wait3A_191, %mul3A_0, %dma_wait3A_192] : memref<50x4096x128xf32, #tpu.memory_space<hbm>> -> memref<1x1024x128xf32, #tpu.memory_space<hbm>>
    %dma_wait3A_194 = tpu.memref_squeeze %dma_wait3A_193 : memref<1x1024x128xf32, #tpu.memory_space<hbm>> -> memref<1024x128xf32, #tpu.memory_space<hbm>>
    tpu.wait_dma2 semaphore(%arg12 : memref<!tpu.dma_semaphore, #tpu.memory_space<semaphore_mem>>) src(%dma_wait3A_194 : memref<1024x128xf32, #tpu.memory_space<hbm>>) dst(%arg4 : memref<1024x128xf32, #tpu.memory_space<vmem_shared>>)
    %dma_start3A_195 = arith.constant 2048 : i32
    %dma_start3A_196 = tpu.memref_slice %arg3[%mul3A_0, %dma_start3A_195] : memref<4096x6400xf32, #tpu.memory_space<hbm>> -> memref<1024x128xf32, #tpu.memory_space<hbm>>
    tpu.enqueue_dma source(%arg4 : memref<1024x128xf32, #tpu.memory_space<vmem_shared>>) target(%dma_start3A_196 : memref<1024x128xf32, #tpu.memory_space<hbm>>) target_semaphore(%arg16 : memref<!tpu.dma_semaphore, #tpu.memory_space<semaphore_mem>>)
    %dma_wait3A_197 = arith.constant 1792 : i32
    %dma_wait3A_198 = tpu.memref_slice %arg3[%mul3A_0, %dma_wait3A_197] : memref<4096x6400xf32, #tpu.memory_space<hbm>> -> memref<1024x128xf32, #tpu.memory_space<hbm>>
    tpu.wait_dma2 semaphore(%arg18 : memref<!tpu.dma_semaphore, #tpu.memory_space<semaphore_mem>>) src(%arg6 : memref<1024x128xf32, #tpu.memory_space<vmem_shared>>) dst(%dma_wait3A_198 : memref<1024x128xf32, #tpu.memory_space<hbm>>)
    %dma_start3A_199 = arith.constant 17 : i32
    %dma_start3A_200 = arith.constant 0 : i32
    %dma_start3A_201 = tpu.memref_slice %arg1[%dma_start3A_199, %mul3A_0, %dma_start3A_200] : memref<50x4096x128xf32, #tpu.memory_space<hbm>> -> memref<1x1024x128xf32, #tpu.memory_space<hbm>>
    %dma_start3A_202 = tpu.memref_squeeze %dma_start3A_201 : memref<1x1024x128xf32, #tpu.memory_space<hbm>> -> memref<1024x128xf32, #tpu.memory_space<hbm>>
    tpu.enqueue_dma source(%dma_start3A_202 : memref<1024x128xf32, #tpu.memory_space<hbm>>) target(%arg6 : memref<1024x128xf32, #tpu.memory_space<vmem_shared>>) target_semaphore(%arg14 : memref<!tpu.dma_semaphore, #tpu.memory_space<semaphore_mem>>)
    %dma_wait3A_203 = arith.constant 16 : i32
    %dma_wait3A_204 = arith.constant 0 : i32
    %dma_wait3A_205 = tpu.memref_slice %arg1[%dma_wait3A_203, %mul3A_0, %dma_wait3A_204] : memref<50x4096x128xf32, #tpu.memory_space<hbm>> -> memref<1x1024x128xf32, #tpu.memory_space<hbm>>
    %dma_wait3A_206 = tpu.memref_squeeze %dma_wait3A_205 : memref<1x1024x128xf32, #tpu.memory_space<hbm>> -> memref<1024x128xf32, #tpu.memory_space<hbm>>
    tpu.wait_dma2 semaphore(%arg13 : memref<!tpu.dma_semaphore, #tpu.memory_space<semaphore_mem>>) src(%dma_wait3A_206 : memref<1024x128xf32, #tpu.memory_space<hbm>>) dst(%arg5 : memref<1024x128xf32, #tpu.memory_space<vmem_shared>>)
    %dma_start3A_207 = arith.constant 2176 : i32
    %dma_start3A_208 = tpu.memref_slice %arg3[%mul3A_0, %dma_start3A_207] : memref<4096x6400xf32, #tpu.memory_space<hbm>> -> memref<1024x128xf32, #tpu.memory_space<hbm>>
    tpu.enqueue_dma source(%arg5 : memref<1024x128xf32, #tpu.memory_space<vmem_shared>>) target(%dma_start3A_208 : memref<1024x128xf32, #tpu.memory_space<hbm>>) target_semaphore(%arg17 : memref<!tpu.dma_semaphore, #tpu.memory_space<semaphore_mem>>)
    %dma_wait3A_209 = arith.constant 1920 : i32
    %dma_wait3A_210 = tpu.memref_slice %arg3[%mul3A_0, %dma_wait3A_209] : memref<4096x6400xf32, #tpu.memory_space<hbm>> -> memref<1024x128xf32, #tpu.memory_space<hbm>>
    tpu.wait_dma2 semaphore(%arg19 : memref<!tpu.dma_semaphore, #tpu.memory_space<semaphore_mem>>) src(%arg7 : memref<1024x128xf32, #tpu.memory_space<vmem_shared>>) dst(%dma_wait3A_210 : memref<1024x128xf32, #tpu.memory_space<hbm>>)
    %dma_start3A_211 = arith.constant 18 : i32
    %dma_start3A_212 = arith.constant 0 : i32
    %dma_start3A_213 = tpu.memref_slice %arg1[%dma_start3A_211, %mul3A_0, %dma_start3A_212] : memref<50x4096x128xf32, #tpu.memory_space<hbm>> -> memref<1x1024x128xf32, #tpu.memory_space<hbm>>
    %dma_start3A_214 = tpu.memref_squeeze %dma_start3A_213 : memref<1x1024x128xf32, #tpu.memory_space<hbm>> -> memref<1024x128xf32, #tpu.memory_space<hbm>>
    tpu.enqueue_dma source(%dma_start3A_214 : memref<1024x128xf32, #tpu.memory_space<hbm>>) target(%arg7 : memref<1024x128xf32, #tpu.memory_space<vmem_shared>>) target_semaphore(%arg15 : memref<!tpu.dma_semaphore, #tpu.memory_space<semaphore_mem>>)
    %dma_wait3A_215 = arith.constant 17 : i32
    %dma_wait3A_216 = arith.constant 0 : i32
    %dma_wait3A_217 = tpu.memref_slice %arg1[%dma_wait3A_215, %mul3A_0, %dma_wait3A_216] : memref<50x4096x128xf32, #tpu.memory_space<hbm>> -> memref<1x1024x128xf32, #tpu.memory_space<hbm>>
    %dma_wait3A_218 = tpu.memref_squeeze %dma_wait3A_217 : memref<1x1024x128xf32, #tpu.memory_space<hbm>> -> memref<1024x128xf32, #tpu.memory_space<hbm>>
    tpu.wait_dma2 semaphore(%arg14 : memref<!tpu.dma_semaphore, #tpu.memory_space<semaphore_mem>>) src(%dma_wait3A_218 : memref<1024x128xf32, #tpu.memory_space<hbm>>) dst(%arg6 : memref<1024x128xf32, #tpu.memory_space<vmem_shared>>)
    %dma_start3A_219 = arith.constant 2304 : i32
    %dma_start3A_220 = tpu.memref_slice %arg3[%mul3A_0, %dma_start3A_219] : memref<4096x6400xf32, #tpu.memory_space<hbm>> -> memref<1024x128xf32, #tpu.memory_space<hbm>>
    tpu.enqueue_dma source(%arg6 : memref<1024x128xf32, #tpu.memory_space<vmem_shared>>) target(%dma_start3A_220 : memref<1024x128xf32, #tpu.memory_space<hbm>>) target_semaphore(%arg18 : memref<!tpu.dma_semaphore, #tpu.memory_space<semaphore_mem>>)
    %dma_wait3A_221 = arith.constant 2048 : i32
    %dma_wait3A_222 = tpu.memref_slice %arg3[%mul3A_0, %dma_wait3A_221] : memref<4096x6400xf32, #tpu.memory_space<hbm>> -> memref<1024x128xf32, #tpu.memory_space<hbm>>
    tpu.wait_dma2 semaphore(%arg16 : memref<!tpu.dma_semaphore, #tpu.memory_space<semaphore_mem>>) src(%arg4 : memref<1024x128xf32, #tpu.memory_space<vmem_shared>>) dst(%dma_wait3A_222 : memref<1024x128xf32, #tpu.memory_space<hbm>>)
    %dma_start3A_223 = arith.constant 19 : i32
    %dma_start3A_224 = arith.constant 0 : i32
    %dma_start3A_225 = tpu.memref_slice %arg1[%dma_start3A_223, %mul3A_0, %dma_start3A_224] : memref<50x4096x128xf32, #tpu.memory_space<hbm>> -> memref<1x1024x128xf32, #tpu.memory_space<hbm>>
    %dma_start3A_226 = tpu.memref_squeeze %dma_start3A_225 : memref<1x1024x128xf32, #tpu.memory_space<hbm>> -> memref<1024x128xf32, #tpu.memory_space<hbm>>
    tpu.enqueue_dma source(%dma_start3A_226 : memref<1024x128xf32, #tpu.memory_space<hbm>>) target(%arg4 : memref<1024x128xf32, #tpu.memory_space<vmem_shared>>) target_semaphore(%arg12 : memref<!tpu.dma_semaphore, #tpu.memory_space<semaphore_mem>>)
    %dma_wait3A_227 = arith.constant 18 : i32
    %dma_wait3A_228 = arith.constant 0 : i32
    %dma_wait3A_229 = tpu.memref_slice %arg1[%dma_wait3A_227, %mul3A_0, %dma_wait3A_228] : memref<50x4096x128xf32, #tpu.memory_space<hbm>> -> memref<1x1024x128xf32, #tpu.memory_space<hbm>>
    %dma_wait3A_230 = tpu.memref_squeeze %dma_wait3A_229 : memref<1x1024x128xf32, #tpu.memory_space<hbm>> -> memref<1024x128xf32, #tpu.memory_space<hbm>>
    tpu.wait_dma2 semaphore(%arg15 : memref<!tpu.dma_semaphore, #tpu.memory_space<semaphore_mem>>) src(%dma_wait3A_230 : memref<1024x128xf32, #tpu.memory_space<hbm>>) dst(%arg7 : memref<1024x128xf32, #tpu.memory_space<vmem_shared>>)
    %dma_start3A_231 = arith.constant 2432 : i32
    %dma_start3A_232 = tpu.memref_slice %arg3[%mul3A_0, %dma_start3A_231] : memref<4096x6400xf32, #tpu.memory_space<hbm>> -> memref<1024x128xf32, #tpu.memory_space<hbm>>
    tpu.enqueue_dma source(%arg7 : memref<1024x128xf32, #tpu.memory_space<vmem_shared>>) target(%dma_start3A_232 : memref<1024x128xf32, #tpu.memory_space<hbm>>) target_semaphore(%arg19 : memref<!tpu.dma_semaphore, #tpu.memory_space<semaphore_mem>>)
    %dma_wait3A_233 = arith.constant 2176 : i32
    %dma_wait3A_234 = tpu.memref_slice %arg3[%mul3A_0, %dma_wait3A_233] : memref<4096x6400xf32, #tpu.memory_space<hbm>> -> memref<1024x128xf32, #tpu.memory_space<hbm>>
    tpu.wait_dma2 semaphore(%arg17 : memref<!tpu.dma_semaphore, #tpu.memory_space<semaphore_mem>>) src(%arg5 : memref<1024x128xf32, #tpu.memory_space<vmem_shared>>) dst(%dma_wait3A_234 : memref<1024x128xf32, #tpu.memory_space<hbm>>)
    %dma_start3A_235 = arith.constant 20 : i32
    %dma_start3A_236 = arith.constant 0 : i32
    %dma_start3A_237 = tpu.memref_slice %arg1[%dma_start3A_235, %mul3A_0, %dma_start3A_236] : memref<50x4096x128xf32, #tpu.memory_space<hbm>> -> memref<1x1024x128xf32, #tpu.memory_space<hbm>>
    %dma_start3A_238 = tpu.memref_squeeze %dma_start3A_237 : memref<1x1024x128xf32, #tpu.memory_space<hbm>> -> memref<1024x128xf32, #tpu.memory_space<hbm>>
    tpu.enqueue_dma source(%dma_start3A_238 : memref<1024x128xf32, #tpu.memory_space<hbm>>) target(%arg5 : memref<1024x128xf32, #tpu.memory_space<vmem_shared>>) target_semaphore(%arg13 : memref<!tpu.dma_semaphore, #tpu.memory_space<semaphore_mem>>)
    %dma_wait3A_239 = arith.constant 19 : i32
    %dma_wait3A_240 = arith.constant 0 : i32
    %dma_wait3A_241 = tpu.memref_slice %arg1[%dma_wait3A_239, %mul3A_0, %dma_wait3A_240] : memref<50x4096x128xf32, #tpu.memory_space<hbm>> -> memref<1x1024x128xf32, #tpu.memory_space<hbm>>
    %dma_wait3A_242 = tpu.memref_squeeze %dma_wait3A_241 : memref<1x1024x128xf32, #tpu.memory_space<hbm>> -> memref<1024x128xf32, #tpu.memory_space<hbm>>
    tpu.wait_dma2 semaphore(%arg12 : memref<!tpu.dma_semaphore, #tpu.memory_space<semaphore_mem>>) src(%dma_wait3A_242 : memref<1024x128xf32, #tpu.memory_space<hbm>>) dst(%arg4 : memref<1024x128xf32, #tpu.memory_space<vmem_shared>>)
    %dma_start3A_243 = arith.constant 2560 : i32
    %dma_start3A_244 = tpu.memref_slice %arg3[%mul3A_0, %dma_start3A_243] : memref<4096x6400xf32, #tpu.memory_space<hbm>> -> memref<1024x128xf32, #tpu.memory_space<hbm>>
    tpu.enqueue_dma source(%arg4 : memref<1024x128xf32, #tpu.memory_space<vmem_shared>>) target(%dma_start3A_244 : memref<1024x128xf32, #tpu.memory_space<hbm>>) target_semaphore(%arg16 : memref<!tpu.dma_semaphore, #tpu.memory_space<semaphore_mem>>)
    %dma_wait3A_245 = arith.constant 2304 : i32
    %dma_wait3A_246 = tpu.memref_slice %arg3[%mul3A_0, %dma_wait3A_245] : memref<4096x6400xf32, #tpu.memory_space<hbm>> -> memref<1024x128xf32, #tpu.memory_space<hbm>>
    tpu.wait_dma2 semaphore(%arg18 : memref<!tpu.dma_semaphore, #tpu.memory_space<semaphore_mem>>) src(%arg6 : memref<1024x128xf32, #tpu.memory_space<vmem_shared>>) dst(%dma_wait3A_246 : memref<1024x128xf32, #tpu.memory_space<hbm>>)
    %dma_start3A_247 = arith.constant 21 : i32
    %dma_start3A_248 = arith.constant 0 : i32
    %dma_start3A_249 = tpu.memref_slice %arg1[%dma_start3A_247, %mul3A_0, %dma_start3A_248] : memref<50x4096x128xf32, #tpu.memory_space<hbm>> -> memref<1x1024x128xf32, #tpu.memory_space<hbm>>
    %dma_start3A_250 = tpu.memref_squeeze %dma_start3A_249 : memref<1x1024x128xf32, #tpu.memory_space<hbm>> -> memref<1024x128xf32, #tpu.memory_space<hbm>>
    tpu.enqueue_dma source(%dma_start3A_250 : memref<1024x128xf32, #tpu.memory_space<hbm>>) target(%arg6 : memref<1024x128xf32, #tpu.memory_space<vmem_shared>>) target_semaphore(%arg14 : memref<!tpu.dma_semaphore, #tpu.memory_space<semaphore_mem>>)
    %dma_wait3A_251 = arith.constant 20 : i32
    %dma_wait3A_252 = arith.constant 0 : i32
    %dma_wait3A_253 = tpu.memref_slice %arg1[%dma_wait3A_251, %mul3A_0, %dma_wait3A_252] : memref<50x4096x128xf32, #tpu.memory_space<hbm>> -> memref<1x1024x128xf32, #tpu.memory_space<hbm>>
    %dma_wait3A_254 = tpu.memref_squeeze %dma_wait3A_253 : memref<1x1024x128xf32, #tpu.memory_space<hbm>> -> memref<1024x128xf32, #tpu.memory_space<hbm>>
    tpu.wait_dma2 semaphore(%arg13 : memref<!tpu.dma_semaphore, #tpu.memory_space<semaphore_mem>>) src(%dma_wait3A_254 : memref<1024x128xf32, #tpu.memory_space<hbm>>) dst(%arg5 : memref<1024x128xf32, #tpu.memory_space<vmem_shared>>)
    %dma_start3A_255 = arith.constant 2688 : i32
    %dma_start3A_256 = tpu.memref_slice %arg3[%mul3A_0, %dma_start3A_255] : memref<4096x6400xf32, #tpu.memory_space<hbm>> -> memref<1024x128xf32, #tpu.memory_space<hbm>>
    tpu.enqueue_dma source(%arg5 : memref<1024x128xf32, #tpu.memory_space<vmem_shared>>) target(%dma_start3A_256 : memref<1024x128xf32, #tpu.memory_space<hbm>>) target_semaphore(%arg17 : memref<!tpu.dma_semaphore, #tpu.memory_space<semaphore_mem>>)
    %dma_wait3A_257 = arith.constant 2432 : i32
    %dma_wait3A_258 = tpu.memref_slice %arg3[%mul3A_0, %dma_wait3A_257] : memref<4096x6400xf32, #tpu.memory_space<hbm>> -> memref<1024x128xf32, #tpu.memory_space<hbm>>
    tpu.wait_dma2 semaphore(%arg19 : memref<!tpu.dma_semaphore, #tpu.memory_space<semaphore_mem>>) src(%arg7 : memref<1024x128xf32, #tpu.memory_space<vmem_shared>>) dst(%dma_wait3A_258 : memref<1024x128xf32, #tpu.memory_space<hbm>>)
    %dma_start3A_259 = arith.constant 22 : i32
    %dma_start3A_260 = arith.constant 0 : i32
    %dma_start3A_261 = tpu.memref_slice %arg1[%dma_start3A_259, %mul3A_0, %dma_start3A_260] : memref<50x4096x128xf32, #tpu.memory_space<hbm>> -> memref<1x1024x128xf32, #tpu.memory_space<hbm>>
    %dma_start3A_262 = tpu.memref_squeeze %dma_start3A_261 : memref<1x1024x128xf32, #tpu.memory_space<hbm>> -> memref<1024x128xf32, #tpu.memory_space<hbm>>
    tpu.enqueue_dma source(%dma_start3A_262 : memref<1024x128xf32, #tpu.memory_space<hbm>>) target(%arg7 : memref<1024x128xf32, #tpu.memory_space<vmem_shared>>) target_semaphore(%arg15 : memref<!tpu.dma_semaphore, #tpu.memory_space<semaphore_mem>>)
    %dma_wait3A_263 = arith.constant 21 : i32
    %dma_wait3A_264 = arith.constant 0 : i32
    %dma_wait3A_265 = tpu.memref_slice %arg1[%dma_wait3A_263, %mul3A_0, %dma_wait3A_264] : memref<50x4096x128xf32, #tpu.memory_space<hbm>> -> memref<1x1024x128xf32, #tpu.memory_space<hbm>>
    %dma_wait3A_266 = tpu.memref_squeeze %dma_wait3A_265 : memref<1x1024x128xf32, #tpu.memory_space<hbm>> -> memref<1024x128xf32, #tpu.memory_space<hbm>>
    tpu.wait_dma2 semaphore(%arg14 : memref<!tpu.dma_semaphore, #tpu.memory_space<semaphore_mem>>) src(%dma_wait3A_266 : memref<1024x128xf32, #tpu.memory_space<hbm>>) dst(%arg6 : memref<1024x128xf32, #tpu.memory_space<vmem_shared>>)
    %dma_start3A_267 = arith.constant 2816 : i32
    %dma_start3A_268 = tpu.memref_slice %arg3[%mul3A_0, %dma_start3A_267] : memref<4096x6400xf32, #tpu.memory_space<hbm>> -> memref<1024x128xf32, #tpu.memory_space<hbm>>
    tpu.enqueue_dma source(%arg6 : memref<1024x128xf32, #tpu.memory_space<vmem_shared>>) target(%dma_start3A_268 : memref<1024x128xf32, #tpu.memory_space<hbm>>) target_semaphore(%arg18 : memref<!tpu.dma_semaphore, #tpu.memory_space<semaphore_mem>>)
    %dma_wait3A_269 = arith.constant 2560 : i32
    %dma_wait3A_270 = tpu.memref_slice %arg3[%mul3A_0, %dma_wait3A_269] : memref<4096x6400xf32, #tpu.memory_space<hbm>> -> memref<1024x128xf32, #tpu.memory_space<hbm>>
    tpu.wait_dma2 semaphore(%arg16 : memref<!tpu.dma_semaphore, #tpu.memory_space<semaphore_mem>>) src(%arg4 : memref<1024x128xf32, #tpu.memory_space<vmem_shared>>) dst(%dma_wait3A_270 : memref<1024x128xf32, #tpu.memory_space<hbm>>)
    %dma_start3A_271 = arith.constant 23 : i32
    %dma_start3A_272 = arith.constant 0 : i32
    %dma_start3A_273 = tpu.memref_slice %arg1[%dma_start3A_271, %mul3A_0, %dma_start3A_272] : memref<50x4096x128xf32, #tpu.memory_space<hbm>> -> memref<1x1024x128xf32, #tpu.memory_space<hbm>>
    %dma_start3A_274 = tpu.memref_squeeze %dma_start3A_273 : memref<1x1024x128xf32, #tpu.memory_space<hbm>> -> memref<1024x128xf32, #tpu.memory_space<hbm>>
    tpu.enqueue_dma source(%dma_start3A_274 : memref<1024x128xf32, #tpu.memory_space<hbm>>) target(%arg4 : memref<1024x128xf32, #tpu.memory_space<vmem_shared>>) target_semaphore(%arg12 : memref<!tpu.dma_semaphore, #tpu.memory_space<semaphore_mem>>)
    %dma_wait3A_275 = arith.constant 22 : i32
    %dma_wait3A_276 = arith.constant 0 : i32
    %dma_wait3A_277 = tpu.memref_slice %arg1[%dma_wait3A_275, %mul3A_0, %dma_wait3A_276] : memref<50x4096x128xf32, #tpu.memory_space<hbm>> -> memref<1x1024x128xf32, #tpu.memory_space<hbm>>
    %dma_wait3A_278 = tpu.memref_squeeze %dma_wait3A_277 : memref<1x1024x128xf32, #tpu.memory_space<hbm>> -> memref<1024x128xf32, #tpu.memory_space<hbm>>
    tpu.wait_dma2 semaphore(%arg15 : memref<!tpu.dma_semaphore, #tpu.memory_space<semaphore_mem>>) src(%dma_wait3A_278 : memref<1024x128xf32, #tpu.memory_space<hbm>>) dst(%arg7 : memref<1024x128xf32, #tpu.memory_space<vmem_shared>>)
    %dma_start3A_279 = arith.constant 2944 : i32
    %dma_start3A_280 = tpu.memref_slice %arg3[%mul3A_0, %dma_start3A_279] : memref<4096x6400xf32, #tpu.memory_space<hbm>> -> memref<1024x128xf32, #tpu.memory_space<hbm>>
    tpu.enqueue_dma source(%arg7 : memref<1024x128xf32, #tpu.memory_space<vmem_shared>>) target(%dma_start3A_280 : memref<1024x128xf32, #tpu.memory_space<hbm>>) target_semaphore(%arg19 : memref<!tpu.dma_semaphore, #tpu.memory_space<semaphore_mem>>)
    %dma_wait3A_281 = arith.constant 2688 : i32
    %dma_wait3A_282 = tpu.memref_slice %arg3[%mul3A_0, %dma_wait3A_281] : memref<4096x6400xf32, #tpu.memory_space<hbm>> -> memref<1024x128xf32, #tpu.memory_space<hbm>>
    tpu.wait_dma2 semaphore(%arg17 : memref<!tpu.dma_semaphore, #tpu.memory_space<semaphore_mem>>) src(%arg5 : memref<1024x128xf32, #tpu.memory_space<vmem_shared>>) dst(%dma_wait3A_282 : memref<1024x128xf32, #tpu.memory_space<hbm>>)
    %dma_start3A_283 = arith.constant 24 : i32
    %dma_start3A_284 = arith.constant 0 : i32
    %dma_start3A_285 = tpu.memref_slice %arg1[%dma_start3A_283, %mul3A_0, %dma_start3A_284] : memref<50x4096x128xf32, #tpu.memory_space<hbm>> -> memref<1x1024x128xf32, #tpu.memory_space<hbm>>
    %dma_start3A_286 = tpu.memref_squeeze %dma_start3A_285 : memref<1x1024x128xf32, #tpu.memory_space<hbm>> -> memref<1024x128xf32, #tpu.memory_space<hbm>>
    tpu.enqueue_dma source(%dma_start3A_286 : memref<1024x128xf32, #tpu.memory_space<hbm>>) target(%arg5 : memref<1024x128xf32, #tpu.memory_space<vmem_shared>>) target_semaphore(%arg13 : memref<!tpu.dma_semaphore, #tpu.memory_space<semaphore_mem>>)
    %dma_wait3A_287 = arith.constant 23 : i32
    %dma_wait3A_288 = arith.constant 0 : i32
    %dma_wait3A_289 = tpu.memref_slice %arg1[%dma_wait3A_287, %mul3A_0, %dma_wait3A_288] : memref<50x4096x128xf32, #tpu.memory_space<hbm>> -> memref<1x1024x128xf32, #tpu.memory_space<hbm>>
    %dma_wait3A_290 = tpu.memref_squeeze %dma_wait3A_289 : memref<1x1024x128xf32, #tpu.memory_space<hbm>> -> memref<1024x128xf32, #tpu.memory_space<hbm>>
    tpu.wait_dma2 semaphore(%arg12 : memref<!tpu.dma_semaphore, #tpu.memory_space<semaphore_mem>>) src(%dma_wait3A_290 : memref<1024x128xf32, #tpu.memory_space<hbm>>) dst(%arg4 : memref<1024x128xf32, #tpu.memory_space<vmem_shared>>)
    %dma_start3A_291 = arith.constant 3072 : i32
    %dma_start3A_292 = tpu.memref_slice %arg3[%mul3A_0, %dma_start3A_291] : memref<4096x6400xf32, #tpu.memory_space<hbm>> -> memref<1024x128xf32, #tpu.memory_space<hbm>>
    tpu.enqueue_dma source(%arg4 : memref<1024x128xf32, #tpu.memory_space<vmem_shared>>) target(%dma_start3A_292 : memref<1024x128xf32, #tpu.memory_space<hbm>>) target_semaphore(%arg16 : memref<!tpu.dma_semaphore, #tpu.memory_space<semaphore_mem>>)
    %dma_wait3A_293 = arith.constant 2816 : i32
    %dma_wait3A_294 = tpu.memref_slice %arg3[%mul3A_0, %dma_wait3A_293] : memref<4096x6400xf32, #tpu.memory_space<hbm>> -> memref<1024x128xf32, #tpu.memory_space<hbm>>
    tpu.wait_dma2 semaphore(%arg18 : memref<!tpu.dma_semaphore, #tpu.memory_space<semaphore_mem>>) src(%arg6 : memref<1024x128xf32, #tpu.memory_space<vmem_shared>>) dst(%dma_wait3A_294 : memref<1024x128xf32, #tpu.memory_space<hbm>>)
    %dma_start3A_295 = arith.constant 25 : i32
    %dma_start3A_296 = arith.constant 0 : i32
    %dma_start3A_297 = tpu.memref_slice %arg1[%dma_start3A_295, %mul3A_0, %dma_start3A_296] : memref<50x4096x128xf32, #tpu.memory_space<hbm>> -> memref<1x1024x128xf32, #tpu.memory_space<hbm>>
    %dma_start3A_298 = tpu.memref_squeeze %dma_start3A_297 : memref<1x1024x128xf32, #tpu.memory_space<hbm>> -> memref<1024x128xf32, #tpu.memory_space<hbm>>
    tpu.enqueue_dma source(%dma_start3A_298 : memref<1024x128xf32, #tpu.memory_space<hbm>>) target(%arg6 : memref<1024x128xf32, #tpu.memory_space<vmem_shared>>) target_semaphore(%arg14 : memref<!tpu.dma_semaphore, #tpu.memory_space<semaphore_mem>>)
    %dma_wait3A_299 = arith.constant 24 : i32
    %dma_wait3A_300 = arith.constant 0 : i32
    %dma_wait3A_301 = tpu.memref_slice %arg1[%dma_wait3A_299, %mul3A_0, %dma_wait3A_300] : memref<50x4096x128xf32, #tpu.memory_space<hbm>> -> memref<1x1024x128xf32, #tpu.memory_space<hbm>>
    %dma_wait3A_302 = tpu.memref_squeeze %dma_wait3A_301 : memref<1x1024x128xf32, #tpu.memory_space<hbm>> -> memref<1024x128xf32, #tpu.memory_space<hbm>>
    tpu.wait_dma2 semaphore(%arg13 : memref<!tpu.dma_semaphore, #tpu.memory_space<semaphore_mem>>) src(%dma_wait3A_302 : memref<1024x128xf32, #tpu.memory_space<hbm>>) dst(%arg5 : memref<1024x128xf32, #tpu.memory_space<vmem_shared>>)
    %dma_start3A_303 = arith.constant 3200 : i32
    %dma_start3A_304 = tpu.memref_slice %arg3[%mul3A_0, %dma_start3A_303] : memref<4096x6400xf32, #tpu.memory_space<hbm>> -> memref<1024x128xf32, #tpu.memory_space<hbm>>
    tpu.enqueue_dma source(%arg5 : memref<1024x128xf32, #tpu.memory_space<vmem_shared>>) target(%dma_start3A_304 : memref<1024x128xf32, #tpu.memory_space<hbm>>) target_semaphore(%arg17 : memref<!tpu.dma_semaphore, #tpu.memory_space<semaphore_mem>>)
    %dma_wait3A_305 = arith.constant 2944 : i32
    %dma_wait3A_306 = tpu.memref_slice %arg3[%mul3A_0, %dma_wait3A_305] : memref<4096x6400xf32, #tpu.memory_space<hbm>> -> memref<1024x128xf32, #tpu.memory_space<hbm>>
    tpu.wait_dma2 semaphore(%arg19 : memref<!tpu.dma_semaphore, #tpu.memory_space<semaphore_mem>>) src(%arg7 : memref<1024x128xf32, #tpu.memory_space<vmem_shared>>) dst(%dma_wait3A_306 : memref<1024x128xf32, #tpu.memory_space<hbm>>)
    %dma_start3A_307 = arith.constant 26 : i32
    %dma_start3A_308 = arith.constant 0 : i32
    %dma_start3A_309 = tpu.memref_slice %arg1[%dma_start3A_307, %mul3A_0, %dma_start3A_308] : memref<50x4096x128xf32, #tpu.memory_space<hbm>> -> memref<1x1024x128xf32, #tpu.memory_space<hbm>>
    %dma_start3A_310 = tpu.memref_squeeze %dma_start3A_309 : memref<1x1024x128xf32, #tpu.memory_space<hbm>> -> memref<1024x128xf32, #tpu.memory_space<hbm>>
    tpu.enqueue_dma source(%dma_start3A_310 : memref<1024x128xf32, #tpu.memory_space<hbm>>) target(%arg7 : memref<1024x128xf32, #tpu.memory_space<vmem_shared>>) target_semaphore(%arg15 : memref<!tpu.dma_semaphore, #tpu.memory_space<semaphore_mem>>)
    %dma_wait3A_311 = arith.constant 25 : i32
    %dma_wait3A_312 = arith.constant 0 : i32
    %dma_wait3A_313 = tpu.memref_slice %arg1[%dma_wait3A_311, %mul3A_0, %dma_wait3A_312] : memref<50x4096x128xf32, #tpu.memory_space<hbm>> -> memref<1x1024x128xf32, #tpu.memory_space<hbm>>
    %dma_wait3A_314 = tpu.memref_squeeze %dma_wait3A_313 : memref<1x1024x128xf32, #tpu.memory_space<hbm>> -> memref<1024x128xf32, #tpu.memory_space<hbm>>
    tpu.wait_dma2 semaphore(%arg14 : memref<!tpu.dma_semaphore, #tpu.memory_space<semaphore_mem>>) src(%dma_wait3A_314 : memref<1024x128xf32, #tpu.memory_space<hbm>>) dst(%arg6 : memref<1024x128xf32, #tpu.memory_space<vmem_shared>>)
    %dma_start3A_315 = arith.constant 3328 : i32
    %dma_start3A_316 = tpu.memref_slice %arg3[%mul3A_0, %dma_start3A_315] : memref<4096x6400xf32, #tpu.memory_space<hbm>> -> memref<1024x128xf32, #tpu.memory_space<hbm>>
    tpu.enqueue_dma source(%arg6 : memref<1024x128xf32, #tpu.memory_space<vmem_shared>>) target(%dma_start3A_316 : memref<1024x128xf32, #tpu.memory_space<hbm>>) target_semaphore(%arg18 : memref<!tpu.dma_semaphore, #tpu.memory_space<semaphore_mem>>)
    %dma_wait3A_317 = arith.constant 3072 : i32
    %dma_wait3A_318 = tpu.memref_slice %arg3[%mul3A_0, %dma_wait3A_317] : memref<4096x6400xf32, #tpu.memory_space<hbm>> -> memref<1024x128xf32, #tpu.memory_space<hbm>>
    tpu.wait_dma2 semaphore(%arg16 : memref<!tpu.dma_semaphore, #tpu.memory_space<semaphore_mem>>) src(%arg4 : memref<1024x128xf32, #tpu.memory_space<vmem_shared>>) dst(%dma_wait3A_318 : memref<1024x128xf32, #tpu.memory_space<hbm>>)
    %dma_start3A_319 = arith.constant 27 : i32
    %dma_start3A_320 = arith.constant 0 : i32
    %dma_start3A_321 = tpu.memref_slice %arg1[%dma_start3A_319, %mul3A_0, %dma_start3A_320] : memref<50x4096x128xf32, #tpu.memory_space<hbm>> -> memref<1x1024x128xf32, #tpu.memory_space<hbm>>
    %dma_start3A_322 = tpu.memref_squeeze %dma_start3A_321 : memref<1x1024x128xf32, #tpu.memory_space<hbm>> -> memref<1024x128xf32, #tpu.memory_space<hbm>>
    tpu.enqueue_dma source(%dma_start3A_322 : memref<1024x128xf32, #tpu.memory_space<hbm>>) target(%arg4 : memref<1024x128xf32, #tpu.memory_space<vmem_shared>>) target_semaphore(%arg12 : memref<!tpu.dma_semaphore, #tpu.memory_space<semaphore_mem>>)
    %dma_wait3A_323 = arith.constant 26 : i32
    %dma_wait3A_324 = arith.constant 0 : i32
    %dma_wait3A_325 = tpu.memref_slice %arg1[%dma_wait3A_323, %mul3A_0, %dma_wait3A_324] : memref<50x4096x128xf32, #tpu.memory_space<hbm>> -> memref<1x1024x128xf32, #tpu.memory_space<hbm>>
    %dma_wait3A_326 = tpu.memref_squeeze %dma_wait3A_325 : memref<1x1024x128xf32, #tpu.memory_space<hbm>> -> memref<1024x128xf32, #tpu.memory_space<hbm>>
    tpu.wait_dma2 semaphore(%arg15 : memref<!tpu.dma_semaphore, #tpu.memory_space<semaphore_mem>>) src(%dma_wait3A_326 : memref<1024x128xf32, #tpu.memory_space<hbm>>) dst(%arg7 : memref<1024x128xf32, #tpu.memory_space<vmem_shared>>)
    %dma_start3A_327 = arith.constant 3456 : i32
    %dma_start3A_328 = tpu.memref_slice %arg3[%mul3A_0, %dma_start3A_327] : memref<4096x6400xf32, #tpu.memory_space<hbm>> -> memref<1024x128xf32, #tpu.memory_space<hbm>>
    tpu.enqueue_dma source(%arg7 : memref<1024x128xf32, #tpu.memory_space<vmem_shared>>) target(%dma_start3A_328 : memref<1024x128xf32, #tpu.memory_space<hbm>>) target_semaphore(%arg19 : memref<!tpu.dma_semaphore, #tpu.memory_space<semaphore_mem>>)
    %dma_wait3A_329 = arith.constant 3200 : i32
    %dma_wait3A_330 = tpu.memref_slice %arg3[%mul3A_0, %dma_wait3A_329] : memref<4096x6400xf32, #tpu.memory_space<hbm>> -> memref<1024x128xf32, #tpu.memory_space<hbm>>
    tpu.wait_dma2 semaphore(%arg17 : memref<!tpu.dma_semaphore, #tpu.memory_space<semaphore_mem>>) src(%arg5 : memref<1024x128xf32, #tpu.memory_space<vmem_shared>>) dst(%dma_wait3A_330 : memref<1024x128xf32, #tpu.memory_space<hbm>>)
    %dma_start3A_331 = arith.constant 28 : i32
    %dma_start3A_332 = arith.constant 0 : i32
    %dma_start3A_333 = tpu.memref_slice %arg1[%dma_start3A_331, %mul3A_0, %dma_start3A_332] : memref<50x4096x128xf32, #tpu.memory_space<hbm>> -> memref<1x1024x128xf32, #tpu.memory_space<hbm>>
    %dma_start3A_334 = tpu.memref_squeeze %dma_start3A_333 : memref<1x1024x128xf32, #tpu.memory_space<hbm>> -> memref<1024x128xf32, #tpu.memory_space<hbm>>
    tpu.enqueue_dma source(%dma_start3A_334 : memref<1024x128xf32, #tpu.memory_space<hbm>>) target(%arg5 : memref<1024x128xf32, #tpu.memory_space<vmem_shared>>) target_semaphore(%arg13 : memref<!tpu.dma_semaphore, #tpu.memory_space<semaphore_mem>>)
    %dma_wait3A_335 = arith.constant 27 : i32
    %dma_wait3A_336 = arith.constant 0 : i32
    %dma_wait3A_337 = tpu.memref_slice %arg1[%dma_wait3A_335, %mul3A_0, %dma_wait3A_336] : memref<50x4096x128xf32, #tpu.memory_space<hbm>> -> memref<1x1024x128xf32, #tpu.memory_space<hbm>>
    %dma_wait3A_338 = tpu.memref_squeeze %dma_wait3A_337 : memref<1x1024x128xf32, #tpu.memory_space<hbm>> -> memref<1024x128xf32, #tpu.memory_space<hbm>>
    tpu.wait_dma2 semaphore(%arg12 : memref<!tpu.dma_semaphore, #tpu.memory_space<semaphore_mem>>) src(%dma_wait3A_338 : memref<1024x128xf32, #tpu.memory_space<hbm>>) dst(%arg4 : memref<1024x128xf32, #tpu.memory_space<vmem_shared>>)
    %dma_start3A_339 = arith.constant 3584 : i32
    %dma_start3A_340 = tpu.memref_slice %arg3[%mul3A_0, %dma_start3A_339] : memref<4096x6400xf32, #tpu.memory_space<hbm>> -> memref<1024x128xf32, #tpu.memory_space<hbm>>
    tpu.enqueue_dma source(%arg4 : memref<1024x128xf32, #tpu.memory_space<vmem_shared>>) target(%dma_start3A_340 : memref<1024x128xf32, #tpu.memory_space<hbm>>) target_semaphore(%arg16 : memref<!tpu.dma_semaphore, #tpu.memory_space<semaphore_mem>>)
    %dma_wait3A_341 = arith.constant 3328 : i32
    %dma_wait3A_342 = tpu.memref_slice %arg3[%mul3A_0, %dma_wait3A_341] : memref<4096x6400xf32, #tpu.memory_space<hbm>> -> memref<1024x128xf32, #tpu.memory_space<hbm>>
    tpu.wait_dma2 semaphore(%arg18 : memref<!tpu.dma_semaphore, #tpu.memory_space<semaphore_mem>>) src(%arg6 : memref<1024x128xf32, #tpu.memory_space<vmem_shared>>) dst(%dma_wait3A_342 : memref<1024x128xf32, #tpu.memory_space<hbm>>)
    %dma_start3A_343 = arith.constant 29 : i32
    %dma_start3A_344 = arith.constant 0 : i32
    %dma_start3A_345 = tpu.memref_slice %arg1[%dma_start3A_343, %mul3A_0, %dma_start3A_344] : memref<50x4096x128xf32, #tpu.memory_space<hbm>> -> memref<1x1024x128xf32, #tpu.memory_space<hbm>>
    %dma_start3A_346 = tpu.memref_squeeze %dma_start3A_345 : memref<1x1024x128xf32, #tpu.memory_space<hbm>> -> memref<1024x128xf32, #tpu.memory_space<hbm>>
    tpu.enqueue_dma source(%dma_start3A_346 : memref<1024x128xf32, #tpu.memory_space<hbm>>) target(%arg6 : memref<1024x128xf32, #tpu.memory_space<vmem_shared>>) target_semaphore(%arg14 : memref<!tpu.dma_semaphore, #tpu.memory_space<semaphore_mem>>)
    %dma_wait3A_347 = arith.constant 28 : i32
    %dma_wait3A_348 = arith.constant 0 : i32
    %dma_wait3A_349 = tpu.memref_slice %arg1[%dma_wait3A_347, %mul3A_0, %dma_wait3A_348] : memref<50x4096x128xf32, #tpu.memory_space<hbm>> -> memref<1x1024x128xf32, #tpu.memory_space<hbm>>
    %dma_wait3A_350 = tpu.memref_squeeze %dma_wait3A_349 : memref<1x1024x128xf32, #tpu.memory_space<hbm>> -> memref<1024x128xf32, #tpu.memory_space<hbm>>
    tpu.wait_dma2 semaphore(%arg13 : memref<!tpu.dma_semaphore, #tpu.memory_space<semaphore_mem>>) src(%dma_wait3A_350 : memref<1024x128xf32, #tpu.memory_space<hbm>>) dst(%arg5 : memref<1024x128xf32, #tpu.memory_space<vmem_shared>>)
    %dma_start3A_351 = arith.constant 3712 : i32
    %dma_start3A_352 = tpu.memref_slice %arg3[%mul3A_0, %dma_start3A_351] : memref<4096x6400xf32, #tpu.memory_space<hbm>> -> memref<1024x128xf32, #tpu.memory_space<hbm>>
    tpu.enqueue_dma source(%arg5 : memref<1024x128xf32, #tpu.memory_space<vmem_shared>>) target(%dma_start3A_352 : memref<1024x128xf32, #tpu.memory_space<hbm>>) target_semaphore(%arg17 : memref<!tpu.dma_semaphore, #tpu.memory_space<semaphore_mem>>)
    %dma_wait3A_353 = arith.constant 3456 : i32
    %dma_wait3A_354 = tpu.memref_slice %arg3[%mul3A_0, %dma_wait3A_353] : memref<4096x6400xf32, #tpu.memory_space<hbm>> -> memref<1024x128xf32, #tpu.memory_space<hbm>>
    tpu.wait_dma2 semaphore(%arg19 : memref<!tpu.dma_semaphore, #tpu.memory_space<semaphore_mem>>) src(%arg7 : memref<1024x128xf32, #tpu.memory_space<vmem_shared>>) dst(%dma_wait3A_354 : memref<1024x128xf32, #tpu.memory_space<hbm>>)
    %dma_start3A_355 = arith.constant 30 : i32
    %dma_start3A_356 = arith.constant 0 : i32
    %dma_start3A_357 = tpu.memref_slice %arg1[%dma_start3A_355, %mul3A_0, %dma_start3A_356] : memref<50x4096x128xf32, #tpu.memory_space<hbm>> -> memref<1x1024x128xf32, #tpu.memory_space<hbm>>
    %dma_start3A_358 = tpu.memref_squeeze %dma_start3A_357 : memref<1x1024x128xf32, #tpu.memory_space<hbm>> -> memref<1024x128xf32, #tpu.memory_space<hbm>>
    tpu.enqueue_dma source(%dma_start3A_358 : memref<1024x128xf32, #tpu.memory_space<hbm>>) target(%arg7 : memref<1024x128xf32, #tpu.memory_space<vmem_shared>>) target_semaphore(%arg15 : memref<!tpu.dma_semaphore, #tpu.memory_space<semaphore_mem>>)
    %dma_wait3A_359 = arith.constant 29 : i32
    %dma_wait3A_360 = arith.constant 0 : i32
    %dma_wait3A_361 = tpu.memref_slice %arg1[%dma_wait3A_359, %mul3A_0, %dma_wait3A_360] : memref<50x4096x128xf32, #tpu.memory_space<hbm>> -> memref<1x1024x128xf32, #tpu.memory_space<hbm>>
    %dma_wait3A_362 = tpu.memref_squeeze %dma_wait3A_361 : memref<1x1024x128xf32, #tpu.memory_space<hbm>> -> memref<1024x128xf32, #tpu.memory_space<hbm>>
    tpu.wait_dma2 semaphore(%arg14 : memref<!tpu.dma_semaphore, #tpu.memory_space<semaphore_mem>>) src(%dma_wait3A_362 : memref<1024x128xf32, #tpu.memory_space<hbm>>) dst(%arg6 : memref<1024x128xf32, #tpu.memory_space<vmem_shared>>)
    %dma_start3A_363 = arith.constant 3840 : i32
    %dma_start3A_364 = tpu.memref_slice %arg3[%mul3A_0, %dma_start3A_363] : memref<4096x6400xf32, #tpu.memory_space<hbm>> -> memref<1024x128xf32, #tpu.memory_space<hbm>>
    tpu.enqueue_dma source(%arg6 : memref<1024x128xf32, #tpu.memory_space<vmem_shared>>) target(%dma_start3A_364 : memref<1024x128xf32, #tpu.memory_space<hbm>>) target_semaphore(%arg18 : memref<!tpu.dma_semaphore, #tpu.memory_space<semaphore_mem>>)
    %dma_wait3A_365 = arith.constant 3584 : i32
    %dma_wait3A_366 = tpu.memref_slice %arg3[%mul3A_0, %dma_wait3A_365] : memref<4096x6400xf32, #tpu.memory_space<hbm>> -> memref<1024x128xf32, #tpu.memory_space<hbm>>
    tpu.wait_dma2 semaphore(%arg16 : memref<!tpu.dma_semaphore, #tpu.memory_space<semaphore_mem>>) src(%arg4 : memref<1024x128xf32, #tpu.memory_space<vmem_shared>>) dst(%dma_wait3A_366 : memref<1024x128xf32, #tpu.memory_space<hbm>>)
    %dma_start3A_367 = arith.constant 31 : i32
    %dma_start3A_368 = arith.constant 0 : i32
    %dma_start3A_369 = tpu.memref_slice %arg1[%dma_start3A_367, %mul3A_0, %dma_start3A_368] : memref<50x4096x128xf32, #tpu.memory_space<hbm>> -> memref<1x1024x128xf32, #tpu.memory_space<hbm>>
    %dma_start3A_370 = tpu.memref_squeeze %dma_start3A_369 : memref<1x1024x128xf32, #tpu.memory_space<hbm>> -> memref<1024x128xf32, #tpu.memory_space<hbm>>
    tpu.enqueue_dma source(%dma_start3A_370 : memref<1024x128xf32, #tpu.memory_space<hbm>>) target(%arg4 : memref<1024x128xf32, #tpu.memory_space<vmem_shared>>) target_semaphore(%arg12 : memref<!tpu.dma_semaphore, #tpu.memory_space<semaphore_mem>>)
    %dma_wait3A_371 = arith.constant 30 : i32
    %dma_wait3A_372 = arith.constant 0 : i32
    %dma_wait3A_373 = tpu.memref_slice %arg1[%dma_wait3A_371, %mul3A_0, %dma_wait3A_372] : memref<50x4096x128xf32, #tpu.memory_space<hbm>> -> memref<1x1024x128xf32, #tpu.memory_space<hbm>>
    %dma_wait3A_374 = tpu.memref_squeeze %dma_wait3A_373 : memref<1x1024x128xf32, #tpu.memory_space<hbm>> -> memref<1024x128xf32, #tpu.memory_space<hbm>>
    tpu.wait_dma2 semaphore(%arg15 : memref<!tpu.dma_semaphore, #tpu.memory_space<semaphore_mem>>) src(%dma_wait3A_374 : memref<1024x128xf32, #tpu.memory_space<hbm>>) dst(%arg7 : memref<1024x128xf32, #tpu.memory_space<vmem_shared>>)
    %dma_start3A_375 = arith.constant 3968 : i32
    %dma_start3A_376 = tpu.memref_slice %arg3[%mul3A_0, %dma_start3A_375] : memref<4096x6400xf32, #tpu.memory_space<hbm>> -> memref<1024x128xf32, #tpu.memory_space<hbm>>
    tpu.enqueue_dma source(%arg7 : memref<1024x128xf32, #tpu.memory_space<vmem_shared>>) target(%dma_start3A_376 : memref<1024x128xf32, #tpu.memory_space<hbm>>) target_semaphore(%arg19 : memref<!tpu.dma_semaphore, #tpu.memory_space<semaphore_mem>>)
    %dma_wait3A_377 = arith.constant 3712 : i32
    %dma_wait3A_378 = tpu.memref_slice %arg3[%mul3A_0, %dma_wait3A_377] : memref<4096x6400xf32, #tpu.memory_space<hbm>> -> memref<1024x128xf32, #tpu.memory_space<hbm>>
    tpu.wait_dma2 semaphore(%arg17 : memref<!tpu.dma_semaphore, #tpu.memory_space<semaphore_mem>>) src(%arg5 : memref<1024x128xf32, #tpu.memory_space<vmem_shared>>) dst(%dma_wait3A_378 : memref<1024x128xf32, #tpu.memory_space<hbm>>)
    %dma_start3A_379 = arith.constant 32 : i32
    %dma_start3A_380 = arith.constant 0 : i32
    %dma_start3A_381 = tpu.memref_slice %arg1[%dma_start3A_379, %mul3A_0, %dma_start3A_380] : memref<50x4096x128xf32, #tpu.memory_space<hbm>> -> memref<1x1024x128xf32, #tpu.memory_space<hbm>>
    %dma_start3A_382 = tpu.memref_squeeze %dma_start3A_381 : memref<1x1024x128xf32, #tpu.memory_space<hbm>> -> memref<1024x128xf32, #tpu.memory_space<hbm>>
    tpu.enqueue_dma source(%dma_start3A_382 : memref<1024x128xf32, #tpu.memory_space<hbm>>) target(%arg5 : memref<1024x128xf32, #tpu.memory_space<vmem_shared>>) target_semaphore(%arg13 : memref<!tpu.dma_semaphore, #tpu.memory_space<semaphore_mem>>)
    %dma_wait3A_383 = arith.constant 31 : i32
    %dma_wait3A_384 = arith.constant 0 : i32
    %dma_wait3A_385 = tpu.memref_slice %arg1[%dma_wait3A_383, %mul3A_0, %dma_wait3A_384] : memref<50x4096x128xf32, #tpu.memory_space<hbm>> -> memref<1x1024x128xf32, #tpu.memory_space<hbm>>
    %dma_wait3A_386 = tpu.memref_squeeze %dma_wait3A_385 : memref<1x1024x128xf32, #tpu.memory_space<hbm>> -> memref<1024x128xf32, #tpu.memory_space<hbm>>
    tpu.wait_dma2 semaphore(%arg12 : memref<!tpu.dma_semaphore, #tpu.memory_space<semaphore_mem>>) src(%dma_wait3A_386 : memref<1024x128xf32, #tpu.memory_space<hbm>>) dst(%arg4 : memref<1024x128xf32, #tpu.memory_space<vmem_shared>>)
    %dma_start3A_387 = arith.constant 4096 : i32
    %dma_start3A_388 = tpu.memref_slice %arg3[%mul3A_0, %dma_start3A_387] : memref<4096x6400xf32, #tpu.memory_space<hbm>> -> memref<1024x128xf32, #tpu.memory_space<hbm>>
    tpu.enqueue_dma source(%arg4 : memref<1024x128xf32, #tpu.memory_space<vmem_shared>>) target(%dma_start3A_388 : memref<1024x128xf32, #tpu.memory_space<hbm>>) target_semaphore(%arg16 : memref<!tpu.dma_semaphore, #tpu.memory_space<semaphore_mem>>)
    %dma_wait3A_389 = arith.constant 3840 : i32
    %dma_wait3A_390 = tpu.memref_slice %arg3[%mul3A_0, %dma_wait3A_389] : memref<4096x6400xf32, #tpu.memory_space<hbm>> -> memref<1024x128xf32, #tpu.memory_space<hbm>>
    tpu.wait_dma2 semaphore(%arg18 : memref<!tpu.dma_semaphore, #tpu.memory_space<semaphore_mem>>) src(%arg6 : memref<1024x128xf32, #tpu.memory_space<vmem_shared>>) dst(%dma_wait3A_390 : memref<1024x128xf32, #tpu.memory_space<hbm>>)
    %dma_start3A_391 = arith.constant 33 : i32
    %dma_start3A_392 = arith.constant 0 : i32
    %dma_start3A_393 = tpu.memref_slice %arg1[%dma_start3A_391, %mul3A_0, %dma_start3A_392] : memref<50x4096x128xf32, #tpu.memory_space<hbm>> -> memref<1x1024x128xf32, #tpu.memory_space<hbm>>
    %dma_start3A_394 = tpu.memref_squeeze %dma_start3A_393 : memref<1x1024x128xf32, #tpu.memory_space<hbm>> -> memref<1024x128xf32, #tpu.memory_space<hbm>>
    tpu.enqueue_dma source(%dma_start3A_394 : memref<1024x128xf32, #tpu.memory_space<hbm>>) target(%arg6 : memref<1024x128xf32, #tpu.memory_space<vmem_shared>>) target_semaphore(%arg14 : memref<!tpu.dma_semaphore, #tpu.memory_space<semaphore_mem>>)
    %dma_wait3A_395 = arith.constant 32 : i32
    %dma_wait3A_396 = arith.constant 0 : i32
    %dma_wait3A_397 = tpu.memref_slice %arg1[%dma_wait3A_395, %mul3A_0, %dma_wait3A_396] : memref<50x4096x128xf32, #tpu.memory_space<hbm>> -> memref<1x1024x128xf32, #tpu.memory_space<hbm>>
    %dma_wait3A_398 = tpu.memref_squeeze %dma_wait3A_397 : memref<1x1024x128xf32, #tpu.memory_space<hbm>> -> memref<1024x128xf32, #tpu.memory_space<hbm>>
    tpu.wait_dma2 semaphore(%arg13 : memref<!tpu.dma_semaphore, #tpu.memory_space<semaphore_mem>>) src(%dma_wait3A_398 : memref<1024x128xf32, #tpu.memory_space<hbm>>) dst(%arg5 : memref<1024x128xf32, #tpu.memory_space<vmem_shared>>)
    %dma_start3A_399 = arith.constant 4224 : i32
    %dma_start3A_400 = tpu.memref_slice %arg3[%mul3A_0, %dma_start3A_399] : memref<4096x6400xf32, #tpu.memory_space<hbm>> -> memref<1024x128xf32, #tpu.memory_space<hbm>>
    tpu.enqueue_dma source(%arg5 : memref<1024x128xf32, #tpu.memory_space<vmem_shared>>) target(%dma_start3A_400 : memref<1024x128xf32, #tpu.memory_space<hbm>>) target_semaphore(%arg17 : memref<!tpu.dma_semaphore, #tpu.memory_space<semaphore_mem>>)
    %dma_wait3A_401 = arith.constant 3968 : i32
    %dma_wait3A_402 = tpu.memref_slice %arg3[%mul3A_0, %dma_wait3A_401] : memref<4096x6400xf32, #tpu.memory_space<hbm>> -> memref<1024x128xf32, #tpu.memory_space<hbm>>
    tpu.wait_dma2 semaphore(%arg19 : memref<!tpu.dma_semaphore, #tpu.memory_space<semaphore_mem>>) src(%arg7 : memref<1024x128xf32, #tpu.memory_space<vmem_shared>>) dst(%dma_wait3A_402 : memref<1024x128xf32, #tpu.memory_space<hbm>>)
    %dma_start3A_403 = arith.constant 34 : i32
    %dma_start3A_404 = arith.constant 0 : i32
    %dma_start3A_405 = tpu.memref_slice %arg1[%dma_start3A_403, %mul3A_0, %dma_start3A_404] : memref<50x4096x128xf32, #tpu.memory_space<hbm>> -> memref<1x1024x128xf32, #tpu.memory_space<hbm>>
    %dma_start3A_406 = tpu.memref_squeeze %dma_start3A_405 : memref<1x1024x128xf32, #tpu.memory_space<hbm>> -> memref<1024x128xf32, #tpu.memory_space<hbm>>
    tpu.enqueue_dma source(%dma_start3A_406 : memref<1024x128xf32, #tpu.memory_space<hbm>>) target(%arg7 : memref<1024x128xf32, #tpu.memory_space<vmem_shared>>) target_semaphore(%arg15 : memref<!tpu.dma_semaphore, #tpu.memory_space<semaphore_mem>>)
    %dma_wait3A_407 = arith.constant 33 : i32
    %dma_wait3A_408 = arith.constant 0 : i32
    %dma_wait3A_409 = tpu.memref_slice %arg1[%dma_wait3A_407, %mul3A_0, %dma_wait3A_408] : memref<50x4096x128xf32, #tpu.memory_space<hbm>> -> memref<1x1024x128xf32, #tpu.memory_space<hbm>>
    %dma_wait3A_410 = tpu.memref_squeeze %dma_wait3A_409 : memref<1x1024x128xf32, #tpu.memory_space<hbm>> -> memref<1024x128xf32, #tpu.memory_space<hbm>>
    tpu.wait_dma2 semaphore(%arg14 : memref<!tpu.dma_semaphore, #tpu.memory_space<semaphore_mem>>) src(%dma_wait3A_410 : memref<1024x128xf32, #tpu.memory_space<hbm>>) dst(%arg6 : memref<1024x128xf32, #tpu.memory_space<vmem_shared>>)
    %dma_start3A_411 = arith.constant 4352 : i32
    %dma_start3A_412 = tpu.memref_slice %arg3[%mul3A_0, %dma_start3A_411] : memref<4096x6400xf32, #tpu.memory_space<hbm>> -> memref<1024x128xf32, #tpu.memory_space<hbm>>
    tpu.enqueue_dma source(%arg6 : memref<1024x128xf32, #tpu.memory_space<vmem_shared>>) target(%dma_start3A_412 : memref<1024x128xf32, #tpu.memory_space<hbm>>) target_semaphore(%arg18 : memref<!tpu.dma_semaphore, #tpu.memory_space<semaphore_mem>>)
    %dma_wait3A_413 = arith.constant 4096 : i32
    %dma_wait3A_414 = tpu.memref_slice %arg3[%mul3A_0, %dma_wait3A_413] : memref<4096x6400xf32, #tpu.memory_space<hbm>> -> memref<1024x128xf32, #tpu.memory_space<hbm>>
    tpu.wait_dma2 semaphore(%arg16 : memref<!tpu.dma_semaphore, #tpu.memory_space<semaphore_mem>>) src(%arg4 : memref<1024x128xf32, #tpu.memory_space<vmem_shared>>) dst(%dma_wait3A_414 : memref<1024x128xf32, #tpu.memory_space<hbm>>)
    %dma_start3A_415 = arith.constant 35 : i32
    %dma_start3A_416 = arith.constant 0 : i32
    %dma_start3A_417 = tpu.memref_slice %arg1[%dma_start3A_415, %mul3A_0, %dma_start3A_416] : memref<50x4096x128xf32, #tpu.memory_space<hbm>> -> memref<1x1024x128xf32, #tpu.memory_space<hbm>>
    %dma_start3A_418 = tpu.memref_squeeze %dma_start3A_417 : memref<1x1024x128xf32, #tpu.memory_space<hbm>> -> memref<1024x128xf32, #tpu.memory_space<hbm>>
    tpu.enqueue_dma source(%dma_start3A_418 : memref<1024x128xf32, #tpu.memory_space<hbm>>) target(%arg4 : memref<1024x128xf32, #tpu.memory_space<vmem_shared>>) target_semaphore(%arg12 : memref<!tpu.dma_semaphore, #tpu.memory_space<semaphore_mem>>)
    %dma_wait3A_419 = arith.constant 34 : i32
    %dma_wait3A_420 = arith.constant 0 : i32
    %dma_wait3A_421 = tpu.memref_slice %arg1[%dma_wait3A_419, %mul3A_0, %dma_wait3A_420] : memref<50x4096x128xf32, #tpu.memory_space<hbm>> -> memref<1x1024x128xf32, #tpu.memory_space<hbm>>
    %dma_wait3A_422 = tpu.memref_squeeze %dma_wait3A_421 : memref<1x1024x128xf32, #tpu.memory_space<hbm>> -> memref<1024x128xf32, #tpu.memory_space<hbm>>
    tpu.wait_dma2 semaphore(%arg15 : memref<!tpu.dma_semaphore, #tpu.memory_space<semaphore_mem>>) src(%dma_wait3A_422 : memref<1024x128xf32, #tpu.memory_space<hbm>>) dst(%arg7 : memref<1024x128xf32, #tpu.memory_space<vmem_shared>>)
    %dma_start3A_423 = arith.constant 4480 : i32
    %dma_start3A_424 = tpu.memref_slice %arg3[%mul3A_0, %dma_start3A_423] : memref<4096x6400xf32, #tpu.memory_space<hbm>> -> memref<1024x128xf32, #tpu.memory_space<hbm>>
    tpu.enqueue_dma source(%arg7 : memref<1024x128xf32, #tpu.memory_space<vmem_shared>>) target(%dma_start3A_424 : memref<1024x128xf32, #tpu.memory_space<hbm>>) target_semaphore(%arg19 : memref<!tpu.dma_semaphore, #tpu.memory_space<semaphore_mem>>)
    %dma_wait3A_425 = arith.constant 4224 : i32
    %dma_wait3A_426 = tpu.memref_slice %arg3[%mul3A_0, %dma_wait3A_425] : memref<4096x6400xf32, #tpu.memory_space<hbm>> -> memref<1024x128xf32, #tpu.memory_space<hbm>>
    tpu.wait_dma2 semaphore(%arg17 : memref<!tpu.dma_semaphore, #tpu.memory_space<semaphore_mem>>) src(%arg5 : memref<1024x128xf32, #tpu.memory_space<vmem_shared>>) dst(%dma_wait3A_426 : memref<1024x128xf32, #tpu.memory_space<hbm>>)
    %dma_start3A_427 = arith.constant 36 : i32
    %dma_start3A_428 = arith.constant 0 : i32
    %dma_start3A_429 = tpu.memref_slice %arg1[%dma_start3A_427, %mul3A_0, %dma_start3A_428] : memref<50x4096x128xf32, #tpu.memory_space<hbm>> -> memref<1x1024x128xf32, #tpu.memory_space<hbm>>
    %dma_start3A_430 = tpu.memref_squeeze %dma_start3A_429 : memref<1x1024x128xf32, #tpu.memory_space<hbm>> -> memref<1024x128xf32, #tpu.memory_space<hbm>>
    tpu.enqueue_dma source(%dma_start3A_430 : memref<1024x128xf32, #tpu.memory_space<hbm>>) target(%arg5 : memref<1024x128xf32, #tpu.memory_space<vmem_shared>>) target_semaphore(%arg13 : memref<!tpu.dma_semaphore, #tpu.memory_space<semaphore_mem>>)
    %dma_wait3A_431 = arith.constant 35 : i32
    %dma_wait3A_432 = arith.constant 0 : i32
    %dma_wait3A_433 = tpu.memref_slice %arg1[%dma_wait3A_431, %mul3A_0, %dma_wait3A_432] : memref<50x4096x128xf32, #tpu.memory_space<hbm>> -> memref<1x1024x128xf32, #tpu.memory_space<hbm>>
    %dma_wait3A_434 = tpu.memref_squeeze %dma_wait3A_433 : memref<1x1024x128xf32, #tpu.memory_space<hbm>> -> memref<1024x128xf32, #tpu.memory_space<hbm>>
    tpu.wait_dma2 semaphore(%arg12 : memref<!tpu.dma_semaphore, #tpu.memory_space<semaphore_mem>>) src(%dma_wait3A_434 : memref<1024x128xf32, #tpu.memory_space<hbm>>) dst(%arg4 : memref<1024x128xf32, #tpu.memory_space<vmem_shared>>)
    %dma_start3A_435 = arith.constant 4608 : i32
    %dma_start3A_436 = tpu.memref_slice %arg3[%mul3A_0, %dma_start3A_435] : memref<4096x6400xf32, #tpu.memory_space<hbm>> -> memref<1024x128xf32, #tpu.memory_space<hbm>>
    tpu.enqueue_dma source(%arg4 : memref<1024x128xf32, #tpu.memory_space<vmem_shared>>) target(%dma_start3A_436 : memref<1024x128xf32, #tpu.memory_space<hbm>>) target_semaphore(%arg16 : memref<!tpu.dma_semaphore, #tpu.memory_space<semaphore_mem>>)
    %dma_wait3A_437 = arith.constant 4352 : i32
    %dma_wait3A_438 = tpu.memref_slice %arg3[%mul3A_0, %dma_wait3A_437] : memref<4096x6400xf32, #tpu.memory_space<hbm>> -> memref<1024x128xf32, #tpu.memory_space<hbm>>
    tpu.wait_dma2 semaphore(%arg18 : memref<!tpu.dma_semaphore, #tpu.memory_space<semaphore_mem>>) src(%arg6 : memref<1024x128xf32, #tpu.memory_space<vmem_shared>>) dst(%dma_wait3A_438 : memref<1024x128xf32, #tpu.memory_space<hbm>>)
    %dma_start3A_439 = arith.constant 37 : i32
    %dma_start3A_440 = arith.constant 0 : i32
    %dma_start3A_441 = tpu.memref_slice %arg1[%dma_start3A_439, %mul3A_0, %dma_start3A_440] : memref<50x4096x128xf32, #tpu.memory_space<hbm>> -> memref<1x1024x128xf32, #tpu.memory_space<hbm>>
    %dma_start3A_442 = tpu.memref_squeeze %dma_start3A_441 : memref<1x1024x128xf32, #tpu.memory_space<hbm>> -> memref<1024x128xf32, #tpu.memory_space<hbm>>
    tpu.enqueue_dma source(%dma_start3A_442 : memref<1024x128xf32, #tpu.memory_space<hbm>>) target(%arg6 : memref<1024x128xf32, #tpu.memory_space<vmem_shared>>) target_semaphore(%arg14 : memref<!tpu.dma_semaphore, #tpu.memory_space<semaphore_mem>>)
    %dma_wait3A_443 = arith.constant 36 : i32
    %dma_wait3A_444 = arith.constant 0 : i32
    %dma_wait3A_445 = tpu.memref_slice %arg1[%dma_wait3A_443, %mul3A_0, %dma_wait3A_444] : memref<50x4096x128xf32, #tpu.memory_space<hbm>> -> memref<1x1024x128xf32, #tpu.memory_space<hbm>>
    %dma_wait3A_446 = tpu.memref_squeeze %dma_wait3A_445 : memref<1x1024x128xf32, #tpu.memory_space<hbm>> -> memref<1024x128xf32, #tpu.memory_space<hbm>>
    tpu.wait_dma2 semaphore(%arg13 : memref<!tpu.dma_semaphore, #tpu.memory_space<semaphore_mem>>) src(%dma_wait3A_446 : memref<1024x128xf32, #tpu.memory_space<hbm>>) dst(%arg5 : memref<1024x128xf32, #tpu.memory_space<vmem_shared>>)
    %dma_start3A_447 = arith.constant 4736 : i32
    %dma_start3A_448 = tpu.memref_slice %arg3[%mul3A_0, %dma_start3A_447] : memref<4096x6400xf32, #tpu.memory_space<hbm>> -> memref<1024x128xf32, #tpu.memory_space<hbm>>
    tpu.enqueue_dma source(%arg5 : memref<1024x128xf32, #tpu.memory_space<vmem_shared>>) target(%dma_start3A_448 : memref<1024x128xf32, #tpu.memory_space<hbm>>) target_semaphore(%arg17 : memref<!tpu.dma_semaphore, #tpu.memory_space<semaphore_mem>>)
    %dma_wait3A_449 = arith.constant 4480 : i32
    %dma_wait3A_450 = tpu.memref_slice %arg3[%mul3A_0, %dma_wait3A_449] : memref<4096x6400xf32, #tpu.memory_space<hbm>> -> memref<1024x128xf32, #tpu.memory_space<hbm>>
    tpu.wait_dma2 semaphore(%arg19 : memref<!tpu.dma_semaphore, #tpu.memory_space<semaphore_mem>>) src(%arg7 : memref<1024x128xf32, #tpu.memory_space<vmem_shared>>) dst(%dma_wait3A_450 : memref<1024x128xf32, #tpu.memory_space<hbm>>)
    %dma_start3A_451 = arith.constant 38 : i32
    %dma_start3A_452 = arith.constant 0 : i32
    %dma_start3A_453 = tpu.memref_slice %arg1[%dma_start3A_451, %mul3A_0, %dma_start3A_452] : memref<50x4096x128xf32, #tpu.memory_space<hbm>> -> memref<1x1024x128xf32, #tpu.memory_space<hbm>>
    %dma_start3A_454 = tpu.memref_squeeze %dma_start3A_453 : memref<1x1024x128xf32, #tpu.memory_space<hbm>> -> memref<1024x128xf32, #tpu.memory_space<hbm>>
    tpu.enqueue_dma source(%dma_start3A_454 : memref<1024x128xf32, #tpu.memory_space<hbm>>) target(%arg7 : memref<1024x128xf32, #tpu.memory_space<vmem_shared>>) target_semaphore(%arg15 : memref<!tpu.dma_semaphore, #tpu.memory_space<semaphore_mem>>)
    %dma_wait3A_455 = arith.constant 37 : i32
    %dma_wait3A_456 = arith.constant 0 : i32
    %dma_wait3A_457 = tpu.memref_slice %arg1[%dma_wait3A_455, %mul3A_0, %dma_wait3A_456] : memref<50x4096x128xf32, #tpu.memory_space<hbm>> -> memref<1x1024x128xf32, #tpu.memory_space<hbm>>
    %dma_wait3A_458 = tpu.memref_squeeze %dma_wait3A_457 : memref<1x1024x128xf32, #tpu.memory_space<hbm>> -> memref<1024x128xf32, #tpu.memory_space<hbm>>
    tpu.wait_dma2 semaphore(%arg14 : memref<!tpu.dma_semaphore, #tpu.memory_space<semaphore_mem>>) src(%dma_wait3A_458 : memref<1024x128xf32, #tpu.memory_space<hbm>>) dst(%arg6 : memref<1024x128xf32, #tpu.memory_space<vmem_shared>>)
    %dma_start3A_459 = arith.constant 4864 : i32
    %dma_start3A_460 = tpu.memref_slice %arg3[%mul3A_0, %dma_start3A_459] : memref<4096x6400xf32, #tpu.memory_space<hbm>> -> memref<1024x128xf32, #tpu.memory_space<hbm>>
    tpu.enqueue_dma source(%arg6 : memref<1024x128xf32, #tpu.memory_space<vmem_shared>>) target(%dma_start3A_460 : memref<1024x128xf32, #tpu.memory_space<hbm>>) target_semaphore(%arg18 : memref<!tpu.dma_semaphore, #tpu.memory_space<semaphore_mem>>)
    %dma_wait3A_461 = arith.constant 4608 : i32
    %dma_wait3A_462 = tpu.memref_slice %arg3[%mul3A_0, %dma_wait3A_461] : memref<4096x6400xf32, #tpu.memory_space<hbm>> -> memref<1024x128xf32, #tpu.memory_space<hbm>>
    tpu.wait_dma2 semaphore(%arg16 : memref<!tpu.dma_semaphore, #tpu.memory_space<semaphore_mem>>) src(%arg4 : memref<1024x128xf32, #tpu.memory_space<vmem_shared>>) dst(%dma_wait3A_462 : memref<1024x128xf32, #tpu.memory_space<hbm>>)
    %dma_start3A_463 = arith.constant 39 : i32
    %dma_start3A_464 = arith.constant 0 : i32
    %dma_start3A_465 = tpu.memref_slice %arg1[%dma_start3A_463, %mul3A_0, %dma_start3A_464] : memref<50x4096x128xf32, #tpu.memory_space<hbm>> -> memref<1x1024x128xf32, #tpu.memory_space<hbm>>
    %dma_start3A_466 = tpu.memref_squeeze %dma_start3A_465 : memref<1x1024x128xf32, #tpu.memory_space<hbm>> -> memref<1024x128xf32, #tpu.memory_space<hbm>>
    tpu.enqueue_dma source(%dma_start3A_466 : memref<1024x128xf32, #tpu.memory_space<hbm>>) target(%arg4 : memref<1024x128xf32, #tpu.memory_space<vmem_shared>>) target_semaphore(%arg12 : memref<!tpu.dma_semaphore, #tpu.memory_space<semaphore_mem>>)
    %dma_wait3A_467 = arith.constant 38 : i32
    %dma_wait3A_468 = arith.constant 0 : i32
    %dma_wait3A_469 = tpu.memref_slice %arg1[%dma_wait3A_467, %mul3A_0, %dma_wait3A_468] : memref<50x4096x128xf32, #tpu.memory_space<hbm>> -> memref<1x1024x128xf32, #tpu.memory_space<hbm>>
    %dma_wait3A_470 = tpu.memref_squeeze %dma_wait3A_469 : memref<1x1024x128xf32, #tpu.memory_space<hbm>> -> memref<1024x128xf32, #tpu.memory_space<hbm>>
    tpu.wait_dma2 semaphore(%arg15 : memref<!tpu.dma_semaphore, #tpu.memory_space<semaphore_mem>>) src(%dma_wait3A_470 : memref<1024x128xf32, #tpu.memory_space<hbm>>) dst(%arg7 : memref<1024x128xf32, #tpu.memory_space<vmem_shared>>)
    %dma_start3A_471 = arith.constant 4992 : i32
    %dma_start3A_472 = tpu.memref_slice %arg3[%mul3A_0, %dma_start3A_471] : memref<4096x6400xf32, #tpu.memory_space<hbm>> -> memref<1024x128xf32, #tpu.memory_space<hbm>>
    tpu.enqueue_dma source(%arg7 : memref<1024x128xf32, #tpu.memory_space<vmem_shared>>) target(%dma_start3A_472 : memref<1024x128xf32, #tpu.memory_space<hbm>>) target_semaphore(%arg19 : memref<!tpu.dma_semaphore, #tpu.memory_space<semaphore_mem>>)
    %dma_wait3A_473 = arith.constant 4736 : i32
    %dma_wait3A_474 = tpu.memref_slice %arg3[%mul3A_0, %dma_wait3A_473] : memref<4096x6400xf32, #tpu.memory_space<hbm>> -> memref<1024x128xf32, #tpu.memory_space<hbm>>
    tpu.wait_dma2 semaphore(%arg17 : memref<!tpu.dma_semaphore, #tpu.memory_space<semaphore_mem>>) src(%arg5 : memref<1024x128xf32, #tpu.memory_space<vmem_shared>>) dst(%dma_wait3A_474 : memref<1024x128xf32, #tpu.memory_space<hbm>>)
    %dma_start3A_475 = arith.constant 40 : i32
    %dma_start3A_476 = arith.constant 0 : i32
    %dma_start3A_477 = tpu.memref_slice %arg1[%dma_start3A_475, %mul3A_0, %dma_start3A_476] : memref<50x4096x128xf32, #tpu.memory_space<hbm>> -> memref<1x1024x128xf32, #tpu.memory_space<hbm>>
    %dma_start3A_478 = tpu.memref_squeeze %dma_start3A_477 : memref<1x1024x128xf32, #tpu.memory_space<hbm>> -> memref<1024x128xf32, #tpu.memory_space<hbm>>
    tpu.enqueue_dma source(%dma_start3A_478 : memref<1024x128xf32, #tpu.memory_space<hbm>>) target(%arg5 : memref<1024x128xf32, #tpu.memory_space<vmem_shared>>) target_semaphore(%arg13 : memref<!tpu.dma_semaphore, #tpu.memory_space<semaphore_mem>>)
    %dma_wait3A_479 = arith.constant 39 : i32
    %dma_wait3A_480 = arith.constant 0 : i32
    %dma_wait3A_481 = tpu.memref_slice %arg1[%dma_wait3A_479, %mul3A_0, %dma_wait3A_480] : memref<50x4096x128xf32, #tpu.memory_space<hbm>> -> memref<1x1024x128xf32, #tpu.memory_space<hbm>>
    %dma_wait3A_482 = tpu.memref_squeeze %dma_wait3A_481 : memref<1x1024x128xf32, #tpu.memory_space<hbm>> -> memref<1024x128xf32, #tpu.memory_space<hbm>>
    tpu.wait_dma2 semaphore(%arg12 : memref<!tpu.dma_semaphore, #tpu.memory_space<semaphore_mem>>) src(%dma_wait3A_482 : memref<1024x128xf32, #tpu.memory_space<hbm>>) dst(%arg4 : memref<1024x128xf32, #tpu.memory_space<vmem_shared>>)
    %dma_start3A_483 = arith.constant 5120 : i32
    %dma_start3A_484 = tpu.memref_slice %arg3[%mul3A_0, %dma_start3A_483] : memref<4096x6400xf32, #tpu.memory_space<hbm>> -> memref<1024x128xf32, #tpu.memory_space<hbm>>
    tpu.enqueue_dma source(%arg4 : memref<1024x128xf32, #tpu.memory_space<vmem_shared>>) target(%dma_start3A_484 : memref<1024x128xf32, #tpu.memory_space<hbm>>) target_semaphore(%arg16 : memref<!tpu.dma_semaphore, #tpu.memory_space<semaphore_mem>>)
    %dma_wait3A_485 = arith.constant 4864 : i32
    %dma_wait3A_486 = tpu.memref_slice %arg3[%mul3A_0, %dma_wait3A_485] : memref<4096x6400xf32, #tpu.memory_space<hbm>> -> memref<1024x128xf32, #tpu.memory_space<hbm>>
    tpu.wait_dma2 semaphore(%arg18 : memref<!tpu.dma_semaphore, #tpu.memory_space<semaphore_mem>>) src(%arg6 : memref<1024x128xf32, #tpu.memory_space<vmem_shared>>) dst(%dma_wait3A_486 : memref<1024x128xf32, #tpu.memory_space<hbm>>)
    %dma_start3A_487 = arith.constant 41 : i32
    %dma_start3A_488 = arith.constant 0 : i32
    %dma_start3A_489 = tpu.memref_slice %arg1[%dma_start3A_487, %mul3A_0, %dma_start3A_488] : memref<50x4096x128xf32, #tpu.memory_space<hbm>> -> memref<1x1024x128xf32, #tpu.memory_space<hbm>>
    %dma_start3A_490 = tpu.memref_squeeze %dma_start3A_489 : memref<1x1024x128xf32, #tpu.memory_space<hbm>> -> memref<1024x128xf32, #tpu.memory_space<hbm>>
    tpu.enqueue_dma source(%dma_start3A_490 : memref<1024x128xf32, #tpu.memory_space<hbm>>) target(%arg6 : memref<1024x128xf32, #tpu.memory_space<vmem_shared>>) target_semaphore(%arg14 : memref<!tpu.dma_semaphore, #tpu.memory_space<semaphore_mem>>)
    %dma_wait3A_491 = arith.constant 40 : i32
    %dma_wait3A_492 = arith.constant 0 : i32
    %dma_wait3A_493 = tpu.memref_slice %arg1[%dma_wait3A_491, %mul3A_0, %dma_wait3A_492] : memref<50x4096x128xf32, #tpu.memory_space<hbm>> -> memref<1x1024x128xf32, #tpu.memory_space<hbm>>
    %dma_wait3A_494 = tpu.memref_squeeze %dma_wait3A_493 : memref<1x1024x128xf32, #tpu.memory_space<hbm>> -> memref<1024x128xf32, #tpu.memory_space<hbm>>
    tpu.wait_dma2 semaphore(%arg13 : memref<!tpu.dma_semaphore, #tpu.memory_space<semaphore_mem>>) src(%dma_wait3A_494 : memref<1024x128xf32, #tpu.memory_space<hbm>>) dst(%arg5 : memref<1024x128xf32, #tpu.memory_space<vmem_shared>>)
    %dma_start3A_495 = arith.constant 5248 : i32
    %dma_start3A_496 = tpu.memref_slice %arg3[%mul3A_0, %dma_start3A_495] : memref<4096x6400xf32, #tpu.memory_space<hbm>> -> memref<1024x128xf32, #tpu.memory_space<hbm>>
    tpu.enqueue_dma source(%arg5 : memref<1024x128xf32, #tpu.memory_space<vmem_shared>>) target(%dma_start3A_496 : memref<1024x128xf32, #tpu.memory_space<hbm>>) target_semaphore(%arg17 : memref<!tpu.dma_semaphore, #tpu.memory_space<semaphore_mem>>)
    %dma_wait3A_497 = arith.constant 4992 : i32
    %dma_wait3A_498 = tpu.memref_slice %arg3[%mul3A_0, %dma_wait3A_497] : memref<4096x6400xf32, #tpu.memory_space<hbm>> -> memref<1024x128xf32, #tpu.memory_space<hbm>>
    tpu.wait_dma2 semaphore(%arg19 : memref<!tpu.dma_semaphore, #tpu.memory_space<semaphore_mem>>) src(%arg7 : memref<1024x128xf32, #tpu.memory_space<vmem_shared>>) dst(%dma_wait3A_498 : memref<1024x128xf32, #tpu.memory_space<hbm>>)
    %dma_start3A_499 = arith.constant 42 : i32
    %dma_start3A_500 = arith.constant 0 : i32
    %dma_start3A_501 = tpu.memref_slice %arg1[%dma_start3A_499, %mul3A_0, %dma_start3A_500] : memref<50x4096x128xf32, #tpu.memory_space<hbm>> -> memref<1x1024x128xf32, #tpu.memory_space<hbm>>
    %dma_start3A_502 = tpu.memref_squeeze %dma_start3A_501 : memref<1x1024x128xf32, #tpu.memory_space<hbm>> -> memref<1024x128xf32, #tpu.memory_space<hbm>>
    tpu.enqueue_dma source(%dma_start3A_502 : memref<1024x128xf32, #tpu.memory_space<hbm>>) target(%arg7 : memref<1024x128xf32, #tpu.memory_space<vmem_shared>>) target_semaphore(%arg15 : memref<!tpu.dma_semaphore, #tpu.memory_space<semaphore_mem>>)
    %dma_wait3A_503 = arith.constant 41 : i32
    %dma_wait3A_504 = arith.constant 0 : i32
    %dma_wait3A_505 = tpu.memref_slice %arg1[%dma_wait3A_503, %mul3A_0, %dma_wait3A_504] : memref<50x4096x128xf32, #tpu.memory_space<hbm>> -> memref<1x1024x128xf32, #tpu.memory_space<hbm>>
    %dma_wait3A_506 = tpu.memref_squeeze %dma_wait3A_505 : memref<1x1024x128xf32, #tpu.memory_space<hbm>> -> memref<1024x128xf32, #tpu.memory_space<hbm>>
    tpu.wait_dma2 semaphore(%arg14 : memref<!tpu.dma_semaphore, #tpu.memory_space<semaphore_mem>>) src(%dma_wait3A_506 : memref<1024x128xf32, #tpu.memory_space<hbm>>) dst(%arg6 : memref<1024x128xf32, #tpu.memory_space<vmem_shared>>)
    %dma_start3A_507 = arith.constant 5376 : i32
    %dma_start3A_508 = tpu.memref_slice %arg3[%mul3A_0, %dma_start3A_507] : memref<4096x6400xf32, #tpu.memory_space<hbm>> -> memref<1024x128xf32, #tpu.memory_space<hbm>>
    tpu.enqueue_dma source(%arg6 : memref<1024x128xf32, #tpu.memory_space<vmem_shared>>) target(%dma_start3A_508 : memref<1024x128xf32, #tpu.memory_space<hbm>>) target_semaphore(%arg18 : memref<!tpu.dma_semaphore, #tpu.memory_space<semaphore_mem>>)
    %dma_wait3A_509 = arith.constant 5120 : i32
    %dma_wait3A_510 = tpu.memref_slice %arg3[%mul3A_0, %dma_wait3A_509] : memref<4096x6400xf32, #tpu.memory_space<hbm>> -> memref<1024x128xf32, #tpu.memory_space<hbm>>
    tpu.wait_dma2 semaphore(%arg16 : memref<!tpu.dma_semaphore, #tpu.memory_space<semaphore_mem>>) src(%arg4 : memref<1024x128xf32, #tpu.memory_space<vmem_shared>>) dst(%dma_wait3A_510 : memref<1024x128xf32, #tpu.memory_space<hbm>>)
    %dma_start3A_511 = arith.constant 43 : i32
    %dma_start3A_512 = arith.constant 0 : i32
    %dma_start3A_513 = tpu.memref_slice %arg1[%dma_start3A_511, %mul3A_0, %dma_start3A_512] : memref<50x4096x128xf32, #tpu.memory_space<hbm>> -> memref<1x1024x128xf32, #tpu.memory_space<hbm>>
    %dma_start3A_514 = tpu.memref_squeeze %dma_start3A_513 : memref<1x1024x128xf32, #tpu.memory_space<hbm>> -> memref<1024x128xf32, #tpu.memory_space<hbm>>
    tpu.enqueue_dma source(%dma_start3A_514 : memref<1024x128xf32, #tpu.memory_space<hbm>>) target(%arg4 : memref<1024x128xf32, #tpu.memory_space<vmem_shared>>) target_semaphore(%arg12 : memref<!tpu.dma_semaphore, #tpu.memory_space<semaphore_mem>>)
    %dma_wait3A_515 = arith.constant 42 : i32
    %dma_wait3A_516 = arith.constant 0 : i32
    %dma_wait3A_517 = tpu.memref_slice %arg1[%dma_wait3A_515, %mul3A_0, %dma_wait3A_516] : memref<50x4096x128xf32, #tpu.memory_space<hbm>> -> memref<1x1024x128xf32, #tpu.memory_space<hbm>>
    %dma_wait3A_518 = tpu.memref_squeeze %dma_wait3A_517 : memref<1x1024x128xf32, #tpu.memory_space<hbm>> -> memref<1024x128xf32, #tpu.memory_space<hbm>>
    tpu.wait_dma2 semaphore(%arg15 : memref<!tpu.dma_semaphore, #tpu.memory_space<semaphore_mem>>) src(%dma_wait3A_518 : memref<1024x128xf32, #tpu.memory_space<hbm>>) dst(%arg7 : memref<1024x128xf32, #tpu.memory_space<vmem_shared>>)
    %dma_start3A_519 = arith.constant 5504 : i32
    %dma_start3A_520 = tpu.memref_slice %arg3[%mul3A_0, %dma_start3A_519] : memref<4096x6400xf32, #tpu.memory_space<hbm>> -> memref<1024x128xf32, #tpu.memory_space<hbm>>
    tpu.enqueue_dma source(%arg7 : memref<1024x128xf32, #tpu.memory_space<vmem_shared>>) target(%dma_start3A_520 : memref<1024x128xf32, #tpu.memory_space<hbm>>) target_semaphore(%arg19 : memref<!tpu.dma_semaphore, #tpu.memory_space<semaphore_mem>>)
    %dma_wait3A_521 = arith.constant 5248 : i32
    %dma_wait3A_522 = tpu.memref_slice %arg3[%mul3A_0, %dma_wait3A_521] : memref<4096x6400xf32, #tpu.memory_space<hbm>> -> memref<1024x128xf32, #tpu.memory_space<hbm>>
    tpu.wait_dma2 semaphore(%arg17 : memref<!tpu.dma_semaphore, #tpu.memory_space<semaphore_mem>>) src(%arg5 : memref<1024x128xf32, #tpu.memory_space<vmem_shared>>) dst(%dma_wait3A_522 : memref<1024x128xf32, #tpu.memory_space<hbm>>)
    %dma_start3A_523 = arith.constant 44 : i32
    %dma_start3A_524 = arith.constant 0 : i32
    %dma_start3A_525 = tpu.memref_slice %arg1[%dma_start3A_523, %mul3A_0, %dma_start3A_524] : memref<50x4096x128xf32, #tpu.memory_space<hbm>> -> memref<1x1024x128xf32, #tpu.memory_space<hbm>>
    %dma_start3A_526 = tpu.memref_squeeze %dma_start3A_525 : memref<1x1024x128xf32, #tpu.memory_space<hbm>> -> memref<1024x128xf32, #tpu.memory_space<hbm>>
    tpu.enqueue_dma source(%dma_start3A_526 : memref<1024x128xf32, #tpu.memory_space<hbm>>) target(%arg5 : memref<1024x128xf32, #tpu.memory_space<vmem_shared>>) target_semaphore(%arg13 : memref<!tpu.dma_semaphore, #tpu.memory_space<semaphore_mem>>)
    %dma_wait3A_527 = arith.constant 43 : i32
    %dma_wait3A_528 = arith.constant 0 : i32
    %dma_wait3A_529 = tpu.memref_slice %arg1[%dma_wait3A_527, %mul3A_0, %dma_wait3A_528] : memref<50x4096x128xf32, #tpu.memory_space<hbm>> -> memref<1x1024x128xf32, #tpu.memory_space<hbm>>
    %dma_wait3A_530 = tpu.memref_squeeze %dma_wait3A_529 : memref<1x1024x128xf32, #tpu.memory_space<hbm>> -> memref<1024x128xf32, #tpu.memory_space<hbm>>
    tpu.wait_dma2 semaphore(%arg12 : memref<!tpu.dma_semaphore, #tpu.memory_space<semaphore_mem>>) src(%dma_wait3A_530 : memref<1024x128xf32, #tpu.memory_space<hbm>>) dst(%arg4 : memref<1024x128xf32, #tpu.memory_space<vmem_shared>>)
    %dma_start3A_531 = arith.constant 5632 : i32
    %dma_start3A_532 = tpu.memref_slice %arg3[%mul3A_0, %dma_start3A_531] : memref<4096x6400xf32, #tpu.memory_space<hbm>> -> memref<1024x128xf32, #tpu.memory_space<hbm>>
    tpu.enqueue_dma source(%arg4 : memref<1024x128xf32, #tpu.memory_space<vmem_shared>>) target(%dma_start3A_532 : memref<1024x128xf32, #tpu.memory_space<hbm>>) target_semaphore(%arg16 : memref<!tpu.dma_semaphore, #tpu.memory_space<semaphore_mem>>)
    %dma_wait3A_533 = arith.constant 5376 : i32
    %dma_wait3A_534 = tpu.memref_slice %arg3[%mul3A_0, %dma_wait3A_533] : memref<4096x6400xf32, #tpu.memory_space<hbm>> -> memref<1024x128xf32, #tpu.memory_space<hbm>>
    tpu.wait_dma2 semaphore(%arg18 : memref<!tpu.dma_semaphore, #tpu.memory_space<semaphore_mem>>) src(%arg6 : memref<1024x128xf32, #tpu.memory_space<vmem_shared>>) dst(%dma_wait3A_534 : memref<1024x128xf32, #tpu.memory_space<hbm>>)
    %dma_start3A_535 = arith.constant 45 : i32
    %dma_start3A_536 = arith.constant 0 : i32
    %dma_start3A_537 = tpu.memref_slice %arg1[%dma_start3A_535, %mul3A_0, %dma_start3A_536] : memref<50x4096x128xf32, #tpu.memory_space<hbm>> -> memref<1x1024x128xf32, #tpu.memory_space<hbm>>
    %dma_start3A_538 = tpu.memref_squeeze %dma_start3A_537 : memref<1x1024x128xf32, #tpu.memory_space<hbm>> -> memref<1024x128xf32, #tpu.memory_space<hbm>>
    tpu.enqueue_dma source(%dma_start3A_538 : memref<1024x128xf32, #tpu.memory_space<hbm>>) target(%arg6 : memref<1024x128xf32, #tpu.memory_space<vmem_shared>>) target_semaphore(%arg14 : memref<!tpu.dma_semaphore, #tpu.memory_space<semaphore_mem>>)
    %dma_wait3A_539 = arith.constant 44 : i32
    %dma_wait3A_540 = arith.constant 0 : i32
    %dma_wait3A_541 = tpu.memref_slice %arg1[%dma_wait3A_539, %mul3A_0, %dma_wait3A_540] : memref<50x4096x128xf32, #tpu.memory_space<hbm>> -> memref<1x1024x128xf32, #tpu.memory_space<hbm>>
    %dma_wait3A_542 = tpu.memref_squeeze %dma_wait3A_541 : memref<1x1024x128xf32, #tpu.memory_space<hbm>> -> memref<1024x128xf32, #tpu.memory_space<hbm>>
    tpu.wait_dma2 semaphore(%arg13 : memref<!tpu.dma_semaphore, #tpu.memory_space<semaphore_mem>>) src(%dma_wait3A_542 : memref<1024x128xf32, #tpu.memory_space<hbm>>) dst(%arg5 : memref<1024x128xf32, #tpu.memory_space<vmem_shared>>)
    %dma_start3A_543 = arith.constant 5760 : i32
    %dma_start3A_544 = tpu.memref_slice %arg3[%mul3A_0, %dma_start3A_543] : memref<4096x6400xf32, #tpu.memory_space<hbm>> -> memref<1024x128xf32, #tpu.memory_space<hbm>>
    tpu.enqueue_dma source(%arg5 : memref<1024x128xf32, #tpu.memory_space<vmem_shared>>) target(%dma_start3A_544 : memref<1024x128xf32, #tpu.memory_space<hbm>>) target_semaphore(%arg17 : memref<!tpu.dma_semaphore, #tpu.memory_space<semaphore_mem>>)
    %dma_wait3A_545 = arith.constant 5504 : i32
    %dma_wait3A_546 = tpu.memref_slice %arg3[%mul3A_0, %dma_wait3A_545] : memref<4096x6400xf32, #tpu.memory_space<hbm>> -> memref<1024x128xf32, #tpu.memory_space<hbm>>
    tpu.wait_dma2 semaphore(%arg19 : memref<!tpu.dma_semaphore, #tpu.memory_space<semaphore_mem>>) src(%arg7 : memref<1024x128xf32, #tpu.memory_space<vmem_shared>>) dst(%dma_wait3A_546 : memref<1024x128xf32, #tpu.memory_space<hbm>>)
    %dma_start3A_547 = arith.constant 46 : i32
    %dma_start3A_548 = arith.constant 0 : i32
    %dma_start3A_549 = tpu.memref_slice %arg1[%dma_start3A_547, %mul3A_0, %dma_start3A_548] : memref<50x4096x128xf32, #tpu.memory_space<hbm>> -> memref<1x1024x128xf32, #tpu.memory_space<hbm>>
    %dma_start3A_550 = tpu.memref_squeeze %dma_start3A_549 : memref<1x1024x128xf32, #tpu.memory_space<hbm>> -> memref<1024x128xf32, #tpu.memory_space<hbm>>
    tpu.enqueue_dma source(%dma_start3A_550 : memref<1024x128xf32, #tpu.memory_space<hbm>>) target(%arg7 : memref<1024x128xf32, #tpu.memory_space<vmem_shared>>) target_semaphore(%arg15 : memref<!tpu.dma_semaphore, #tpu.memory_space<semaphore_mem>>)
    %dma_wait3A_551 = arith.constant 45 : i32
    %dma_wait3A_552 = arith.constant 0 : i32
    %dma_wait3A_553 = tpu.memref_slice %arg1[%dma_wait3A_551, %mul3A_0, %dma_wait3A_552] : memref<50x4096x128xf32, #tpu.memory_space<hbm>> -> memref<1x1024x128xf32, #tpu.memory_space<hbm>>
    %dma_wait3A_554 = tpu.memref_squeeze %dma_wait3A_553 : memref<1x1024x128xf32, #tpu.memory_space<hbm>> -> memref<1024x128xf32, #tpu.memory_space<hbm>>
    tpu.wait_dma2 semaphore(%arg14 : memref<!tpu.dma_semaphore, #tpu.memory_space<semaphore_mem>>) src(%dma_wait3A_554 : memref<1024x128xf32, #tpu.memory_space<hbm>>) dst(%arg6 : memref<1024x128xf32, #tpu.memory_space<vmem_shared>>)
    %dma_start3A_555 = arith.constant 5888 : i32
    %dma_start3A_556 = tpu.memref_slice %arg3[%mul3A_0, %dma_start3A_555] : memref<4096x6400xf32, #tpu.memory_space<hbm>> -> memref<1024x128xf32, #tpu.memory_space<hbm>>
    tpu.enqueue_dma source(%arg6 : memref<1024x128xf32, #tpu.memory_space<vmem_shared>>) target(%dma_start3A_556 : memref<1024x128xf32, #tpu.memory_space<hbm>>) target_semaphore(%arg18 : memref<!tpu.dma_semaphore, #tpu.memory_space<semaphore_mem>>)
    %dma_wait3A_557 = arith.constant 5632 : i32
    %dma_wait3A_558 = tpu.memref_slice %arg3[%mul3A_0, %dma_wait3A_557] : memref<4096x6400xf32, #tpu.memory_space<hbm>> -> memref<1024x128xf32, #tpu.memory_space<hbm>>
    tpu.wait_dma2 semaphore(%arg16 : memref<!tpu.dma_semaphore, #tpu.memory_space<semaphore_mem>>) src(%arg4 : memref<1024x128xf32, #tpu.memory_space<vmem_shared>>) dst(%dma_wait3A_558 : memref<1024x128xf32, #tpu.memory_space<hbm>>)
    %dma_start3A_559 = arith.constant 47 : i32
    %dma_start3A_560 = arith.constant 0 : i32
    %dma_start3A_561 = tpu.memref_slice %arg1[%dma_start3A_559, %mul3A_0, %dma_start3A_560] : memref<50x4096x128xf32, #tpu.memory_space<hbm>> -> memref<1x1024x128xf32, #tpu.memory_space<hbm>>
    %dma_start3A_562 = tpu.memref_squeeze %dma_start3A_561 : memref<1x1024x128xf32, #tpu.memory_space<hbm>> -> memref<1024x128xf32, #tpu.memory_space<hbm>>
    tpu.enqueue_dma source(%dma_start3A_562 : memref<1024x128xf32, #tpu.memory_space<hbm>>) target(%arg4 : memref<1024x128xf32, #tpu.memory_space<vmem_shared>>) target_semaphore(%arg12 : memref<!tpu.dma_semaphore, #tpu.memory_space<semaphore_mem>>)
    %dma_wait3A_563 = arith.constant 46 : i32
    %dma_wait3A_564 = arith.constant 0 : i32
    %dma_wait3A_565 = tpu.memref_slice %arg1[%dma_wait3A_563, %mul3A_0, %dma_wait3A_564] : memref<50x4096x128xf32, #tpu.memory_space<hbm>> -> memref<1x1024x128xf32, #tpu.memory_space<hbm>>
    %dma_wait3A_566 = tpu.memref_squeeze %dma_wait3A_565 : memref<1x1024x128xf32, #tpu.memory_space<hbm>> -> memref<1024x128xf32, #tpu.memory_space<hbm>>
    tpu.wait_dma2 semaphore(%arg15 : memref<!tpu.dma_semaphore, #tpu.memory_space<semaphore_mem>>) src(%dma_wait3A_566 : memref<1024x128xf32, #tpu.memory_space<hbm>>) dst(%arg7 : memref<1024x128xf32, #tpu.memory_space<vmem_shared>>)
    %dma_start3A_567 = arith.constant 6016 : i32
    %dma_start3A_568 = tpu.memref_slice %arg3[%mul3A_0, %dma_start3A_567] : memref<4096x6400xf32, #tpu.memory_space<hbm>> -> memref<1024x128xf32, #tpu.memory_space<hbm>>
    tpu.enqueue_dma source(%arg7 : memref<1024x128xf32, #tpu.memory_space<vmem_shared>>) target(%dma_start3A_568 : memref<1024x128xf32, #tpu.memory_space<hbm>>) target_semaphore(%arg19 : memref<!tpu.dma_semaphore, #tpu.memory_space<semaphore_mem>>)
    %dma_wait3A_569 = arith.constant 5760 : i32
    %dma_wait3A_570 = tpu.memref_slice %arg3[%mul3A_0, %dma_wait3A_569] : memref<4096x6400xf32, #tpu.memory_space<hbm>> -> memref<1024x128xf32, #tpu.memory_space<hbm>>
    tpu.wait_dma2 semaphore(%arg17 : memref<!tpu.dma_semaphore, #tpu.memory_space<semaphore_mem>>) src(%arg5 : memref<1024x128xf32, #tpu.memory_space<vmem_shared>>) dst(%dma_wait3A_570 : memref<1024x128xf32, #tpu.memory_space<hbm>>)
    %dma_start3A_571 = arith.constant 48 : i32
    %dma_start3A_572 = arith.constant 0 : i32
    %dma_start3A_573 = tpu.memref_slice %arg1[%dma_start3A_571, %mul3A_0, %dma_start3A_572] : memref<50x4096x128xf32, #tpu.memory_space<hbm>> -> memref<1x1024x128xf32, #tpu.memory_space<hbm>>
    %dma_start3A_574 = tpu.memref_squeeze %dma_start3A_573 : memref<1x1024x128xf32, #tpu.memory_space<hbm>> -> memref<1024x128xf32, #tpu.memory_space<hbm>>
    tpu.enqueue_dma source(%dma_start3A_574 : memref<1024x128xf32, #tpu.memory_space<hbm>>) target(%arg5 : memref<1024x128xf32, #tpu.memory_space<vmem_shared>>) target_semaphore(%arg13 : memref<!tpu.dma_semaphore, #tpu.memory_space<semaphore_mem>>)
    %dma_wait3A_575 = arith.constant 47 : i32
    %dma_wait3A_576 = arith.constant 0 : i32
    %dma_wait3A_577 = tpu.memref_slice %arg1[%dma_wait3A_575, %mul3A_0, %dma_wait3A_576] : memref<50x4096x128xf32, #tpu.memory_space<hbm>> -> memref<1x1024x128xf32, #tpu.memory_space<hbm>>
    %dma_wait3A_578 = tpu.memref_squeeze %dma_wait3A_577 : memref<1x1024x128xf32, #tpu.memory_space<hbm>> -> memref<1024x128xf32, #tpu.memory_space<hbm>>
    tpu.wait_dma2 semaphore(%arg12 : memref<!tpu.dma_semaphore, #tpu.memory_space<semaphore_mem>>) src(%dma_wait3A_578 : memref<1024x128xf32, #tpu.memory_space<hbm>>) dst(%arg4 : memref<1024x128xf32, #tpu.memory_space<vmem_shared>>)
    %dma_start3A_579 = arith.constant 6144 : i32
    %dma_start3A_580 = tpu.memref_slice %arg3[%mul3A_0, %dma_start3A_579] : memref<4096x6400xf32, #tpu.memory_space<hbm>> -> memref<1024x128xf32, #tpu.memory_space<hbm>>
    tpu.enqueue_dma source(%arg4 : memref<1024x128xf32, #tpu.memory_space<vmem_shared>>) target(%dma_start3A_580 : memref<1024x128xf32, #tpu.memory_space<hbm>>) target_semaphore(%arg16 : memref<!tpu.dma_semaphore, #tpu.memory_space<semaphore_mem>>)
    %dma_wait3A_581 = arith.constant 48 : i32
    %dma_wait3A_582 = arith.constant 0 : i32
    %dma_wait3A_583 = tpu.memref_slice %arg1[%dma_wait3A_581, %mul3A_0, %dma_wait3A_582] : memref<50x4096x128xf32, #tpu.memory_space<hbm>> -> memref<1x1024x128xf32, #tpu.memory_space<hbm>>
    %dma_wait3A_584 = tpu.memref_squeeze %dma_wait3A_583 : memref<1x1024x128xf32, #tpu.memory_space<hbm>> -> memref<1024x128xf32, #tpu.memory_space<hbm>>
    tpu.wait_dma2 semaphore(%arg13 : memref<!tpu.dma_semaphore, #tpu.memory_space<semaphore_mem>>) src(%dma_wait3A_584 : memref<1024x128xf32, #tpu.memory_space<hbm>>) dst(%arg5 : memref<1024x128xf32, #tpu.memory_space<vmem_shared>>)
    %dma_start3A_585 = arith.constant 6272 : i32
    %dma_start3A_586 = tpu.memref_slice %arg3[%mul3A_0, %dma_start3A_585] : memref<4096x6400xf32, #tpu.memory_space<hbm>> -> memref<1024x128xf32, #tpu.memory_space<hbm>>
    tpu.enqueue_dma source(%arg5 : memref<1024x128xf32, #tpu.memory_space<vmem_shared>>) target(%dma_start3A_586 : memref<1024x128xf32, #tpu.memory_space<hbm>>) target_semaphore(%arg17 : memref<!tpu.dma_semaphore, #tpu.memory_space<semaphore_mem>>)
    %dma_wait3A_587 = arith.constant 5888 : i32
    %dma_wait3A_588 = tpu.memref_slice %arg3[%mul3A_0, %dma_wait3A_587] : memref<4096x6400xf32, #tpu.memory_space<hbm>> -> memref<1024x128xf32, #tpu.memory_space<hbm>>
    tpu.wait_dma2 semaphore(%arg18 : memref<!tpu.dma_semaphore, #tpu.memory_space<semaphore_mem>>) src(%arg6 : memref<1024x128xf32, #tpu.memory_space<vmem_shared>>) dst(%dma_wait3A_588 : memref<1024x128xf32, #tpu.memory_space<hbm>>)
    %dma_wait3A_589 = arith.constant 6016 : i32
    %dma_wait3A_590 = tpu.memref_slice %arg3[%mul3A_0, %dma_wait3A_589] : memref<4096x6400xf32, #tpu.memory_space<hbm>> -> memref<1024x128xf32, #tpu.memory_space<hbm>>
    tpu.wait_dma2 semaphore(%arg19 : memref<!tpu.dma_semaphore, #tpu.memory_space<semaphore_mem>>) src(%arg7 : memref<1024x128xf32, #tpu.memory_space<vmem_shared>>) dst(%dma_wait3A_590 : memref<1024x128xf32, #tpu.memory_space<hbm>>)
    %dma_wait3A_591 = arith.constant 6144 : i32
    %dma_wait3A_592 = tpu.memref_slice %arg3[%mul3A_0, %dma_wait3A_591] : memref<4096x6400xf32, #tpu.memory_space<hbm>> -> memref<1024x128xf32, #tpu.memory_space<hbm>>
    tpu.wait_dma2 semaphore(%arg16 : memref<!tpu.dma_semaphore, #tpu.memory_space<semaphore_mem>>) src(%arg4 : memref<1024x128xf32, #tpu.memory_space<vmem_shared>>) dst(%dma_wait3A_592 : memref<1024x128xf32, #tpu.memory_space<hbm>>)
    %dma_wait3A_593 = arith.constant 6272 : i32
    %dma_wait3A_594 = tpu.memref_slice %arg3[%mul3A_0, %dma_wait3A_593] : memref<4096x6400xf32, #tpu.memory_space<hbm>> -> memref<1024x128xf32, #tpu.memory_space<hbm>>
    tpu.wait_dma2 semaphore(%arg17 : memref<!tpu.dma_semaphore, #tpu.memory_space<semaphore_mem>>) src(%arg5 : memref<1024x128xf32, #tpu.memory_space<vmem_shared>>) dst(%dma_wait3A_594 : memref<1024x128xf32, #tpu.memory_space<hbm>>)
    return
  }
  func.func @_tec_body(%arg0: i32, %arg1: i32, %arg2: memref<50x4096x128xf32, #tpu.memory_space<hbm>>, %arg3: memref<4096x128xf32, #tpu.memory_space<hbm>>, %arg4: memref<4096x6400xf32, #tpu.memory_space<hbm>>, %arg5: memref<1024x128xf32, #tpu.memory_space<vmem_shared>>, %arg6: memref<1024x128xf32, #tpu.memory_space<vmem_shared>>, %arg7: memref<1024x128xf32, #tpu.memory_space<vmem_shared>>, %arg8: memref<1024x128xf32, #tpu.memory_space<vmem_shared>>, %arg9: memref<64x128xf32, #tpu.memory_space<vmem>>, %arg10: memref<64x128xf32, #tpu.memory_space<vmem>>, %arg11: memref<64x128xf32, #tpu.memory_space<vmem>>, %arg12: memref<64x128xf32, #tpu.memory_space<vmem>>, %arg13: memref<!tpu.dma_semaphore, #tpu.memory_space<semaphore_mem, sc_scalar_subcore>>, %arg14: memref<!tpu.dma_semaphore, #tpu.memory_space<semaphore_mem, sc_scalar_subcore>>, %arg15: memref<!tpu.dma_semaphore, #tpu.memory_space<semaphore_mem, sc_scalar_subcore>>, %arg16: memref<!tpu.dma_semaphore, #tpu.memory_space<semaphore_mem, sc_scalar_subcore>>, %arg17: memref<!tpu.dma_semaphore, #tpu.memory_space<semaphore_mem, sc_scalar_subcore>>, %arg18: memref<!tpu.dma_semaphore, #tpu.memory_space<semaphore_mem, sc_scalar_subcore>>, %arg19: memref<!tpu.dma_semaphore, #tpu.memory_space<semaphore_mem, sc_scalar_subcore>>, %arg20: memref<!tpu.dma_semaphore, #tpu.memory_space<semaphore_mem, sc_scalar_subcore>>, %arg21: memref<!tpu.dma_semaphore, #tpu.memory_space<semaphore_mem>>, %arg22: memref<!tpu.dma_semaphore, #tpu.memory_space<semaphore_mem>>, %arg23: memref<!tpu.dma_semaphore, #tpu.memory_space<semaphore_mem>>, %arg24: memref<!tpu.dma_semaphore, #tpu.memory_space<semaphore_mem>>, %arg25: memref<!tpu.dma_semaphore, #tpu.memory_space<semaphore_mem>>, %arg26: memref<!tpu.dma_semaphore, #tpu.memory_space<semaphore_mem>>, %arg27: memref<!tpu.dma_semaphore, #tpu.memory_space<semaphore_mem>>, %arg28: memref<!tpu.dma_semaphore, #tpu.memory_space<semaphore_mem>>) attributes {dimension_semantics = [#tpu.dimension_semantics<core_parallel>, #tpu.dimension_semantics<subcore_parallel>], iteration_bounds = array<i64: 2, 16>, scalar_prefetch = 0 : i64, scratch_operands = 24 : i64, tpu.core_type = #tpu.core_type<sc_vector_subcore>, window_params = [{transform_indices = #map2}, {transform_indices = #map3}, {transform_indices = #map3}]} {
    %mul3A = arith.constant 2 : i32
    %mul3A_0 = arith.muli %arg1, %mul3A : i32
    %add3A = arith.addi %mul3A_0, %arg0 : i32
    %mul3A_1 = arith.constant 64 : i32
    %mul3A_2 = arith.muli %add3A, %mul3A_1 : i32
    %add3A_3 = arith.constant 2048 : i32
    %add3A_4 = arith.addi %add3A_3, %mul3A_2 : i32
    %dma_start3A = arith.constant 0 : i32
    %dma_start3A_5 = tpu.memref_slice %arg3[%add3A_4, %dma_start3A] : memref<4096x128xf32, #tpu.memory_space<hbm>> -> memref<64x128xf32, #tpu.memory_space<hbm>>
    %dma_start3A_6 = arith.constant 0 : i32
    %dma_start3A_7 = tpu.memref_slice %arg3[%add3A_4, %dma_start3A_6] : memref<4096x128xf32, #tpu.memory_space<hbm>> -> memref<64x128xf32, #tpu.memory_space<hbm>>
    tpu.enqueue_dma source(%dma_start3A_7 : memref<64x128xf32, #tpu.memory_space<hbm>>) target(%arg9 : memref<64x128xf32, #tpu.memory_space<vmem>>) target_semaphore(%arg21 : memref<!tpu.dma_semaphore, #tpu.memory_space<semaphore_mem>>)
    %dma_start3A_8 = arith.constant 0 : i32
    %dma_start3A_9 = arith.constant 0 : i32
    %dma_start3A_10 = tpu.memref_slice %arg2[%dma_start3A_8, %add3A_4, %dma_start3A_9] : memref<50x4096x128xf32, #tpu.memory_space<hbm>> -> memref<1x64x128xf32, #tpu.memory_space<hbm>>
    %dma_start3A_11 = tpu.memref_squeeze %dma_start3A_10 : memref<1x64x128xf32, #tpu.memory_space<hbm>> -> memref<64x128xf32, #tpu.memory_space<hbm>>
    %dma_start3A_12 = arith.constant 0 : i32
    %dma_start3A_13 = tpu.memref_slice %arg2[%dma_start3A_8, %add3A_4, %dma_start3A_12] : memref<50x4096x128xf32, #tpu.memory_space<hbm>> -> memref<1x64x128xf32, #tpu.memory_space<hbm>>
    %dma_start3A_14 = tpu.memref_squeeze %dma_start3A_13 : memref<1x64x128xf32, #tpu.memory_space<hbm>> -> memref<64x128xf32, #tpu.memory_space<hbm>>
    tpu.enqueue_dma source(%dma_start3A_14 : memref<64x128xf32, #tpu.memory_space<hbm>>) target(%arg10 : memref<64x128xf32, #tpu.memory_space<vmem>>) target_semaphore(%arg22 : memref<!tpu.dma_semaphore, #tpu.memory_space<semaphore_mem>>)
    %dma_wait3A = arith.constant 0 : i32
    %dma_wait3A_15 = tpu.memref_slice %arg3[%add3A_4, %dma_wait3A] : memref<4096x128xf32, #tpu.memory_space<hbm>> -> memref<64x128xf32, #tpu.memory_space<hbm>>
    %dma_wait3A_16 = arith.constant 0 : i32
    %dma_wait3A_17 = tpu.memref_slice %arg3[%add3A_4, %dma_wait3A_16] : memref<4096x128xf32, #tpu.memory_space<hbm>> -> memref<64x128xf32, #tpu.memory_space<hbm>>
    tpu.wait_dma2 semaphore(%arg21 : memref<!tpu.dma_semaphore, #tpu.memory_space<semaphore_mem>>) src(%dma_wait3A_17 : memref<64x128xf32, #tpu.memory_space<hbm>>) dst(%arg9 : memref<64x128xf32, #tpu.memory_space<vmem>>)
    %dma_start3A_18 = arith.constant 0 : i32
    %dma_start3A_19 = tpu.memref_slice %arg4[%add3A_4, %dma_start3A_18] : memref<4096x6400xf32, #tpu.memory_space<hbm>> -> memref<64x128xf32, #tpu.memory_space<hbm>>
    %dma_start3A_20 = arith.constant 0 : i32
    %dma_start3A_21 = tpu.memref_slice %arg4[%add3A_4, %dma_start3A_20] : memref<4096x6400xf32, #tpu.memory_space<hbm>> -> memref<64x128xf32, #tpu.memory_space<hbm>>
    tpu.enqueue_dma source(%arg9 : memref<64x128xf32, #tpu.memory_space<vmem>>) target(%dma_start3A_21 : memref<64x128xf32, #tpu.memory_space<hbm>>) target_semaphore(%arg25 : memref<!tpu.dma_semaphore, #tpu.memory_space<semaphore_mem>>)
    %dma_start3A_22 = arith.constant 1 : i32
    %dma_start3A_23 = arith.constant 0 : i32
    %dma_start3A_24 = tpu.memref_slice %arg2[%dma_start3A_22, %add3A_4, %dma_start3A_23] : memref<50x4096x128xf32, #tpu.memory_space<hbm>> -> memref<1x64x128xf32, #tpu.memory_space<hbm>>
    %dma_start3A_25 = tpu.memref_squeeze %dma_start3A_24 : memref<1x64x128xf32, #tpu.memory_space<hbm>> -> memref<64x128xf32, #tpu.memory_space<hbm>>
    %dma_start3A_26 = arith.constant 0 : i32
    %dma_start3A_27 = tpu.memref_slice %arg2[%dma_start3A_22, %add3A_4, %dma_start3A_26] : memref<50x4096x128xf32, #tpu.memory_space<hbm>> -> memref<1x64x128xf32, #tpu.memory_space<hbm>>
    %dma_start3A_28 = tpu.memref_squeeze %dma_start3A_27 : memref<1x64x128xf32, #tpu.memory_space<hbm>> -> memref<64x128xf32, #tpu.memory_space<hbm>>
    tpu.enqueue_dma source(%dma_start3A_28 : memref<64x128xf32, #tpu.memory_space<hbm>>) target(%arg11 : memref<64x128xf32, #tpu.memory_space<vmem>>) target_semaphore(%arg23 : memref<!tpu.dma_semaphore, #tpu.memory_space<semaphore_mem>>)
    %dma_wait3A_29 = arith.constant 0 : i32
    %dma_wait3A_30 = arith.constant 0 : i32
    %dma_wait3A_31 = tpu.memref_slice %arg2[%dma_wait3A_29, %add3A_4, %dma_wait3A_30] : memref<50x4096x128xf32, #tpu.memory_space<hbm>> -> memref<1x64x128xf32, #tpu.memory_space<hbm>>
    %dma_wait3A_32 = tpu.memref_squeeze %dma_wait3A_31 : memref<1x64x128xf32, #tpu.memory_space<hbm>> -> memref<64x128xf32, #tpu.memory_space<hbm>>
    %dma_wait3A_33 = arith.constant 0 : i32
    %dma_wait3A_34 = tpu.memref_slice %arg2[%dma_wait3A_29, %add3A_4, %dma_wait3A_33] : memref<50x4096x128xf32, #tpu.memory_space<hbm>> -> memref<1x64x128xf32, #tpu.memory_space<hbm>>
    %dma_wait3A_35 = tpu.memref_squeeze %dma_wait3A_34 : memref<1x64x128xf32, #tpu.memory_space<hbm>> -> memref<64x128xf32, #tpu.memory_space<hbm>>
    tpu.wait_dma2 semaphore(%arg22 : memref<!tpu.dma_semaphore, #tpu.memory_space<semaphore_mem>>) src(%dma_wait3A_35 : memref<64x128xf32, #tpu.memory_space<hbm>>) dst(%arg10 : memref<64x128xf32, #tpu.memory_space<vmem>>)
    %dma_start3A_36 = arith.constant 128 : i32
    %dma_start3A_37 = tpu.memref_slice %arg4[%add3A_4, %dma_start3A_36] : memref<4096x6400xf32, #tpu.memory_space<hbm>> -> memref<64x128xf32, #tpu.memory_space<hbm>>
    %dma_start3A_38 = arith.constant 128 : i32
    %dma_start3A_39 = tpu.memref_slice %arg4[%add3A_4, %dma_start3A_38] : memref<4096x6400xf32, #tpu.memory_space<hbm>> -> memref<64x128xf32, #tpu.memory_space<hbm>>
    tpu.enqueue_dma source(%arg10 : memref<64x128xf32, #tpu.memory_space<vmem>>) target(%dma_start3A_39 : memref<64x128xf32, #tpu.memory_space<hbm>>) target_semaphore(%arg26 : memref<!tpu.dma_semaphore, #tpu.memory_space<semaphore_mem>>)
    %dma_start3A_40 = arith.constant 2 : i32
    %dma_start3A_41 = arith.constant 0 : i32
    %dma_start3A_42 = tpu.memref_slice %arg2[%dma_start3A_40, %add3A_4, %dma_start3A_41] : memref<50x4096x128xf32, #tpu.memory_space<hbm>> -> memref<1x64x128xf32, #tpu.memory_space<hbm>>
    %dma_start3A_43 = tpu.memref_squeeze %dma_start3A_42 : memref<1x64x128xf32, #tpu.memory_space<hbm>> -> memref<64x128xf32, #tpu.memory_space<hbm>>
    %dma_start3A_44 = arith.constant 0 : i32
    %dma_start3A_45 = tpu.memref_slice %arg2[%dma_start3A_40, %add3A_4, %dma_start3A_44] : memref<50x4096x128xf32, #tpu.memory_space<hbm>> -> memref<1x64x128xf32, #tpu.memory_space<hbm>>
    %dma_start3A_46 = tpu.memref_squeeze %dma_start3A_45 : memref<1x64x128xf32, #tpu.memory_space<hbm>> -> memref<64x128xf32, #tpu.memory_space<hbm>>
    tpu.enqueue_dma source(%dma_start3A_46 : memref<64x128xf32, #tpu.memory_space<hbm>>) target(%arg12 : memref<64x128xf32, #tpu.memory_space<vmem>>) target_semaphore(%arg24 : memref<!tpu.dma_semaphore, #tpu.memory_space<semaphore_mem>>)
    %dma_wait3A_47 = arith.constant 1 : i32
    %dma_wait3A_48 = arith.constant 0 : i32
    %dma_wait3A_49 = tpu.memref_slice %arg2[%dma_wait3A_47, %add3A_4, %dma_wait3A_48] : memref<50x4096x128xf32, #tpu.memory_space<hbm>> -> memref<1x64x128xf32, #tpu.memory_space<hbm>>
    %dma_wait3A_50 = tpu.memref_squeeze %dma_wait3A_49 : memref<1x64x128xf32, #tpu.memory_space<hbm>> -> memref<64x128xf32, #tpu.memory_space<hbm>>
    %dma_wait3A_51 = arith.constant 0 : i32
    %dma_wait3A_52 = tpu.memref_slice %arg2[%dma_wait3A_47, %add3A_4, %dma_wait3A_51] : memref<50x4096x128xf32, #tpu.memory_space<hbm>> -> memref<1x64x128xf32, #tpu.memory_space<hbm>>
    %dma_wait3A_53 = tpu.memref_squeeze %dma_wait3A_52 : memref<1x64x128xf32, #tpu.memory_space<hbm>> -> memref<64x128xf32, #tpu.memory_space<hbm>>
    tpu.wait_dma2 semaphore(%arg23 : memref<!tpu.dma_semaphore, #tpu.memory_space<semaphore_mem>>) src(%dma_wait3A_53 : memref<64x128xf32, #tpu.memory_space<hbm>>) dst(%arg11 : memref<64x128xf32, #tpu.memory_space<vmem>>)
    %dma_start3A_54 = arith.constant 256 : i32
    %dma_start3A_55 = tpu.memref_slice %arg4[%add3A_4, %dma_start3A_54] : memref<4096x6400xf32, #tpu.memory_space<hbm>> -> memref<64x128xf32, #tpu.memory_space<hbm>>
    %dma_start3A_56 = arith.constant 256 : i32
    %dma_start3A_57 = tpu.memref_slice %arg4[%add3A_4, %dma_start3A_56] : memref<4096x6400xf32, #tpu.memory_space<hbm>> -> memref<64x128xf32, #tpu.memory_space<hbm>>
    tpu.enqueue_dma source(%arg11 : memref<64x128xf32, #tpu.memory_space<vmem>>) target(%dma_start3A_57 : memref<64x128xf32, #tpu.memory_space<hbm>>) target_semaphore(%arg27 : memref<!tpu.dma_semaphore, #tpu.memory_space<semaphore_mem>>)
    %dma_wait3A_58 = arith.constant 0 : i32
    %dma_wait3A_59 = tpu.memref_slice %arg4[%add3A_4, %dma_wait3A_58] : memref<4096x6400xf32, #tpu.memory_space<hbm>> -> memref<64x128xf32, #tpu.memory_space<hbm>>
    %dma_wait3A_60 = arith.constant 0 : i32
    %dma_wait3A_61 = tpu.memref_slice %arg4[%add3A_4, %dma_wait3A_60] : memref<4096x6400xf32, #tpu.memory_space<hbm>> -> memref<64x128xf32, #tpu.memory_space<hbm>>
    tpu.wait_dma2 semaphore(%arg25 : memref<!tpu.dma_semaphore, #tpu.memory_space<semaphore_mem>>) src(%arg9 : memref<64x128xf32, #tpu.memory_space<vmem>>) dst(%dma_wait3A_61 : memref<64x128xf32, #tpu.memory_space<hbm>>)
    %dma_start3A_62 = arith.constant 3 : i32
    %dma_start3A_63 = arith.constant 0 : i32
    %dma_start3A_64 = tpu.memref_slice %arg2[%dma_start3A_62, %add3A_4, %dma_start3A_63] : memref<50x4096x128xf32, #tpu.memory_space<hbm>> -> memref<1x64x128xf32, #tpu.memory_space<hbm>>
    %dma_start3A_65 = tpu.memref_squeeze %dma_start3A_64 : memref<1x64x128xf32, #tpu.memory_space<hbm>> -> memref<64x128xf32, #tpu.memory_space<hbm>>
    %dma_start3A_66 = arith.constant 0 : i32
    %dma_start3A_67 = tpu.memref_slice %arg2[%dma_start3A_62, %add3A_4, %dma_start3A_66] : memref<50x4096x128xf32, #tpu.memory_space<hbm>> -> memref<1x64x128xf32, #tpu.memory_space<hbm>>
    %dma_start3A_68 = tpu.memref_squeeze %dma_start3A_67 : memref<1x64x128xf32, #tpu.memory_space<hbm>> -> memref<64x128xf32, #tpu.memory_space<hbm>>
    tpu.enqueue_dma source(%dma_start3A_68 : memref<64x128xf32, #tpu.memory_space<hbm>>) target(%arg9 : memref<64x128xf32, #tpu.memory_space<vmem>>) target_semaphore(%arg21 : memref<!tpu.dma_semaphore, #tpu.memory_space<semaphore_mem>>)
    %dma_wait3A_69 = arith.constant 2 : i32
    %dma_wait3A_70 = arith.constant 0 : i32
    %dma_wait3A_71 = tpu.memref_slice %arg2[%dma_wait3A_69, %add3A_4, %dma_wait3A_70] : memref<50x4096x128xf32, #tpu.memory_space<hbm>> -> memref<1x64x128xf32, #tpu.memory_space<hbm>>
    %dma_wait3A_72 = tpu.memref_squeeze %dma_wait3A_71 : memref<1x64x128xf32, #tpu.memory_space<hbm>> -> memref<64x128xf32, #tpu.memory_space<hbm>>
    %dma_wait3A_73 = arith.constant 0 : i32
    %dma_wait3A_74 = tpu.memref_slice %arg2[%dma_wait3A_69, %add3A_4, %dma_wait3A_73] : memref<50x4096x128xf32, #tpu.memory_space<hbm>> -> memref<1x64x128xf32, #tpu.memory_space<hbm>>
    %dma_wait3A_75 = tpu.memref_squeeze %dma_wait3A_74 : memref<1x64x128xf32, #tpu.memory_space<hbm>> -> memref<64x128xf32, #tpu.memory_space<hbm>>
    tpu.wait_dma2 semaphore(%arg24 : memref<!tpu.dma_semaphore, #tpu.memory_space<semaphore_mem>>) src(%dma_wait3A_75 : memref<64x128xf32, #tpu.memory_space<hbm>>) dst(%arg12 : memref<64x128xf32, #tpu.memory_space<vmem>>)
    %dma_start3A_76 = arith.constant 384 : i32
    %dma_start3A_77 = tpu.memref_slice %arg4[%add3A_4, %dma_start3A_76] : memref<4096x6400xf32, #tpu.memory_space<hbm>> -> memref<64x128xf32, #tpu.memory_space<hbm>>
    %dma_start3A_78 = arith.constant 384 : i32
    %dma_start3A_79 = tpu.memref_slice %arg4[%add3A_4, %dma_start3A_78] : memref<4096x6400xf32, #tpu.memory_space<hbm>> -> memref<64x128xf32, #tpu.memory_space<hbm>>
    tpu.enqueue_dma source(%arg12 : memref<64x128xf32, #tpu.memory_space<vmem>>) target(%dma_start3A_79 : memref<64x128xf32, #tpu.memory_space<hbm>>) target_semaphore(%arg28 : memref<!tpu.dma_semaphore, #tpu.memory_space<semaphore_mem>>)
    %dma_wait3A_80 = arith.constant 128 : i32
    %dma_wait3A_81 = tpu.memref_slice %arg4[%add3A_4, %dma_wait3A_80] : memref<4096x6400xf32, #tpu.memory_space<hbm>> -> memref<64x128xf32, #tpu.memory_space<hbm>>
    %dma_wait3A_82 = arith.constant 128 : i32
    %dma_wait3A_83 = tpu.memref_slice %arg4[%add3A_4, %dma_wait3A_82] : memref<4096x6400xf32, #tpu.memory_space<hbm>> -> memref<64x128xf32, #tpu.memory_space<hbm>>
    tpu.wait_dma2 semaphore(%arg26 : memref<!tpu.dma_semaphore, #tpu.memory_space<semaphore_mem>>) src(%arg10 : memref<64x128xf32, #tpu.memory_space<vmem>>) dst(%dma_wait3A_83 : memref<64x128xf32, #tpu.memory_space<hbm>>)
    %dma_start3A_84 = arith.constant 4 : i32
    %dma_start3A_85 = arith.constant 0 : i32
    %dma_start3A_86 = tpu.memref_slice %arg2[%dma_start3A_84, %add3A_4, %dma_start3A_85] : memref<50x4096x128xf32, #tpu.memory_space<hbm>> -> memref<1x64x128xf32, #tpu.memory_space<hbm>>
    %dma_start3A_87 = tpu.memref_squeeze %dma_start3A_86 : memref<1x64x128xf32, #tpu.memory_space<hbm>> -> memref<64x128xf32, #tpu.memory_space<hbm>>
    %dma_start3A_88 = arith.constant 0 : i32
    %dma_start3A_89 = tpu.memref_slice %arg2[%dma_start3A_84, %add3A_4, %dma_start3A_88] : memref<50x4096x128xf32, #tpu.memory_space<hbm>> -> memref<1x64x128xf32, #tpu.memory_space<hbm>>
    %dma_start3A_90 = tpu.memref_squeeze %dma_start3A_89 : memref<1x64x128xf32, #tpu.memory_space<hbm>> -> memref<64x128xf32, #tpu.memory_space<hbm>>
    tpu.enqueue_dma source(%dma_start3A_90 : memref<64x128xf32, #tpu.memory_space<hbm>>) target(%arg10 : memref<64x128xf32, #tpu.memory_space<vmem>>) target_semaphore(%arg22 : memref<!tpu.dma_semaphore, #tpu.memory_space<semaphore_mem>>)
    %dma_wait3A_91 = arith.constant 3 : i32
    %dma_wait3A_92 = arith.constant 0 : i32
    %dma_wait3A_93 = tpu.memref_slice %arg2[%dma_wait3A_91, %add3A_4, %dma_wait3A_92] : memref<50x4096x128xf32, #tpu.memory_space<hbm>> -> memref<1x64x128xf32, #tpu.memory_space<hbm>>
    %dma_wait3A_94 = tpu.memref_squeeze %dma_wait3A_93 : memref<1x64x128xf32, #tpu.memory_space<hbm>> -> memref<64x128xf32, #tpu.memory_space<hbm>>
    %dma_wait3A_95 = arith.constant 0 : i32
    %dma_wait3A_96 = tpu.memref_slice %arg2[%dma_wait3A_91, %add3A_4, %dma_wait3A_95] : memref<50x4096x128xf32, #tpu.memory_space<hbm>> -> memref<1x64x128xf32, #tpu.memory_space<hbm>>
    %dma_wait3A_97 = tpu.memref_squeeze %dma_wait3A_96 : memref<1x64x128xf32, #tpu.memory_space<hbm>> -> memref<64x128xf32, #tpu.memory_space<hbm>>
    tpu.wait_dma2 semaphore(%arg21 : memref<!tpu.dma_semaphore, #tpu.memory_space<semaphore_mem>>) src(%dma_wait3A_97 : memref<64x128xf32, #tpu.memory_space<hbm>>) dst(%arg9 : memref<64x128xf32, #tpu.memory_space<vmem>>)
    %dma_start3A_98 = arith.constant 512 : i32
    %dma_start3A_99 = tpu.memref_slice %arg4[%add3A_4, %dma_start3A_98] : memref<4096x6400xf32, #tpu.memory_space<hbm>> -> memref<64x128xf32, #tpu.memory_space<hbm>>
    %dma_start3A_100 = arith.constant 512 : i32
    %dma_start3A_101 = tpu.memref_slice %arg4[%add3A_4, %dma_start3A_100] : memref<4096x6400xf32, #tpu.memory_space<hbm>> -> memref<64x128xf32, #tpu.memory_space<hbm>>
    tpu.enqueue_dma source(%arg9 : memref<64x128xf32, #tpu.memory_space<vmem>>) target(%dma_start3A_101 : memref<64x128xf32, #tpu.memory_space<hbm>>) target_semaphore(%arg25 : memref<!tpu.dma_semaphore, #tpu.memory_space<semaphore_mem>>)
    %dma_wait3A_102 = arith.constant 256 : i32
    %dma_wait3A_103 = tpu.memref_slice %arg4[%add3A_4, %dma_wait3A_102] : memref<4096x6400xf32, #tpu.memory_space<hbm>> -> memref<64x128xf32, #tpu.memory_space<hbm>>
    %dma_wait3A_104 = arith.constant 256 : i32
    %dma_wait3A_105 = tpu.memref_slice %arg4[%add3A_4, %dma_wait3A_104] : memref<4096x6400xf32, #tpu.memory_space<hbm>> -> memref<64x128xf32, #tpu.memory_space<hbm>>
    tpu.wait_dma2 semaphore(%arg27 : memref<!tpu.dma_semaphore, #tpu.memory_space<semaphore_mem>>) src(%arg11 : memref<64x128xf32, #tpu.memory_space<vmem>>) dst(%dma_wait3A_105 : memref<64x128xf32, #tpu.memory_space<hbm>>)
    %dma_start3A_106 = arith.constant 5 : i32
    %dma_start3A_107 = arith.constant 0 : i32
    %dma_start3A_108 = tpu.memref_slice %arg2[%dma_start3A_106, %add3A_4, %dma_start3A_107] : memref<50x4096x128xf32, #tpu.memory_space<hbm>> -> memref<1x64x128xf32, #tpu.memory_space<hbm>>
    %dma_start3A_109 = tpu.memref_squeeze %dma_start3A_108 : memref<1x64x128xf32, #tpu.memory_space<hbm>> -> memref<64x128xf32, #tpu.memory_space<hbm>>
    %dma_start3A_110 = arith.constant 0 : i32
    %dma_start3A_111 = tpu.memref_slice %arg2[%dma_start3A_106, %add3A_4, %dma_start3A_110] : memref<50x4096x128xf32, #tpu.memory_space<hbm>> -> memref<1x64x128xf32, #tpu.memory_space<hbm>>
    %dma_start3A_112 = tpu.memref_squeeze %dma_start3A_111 : memref<1x64x128xf32, #tpu.memory_space<hbm>> -> memref<64x128xf32, #tpu.memory_space<hbm>>
    tpu.enqueue_dma source(%dma_start3A_112 : memref<64x128xf32, #tpu.memory_space<hbm>>) target(%arg11 : memref<64x128xf32, #tpu.memory_space<vmem>>) target_semaphore(%arg23 : memref<!tpu.dma_semaphore, #tpu.memory_space<semaphore_mem>>)
    %dma_wait3A_113 = arith.constant 4 : i32
    %dma_wait3A_114 = arith.constant 0 : i32
    %dma_wait3A_115 = tpu.memref_slice %arg2[%dma_wait3A_113, %add3A_4, %dma_wait3A_114] : memref<50x4096x128xf32, #tpu.memory_space<hbm>> -> memref<1x64x128xf32, #tpu.memory_space<hbm>>
    %dma_wait3A_116 = tpu.memref_squeeze %dma_wait3A_115 : memref<1x64x128xf32, #tpu.memory_space<hbm>> -> memref<64x128xf32, #tpu.memory_space<hbm>>
    %dma_wait3A_117 = arith.constant 0 : i32
    %dma_wait3A_118 = tpu.memref_slice %arg2[%dma_wait3A_113, %add3A_4, %dma_wait3A_117] : memref<50x4096x128xf32, #tpu.memory_space<hbm>> -> memref<1x64x128xf32, #tpu.memory_space<hbm>>
    %dma_wait3A_119 = tpu.memref_squeeze %dma_wait3A_118 : memref<1x64x128xf32, #tpu.memory_space<hbm>> -> memref<64x128xf32, #tpu.memory_space<hbm>>
    tpu.wait_dma2 semaphore(%arg22 : memref<!tpu.dma_semaphore, #tpu.memory_space<semaphore_mem>>) src(%dma_wait3A_119 : memref<64x128xf32, #tpu.memory_space<hbm>>) dst(%arg10 : memref<64x128xf32, #tpu.memory_space<vmem>>)
    %dma_start3A_120 = arith.constant 640 : i32
    %dma_start3A_121 = tpu.memref_slice %arg4[%add3A_4, %dma_start3A_120] : memref<4096x6400xf32, #tpu.memory_space<hbm>> -> memref<64x128xf32, #tpu.memory_space<hbm>>
    %dma_start3A_122 = arith.constant 640 : i32
    %dma_start3A_123 = tpu.memref_slice %arg4[%add3A_4, %dma_start3A_122] : memref<4096x6400xf32, #tpu.memory_space<hbm>> -> memref<64x128xf32, #tpu.memory_space<hbm>>
    tpu.enqueue_dma source(%arg10 : memref<64x128xf32, #tpu.memory_space<vmem>>) target(%dma_start3A_123 : memref<64x128xf32, #tpu.memory_space<hbm>>) target_semaphore(%arg26 : memref<!tpu.dma_semaphore, #tpu.memory_space<semaphore_mem>>)
    %dma_wait3A_124 = arith.constant 384 : i32
    %dma_wait3A_125 = tpu.memref_slice %arg4[%add3A_4, %dma_wait3A_124] : memref<4096x6400xf32, #tpu.memory_space<hbm>> -> memref<64x128xf32, #tpu.memory_space<hbm>>
    %dma_wait3A_126 = arith.constant 384 : i32
    %dma_wait3A_127 = tpu.memref_slice %arg4[%add3A_4, %dma_wait3A_126] : memref<4096x6400xf32, #tpu.memory_space<hbm>> -> memref<64x128xf32, #tpu.memory_space<hbm>>
    tpu.wait_dma2 semaphore(%arg28 : memref<!tpu.dma_semaphore, #tpu.memory_space<semaphore_mem>>) src(%arg12 : memref<64x128xf32, #tpu.memory_space<vmem>>) dst(%dma_wait3A_127 : memref<64x128xf32, #tpu.memory_space<hbm>>)
    %dma_start3A_128 = arith.constant 6 : i32
    %dma_start3A_129 = arith.constant 0 : i32
    %dma_start3A_130 = tpu.memref_slice %arg2[%dma_start3A_128, %add3A_4, %dma_start3A_129] : memref<50x4096x128xf32, #tpu.memory_space<hbm>> -> memref<1x64x128xf32, #tpu.memory_space<hbm>>
    %dma_start3A_131 = tpu.memref_squeeze %dma_start3A_130 : memref<1x64x128xf32, #tpu.memory_space<hbm>> -> memref<64x128xf32, #tpu.memory_space<hbm>>
    %dma_start3A_132 = arith.constant 0 : i32
    %dma_start3A_133 = tpu.memref_slice %arg2[%dma_start3A_128, %add3A_4, %dma_start3A_132] : memref<50x4096x128xf32, #tpu.memory_space<hbm>> -> memref<1x64x128xf32, #tpu.memory_space<hbm>>
    %dma_start3A_134 = tpu.memref_squeeze %dma_start3A_133 : memref<1x64x128xf32, #tpu.memory_space<hbm>> -> memref<64x128xf32, #tpu.memory_space<hbm>>
    tpu.enqueue_dma source(%dma_start3A_134 : memref<64x128xf32, #tpu.memory_space<hbm>>) target(%arg12 : memref<64x128xf32, #tpu.memory_space<vmem>>) target_semaphore(%arg24 : memref<!tpu.dma_semaphore, #tpu.memory_space<semaphore_mem>>)
    %dma_wait3A_135 = arith.constant 5 : i32
    %dma_wait3A_136 = arith.constant 0 : i32
    %dma_wait3A_137 = tpu.memref_slice %arg2[%dma_wait3A_135, %add3A_4, %dma_wait3A_136] : memref<50x4096x128xf32, #tpu.memory_space<hbm>> -> memref<1x64x128xf32, #tpu.memory_space<hbm>>
    %dma_wait3A_138 = tpu.memref_squeeze %dma_wait3A_137 : memref<1x64x128xf32, #tpu.memory_space<hbm>> -> memref<64x128xf32, #tpu.memory_space<hbm>>
    %dma_wait3A_139 = arith.constant 0 : i32
    %dma_wait3A_140 = tpu.memref_slice %arg2[%dma_wait3A_135, %add3A_4, %dma_wait3A_139] : memref<50x4096x128xf32, #tpu.memory_space<hbm>> -> memref<1x64x128xf32, #tpu.memory_space<hbm>>
    %dma_wait3A_141 = tpu.memref_squeeze %dma_wait3A_140 : memref<1x64x128xf32, #tpu.memory_space<hbm>> -> memref<64x128xf32, #tpu.memory_space<hbm>>
    tpu.wait_dma2 semaphore(%arg23 : memref<!tpu.dma_semaphore, #tpu.memory_space<semaphore_mem>>) src(%dma_wait3A_141 : memref<64x128xf32, #tpu.memory_space<hbm>>) dst(%arg11 : memref<64x128xf32, #tpu.memory_space<vmem>>)
    %dma_start3A_142 = arith.constant 768 : i32
    %dma_start3A_143 = tpu.memref_slice %arg4[%add3A_4, %dma_start3A_142] : memref<4096x6400xf32, #tpu.memory_space<hbm>> -> memref<64x128xf32, #tpu.memory_space<hbm>>
    %dma_start3A_144 = arith.constant 768 : i32
    %dma_start3A_145 = tpu.memref_slice %arg4[%add3A_4, %dma_start3A_144] : memref<4096x6400xf32, #tpu.memory_space<hbm>> -> memref<64x128xf32, #tpu.memory_space<hbm>>
    tpu.enqueue_dma source(%arg11 : memref<64x128xf32, #tpu.memory_space<vmem>>) target(%dma_start3A_145 : memref<64x128xf32, #tpu.memory_space<hbm>>) target_semaphore(%arg27 : memref<!tpu.dma_semaphore, #tpu.memory_space<semaphore_mem>>)
    %dma_wait3A_146 = arith.constant 512 : i32
    %dma_wait3A_147 = tpu.memref_slice %arg4[%add3A_4, %dma_wait3A_146] : memref<4096x6400xf32, #tpu.memory_space<hbm>> -> memref<64x128xf32, #tpu.memory_space<hbm>>
    %dma_wait3A_148 = arith.constant 512 : i32
    %dma_wait3A_149 = tpu.memref_slice %arg4[%add3A_4, %dma_wait3A_148] : memref<4096x6400xf32, #tpu.memory_space<hbm>> -> memref<64x128xf32, #tpu.memory_space<hbm>>
    tpu.wait_dma2 semaphore(%arg25 : memref<!tpu.dma_semaphore, #tpu.memory_space<semaphore_mem>>) src(%arg9 : memref<64x128xf32, #tpu.memory_space<vmem>>) dst(%dma_wait3A_149 : memref<64x128xf32, #tpu.memory_space<hbm>>)
    %dma_start3A_150 = arith.constant 7 : i32
    %dma_start3A_151 = arith.constant 0 : i32
    %dma_start3A_152 = tpu.memref_slice %arg2[%dma_start3A_150, %add3A_4, %dma_start3A_151] : memref<50x4096x128xf32, #tpu.memory_space<hbm>> -> memref<1x64x128xf32, #tpu.memory_space<hbm>>
    %dma_start3A_153 = tpu.memref_squeeze %dma_start3A_152 : memref<1x64x128xf32, #tpu.memory_space<hbm>> -> memref<64x128xf32, #tpu.memory_space<hbm>>
    %dma_start3A_154 = arith.constant 0 : i32
    %dma_start3A_155 = tpu.memref_slice %arg2[%dma_start3A_150, %add3A_4, %dma_start3A_154] : memref<50x4096x128xf32, #tpu.memory_space<hbm>> -> memref<1x64x128xf32, #tpu.memory_space<hbm>>
    %dma_start3A_156 = tpu.memref_squeeze %dma_start3A_155 : memref<1x64x128xf32, #tpu.memory_space<hbm>> -> memref<64x128xf32, #tpu.memory_space<hbm>>
    tpu.enqueue_dma source(%dma_start3A_156 : memref<64x128xf32, #tpu.memory_space<hbm>>) target(%arg9 : memref<64x128xf32, #tpu.memory_space<vmem>>) target_semaphore(%arg21 : memref<!tpu.dma_semaphore, #tpu.memory_space<semaphore_mem>>)
    %dma_wait3A_157 = arith.constant 6 : i32
    %dma_wait3A_158 = arith.constant 0 : i32
    %dma_wait3A_159 = tpu.memref_slice %arg2[%dma_wait3A_157, %add3A_4, %dma_wait3A_158] : memref<50x4096x128xf32, #tpu.memory_space<hbm>> -> memref<1x64x128xf32, #tpu.memory_space<hbm>>
    %dma_wait3A_160 = tpu.memref_squeeze %dma_wait3A_159 : memref<1x64x128xf32, #tpu.memory_space<hbm>> -> memref<64x128xf32, #tpu.memory_space<hbm>>
    %dma_wait3A_161 = arith.constant 0 : i32
    %dma_wait3A_162 = tpu.memref_slice %arg2[%dma_wait3A_157, %add3A_4, %dma_wait3A_161] : memref<50x4096x128xf32, #tpu.memory_space<hbm>> -> memref<1x64x128xf32, #tpu.memory_space<hbm>>
    %dma_wait3A_163 = tpu.memref_squeeze %dma_wait3A_162 : memref<1x64x128xf32, #tpu.memory_space<hbm>> -> memref<64x128xf32, #tpu.memory_space<hbm>>
    tpu.wait_dma2 semaphore(%arg24 : memref<!tpu.dma_semaphore, #tpu.memory_space<semaphore_mem>>) src(%dma_wait3A_163 : memref<64x128xf32, #tpu.memory_space<hbm>>) dst(%arg12 : memref<64x128xf32, #tpu.memory_space<vmem>>)
    %dma_start3A_164 = arith.constant 896 : i32
    %dma_start3A_165 = tpu.memref_slice %arg4[%add3A_4, %dma_start3A_164] : memref<4096x6400xf32, #tpu.memory_space<hbm>> -> memref<64x128xf32, #tpu.memory_space<hbm>>
    %dma_start3A_166 = arith.constant 896 : i32
    %dma_start3A_167 = tpu.memref_slice %arg4[%add3A_4, %dma_start3A_166] : memref<4096x6400xf32, #tpu.memory_space<hbm>> -> memref<64x128xf32, #tpu.memory_space<hbm>>
    tpu.enqueue_dma source(%arg12 : memref<64x128xf32, #tpu.memory_space<vmem>>) target(%dma_start3A_167 : memref<64x128xf32, #tpu.memory_space<hbm>>) target_semaphore(%arg28 : memref<!tpu.dma_semaphore, #tpu.memory_space<semaphore_mem>>)
    %dma_wait3A_168 = arith.constant 640 : i32
    %dma_wait3A_169 = tpu.memref_slice %arg4[%add3A_4, %dma_wait3A_168] : memref<4096x6400xf32, #tpu.memory_space<hbm>> -> memref<64x128xf32, #tpu.memory_space<hbm>>
    %dma_wait3A_170 = arith.constant 640 : i32
    %dma_wait3A_171 = tpu.memref_slice %arg4[%add3A_4, %dma_wait3A_170] : memref<4096x6400xf32, #tpu.memory_space<hbm>> -> memref<64x128xf32, #tpu.memory_space<hbm>>
    tpu.wait_dma2 semaphore(%arg26 : memref<!tpu.dma_semaphore, #tpu.memory_space<semaphore_mem>>) src(%arg10 : memref<64x128xf32, #tpu.memory_space<vmem>>) dst(%dma_wait3A_171 : memref<64x128xf32, #tpu.memory_space<hbm>>)
    %dma_start3A_172 = arith.constant 8 : i32
    %dma_start3A_173 = arith.constant 0 : i32
    %dma_start3A_174 = tpu.memref_slice %arg2[%dma_start3A_172, %add3A_4, %dma_start3A_173] : memref<50x4096x128xf32, #tpu.memory_space<hbm>> -> memref<1x64x128xf32, #tpu.memory_space<hbm>>
    %dma_start3A_175 = tpu.memref_squeeze %dma_start3A_174 : memref<1x64x128xf32, #tpu.memory_space<hbm>> -> memref<64x128xf32, #tpu.memory_space<hbm>>
    %dma_start3A_176 = arith.constant 0 : i32
    %dma_start3A_177 = tpu.memref_slice %arg2[%dma_start3A_172, %add3A_4, %dma_start3A_176] : memref<50x4096x128xf32, #tpu.memory_space<hbm>> -> memref<1x64x128xf32, #tpu.memory_space<hbm>>
    %dma_start3A_178 = tpu.memref_squeeze %dma_start3A_177 : memref<1x64x128xf32, #tpu.memory_space<hbm>> -> memref<64x128xf32, #tpu.memory_space<hbm>>
    tpu.enqueue_dma source(%dma_start3A_178 : memref<64x128xf32, #tpu.memory_space<hbm>>) target(%arg10 : memref<64x128xf32, #tpu.memory_space<vmem>>) target_semaphore(%arg22 : memref<!tpu.dma_semaphore, #tpu.memory_space<semaphore_mem>>)
    %dma_wait3A_179 = arith.constant 7 : i32
    %dma_wait3A_180 = arith.constant 0 : i32
    %dma_wait3A_181 = tpu.memref_slice %arg2[%dma_wait3A_179, %add3A_4, %dma_wait3A_180] : memref<50x4096x128xf32, #tpu.memory_space<hbm>> -> memref<1x64x128xf32, #tpu.memory_space<hbm>>
    %dma_wait3A_182 = tpu.memref_squeeze %dma_wait3A_181 : memref<1x64x128xf32, #tpu.memory_space<hbm>> -> memref<64x128xf32, #tpu.memory_space<hbm>>
    %dma_wait3A_183 = arith.constant 0 : i32
    %dma_wait3A_184 = tpu.memref_slice %arg2[%dma_wait3A_179, %add3A_4, %dma_wait3A_183] : memref<50x4096x128xf32, #tpu.memory_space<hbm>> -> memref<1x64x128xf32, #tpu.memory_space<hbm>>
    %dma_wait3A_185 = tpu.memref_squeeze %dma_wait3A_184 : memref<1x64x128xf32, #tpu.memory_space<hbm>> -> memref<64x128xf32, #tpu.memory_space<hbm>>
    tpu.wait_dma2 semaphore(%arg21 : memref<!tpu.dma_semaphore, #tpu.memory_space<semaphore_mem>>) src(%dma_wait3A_185 : memref<64x128xf32, #tpu.memory_space<hbm>>) dst(%arg9 : memref<64x128xf32, #tpu.memory_space<vmem>>)
    %dma_start3A_186 = arith.constant 1024 : i32
    %dma_start3A_187 = tpu.memref_slice %arg4[%add3A_4, %dma_start3A_186] : memref<4096x6400xf32, #tpu.memory_space<hbm>> -> memref<64x128xf32, #tpu.memory_space<hbm>>
    %dma_start3A_188 = arith.constant 1024 : i32
    %dma_start3A_189 = tpu.memref_slice %arg4[%add3A_4, %dma_start3A_188] : memref<4096x6400xf32, #tpu.memory_space<hbm>> -> memref<64x128xf32, #tpu.memory_space<hbm>>
    tpu.enqueue_dma source(%arg9 : memref<64x128xf32, #tpu.memory_space<vmem>>) target(%dma_start3A_189 : memref<64x128xf32, #tpu.memory_space<hbm>>) target_semaphore(%arg25 : memref<!tpu.dma_semaphore, #tpu.memory_space<semaphore_mem>>)
    %dma_wait3A_190 = arith.constant 768 : i32
    %dma_wait3A_191 = tpu.memref_slice %arg4[%add3A_4, %dma_wait3A_190] : memref<4096x6400xf32, #tpu.memory_space<hbm>> -> memref<64x128xf32, #tpu.memory_space<hbm>>
    %dma_wait3A_192 = arith.constant 768 : i32
    %dma_wait3A_193 = tpu.memref_slice %arg4[%add3A_4, %dma_wait3A_192] : memref<4096x6400xf32, #tpu.memory_space<hbm>> -> memref<64x128xf32, #tpu.memory_space<hbm>>
    tpu.wait_dma2 semaphore(%arg27 : memref<!tpu.dma_semaphore, #tpu.memory_space<semaphore_mem>>) src(%arg11 : memref<64x128xf32, #tpu.memory_space<vmem>>) dst(%dma_wait3A_193 : memref<64x128xf32, #tpu.memory_space<hbm>>)
    %dma_start3A_194 = arith.constant 9 : i32
    %dma_start3A_195 = arith.constant 0 : i32
    %dma_start3A_196 = tpu.memref_slice %arg2[%dma_start3A_194, %add3A_4, %dma_start3A_195] : memref<50x4096x128xf32, #tpu.memory_space<hbm>> -> memref<1x64x128xf32, #tpu.memory_space<hbm>>
    %dma_start3A_197 = tpu.memref_squeeze %dma_start3A_196 : memref<1x64x128xf32, #tpu.memory_space<hbm>> -> memref<64x128xf32, #tpu.memory_space<hbm>>
    %dma_start3A_198 = arith.constant 0 : i32
    %dma_start3A_199 = tpu.memref_slice %arg2[%dma_start3A_194, %add3A_4, %dma_start3A_198] : memref<50x4096x128xf32, #tpu.memory_space<hbm>> -> memref<1x64x128xf32, #tpu.memory_space<hbm>>
    %dma_start3A_200 = tpu.memref_squeeze %dma_start3A_199 : memref<1x64x128xf32, #tpu.memory_space<hbm>> -> memref<64x128xf32, #tpu.memory_space<hbm>>
    tpu.enqueue_dma source(%dma_start3A_200 : memref<64x128xf32, #tpu.memory_space<hbm>>) target(%arg11 : memref<64x128xf32, #tpu.memory_space<vmem>>) target_semaphore(%arg23 : memref<!tpu.dma_semaphore, #tpu.memory_space<semaphore_mem>>)
    %dma_wait3A_201 = arith.constant 8 : i32
    %dma_wait3A_202 = arith.constant 0 : i32
    %dma_wait3A_203 = tpu.memref_slice %arg2[%dma_wait3A_201, %add3A_4, %dma_wait3A_202] : memref<50x4096x128xf32, #tpu.memory_space<hbm>> -> memref<1x64x128xf32, #tpu.memory_space<hbm>>
    %dma_wait3A_204 = tpu.memref_squeeze %dma_wait3A_203 : memref<1x64x128xf32, #tpu.memory_space<hbm>> -> memref<64x128xf32, #tpu.memory_space<hbm>>
    %dma_wait3A_205 = arith.constant 0 : i32
    %dma_wait3A_206 = tpu.memref_slice %arg2[%dma_wait3A_201, %add3A_4, %dma_wait3A_205] : memref<50x4096x128xf32, #tpu.memory_space<hbm>> -> memref<1x64x128xf32, #tpu.memory_space<hbm>>
    %dma_wait3A_207 = tpu.memref_squeeze %dma_wait3A_206 : memref<1x64x128xf32, #tpu.memory_space<hbm>> -> memref<64x128xf32, #tpu.memory_space<hbm>>
    tpu.wait_dma2 semaphore(%arg22 : memref<!tpu.dma_semaphore, #tpu.memory_space<semaphore_mem>>) src(%dma_wait3A_207 : memref<64x128xf32, #tpu.memory_space<hbm>>) dst(%arg10 : memref<64x128xf32, #tpu.memory_space<vmem>>)
    %dma_start3A_208 = arith.constant 1152 : i32
    %dma_start3A_209 = tpu.memref_slice %arg4[%add3A_4, %dma_start3A_208] : memref<4096x6400xf32, #tpu.memory_space<hbm>> -> memref<64x128xf32, #tpu.memory_space<hbm>>
    %dma_start3A_210 = arith.constant 1152 : i32
    %dma_start3A_211 = tpu.memref_slice %arg4[%add3A_4, %dma_start3A_210] : memref<4096x6400xf32, #tpu.memory_space<hbm>> -> memref<64x128xf32, #tpu.memory_space<hbm>>
    tpu.enqueue_dma source(%arg10 : memref<64x128xf32, #tpu.memory_space<vmem>>) target(%dma_start3A_211 : memref<64x128xf32, #tpu.memory_space<hbm>>) target_semaphore(%arg26 : memref<!tpu.dma_semaphore, #tpu.memory_space<semaphore_mem>>)
    %dma_wait3A_212 = arith.constant 896 : i32
    %dma_wait3A_213 = tpu.memref_slice %arg4[%add3A_4, %dma_wait3A_212] : memref<4096x6400xf32, #tpu.memory_space<hbm>> -> memref<64x128xf32, #tpu.memory_space<hbm>>
    %dma_wait3A_214 = arith.constant 896 : i32
    %dma_wait3A_215 = tpu.memref_slice %arg4[%add3A_4, %dma_wait3A_214] : memref<4096x6400xf32, #tpu.memory_space<hbm>> -> memref<64x128xf32, #tpu.memory_space<hbm>>
    tpu.wait_dma2 semaphore(%arg28 : memref<!tpu.dma_semaphore, #tpu.memory_space<semaphore_mem>>) src(%arg12 : memref<64x128xf32, #tpu.memory_space<vmem>>) dst(%dma_wait3A_215 : memref<64x128xf32, #tpu.memory_space<hbm>>)
    %dma_start3A_216 = arith.constant 10 : i32
    %dma_start3A_217 = arith.constant 0 : i32
    %dma_start3A_218 = tpu.memref_slice %arg2[%dma_start3A_216, %add3A_4, %dma_start3A_217] : memref<50x4096x128xf32, #tpu.memory_space<hbm>> -> memref<1x64x128xf32, #tpu.memory_space<hbm>>
    %dma_start3A_219 = tpu.memref_squeeze %dma_start3A_218 : memref<1x64x128xf32, #tpu.memory_space<hbm>> -> memref<64x128xf32, #tpu.memory_space<hbm>>
    %dma_start3A_220 = arith.constant 0 : i32
    %dma_start3A_221 = tpu.memref_slice %arg2[%dma_start3A_216, %add3A_4, %dma_start3A_220] : memref<50x4096x128xf32, #tpu.memory_space<hbm>> -> memref<1x64x128xf32, #tpu.memory_space<hbm>>
    %dma_start3A_222 = tpu.memref_squeeze %dma_start3A_221 : memref<1x64x128xf32, #tpu.memory_space<hbm>> -> memref<64x128xf32, #tpu.memory_space<hbm>>
    tpu.enqueue_dma source(%dma_start3A_222 : memref<64x128xf32, #tpu.memory_space<hbm>>) target(%arg12 : memref<64x128xf32, #tpu.memory_space<vmem>>) target_semaphore(%arg24 : memref<!tpu.dma_semaphore, #tpu.memory_space<semaphore_mem>>)
    %dma_wait3A_223 = arith.constant 9 : i32
    %dma_wait3A_224 = arith.constant 0 : i32
    %dma_wait3A_225 = tpu.memref_slice %arg2[%dma_wait3A_223, %add3A_4, %dma_wait3A_224] : memref<50x4096x128xf32, #tpu.memory_space<hbm>> -> memref<1x64x128xf32, #tpu.memory_space<hbm>>
    %dma_wait3A_226 = tpu.memref_squeeze %dma_wait3A_225 : memref<1x64x128xf32, #tpu.memory_space<hbm>> -> memref<64x128xf32, #tpu.memory_space<hbm>>
    %dma_wait3A_227 = arith.constant 0 : i32
    %dma_wait3A_228 = tpu.memref_slice %arg2[%dma_wait3A_223, %add3A_4, %dma_wait3A_227] : memref<50x4096x128xf32, #tpu.memory_space<hbm>> -> memref<1x64x128xf32, #tpu.memory_space<hbm>>
    %dma_wait3A_229 = tpu.memref_squeeze %dma_wait3A_228 : memref<1x64x128xf32, #tpu.memory_space<hbm>> -> memref<64x128xf32, #tpu.memory_space<hbm>>
    tpu.wait_dma2 semaphore(%arg23 : memref<!tpu.dma_semaphore, #tpu.memory_space<semaphore_mem>>) src(%dma_wait3A_229 : memref<64x128xf32, #tpu.memory_space<hbm>>) dst(%arg11 : memref<64x128xf32, #tpu.memory_space<vmem>>)
    %dma_start3A_230 = arith.constant 1280 : i32
    %dma_start3A_231 = tpu.memref_slice %arg4[%add3A_4, %dma_start3A_230] : memref<4096x6400xf32, #tpu.memory_space<hbm>> -> memref<64x128xf32, #tpu.memory_space<hbm>>
    %dma_start3A_232 = arith.constant 1280 : i32
    %dma_start3A_233 = tpu.memref_slice %arg4[%add3A_4, %dma_start3A_232] : memref<4096x6400xf32, #tpu.memory_space<hbm>> -> memref<64x128xf32, #tpu.memory_space<hbm>>
    tpu.enqueue_dma source(%arg11 : memref<64x128xf32, #tpu.memory_space<vmem>>) target(%dma_start3A_233 : memref<64x128xf32, #tpu.memory_space<hbm>>) target_semaphore(%arg27 : memref<!tpu.dma_semaphore, #tpu.memory_space<semaphore_mem>>)
    %dma_wait3A_234 = arith.constant 1024 : i32
    %dma_wait3A_235 = tpu.memref_slice %arg4[%add3A_4, %dma_wait3A_234] : memref<4096x6400xf32, #tpu.memory_space<hbm>> -> memref<64x128xf32, #tpu.memory_space<hbm>>
    %dma_wait3A_236 = arith.constant 1024 : i32
    %dma_wait3A_237 = tpu.memref_slice %arg4[%add3A_4, %dma_wait3A_236] : memref<4096x6400xf32, #tpu.memory_space<hbm>> -> memref<64x128xf32, #tpu.memory_space<hbm>>
    tpu.wait_dma2 semaphore(%arg25 : memref<!tpu.dma_semaphore, #tpu.memory_space<semaphore_mem>>) src(%arg9 : memref<64x128xf32, #tpu.memory_space<vmem>>) dst(%dma_wait3A_237 : memref<64x128xf32, #tpu.memory_space<hbm>>)
    %dma_start3A_238 = arith.constant 11 : i32
    %dma_start3A_239 = arith.constant 0 : i32
    %dma_start3A_240 = tpu.memref_slice %arg2[%dma_start3A_238, %add3A_4, %dma_start3A_239] : memref<50x4096x128xf32, #tpu.memory_space<hbm>> -> memref<1x64x128xf32, #tpu.memory_space<hbm>>
    %dma_start3A_241 = tpu.memref_squeeze %dma_start3A_240 : memref<1x64x128xf32, #tpu.memory_space<hbm>> -> memref<64x128xf32, #tpu.memory_space<hbm>>
    %dma_start3A_242 = arith.constant 0 : i32
    %dma_start3A_243 = tpu.memref_slice %arg2[%dma_start3A_238, %add3A_4, %dma_start3A_242] : memref<50x4096x128xf32, #tpu.memory_space<hbm>> -> memref<1x64x128xf32, #tpu.memory_space<hbm>>
    %dma_start3A_244 = tpu.memref_squeeze %dma_start3A_243 : memref<1x64x128xf32, #tpu.memory_space<hbm>> -> memref<64x128xf32, #tpu.memory_space<hbm>>
    tpu.enqueue_dma source(%dma_start3A_244 : memref<64x128xf32, #tpu.memory_space<hbm>>) target(%arg9 : memref<64x128xf32, #tpu.memory_space<vmem>>) target_semaphore(%arg21 : memref<!tpu.dma_semaphore, #tpu.memory_space<semaphore_mem>>)
    %dma_wait3A_245 = arith.constant 10 : i32
    %dma_wait3A_246 = arith.constant 0 : i32
    %dma_wait3A_247 = tpu.memref_slice %arg2[%dma_wait3A_245, %add3A_4, %dma_wait3A_246] : memref<50x4096x128xf32, #tpu.memory_space<hbm>> -> memref<1x64x128xf32, #tpu.memory_space<hbm>>
    %dma_wait3A_248 = tpu.memref_squeeze %dma_wait3A_247 : memref<1x64x128xf32, #tpu.memory_space<hbm>> -> memref<64x128xf32, #tpu.memory_space<hbm>>
    %dma_wait3A_249 = arith.constant 0 : i32
    %dma_wait3A_250 = tpu.memref_slice %arg2[%dma_wait3A_245, %add3A_4, %dma_wait3A_249] : memref<50x4096x128xf32, #tpu.memory_space<hbm>> -> memref<1x64x128xf32, #tpu.memory_space<hbm>>
    %dma_wait3A_251 = tpu.memref_squeeze %dma_wait3A_250 : memref<1x64x128xf32, #tpu.memory_space<hbm>> -> memref<64x128xf32, #tpu.memory_space<hbm>>
    tpu.wait_dma2 semaphore(%arg24 : memref<!tpu.dma_semaphore, #tpu.memory_space<semaphore_mem>>) src(%dma_wait3A_251 : memref<64x128xf32, #tpu.memory_space<hbm>>) dst(%arg12 : memref<64x128xf32, #tpu.memory_space<vmem>>)
    %dma_start3A_252 = arith.constant 1408 : i32
    %dma_start3A_253 = tpu.memref_slice %arg4[%add3A_4, %dma_start3A_252] : memref<4096x6400xf32, #tpu.memory_space<hbm>> -> memref<64x128xf32, #tpu.memory_space<hbm>>
    %dma_start3A_254 = arith.constant 1408 : i32
    %dma_start3A_255 = tpu.memref_slice %arg4[%add3A_4, %dma_start3A_254] : memref<4096x6400xf32, #tpu.memory_space<hbm>> -> memref<64x128xf32, #tpu.memory_space<hbm>>
    tpu.enqueue_dma source(%arg12 : memref<64x128xf32, #tpu.memory_space<vmem>>) target(%dma_start3A_255 : memref<64x128xf32, #tpu.memory_space<hbm>>) target_semaphore(%arg28 : memref<!tpu.dma_semaphore, #tpu.memory_space<semaphore_mem>>)
    %dma_wait3A_256 = arith.constant 1152 : i32
    %dma_wait3A_257 = tpu.memref_slice %arg4[%add3A_4, %dma_wait3A_256] : memref<4096x6400xf32, #tpu.memory_space<hbm>> -> memref<64x128xf32, #tpu.memory_space<hbm>>
    %dma_wait3A_258 = arith.constant 1152 : i32
    %dma_wait3A_259 = tpu.memref_slice %arg4[%add3A_4, %dma_wait3A_258] : memref<4096x6400xf32, #tpu.memory_space<hbm>> -> memref<64x128xf32, #tpu.memory_space<hbm>>
    tpu.wait_dma2 semaphore(%arg26 : memref<!tpu.dma_semaphore, #tpu.memory_space<semaphore_mem>>) src(%arg10 : memref<64x128xf32, #tpu.memory_space<vmem>>) dst(%dma_wait3A_259 : memref<64x128xf32, #tpu.memory_space<hbm>>)
    %dma_start3A_260 = arith.constant 12 : i32
    %dma_start3A_261 = arith.constant 0 : i32
    %dma_start3A_262 = tpu.memref_slice %arg2[%dma_start3A_260, %add3A_4, %dma_start3A_261] : memref<50x4096x128xf32, #tpu.memory_space<hbm>> -> memref<1x64x128xf32, #tpu.memory_space<hbm>>
    %dma_start3A_263 = tpu.memref_squeeze %dma_start3A_262 : memref<1x64x128xf32, #tpu.memory_space<hbm>> -> memref<64x128xf32, #tpu.memory_space<hbm>>
    %dma_start3A_264 = arith.constant 0 : i32
    %dma_start3A_265 = tpu.memref_slice %arg2[%dma_start3A_260, %add3A_4, %dma_start3A_264] : memref<50x4096x128xf32, #tpu.memory_space<hbm>> -> memref<1x64x128xf32, #tpu.memory_space<hbm>>
    %dma_start3A_266 = tpu.memref_squeeze %dma_start3A_265 : memref<1x64x128xf32, #tpu.memory_space<hbm>> -> memref<64x128xf32, #tpu.memory_space<hbm>>
    tpu.enqueue_dma source(%dma_start3A_266 : memref<64x128xf32, #tpu.memory_space<hbm>>) target(%arg10 : memref<64x128xf32, #tpu.memory_space<vmem>>) target_semaphore(%arg22 : memref<!tpu.dma_semaphore, #tpu.memory_space<semaphore_mem>>)
    %dma_wait3A_267 = arith.constant 11 : i32
    %dma_wait3A_268 = arith.constant 0 : i32
    %dma_wait3A_269 = tpu.memref_slice %arg2[%dma_wait3A_267, %add3A_4, %dma_wait3A_268] : memref<50x4096x128xf32, #tpu.memory_space<hbm>> -> memref<1x64x128xf32, #tpu.memory_space<hbm>>
    %dma_wait3A_270 = tpu.memref_squeeze %dma_wait3A_269 : memref<1x64x128xf32, #tpu.memory_space<hbm>> -> memref<64x128xf32, #tpu.memory_space<hbm>>
    %dma_wait3A_271 = arith.constant 0 : i32
    %dma_wait3A_272 = tpu.memref_slice %arg2[%dma_wait3A_267, %add3A_4, %dma_wait3A_271] : memref<50x4096x128xf32, #tpu.memory_space<hbm>> -> memref<1x64x128xf32, #tpu.memory_space<hbm>>
    %dma_wait3A_273 = tpu.memref_squeeze %dma_wait3A_272 : memref<1x64x128xf32, #tpu.memory_space<hbm>> -> memref<64x128xf32, #tpu.memory_space<hbm>>
    tpu.wait_dma2 semaphore(%arg21 : memref<!tpu.dma_semaphore, #tpu.memory_space<semaphore_mem>>) src(%dma_wait3A_273 : memref<64x128xf32, #tpu.memory_space<hbm>>) dst(%arg9 : memref<64x128xf32, #tpu.memory_space<vmem>>)
    %dma_start3A_274 = arith.constant 1536 : i32
    %dma_start3A_275 = tpu.memref_slice %arg4[%add3A_4, %dma_start3A_274] : memref<4096x6400xf32, #tpu.memory_space<hbm>> -> memref<64x128xf32, #tpu.memory_space<hbm>>
    %dma_start3A_276 = arith.constant 1536 : i32
    %dma_start3A_277 = tpu.memref_slice %arg4[%add3A_4, %dma_start3A_276] : memref<4096x6400xf32, #tpu.memory_space<hbm>> -> memref<64x128xf32, #tpu.memory_space<hbm>>
    tpu.enqueue_dma source(%arg9 : memref<64x128xf32, #tpu.memory_space<vmem>>) target(%dma_start3A_277 : memref<64x128xf32, #tpu.memory_space<hbm>>) target_semaphore(%arg25 : memref<!tpu.dma_semaphore, #tpu.memory_space<semaphore_mem>>)
    %dma_wait3A_278 = arith.constant 1280 : i32
    %dma_wait3A_279 = tpu.memref_slice %arg4[%add3A_4, %dma_wait3A_278] : memref<4096x6400xf32, #tpu.memory_space<hbm>> -> memref<64x128xf32, #tpu.memory_space<hbm>>
    %dma_wait3A_280 = arith.constant 1280 : i32
    %dma_wait3A_281 = tpu.memref_slice %arg4[%add3A_4, %dma_wait3A_280] : memref<4096x6400xf32, #tpu.memory_space<hbm>> -> memref<64x128xf32, #tpu.memory_space<hbm>>
    tpu.wait_dma2 semaphore(%arg27 : memref<!tpu.dma_semaphore, #tpu.memory_space<semaphore_mem>>) src(%arg11 : memref<64x128xf32, #tpu.memory_space<vmem>>) dst(%dma_wait3A_281 : memref<64x128xf32, #tpu.memory_space<hbm>>)
    %dma_start3A_282 = arith.constant 13 : i32
    %dma_start3A_283 = arith.constant 0 : i32
    %dma_start3A_284 = tpu.memref_slice %arg2[%dma_start3A_282, %add3A_4, %dma_start3A_283] : memref<50x4096x128xf32, #tpu.memory_space<hbm>> -> memref<1x64x128xf32, #tpu.memory_space<hbm>>
    %dma_start3A_285 = tpu.memref_squeeze %dma_start3A_284 : memref<1x64x128xf32, #tpu.memory_space<hbm>> -> memref<64x128xf32, #tpu.memory_space<hbm>>
    %dma_start3A_286 = arith.constant 0 : i32
    %dma_start3A_287 = tpu.memref_slice %arg2[%dma_start3A_282, %add3A_4, %dma_start3A_286] : memref<50x4096x128xf32, #tpu.memory_space<hbm>> -> memref<1x64x128xf32, #tpu.memory_space<hbm>>
    %dma_start3A_288 = tpu.memref_squeeze %dma_start3A_287 : memref<1x64x128xf32, #tpu.memory_space<hbm>> -> memref<64x128xf32, #tpu.memory_space<hbm>>
    tpu.enqueue_dma source(%dma_start3A_288 : memref<64x128xf32, #tpu.memory_space<hbm>>) target(%arg11 : memref<64x128xf32, #tpu.memory_space<vmem>>) target_semaphore(%arg23 : memref<!tpu.dma_semaphore, #tpu.memory_space<semaphore_mem>>)
    %dma_wait3A_289 = arith.constant 12 : i32
    %dma_wait3A_290 = arith.constant 0 : i32
    %dma_wait3A_291 = tpu.memref_slice %arg2[%dma_wait3A_289, %add3A_4, %dma_wait3A_290] : memref<50x4096x128xf32, #tpu.memory_space<hbm>> -> memref<1x64x128xf32, #tpu.memory_space<hbm>>
    %dma_wait3A_292 = tpu.memref_squeeze %dma_wait3A_291 : memref<1x64x128xf32, #tpu.memory_space<hbm>> -> memref<64x128xf32, #tpu.memory_space<hbm>>
    %dma_wait3A_293 = arith.constant 0 : i32
    %dma_wait3A_294 = tpu.memref_slice %arg2[%dma_wait3A_289, %add3A_4, %dma_wait3A_293] : memref<50x4096x128xf32, #tpu.memory_space<hbm>> -> memref<1x64x128xf32, #tpu.memory_space<hbm>>
    %dma_wait3A_295 = tpu.memref_squeeze %dma_wait3A_294 : memref<1x64x128xf32, #tpu.memory_space<hbm>> -> memref<64x128xf32, #tpu.memory_space<hbm>>
    tpu.wait_dma2 semaphore(%arg22 : memref<!tpu.dma_semaphore, #tpu.memory_space<semaphore_mem>>) src(%dma_wait3A_295 : memref<64x128xf32, #tpu.memory_space<hbm>>) dst(%arg10 : memref<64x128xf32, #tpu.memory_space<vmem>>)
    %dma_start3A_296 = arith.constant 1664 : i32
    %dma_start3A_297 = tpu.memref_slice %arg4[%add3A_4, %dma_start3A_296] : memref<4096x6400xf32, #tpu.memory_space<hbm>> -> memref<64x128xf32, #tpu.memory_space<hbm>>
    %dma_start3A_298 = arith.constant 1664 : i32
    %dma_start3A_299 = tpu.memref_slice %arg4[%add3A_4, %dma_start3A_298] : memref<4096x6400xf32, #tpu.memory_space<hbm>> -> memref<64x128xf32, #tpu.memory_space<hbm>>
    tpu.enqueue_dma source(%arg10 : memref<64x128xf32, #tpu.memory_space<vmem>>) target(%dma_start3A_299 : memref<64x128xf32, #tpu.memory_space<hbm>>) target_semaphore(%arg26 : memref<!tpu.dma_semaphore, #tpu.memory_space<semaphore_mem>>)
    %dma_wait3A_300 = arith.constant 1408 : i32
    %dma_wait3A_301 = tpu.memref_slice %arg4[%add3A_4, %dma_wait3A_300] : memref<4096x6400xf32, #tpu.memory_space<hbm>> -> memref<64x128xf32, #tpu.memory_space<hbm>>
    %dma_wait3A_302 = arith.constant 1408 : i32
    %dma_wait3A_303 = tpu.memref_slice %arg4[%add3A_4, %dma_wait3A_302] : memref<4096x6400xf32, #tpu.memory_space<hbm>> -> memref<64x128xf32, #tpu.memory_space<hbm>>
    tpu.wait_dma2 semaphore(%arg28 : memref<!tpu.dma_semaphore, #tpu.memory_space<semaphore_mem>>) src(%arg12 : memref<64x128xf32, #tpu.memory_space<vmem>>) dst(%dma_wait3A_303 : memref<64x128xf32, #tpu.memory_space<hbm>>)
    %dma_start3A_304 = arith.constant 14 : i32
    %dma_start3A_305 = arith.constant 0 : i32
    %dma_start3A_306 = tpu.memref_slice %arg2[%dma_start3A_304, %add3A_4, %dma_start3A_305] : memref<50x4096x128xf32, #tpu.memory_space<hbm>> -> memref<1x64x128xf32, #tpu.memory_space<hbm>>
    %dma_start3A_307 = tpu.memref_squeeze %dma_start3A_306 : memref<1x64x128xf32, #tpu.memory_space<hbm>> -> memref<64x128xf32, #tpu.memory_space<hbm>>
    %dma_start3A_308 = arith.constant 0 : i32
    %dma_start3A_309 = tpu.memref_slice %arg2[%dma_start3A_304, %add3A_4, %dma_start3A_308] : memref<50x4096x128xf32, #tpu.memory_space<hbm>> -> memref<1x64x128xf32, #tpu.memory_space<hbm>>
    %dma_start3A_310 = tpu.memref_squeeze %dma_start3A_309 : memref<1x64x128xf32, #tpu.memory_space<hbm>> -> memref<64x128xf32, #tpu.memory_space<hbm>>
    tpu.enqueue_dma source(%dma_start3A_310 : memref<64x128xf32, #tpu.memory_space<hbm>>) target(%arg12 : memref<64x128xf32, #tpu.memory_space<vmem>>) target_semaphore(%arg24 : memref<!tpu.dma_semaphore, #tpu.memory_space<semaphore_mem>>)
    %dma_wait3A_311 = arith.constant 13 : i32
    %dma_wait3A_312 = arith.constant 0 : i32
    %dma_wait3A_313 = tpu.memref_slice %arg2[%dma_wait3A_311, %add3A_4, %dma_wait3A_312] : memref<50x4096x128xf32, #tpu.memory_space<hbm>> -> memref<1x64x128xf32, #tpu.memory_space<hbm>>
    %dma_wait3A_314 = tpu.memref_squeeze %dma_wait3A_313 : memref<1x64x128xf32, #tpu.memory_space<hbm>> -> memref<64x128xf32, #tpu.memory_space<hbm>>
    %dma_wait3A_315 = arith.constant 0 : i32
    %dma_wait3A_316 = tpu.memref_slice %arg2[%dma_wait3A_311, %add3A_4, %dma_wait3A_315] : memref<50x4096x128xf32, #tpu.memory_space<hbm>> -> memref<1x64x128xf32, #tpu.memory_space<hbm>>
    %dma_wait3A_317 = tpu.memref_squeeze %dma_wait3A_316 : memref<1x64x128xf32, #tpu.memory_space<hbm>> -> memref<64x128xf32, #tpu.memory_space<hbm>>
    tpu.wait_dma2 semaphore(%arg23 : memref<!tpu.dma_semaphore, #tpu.memory_space<semaphore_mem>>) src(%dma_wait3A_317 : memref<64x128xf32, #tpu.memory_space<hbm>>) dst(%arg11 : memref<64x128xf32, #tpu.memory_space<vmem>>)
    %dma_start3A_318 = arith.constant 1792 : i32
    %dma_start3A_319 = tpu.memref_slice %arg4[%add3A_4, %dma_start3A_318] : memref<4096x6400xf32, #tpu.memory_space<hbm>> -> memref<64x128xf32, #tpu.memory_space<hbm>>
    %dma_start3A_320 = arith.constant 1792 : i32
    %dma_start3A_321 = tpu.memref_slice %arg4[%add3A_4, %dma_start3A_320] : memref<4096x6400xf32, #tpu.memory_space<hbm>> -> memref<64x128xf32, #tpu.memory_space<hbm>>
    tpu.enqueue_dma source(%arg11 : memref<64x128xf32, #tpu.memory_space<vmem>>) target(%dma_start3A_321 : memref<64x128xf32, #tpu.memory_space<hbm>>) target_semaphore(%arg27 : memref<!tpu.dma_semaphore, #tpu.memory_space<semaphore_mem>>)
    %dma_wait3A_322 = arith.constant 1536 : i32
    %dma_wait3A_323 = tpu.memref_slice %arg4[%add3A_4, %dma_wait3A_322] : memref<4096x6400xf32, #tpu.memory_space<hbm>> -> memref<64x128xf32, #tpu.memory_space<hbm>>
    %dma_wait3A_324 = arith.constant 1536 : i32
    %dma_wait3A_325 = tpu.memref_slice %arg4[%add3A_4, %dma_wait3A_324] : memref<4096x6400xf32, #tpu.memory_space<hbm>> -> memref<64x128xf32, #tpu.memory_space<hbm>>
    tpu.wait_dma2 semaphore(%arg25 : memref<!tpu.dma_semaphore, #tpu.memory_space<semaphore_mem>>) src(%arg9 : memref<64x128xf32, #tpu.memory_space<vmem>>) dst(%dma_wait3A_325 : memref<64x128xf32, #tpu.memory_space<hbm>>)
    %dma_start3A_326 = arith.constant 15 : i32
    %dma_start3A_327 = arith.constant 0 : i32
    %dma_start3A_328 = tpu.memref_slice %arg2[%dma_start3A_326, %add3A_4, %dma_start3A_327] : memref<50x4096x128xf32, #tpu.memory_space<hbm>> -> memref<1x64x128xf32, #tpu.memory_space<hbm>>
    %dma_start3A_329 = tpu.memref_squeeze %dma_start3A_328 : memref<1x64x128xf32, #tpu.memory_space<hbm>> -> memref<64x128xf32, #tpu.memory_space<hbm>>
    %dma_start3A_330 = arith.constant 0 : i32
    %dma_start3A_331 = tpu.memref_slice %arg2[%dma_start3A_326, %add3A_4, %dma_start3A_330] : memref<50x4096x128xf32, #tpu.memory_space<hbm>> -> memref<1x64x128xf32, #tpu.memory_space<hbm>>
    %dma_start3A_332 = tpu.memref_squeeze %dma_start3A_331 : memref<1x64x128xf32, #tpu.memory_space<hbm>> -> memref<64x128xf32, #tpu.memory_space<hbm>>
    tpu.enqueue_dma source(%dma_start3A_332 : memref<64x128xf32, #tpu.memory_space<hbm>>) target(%arg9 : memref<64x128xf32, #tpu.memory_space<vmem>>) target_semaphore(%arg21 : memref<!tpu.dma_semaphore, #tpu.memory_space<semaphore_mem>>)
    %dma_wait3A_333 = arith.constant 14 : i32
    %dma_wait3A_334 = arith.constant 0 : i32
    %dma_wait3A_335 = tpu.memref_slice %arg2[%dma_wait3A_333, %add3A_4, %dma_wait3A_334] : memref<50x4096x128xf32, #tpu.memory_space<hbm>> -> memref<1x64x128xf32, #tpu.memory_space<hbm>>
    %dma_wait3A_336 = tpu.memref_squeeze %dma_wait3A_335 : memref<1x64x128xf32, #tpu.memory_space<hbm>> -> memref<64x128xf32, #tpu.memory_space<hbm>>
    %dma_wait3A_337 = arith.constant 0 : i32
    %dma_wait3A_338 = tpu.memref_slice %arg2[%dma_wait3A_333, %add3A_4, %dma_wait3A_337] : memref<50x4096x128xf32, #tpu.memory_space<hbm>> -> memref<1x64x128xf32, #tpu.memory_space<hbm>>
    %dma_wait3A_339 = tpu.memref_squeeze %dma_wait3A_338 : memref<1x64x128xf32, #tpu.memory_space<hbm>> -> memref<64x128xf32, #tpu.memory_space<hbm>>
    tpu.wait_dma2 semaphore(%arg24 : memref<!tpu.dma_semaphore, #tpu.memory_space<semaphore_mem>>) src(%dma_wait3A_339 : memref<64x128xf32, #tpu.memory_space<hbm>>) dst(%arg12 : memref<64x128xf32, #tpu.memory_space<vmem>>)
    %dma_start3A_340 = arith.constant 1920 : i32
    %dma_start3A_341 = tpu.memref_slice %arg4[%add3A_4, %dma_start3A_340] : memref<4096x6400xf32, #tpu.memory_space<hbm>> -> memref<64x128xf32, #tpu.memory_space<hbm>>
    %dma_start3A_342 = arith.constant 1920 : i32
    %dma_start3A_343 = tpu.memref_slice %arg4[%add3A_4, %dma_start3A_342] : memref<4096x6400xf32, #tpu.memory_space<hbm>> -> memref<64x128xf32, #tpu.memory_space<hbm>>
    tpu.enqueue_dma source(%arg12 : memref<64x128xf32, #tpu.memory_space<vmem>>) target(%dma_start3A_343 : memref<64x128xf32, #tpu.memory_space<hbm>>) target_semaphore(%arg28 : memref<!tpu.dma_semaphore, #tpu.memory_space<semaphore_mem>>)
    %dma_wait3A_344 = arith.constant 1664 : i32
    %dma_wait3A_345 = tpu.memref_slice %arg4[%add3A_4, %dma_wait3A_344] : memref<4096x6400xf32, #tpu.memory_space<hbm>> -> memref<64x128xf32, #tpu.memory_space<hbm>>
    %dma_wait3A_346 = arith.constant 1664 : i32
    %dma_wait3A_347 = tpu.memref_slice %arg4[%add3A_4, %dma_wait3A_346] : memref<4096x6400xf32, #tpu.memory_space<hbm>> -> memref<64x128xf32, #tpu.memory_space<hbm>>
    tpu.wait_dma2 semaphore(%arg26 : memref<!tpu.dma_semaphore, #tpu.memory_space<semaphore_mem>>) src(%arg10 : memref<64x128xf32, #tpu.memory_space<vmem>>) dst(%dma_wait3A_347 : memref<64x128xf32, #tpu.memory_space<hbm>>)
    %dma_start3A_348 = arith.constant 16 : i32
    %dma_start3A_349 = arith.constant 0 : i32
    %dma_start3A_350 = tpu.memref_slice %arg2[%dma_start3A_348, %add3A_4, %dma_start3A_349] : memref<50x4096x128xf32, #tpu.memory_space<hbm>> -> memref<1x64x128xf32, #tpu.memory_space<hbm>>
    %dma_start3A_351 = tpu.memref_squeeze %dma_start3A_350 : memref<1x64x128xf32, #tpu.memory_space<hbm>> -> memref<64x128xf32, #tpu.memory_space<hbm>>
    %dma_start3A_352 = arith.constant 0 : i32
    %dma_start3A_353 = tpu.memref_slice %arg2[%dma_start3A_348, %add3A_4, %dma_start3A_352] : memref<50x4096x128xf32, #tpu.memory_space<hbm>> -> memref<1x64x128xf32, #tpu.memory_space<hbm>>
    %dma_start3A_354 = tpu.memref_squeeze %dma_start3A_353 : memref<1x64x128xf32, #tpu.memory_space<hbm>> -> memref<64x128xf32, #tpu.memory_space<hbm>>
    tpu.enqueue_dma source(%dma_start3A_354 : memref<64x128xf32, #tpu.memory_space<hbm>>) target(%arg10 : memref<64x128xf32, #tpu.memory_space<vmem>>) target_semaphore(%arg22 : memref<!tpu.dma_semaphore, #tpu.memory_space<semaphore_mem>>)
    %dma_wait3A_355 = arith.constant 15 : i32
    %dma_wait3A_356 = arith.constant 0 : i32
    %dma_wait3A_357 = tpu.memref_slice %arg2[%dma_wait3A_355, %add3A_4, %dma_wait3A_356] : memref<50x4096x128xf32, #tpu.memory_space<hbm>> -> memref<1x64x128xf32, #tpu.memory_space<hbm>>
    %dma_wait3A_358 = tpu.memref_squeeze %dma_wait3A_357 : memref<1x64x128xf32, #tpu.memory_space<hbm>> -> memref<64x128xf32, #tpu.memory_space<hbm>>
    %dma_wait3A_359 = arith.constant 0 : i32
    %dma_wait3A_360 = tpu.memref_slice %arg2[%dma_wait3A_355, %add3A_4, %dma_wait3A_359] : memref<50x4096x128xf32, #tpu.memory_space<hbm>> -> memref<1x64x128xf32, #tpu.memory_space<hbm>>
    %dma_wait3A_361 = tpu.memref_squeeze %dma_wait3A_360 : memref<1x64x128xf32, #tpu.memory_space<hbm>> -> memref<64x128xf32, #tpu.memory_space<hbm>>
    tpu.wait_dma2 semaphore(%arg21 : memref<!tpu.dma_semaphore, #tpu.memory_space<semaphore_mem>>) src(%dma_wait3A_361 : memref<64x128xf32, #tpu.memory_space<hbm>>) dst(%arg9 : memref<64x128xf32, #tpu.memory_space<vmem>>)
    %dma_start3A_362 = arith.constant 2048 : i32
    %dma_start3A_363 = tpu.memref_slice %arg4[%add3A_4, %dma_start3A_362] : memref<4096x6400xf32, #tpu.memory_space<hbm>> -> memref<64x128xf32, #tpu.memory_space<hbm>>
    %dma_start3A_364 = arith.constant 2048 : i32
    %dma_start3A_365 = tpu.memref_slice %arg4[%add3A_4, %dma_start3A_364] : memref<4096x6400xf32, #tpu.memory_space<hbm>> -> memref<64x128xf32, #tpu.memory_space<hbm>>
    tpu.enqueue_dma source(%arg9 : memref<64x128xf32, #tpu.memory_space<vmem>>) target(%dma_start3A_365 : memref<64x128xf32, #tpu.memory_space<hbm>>) target_semaphore(%arg25 : memref<!tpu.dma_semaphore, #tpu.memory_space<semaphore_mem>>)
    %dma_wait3A_366 = arith.constant 1792 : i32
    %dma_wait3A_367 = tpu.memref_slice %arg4[%add3A_4, %dma_wait3A_366] : memref<4096x6400xf32, #tpu.memory_space<hbm>> -> memref<64x128xf32, #tpu.memory_space<hbm>>
    %dma_wait3A_368 = arith.constant 1792 : i32
    %dma_wait3A_369 = tpu.memref_slice %arg4[%add3A_4, %dma_wait3A_368] : memref<4096x6400xf32, #tpu.memory_space<hbm>> -> memref<64x128xf32, #tpu.memory_space<hbm>>
    tpu.wait_dma2 semaphore(%arg27 : memref<!tpu.dma_semaphore, #tpu.memory_space<semaphore_mem>>) src(%arg11 : memref<64x128xf32, #tpu.memory_space<vmem>>) dst(%dma_wait3A_369 : memref<64x128xf32, #tpu.memory_space<hbm>>)
    %dma_start3A_370 = arith.constant 17 : i32
    %dma_start3A_371 = arith.constant 0 : i32
    %dma_start3A_372 = tpu.memref_slice %arg2[%dma_start3A_370, %add3A_4, %dma_start3A_371] : memref<50x4096x128xf32, #tpu.memory_space<hbm>> -> memref<1x64x128xf32, #tpu.memory_space<hbm>>
    %dma_start3A_373 = tpu.memref_squeeze %dma_start3A_372 : memref<1x64x128xf32, #tpu.memory_space<hbm>> -> memref<64x128xf32, #tpu.memory_space<hbm>>
    %dma_start3A_374 = arith.constant 0 : i32
    %dma_start3A_375 = tpu.memref_slice %arg2[%dma_start3A_370, %add3A_4, %dma_start3A_374] : memref<50x4096x128xf32, #tpu.memory_space<hbm>> -> memref<1x64x128xf32, #tpu.memory_space<hbm>>
    %dma_start3A_376 = tpu.memref_squeeze %dma_start3A_375 : memref<1x64x128xf32, #tpu.memory_space<hbm>> -> memref<64x128xf32, #tpu.memory_space<hbm>>
    tpu.enqueue_dma source(%dma_start3A_376 : memref<64x128xf32, #tpu.memory_space<hbm>>) target(%arg11 : memref<64x128xf32, #tpu.memory_space<vmem>>) target_semaphore(%arg23 : memref<!tpu.dma_semaphore, #tpu.memory_space<semaphore_mem>>)
    %dma_wait3A_377 = arith.constant 16 : i32
    %dma_wait3A_378 = arith.constant 0 : i32
    %dma_wait3A_379 = tpu.memref_slice %arg2[%dma_wait3A_377, %add3A_4, %dma_wait3A_378] : memref<50x4096x128xf32, #tpu.memory_space<hbm>> -> memref<1x64x128xf32, #tpu.memory_space<hbm>>
    %dma_wait3A_380 = tpu.memref_squeeze %dma_wait3A_379 : memref<1x64x128xf32, #tpu.memory_space<hbm>> -> memref<64x128xf32, #tpu.memory_space<hbm>>
    %dma_wait3A_381 = arith.constant 0 : i32
    %dma_wait3A_382 = tpu.memref_slice %arg2[%dma_wait3A_377, %add3A_4, %dma_wait3A_381] : memref<50x4096x128xf32, #tpu.memory_space<hbm>> -> memref<1x64x128xf32, #tpu.memory_space<hbm>>
    %dma_wait3A_383 = tpu.memref_squeeze %dma_wait3A_382 : memref<1x64x128xf32, #tpu.memory_space<hbm>> -> memref<64x128xf32, #tpu.memory_space<hbm>>
    tpu.wait_dma2 semaphore(%arg22 : memref<!tpu.dma_semaphore, #tpu.memory_space<semaphore_mem>>) src(%dma_wait3A_383 : memref<64x128xf32, #tpu.memory_space<hbm>>) dst(%arg10 : memref<64x128xf32, #tpu.memory_space<vmem>>)
    %dma_start3A_384 = arith.constant 2176 : i32
    %dma_start3A_385 = tpu.memref_slice %arg4[%add3A_4, %dma_start3A_384] : memref<4096x6400xf32, #tpu.memory_space<hbm>> -> memref<64x128xf32, #tpu.memory_space<hbm>>
    %dma_start3A_386 = arith.constant 2176 : i32
    %dma_start3A_387 = tpu.memref_slice %arg4[%add3A_4, %dma_start3A_386] : memref<4096x6400xf32, #tpu.memory_space<hbm>> -> memref<64x128xf32, #tpu.memory_space<hbm>>
    tpu.enqueue_dma source(%arg10 : memref<64x128xf32, #tpu.memory_space<vmem>>) target(%dma_start3A_387 : memref<64x128xf32, #tpu.memory_space<hbm>>) target_semaphore(%arg26 : memref<!tpu.dma_semaphore, #tpu.memory_space<semaphore_mem>>)
    %dma_wait3A_388 = arith.constant 1920 : i32
    %dma_wait3A_389 = tpu.memref_slice %arg4[%add3A_4, %dma_wait3A_388] : memref<4096x6400xf32, #tpu.memory_space<hbm>> -> memref<64x128xf32, #tpu.memory_space<hbm>>
    %dma_wait3A_390 = arith.constant 1920 : i32
    %dma_wait3A_391 = tpu.memref_slice %arg4[%add3A_4, %dma_wait3A_390] : memref<4096x6400xf32, #tpu.memory_space<hbm>> -> memref<64x128xf32, #tpu.memory_space<hbm>>
    tpu.wait_dma2 semaphore(%arg28 : memref<!tpu.dma_semaphore, #tpu.memory_space<semaphore_mem>>) src(%arg12 : memref<64x128xf32, #tpu.memory_space<vmem>>) dst(%dma_wait3A_391 : memref<64x128xf32, #tpu.memory_space<hbm>>)
    %dma_start3A_392 = arith.constant 18 : i32
    %dma_start3A_393 = arith.constant 0 : i32
    %dma_start3A_394 = tpu.memref_slice %arg2[%dma_start3A_392, %add3A_4, %dma_start3A_393] : memref<50x4096x128xf32, #tpu.memory_space<hbm>> -> memref<1x64x128xf32, #tpu.memory_space<hbm>>
    %dma_start3A_395 = tpu.memref_squeeze %dma_start3A_394 : memref<1x64x128xf32, #tpu.memory_space<hbm>> -> memref<64x128xf32, #tpu.memory_space<hbm>>
    %dma_start3A_396 = arith.constant 0 : i32
    %dma_start3A_397 = tpu.memref_slice %arg2[%dma_start3A_392, %add3A_4, %dma_start3A_396] : memref<50x4096x128xf32, #tpu.memory_space<hbm>> -> memref<1x64x128xf32, #tpu.memory_space<hbm>>
    %dma_start3A_398 = tpu.memref_squeeze %dma_start3A_397 : memref<1x64x128xf32, #tpu.memory_space<hbm>> -> memref<64x128xf32, #tpu.memory_space<hbm>>
    tpu.enqueue_dma source(%dma_start3A_398 : memref<64x128xf32, #tpu.memory_space<hbm>>) target(%arg12 : memref<64x128xf32, #tpu.memory_space<vmem>>) target_semaphore(%arg24 : memref<!tpu.dma_semaphore, #tpu.memory_space<semaphore_mem>>)
    %dma_wait3A_399 = arith.constant 17 : i32
    %dma_wait3A_400 = arith.constant 0 : i32
    %dma_wait3A_401 = tpu.memref_slice %arg2[%dma_wait3A_399, %add3A_4, %dma_wait3A_400] : memref<50x4096x128xf32, #tpu.memory_space<hbm>> -> memref<1x64x128xf32, #tpu.memory_space<hbm>>
    %dma_wait3A_402 = tpu.memref_squeeze %dma_wait3A_401 : memref<1x64x128xf32, #tpu.memory_space<hbm>> -> memref<64x128xf32, #tpu.memory_space<hbm>>
    %dma_wait3A_403 = arith.constant 0 : i32
    %dma_wait3A_404 = tpu.memref_slice %arg2[%dma_wait3A_399, %add3A_4, %dma_wait3A_403] : memref<50x4096x128xf32, #tpu.memory_space<hbm>> -> memref<1x64x128xf32, #tpu.memory_space<hbm>>
    %dma_wait3A_405 = tpu.memref_squeeze %dma_wait3A_404 : memref<1x64x128xf32, #tpu.memory_space<hbm>> -> memref<64x128xf32, #tpu.memory_space<hbm>>
    tpu.wait_dma2 semaphore(%arg23 : memref<!tpu.dma_semaphore, #tpu.memory_space<semaphore_mem>>) src(%dma_wait3A_405 : memref<64x128xf32, #tpu.memory_space<hbm>>) dst(%arg11 : memref<64x128xf32, #tpu.memory_space<vmem>>)
    %dma_start3A_406 = arith.constant 2304 : i32
    %dma_start3A_407 = tpu.memref_slice %arg4[%add3A_4, %dma_start3A_406] : memref<4096x6400xf32, #tpu.memory_space<hbm>> -> memref<64x128xf32, #tpu.memory_space<hbm>>
    %dma_start3A_408 = arith.constant 2304 : i32
    %dma_start3A_409 = tpu.memref_slice %arg4[%add3A_4, %dma_start3A_408] : memref<4096x6400xf32, #tpu.memory_space<hbm>> -> memref<64x128xf32, #tpu.memory_space<hbm>>
    tpu.enqueue_dma source(%arg11 : memref<64x128xf32, #tpu.memory_space<vmem>>) target(%dma_start3A_409 : memref<64x128xf32, #tpu.memory_space<hbm>>) target_semaphore(%arg27 : memref<!tpu.dma_semaphore, #tpu.memory_space<semaphore_mem>>)
    %dma_wait3A_410 = arith.constant 2048 : i32
    %dma_wait3A_411 = tpu.memref_slice %arg4[%add3A_4, %dma_wait3A_410] : memref<4096x6400xf32, #tpu.memory_space<hbm>> -> memref<64x128xf32, #tpu.memory_space<hbm>>
    %dma_wait3A_412 = arith.constant 2048 : i32
    %dma_wait3A_413 = tpu.memref_slice %arg4[%add3A_4, %dma_wait3A_412] : memref<4096x6400xf32, #tpu.memory_space<hbm>> -> memref<64x128xf32, #tpu.memory_space<hbm>>
    tpu.wait_dma2 semaphore(%arg25 : memref<!tpu.dma_semaphore, #tpu.memory_space<semaphore_mem>>) src(%arg9 : memref<64x128xf32, #tpu.memory_space<vmem>>) dst(%dma_wait3A_413 : memref<64x128xf32, #tpu.memory_space<hbm>>)
    %dma_start3A_414 = arith.constant 19 : i32
    %dma_start3A_415 = arith.constant 0 : i32
    %dma_start3A_416 = tpu.memref_slice %arg2[%dma_start3A_414, %add3A_4, %dma_start3A_415] : memref<50x4096x128xf32, #tpu.memory_space<hbm>> -> memref<1x64x128xf32, #tpu.memory_space<hbm>>
    %dma_start3A_417 = tpu.memref_squeeze %dma_start3A_416 : memref<1x64x128xf32, #tpu.memory_space<hbm>> -> memref<64x128xf32, #tpu.memory_space<hbm>>
    %dma_start3A_418 = arith.constant 0 : i32
    %dma_start3A_419 = tpu.memref_slice %arg2[%dma_start3A_414, %add3A_4, %dma_start3A_418] : memref<50x4096x128xf32, #tpu.memory_space<hbm>> -> memref<1x64x128xf32, #tpu.memory_space<hbm>>
    %dma_start3A_420 = tpu.memref_squeeze %dma_start3A_419 : memref<1x64x128xf32, #tpu.memory_space<hbm>> -> memref<64x128xf32, #tpu.memory_space<hbm>>
    tpu.enqueue_dma source(%dma_start3A_420 : memref<64x128xf32, #tpu.memory_space<hbm>>) target(%arg9 : memref<64x128xf32, #tpu.memory_space<vmem>>) target_semaphore(%arg21 : memref<!tpu.dma_semaphore, #tpu.memory_space<semaphore_mem>>)
    %dma_wait3A_421 = arith.constant 18 : i32
    %dma_wait3A_422 = arith.constant 0 : i32
    %dma_wait3A_423 = tpu.memref_slice %arg2[%dma_wait3A_421, %add3A_4, %dma_wait3A_422] : memref<50x4096x128xf32, #tpu.memory_space<hbm>> -> memref<1x64x128xf32, #tpu.memory_space<hbm>>
    %dma_wait3A_424 = tpu.memref_squeeze %dma_wait3A_423 : memref<1x64x128xf32, #tpu.memory_space<hbm>> -> memref<64x128xf32, #tpu.memory_space<hbm>>
    %dma_wait3A_425 = arith.constant 0 : i32
    %dma_wait3A_426 = tpu.memref_slice %arg2[%dma_wait3A_421, %add3A_4, %dma_wait3A_425] : memref<50x4096x128xf32, #tpu.memory_space<hbm>> -> memref<1x64x128xf32, #tpu.memory_space<hbm>>
    %dma_wait3A_427 = tpu.memref_squeeze %dma_wait3A_426 : memref<1x64x128xf32, #tpu.memory_space<hbm>> -> memref<64x128xf32, #tpu.memory_space<hbm>>
    tpu.wait_dma2 semaphore(%arg24 : memref<!tpu.dma_semaphore, #tpu.memory_space<semaphore_mem>>) src(%dma_wait3A_427 : memref<64x128xf32, #tpu.memory_space<hbm>>) dst(%arg12 : memref<64x128xf32, #tpu.memory_space<vmem>>)
    %dma_start3A_428 = arith.constant 2432 : i32
    %dma_start3A_429 = tpu.memref_slice %arg4[%add3A_4, %dma_start3A_428] : memref<4096x6400xf32, #tpu.memory_space<hbm>> -> memref<64x128xf32, #tpu.memory_space<hbm>>
    %dma_start3A_430 = arith.constant 2432 : i32
    %dma_start3A_431 = tpu.memref_slice %arg4[%add3A_4, %dma_start3A_430] : memref<4096x6400xf32, #tpu.memory_space<hbm>> -> memref<64x128xf32, #tpu.memory_space<hbm>>
    tpu.enqueue_dma source(%arg12 : memref<64x128xf32, #tpu.memory_space<vmem>>) target(%dma_start3A_431 : memref<64x128xf32, #tpu.memory_space<hbm>>) target_semaphore(%arg28 : memref<!tpu.dma_semaphore, #tpu.memory_space<semaphore_mem>>)
    %dma_wait3A_432 = arith.constant 2176 : i32
    %dma_wait3A_433 = tpu.memref_slice %arg4[%add3A_4, %dma_wait3A_432] : memref<4096x6400xf32, #tpu.memory_space<hbm>> -> memref<64x128xf32, #tpu.memory_space<hbm>>
    %dma_wait3A_434 = arith.constant 2176 : i32
    %dma_wait3A_435 = tpu.memref_slice %arg4[%add3A_4, %dma_wait3A_434] : memref<4096x6400xf32, #tpu.memory_space<hbm>> -> memref<64x128xf32, #tpu.memory_space<hbm>>
    tpu.wait_dma2 semaphore(%arg26 : memref<!tpu.dma_semaphore, #tpu.memory_space<semaphore_mem>>) src(%arg10 : memref<64x128xf32, #tpu.memory_space<vmem>>) dst(%dma_wait3A_435 : memref<64x128xf32, #tpu.memory_space<hbm>>)
    %dma_start3A_436 = arith.constant 20 : i32
    %dma_start3A_437 = arith.constant 0 : i32
    %dma_start3A_438 = tpu.memref_slice %arg2[%dma_start3A_436, %add3A_4, %dma_start3A_437] : memref<50x4096x128xf32, #tpu.memory_space<hbm>> -> memref<1x64x128xf32, #tpu.memory_space<hbm>>
    %dma_start3A_439 = tpu.memref_squeeze %dma_start3A_438 : memref<1x64x128xf32, #tpu.memory_space<hbm>> -> memref<64x128xf32, #tpu.memory_space<hbm>>
    %dma_start3A_440 = arith.constant 0 : i32
    %dma_start3A_441 = tpu.memref_slice %arg2[%dma_start3A_436, %add3A_4, %dma_start3A_440] : memref<50x4096x128xf32, #tpu.memory_space<hbm>> -> memref<1x64x128xf32, #tpu.memory_space<hbm>>
    %dma_start3A_442 = tpu.memref_squeeze %dma_start3A_441 : memref<1x64x128xf32, #tpu.memory_space<hbm>> -> memref<64x128xf32, #tpu.memory_space<hbm>>
    tpu.enqueue_dma source(%dma_start3A_442 : memref<64x128xf32, #tpu.memory_space<hbm>>) target(%arg10 : memref<64x128xf32, #tpu.memory_space<vmem>>) target_semaphore(%arg22 : memref<!tpu.dma_semaphore, #tpu.memory_space<semaphore_mem>>)
    %dma_wait3A_443 = arith.constant 19 : i32
    %dma_wait3A_444 = arith.constant 0 : i32
    %dma_wait3A_445 = tpu.memref_slice %arg2[%dma_wait3A_443, %add3A_4, %dma_wait3A_444] : memref<50x4096x128xf32, #tpu.memory_space<hbm>> -> memref<1x64x128xf32, #tpu.memory_space<hbm>>
    %dma_wait3A_446 = tpu.memref_squeeze %dma_wait3A_445 : memref<1x64x128xf32, #tpu.memory_space<hbm>> -> memref<64x128xf32, #tpu.memory_space<hbm>>
    %dma_wait3A_447 = arith.constant 0 : i32
    %dma_wait3A_448 = tpu.memref_slice %arg2[%dma_wait3A_443, %add3A_4, %dma_wait3A_447] : memref<50x4096x128xf32, #tpu.memory_space<hbm>> -> memref<1x64x128xf32, #tpu.memory_space<hbm>>
    %dma_wait3A_449 = tpu.memref_squeeze %dma_wait3A_448 : memref<1x64x128xf32, #tpu.memory_space<hbm>> -> memref<64x128xf32, #tpu.memory_space<hbm>>
    tpu.wait_dma2 semaphore(%arg21 : memref<!tpu.dma_semaphore, #tpu.memory_space<semaphore_mem>>) src(%dma_wait3A_449 : memref<64x128xf32, #tpu.memory_space<hbm>>) dst(%arg9 : memref<64x128xf32, #tpu.memory_space<vmem>>)
    %dma_start3A_450 = arith.constant 2560 : i32
    %dma_start3A_451 = tpu.memref_slice %arg4[%add3A_4, %dma_start3A_450] : memref<4096x6400xf32, #tpu.memory_space<hbm>> -> memref<64x128xf32, #tpu.memory_space<hbm>>
    %dma_start3A_452 = arith.constant 2560 : i32
    %dma_start3A_453 = tpu.memref_slice %arg4[%add3A_4, %dma_start3A_452] : memref<4096x6400xf32, #tpu.memory_space<hbm>> -> memref<64x128xf32, #tpu.memory_space<hbm>>
    tpu.enqueue_dma source(%arg9 : memref<64x128xf32, #tpu.memory_space<vmem>>) target(%dma_start3A_453 : memref<64x128xf32, #tpu.memory_space<hbm>>) target_semaphore(%arg25 : memref<!tpu.dma_semaphore, #tpu.memory_space<semaphore_mem>>)
    %dma_wait3A_454 = arith.constant 2304 : i32
    %dma_wait3A_455 = tpu.memref_slice %arg4[%add3A_4, %dma_wait3A_454] : memref<4096x6400xf32, #tpu.memory_space<hbm>> -> memref<64x128xf32, #tpu.memory_space<hbm>>
    %dma_wait3A_456 = arith.constant 2304 : i32
    %dma_wait3A_457 = tpu.memref_slice %arg4[%add3A_4, %dma_wait3A_456] : memref<4096x6400xf32, #tpu.memory_space<hbm>> -> memref<64x128xf32, #tpu.memory_space<hbm>>
    tpu.wait_dma2 semaphore(%arg27 : memref<!tpu.dma_semaphore, #tpu.memory_space<semaphore_mem>>) src(%arg11 : memref<64x128xf32, #tpu.memory_space<vmem>>) dst(%dma_wait3A_457 : memref<64x128xf32, #tpu.memory_space<hbm>>)
    %dma_start3A_458 = arith.constant 21 : i32
    %dma_start3A_459 = arith.constant 0 : i32
    %dma_start3A_460 = tpu.memref_slice %arg2[%dma_start3A_458, %add3A_4, %dma_start3A_459] : memref<50x4096x128xf32, #tpu.memory_space<hbm>> -> memref<1x64x128xf32, #tpu.memory_space<hbm>>
    %dma_start3A_461 = tpu.memref_squeeze %dma_start3A_460 : memref<1x64x128xf32, #tpu.memory_space<hbm>> -> memref<64x128xf32, #tpu.memory_space<hbm>>
    %dma_start3A_462 = arith.constant 0 : i32
    %dma_start3A_463 = tpu.memref_slice %arg2[%dma_start3A_458, %add3A_4, %dma_start3A_462] : memref<50x4096x128xf32, #tpu.memory_space<hbm>> -> memref<1x64x128xf32, #tpu.memory_space<hbm>>
    %dma_start3A_464 = tpu.memref_squeeze %dma_start3A_463 : memref<1x64x128xf32, #tpu.memory_space<hbm>> -> memref<64x128xf32, #tpu.memory_space<hbm>>
    tpu.enqueue_dma source(%dma_start3A_464 : memref<64x128xf32, #tpu.memory_space<hbm>>) target(%arg11 : memref<64x128xf32, #tpu.memory_space<vmem>>) target_semaphore(%arg23 : memref<!tpu.dma_semaphore, #tpu.memory_space<semaphore_mem>>)
    %dma_wait3A_465 = arith.constant 20 : i32
    %dma_wait3A_466 = arith.constant 0 : i32
    %dma_wait3A_467 = tpu.memref_slice %arg2[%dma_wait3A_465, %add3A_4, %dma_wait3A_466] : memref<50x4096x128xf32, #tpu.memory_space<hbm>> -> memref<1x64x128xf32, #tpu.memory_space<hbm>>
    %dma_wait3A_468 = tpu.memref_squeeze %dma_wait3A_467 : memref<1x64x128xf32, #tpu.memory_space<hbm>> -> memref<64x128xf32, #tpu.memory_space<hbm>>
    %dma_wait3A_469 = arith.constant 0 : i32
    %dma_wait3A_470 = tpu.memref_slice %arg2[%dma_wait3A_465, %add3A_4, %dma_wait3A_469] : memref<50x4096x128xf32, #tpu.memory_space<hbm>> -> memref<1x64x128xf32, #tpu.memory_space<hbm>>
    %dma_wait3A_471 = tpu.memref_squeeze %dma_wait3A_470 : memref<1x64x128xf32, #tpu.memory_space<hbm>> -> memref<64x128xf32, #tpu.memory_space<hbm>>
    tpu.wait_dma2 semaphore(%arg22 : memref<!tpu.dma_semaphore, #tpu.memory_space<semaphore_mem>>) src(%dma_wait3A_471 : memref<64x128xf32, #tpu.memory_space<hbm>>) dst(%arg10 : memref<64x128xf32, #tpu.memory_space<vmem>>)
    %dma_start3A_472 = arith.constant 2688 : i32
    %dma_start3A_473 = tpu.memref_slice %arg4[%add3A_4, %dma_start3A_472] : memref<4096x6400xf32, #tpu.memory_space<hbm>> -> memref<64x128xf32, #tpu.memory_space<hbm>>
    %dma_start3A_474 = arith.constant 2688 : i32
    %dma_start3A_475 = tpu.memref_slice %arg4[%add3A_4, %dma_start3A_474] : memref<4096x6400xf32, #tpu.memory_space<hbm>> -> memref<64x128xf32, #tpu.memory_space<hbm>>
    tpu.enqueue_dma source(%arg10 : memref<64x128xf32, #tpu.memory_space<vmem>>) target(%dma_start3A_475 : memref<64x128xf32, #tpu.memory_space<hbm>>) target_semaphore(%arg26 : memref<!tpu.dma_semaphore, #tpu.memory_space<semaphore_mem>>)
    %dma_wait3A_476 = arith.constant 2432 : i32
    %dma_wait3A_477 = tpu.memref_slice %arg4[%add3A_4, %dma_wait3A_476] : memref<4096x6400xf32, #tpu.memory_space<hbm>> -> memref<64x128xf32, #tpu.memory_space<hbm>>
    %dma_wait3A_478 = arith.constant 2432 : i32
    %dma_wait3A_479 = tpu.memref_slice %arg4[%add3A_4, %dma_wait3A_478] : memref<4096x6400xf32, #tpu.memory_space<hbm>> -> memref<64x128xf32, #tpu.memory_space<hbm>>
    tpu.wait_dma2 semaphore(%arg28 : memref<!tpu.dma_semaphore, #tpu.memory_space<semaphore_mem>>) src(%arg12 : memref<64x128xf32, #tpu.memory_space<vmem>>) dst(%dma_wait3A_479 : memref<64x128xf32, #tpu.memory_space<hbm>>)
    %dma_start3A_480 = arith.constant 22 : i32
    %dma_start3A_481 = arith.constant 0 : i32
    %dma_start3A_482 = tpu.memref_slice %arg2[%dma_start3A_480, %add3A_4, %dma_start3A_481] : memref<50x4096x128xf32, #tpu.memory_space<hbm>> -> memref<1x64x128xf32, #tpu.memory_space<hbm>>
    %dma_start3A_483 = tpu.memref_squeeze %dma_start3A_482 : memref<1x64x128xf32, #tpu.memory_space<hbm>> -> memref<64x128xf32, #tpu.memory_space<hbm>>
    %dma_start3A_484 = arith.constant 0 : i32
    %dma_start3A_485 = tpu.memref_slice %arg2[%dma_start3A_480, %add3A_4, %dma_start3A_484] : memref<50x4096x128xf32, #tpu.memory_space<hbm>> -> memref<1x64x128xf32, #tpu.memory_space<hbm>>
    %dma_start3A_486 = tpu.memref_squeeze %dma_start3A_485 : memref<1x64x128xf32, #tpu.memory_space<hbm>> -> memref<64x128xf32, #tpu.memory_space<hbm>>
    tpu.enqueue_dma source(%dma_start3A_486 : memref<64x128xf32, #tpu.memory_space<hbm>>) target(%arg12 : memref<64x128xf32, #tpu.memory_space<vmem>>) target_semaphore(%arg24 : memref<!tpu.dma_semaphore, #tpu.memory_space<semaphore_mem>>)
    %dma_wait3A_487 = arith.constant 21 : i32
    %dma_wait3A_488 = arith.constant 0 : i32
    %dma_wait3A_489 = tpu.memref_slice %arg2[%dma_wait3A_487, %add3A_4, %dma_wait3A_488] : memref<50x4096x128xf32, #tpu.memory_space<hbm>> -> memref<1x64x128xf32, #tpu.memory_space<hbm>>
    %dma_wait3A_490 = tpu.memref_squeeze %dma_wait3A_489 : memref<1x64x128xf32, #tpu.memory_space<hbm>> -> memref<64x128xf32, #tpu.memory_space<hbm>>
    %dma_wait3A_491 = arith.constant 0 : i32
    %dma_wait3A_492 = tpu.memref_slice %arg2[%dma_wait3A_487, %add3A_4, %dma_wait3A_491] : memref<50x4096x128xf32, #tpu.memory_space<hbm>> -> memref<1x64x128xf32, #tpu.memory_space<hbm>>
    %dma_wait3A_493 = tpu.memref_squeeze %dma_wait3A_492 : memref<1x64x128xf32, #tpu.memory_space<hbm>> -> memref<64x128xf32, #tpu.memory_space<hbm>>
    tpu.wait_dma2 semaphore(%arg23 : memref<!tpu.dma_semaphore, #tpu.memory_space<semaphore_mem>>) src(%dma_wait3A_493 : memref<64x128xf32, #tpu.memory_space<hbm>>) dst(%arg11 : memref<64x128xf32, #tpu.memory_space<vmem>>)
    %dma_start3A_494 = arith.constant 2816 : i32
    %dma_start3A_495 = tpu.memref_slice %arg4[%add3A_4, %dma_start3A_494] : memref<4096x6400xf32, #tpu.memory_space<hbm>> -> memref<64x128xf32, #tpu.memory_space<hbm>>
    %dma_start3A_496 = arith.constant 2816 : i32
    %dma_start3A_497 = tpu.memref_slice %arg4[%add3A_4, %dma_start3A_496] : memref<4096x6400xf32, #tpu.memory_space<hbm>> -> memref<64x128xf32, #tpu.memory_space<hbm>>
    tpu.enqueue_dma source(%arg11 : memref<64x128xf32, #tpu.memory_space<vmem>>) target(%dma_start3A_497 : memref<64x128xf32, #tpu.memory_space<hbm>>) target_semaphore(%arg27 : memref<!tpu.dma_semaphore, #tpu.memory_space<semaphore_mem>>)
    %dma_wait3A_498 = arith.constant 2560 : i32
    %dma_wait3A_499 = tpu.memref_slice %arg4[%add3A_4, %dma_wait3A_498] : memref<4096x6400xf32, #tpu.memory_space<hbm>> -> memref<64x128xf32, #tpu.memory_space<hbm>>
    %dma_wait3A_500 = arith.constant 2560 : i32
    %dma_wait3A_501 = tpu.memref_slice %arg4[%add3A_4, %dma_wait3A_500] : memref<4096x6400xf32, #tpu.memory_space<hbm>> -> memref<64x128xf32, #tpu.memory_space<hbm>>
    tpu.wait_dma2 semaphore(%arg25 : memref<!tpu.dma_semaphore, #tpu.memory_space<semaphore_mem>>) src(%arg9 : memref<64x128xf32, #tpu.memory_space<vmem>>) dst(%dma_wait3A_501 : memref<64x128xf32, #tpu.memory_space<hbm>>)
    %dma_start3A_502 = arith.constant 23 : i32
    %dma_start3A_503 = arith.constant 0 : i32
    %dma_start3A_504 = tpu.memref_slice %arg2[%dma_start3A_502, %add3A_4, %dma_start3A_503] : memref<50x4096x128xf32, #tpu.memory_space<hbm>> -> memref<1x64x128xf32, #tpu.memory_space<hbm>>
    %dma_start3A_505 = tpu.memref_squeeze %dma_start3A_504 : memref<1x64x128xf32, #tpu.memory_space<hbm>> -> memref<64x128xf32, #tpu.memory_space<hbm>>
    %dma_start3A_506 = arith.constant 0 : i32
    %dma_start3A_507 = tpu.memref_slice %arg2[%dma_start3A_502, %add3A_4, %dma_start3A_506] : memref<50x4096x128xf32, #tpu.memory_space<hbm>> -> memref<1x64x128xf32, #tpu.memory_space<hbm>>
    %dma_start3A_508 = tpu.memref_squeeze %dma_start3A_507 : memref<1x64x128xf32, #tpu.memory_space<hbm>> -> memref<64x128xf32, #tpu.memory_space<hbm>>
    tpu.enqueue_dma source(%dma_start3A_508 : memref<64x128xf32, #tpu.memory_space<hbm>>) target(%arg9 : memref<64x128xf32, #tpu.memory_space<vmem>>) target_semaphore(%arg21 : memref<!tpu.dma_semaphore, #tpu.memory_space<semaphore_mem>>)
    %dma_wait3A_509 = arith.constant 22 : i32
    %dma_wait3A_510 = arith.constant 0 : i32
    %dma_wait3A_511 = tpu.memref_slice %arg2[%dma_wait3A_509, %add3A_4, %dma_wait3A_510] : memref<50x4096x128xf32, #tpu.memory_space<hbm>> -> memref<1x64x128xf32, #tpu.memory_space<hbm>>
    %dma_wait3A_512 = tpu.memref_squeeze %dma_wait3A_511 : memref<1x64x128xf32, #tpu.memory_space<hbm>> -> memref<64x128xf32, #tpu.memory_space<hbm>>
    %dma_wait3A_513 = arith.constant 0 : i32
    %dma_wait3A_514 = tpu.memref_slice %arg2[%dma_wait3A_509, %add3A_4, %dma_wait3A_513] : memref<50x4096x128xf32, #tpu.memory_space<hbm>> -> memref<1x64x128xf32, #tpu.memory_space<hbm>>
    %dma_wait3A_515 = tpu.memref_squeeze %dma_wait3A_514 : memref<1x64x128xf32, #tpu.memory_space<hbm>> -> memref<64x128xf32, #tpu.memory_space<hbm>>
    tpu.wait_dma2 semaphore(%arg24 : memref<!tpu.dma_semaphore, #tpu.memory_space<semaphore_mem>>) src(%dma_wait3A_515 : memref<64x128xf32, #tpu.memory_space<hbm>>) dst(%arg12 : memref<64x128xf32, #tpu.memory_space<vmem>>)
    %dma_start3A_516 = arith.constant 2944 : i32
    %dma_start3A_517 = tpu.memref_slice %arg4[%add3A_4, %dma_start3A_516] : memref<4096x6400xf32, #tpu.memory_space<hbm>> -> memref<64x128xf32, #tpu.memory_space<hbm>>
    %dma_start3A_518 = arith.constant 2944 : i32
    %dma_start3A_519 = tpu.memref_slice %arg4[%add3A_4, %dma_start3A_518] : memref<4096x6400xf32, #tpu.memory_space<hbm>> -> memref<64x128xf32, #tpu.memory_space<hbm>>
    tpu.enqueue_dma source(%arg12 : memref<64x128xf32, #tpu.memory_space<vmem>>) target(%dma_start3A_519 : memref<64x128xf32, #tpu.memory_space<hbm>>) target_semaphore(%arg28 : memref<!tpu.dma_semaphore, #tpu.memory_space<semaphore_mem>>)
    %dma_wait3A_520 = arith.constant 2688 : i32
    %dma_wait3A_521 = tpu.memref_slice %arg4[%add3A_4, %dma_wait3A_520] : memref<4096x6400xf32, #tpu.memory_space<hbm>> -> memref<64x128xf32, #tpu.memory_space<hbm>>
    %dma_wait3A_522 = arith.constant 2688 : i32
    %dma_wait3A_523 = tpu.memref_slice %arg4[%add3A_4, %dma_wait3A_522] : memref<4096x6400xf32, #tpu.memory_space<hbm>> -> memref<64x128xf32, #tpu.memory_space<hbm>>
    tpu.wait_dma2 semaphore(%arg26 : memref<!tpu.dma_semaphore, #tpu.memory_space<semaphore_mem>>) src(%arg10 : memref<64x128xf32, #tpu.memory_space<vmem>>) dst(%dma_wait3A_523 : memref<64x128xf32, #tpu.memory_space<hbm>>)
    %dma_start3A_524 = arith.constant 24 : i32
    %dma_start3A_525 = arith.constant 0 : i32
    %dma_start3A_526 = tpu.memref_slice %arg2[%dma_start3A_524, %add3A_4, %dma_start3A_525] : memref<50x4096x128xf32, #tpu.memory_space<hbm>> -> memref<1x64x128xf32, #tpu.memory_space<hbm>>
    %dma_start3A_527 = tpu.memref_squeeze %dma_start3A_526 : memref<1x64x128xf32, #tpu.memory_space<hbm>> -> memref<64x128xf32, #tpu.memory_space<hbm>>
    %dma_start3A_528 = arith.constant 0 : i32
    %dma_start3A_529 = tpu.memref_slice %arg2[%dma_start3A_524, %add3A_4, %dma_start3A_528] : memref<50x4096x128xf32, #tpu.memory_space<hbm>> -> memref<1x64x128xf32, #tpu.memory_space<hbm>>
    %dma_start3A_530 = tpu.memref_squeeze %dma_start3A_529 : memref<1x64x128xf32, #tpu.memory_space<hbm>> -> memref<64x128xf32, #tpu.memory_space<hbm>>
    tpu.enqueue_dma source(%dma_start3A_530 : memref<64x128xf32, #tpu.memory_space<hbm>>) target(%arg10 : memref<64x128xf32, #tpu.memory_space<vmem>>) target_semaphore(%arg22 : memref<!tpu.dma_semaphore, #tpu.memory_space<semaphore_mem>>)
    %dma_wait3A_531 = arith.constant 23 : i32
    %dma_wait3A_532 = arith.constant 0 : i32
    %dma_wait3A_533 = tpu.memref_slice %arg2[%dma_wait3A_531, %add3A_4, %dma_wait3A_532] : memref<50x4096x128xf32, #tpu.memory_space<hbm>> -> memref<1x64x128xf32, #tpu.memory_space<hbm>>
    %dma_wait3A_534 = tpu.memref_squeeze %dma_wait3A_533 : memref<1x64x128xf32, #tpu.memory_space<hbm>> -> memref<64x128xf32, #tpu.memory_space<hbm>>
    %dma_wait3A_535 = arith.constant 0 : i32
    %dma_wait3A_536 = tpu.memref_slice %arg2[%dma_wait3A_531, %add3A_4, %dma_wait3A_535] : memref<50x4096x128xf32, #tpu.memory_space<hbm>> -> memref<1x64x128xf32, #tpu.memory_space<hbm>>
    %dma_wait3A_537 = tpu.memref_squeeze %dma_wait3A_536 : memref<1x64x128xf32, #tpu.memory_space<hbm>> -> memref<64x128xf32, #tpu.memory_space<hbm>>
    tpu.wait_dma2 semaphore(%arg21 : memref<!tpu.dma_semaphore, #tpu.memory_space<semaphore_mem>>) src(%dma_wait3A_537 : memref<64x128xf32, #tpu.memory_space<hbm>>) dst(%arg9 : memref<64x128xf32, #tpu.memory_space<vmem>>)
    %dma_start3A_538 = arith.constant 3072 : i32
    %dma_start3A_539 = tpu.memref_slice %arg4[%add3A_4, %dma_start3A_538] : memref<4096x6400xf32, #tpu.memory_space<hbm>> -> memref<64x128xf32, #tpu.memory_space<hbm>>
    %dma_start3A_540 = arith.constant 3072 : i32
    %dma_start3A_541 = tpu.memref_slice %arg4[%add3A_4, %dma_start3A_540] : memref<4096x6400xf32, #tpu.memory_space<hbm>> -> memref<64x128xf32, #tpu.memory_space<hbm>>
    tpu.enqueue_dma source(%arg9 : memref<64x128xf32, #tpu.memory_space<vmem>>) target(%dma_start3A_541 : memref<64x128xf32, #tpu.memory_space<hbm>>) target_semaphore(%arg25 : memref<!tpu.dma_semaphore, #tpu.memory_space<semaphore_mem>>)
    %dma_wait3A_542 = arith.constant 2816 : i32
    %dma_wait3A_543 = tpu.memref_slice %arg4[%add3A_4, %dma_wait3A_542] : memref<4096x6400xf32, #tpu.memory_space<hbm>> -> memref<64x128xf32, #tpu.memory_space<hbm>>
    %dma_wait3A_544 = arith.constant 2816 : i32
    %dma_wait3A_545 = tpu.memref_slice %arg4[%add3A_4, %dma_wait3A_544] : memref<4096x6400xf32, #tpu.memory_space<hbm>> -> memref<64x128xf32, #tpu.memory_space<hbm>>
    tpu.wait_dma2 semaphore(%arg27 : memref<!tpu.dma_semaphore, #tpu.memory_space<semaphore_mem>>) src(%arg11 : memref<64x128xf32, #tpu.memory_space<vmem>>) dst(%dma_wait3A_545 : memref<64x128xf32, #tpu.memory_space<hbm>>)
    %dma_start3A_546 = arith.constant 25 : i32
    %dma_start3A_547 = arith.constant 0 : i32
    %dma_start3A_548 = tpu.memref_slice %arg2[%dma_start3A_546, %add3A_4, %dma_start3A_547] : memref<50x4096x128xf32, #tpu.memory_space<hbm>> -> memref<1x64x128xf32, #tpu.memory_space<hbm>>
    %dma_start3A_549 = tpu.memref_squeeze %dma_start3A_548 : memref<1x64x128xf32, #tpu.memory_space<hbm>> -> memref<64x128xf32, #tpu.memory_space<hbm>>
    %dma_start3A_550 = arith.constant 0 : i32
    %dma_start3A_551 = tpu.memref_slice %arg2[%dma_start3A_546, %add3A_4, %dma_start3A_550] : memref<50x4096x128xf32, #tpu.memory_space<hbm>> -> memref<1x64x128xf32, #tpu.memory_space<hbm>>
    %dma_start3A_552 = tpu.memref_squeeze %dma_start3A_551 : memref<1x64x128xf32, #tpu.memory_space<hbm>> -> memref<64x128xf32, #tpu.memory_space<hbm>>
    tpu.enqueue_dma source(%dma_start3A_552 : memref<64x128xf32, #tpu.memory_space<hbm>>) target(%arg11 : memref<64x128xf32, #tpu.memory_space<vmem>>) target_semaphore(%arg23 : memref<!tpu.dma_semaphore, #tpu.memory_space<semaphore_mem>>)
    %dma_wait3A_553 = arith.constant 24 : i32
    %dma_wait3A_554 = arith.constant 0 : i32
    %dma_wait3A_555 = tpu.memref_slice %arg2[%dma_wait3A_553, %add3A_4, %dma_wait3A_554] : memref<50x4096x128xf32, #tpu.memory_space<hbm>> -> memref<1x64x128xf32, #tpu.memory_space<hbm>>
    %dma_wait3A_556 = tpu.memref_squeeze %dma_wait3A_555 : memref<1x64x128xf32, #tpu.memory_space<hbm>> -> memref<64x128xf32, #tpu.memory_space<hbm>>
    %dma_wait3A_557 = arith.constant 0 : i32
    %dma_wait3A_558 = tpu.memref_slice %arg2[%dma_wait3A_553, %add3A_4, %dma_wait3A_557] : memref<50x4096x128xf32, #tpu.memory_space<hbm>> -> memref<1x64x128xf32, #tpu.memory_space<hbm>>
    %dma_wait3A_559 = tpu.memref_squeeze %dma_wait3A_558 : memref<1x64x128xf32, #tpu.memory_space<hbm>> -> memref<64x128xf32, #tpu.memory_space<hbm>>
    tpu.wait_dma2 semaphore(%arg22 : memref<!tpu.dma_semaphore, #tpu.memory_space<semaphore_mem>>) src(%dma_wait3A_559 : memref<64x128xf32, #tpu.memory_space<hbm>>) dst(%arg10 : memref<64x128xf32, #tpu.memory_space<vmem>>)
    %dma_start3A_560 = arith.constant 3200 : i32
    %dma_start3A_561 = tpu.memref_slice %arg4[%add3A_4, %dma_start3A_560] : memref<4096x6400xf32, #tpu.memory_space<hbm>> -> memref<64x128xf32, #tpu.memory_space<hbm>>
    %dma_start3A_562 = arith.constant 3200 : i32
    %dma_start3A_563 = tpu.memref_slice %arg4[%add3A_4, %dma_start3A_562] : memref<4096x6400xf32, #tpu.memory_space<hbm>> -> memref<64x128xf32, #tpu.memory_space<hbm>>
    tpu.enqueue_dma source(%arg10 : memref<64x128xf32, #tpu.memory_space<vmem>>) target(%dma_start3A_563 : memref<64x128xf32, #tpu.memory_space<hbm>>) target_semaphore(%arg26 : memref<!tpu.dma_semaphore, #tpu.memory_space<semaphore_mem>>)
    %dma_wait3A_564 = arith.constant 2944 : i32
    %dma_wait3A_565 = tpu.memref_slice %arg4[%add3A_4, %dma_wait3A_564] : memref<4096x6400xf32, #tpu.memory_space<hbm>> -> memref<64x128xf32, #tpu.memory_space<hbm>>
    %dma_wait3A_566 = arith.constant 2944 : i32
    %dma_wait3A_567 = tpu.memref_slice %arg4[%add3A_4, %dma_wait3A_566] : memref<4096x6400xf32, #tpu.memory_space<hbm>> -> memref<64x128xf32, #tpu.memory_space<hbm>>
    tpu.wait_dma2 semaphore(%arg28 : memref<!tpu.dma_semaphore, #tpu.memory_space<semaphore_mem>>) src(%arg12 : memref<64x128xf32, #tpu.memory_space<vmem>>) dst(%dma_wait3A_567 : memref<64x128xf32, #tpu.memory_space<hbm>>)
    %dma_start3A_568 = arith.constant 26 : i32
    %dma_start3A_569 = arith.constant 0 : i32
    %dma_start3A_570 = tpu.memref_slice %arg2[%dma_start3A_568, %add3A_4, %dma_start3A_569] : memref<50x4096x128xf32, #tpu.memory_space<hbm>> -> memref<1x64x128xf32, #tpu.memory_space<hbm>>
    %dma_start3A_571 = tpu.memref_squeeze %dma_start3A_570 : memref<1x64x128xf32, #tpu.memory_space<hbm>> -> memref<64x128xf32, #tpu.memory_space<hbm>>
    %dma_start3A_572 = arith.constant 0 : i32
    %dma_start3A_573 = tpu.memref_slice %arg2[%dma_start3A_568, %add3A_4, %dma_start3A_572] : memref<50x4096x128xf32, #tpu.memory_space<hbm>> -> memref<1x64x128xf32, #tpu.memory_space<hbm>>
    %dma_start3A_574 = tpu.memref_squeeze %dma_start3A_573 : memref<1x64x128xf32, #tpu.memory_space<hbm>> -> memref<64x128xf32, #tpu.memory_space<hbm>>
    tpu.enqueue_dma source(%dma_start3A_574 : memref<64x128xf32, #tpu.memory_space<hbm>>) target(%arg12 : memref<64x128xf32, #tpu.memory_space<vmem>>) target_semaphore(%arg24 : memref<!tpu.dma_semaphore, #tpu.memory_space<semaphore_mem>>)
    %dma_wait3A_575 = arith.constant 25 : i32
    %dma_wait3A_576 = arith.constant 0 : i32
    %dma_wait3A_577 = tpu.memref_slice %arg2[%dma_wait3A_575, %add3A_4, %dma_wait3A_576] : memref<50x4096x128xf32, #tpu.memory_space<hbm>> -> memref<1x64x128xf32, #tpu.memory_space<hbm>>
    %dma_wait3A_578 = tpu.memref_squeeze %dma_wait3A_577 : memref<1x64x128xf32, #tpu.memory_space<hbm>> -> memref<64x128xf32, #tpu.memory_space<hbm>>
    %dma_wait3A_579 = arith.constant 0 : i32
    %dma_wait3A_580 = tpu.memref_slice %arg2[%dma_wait3A_575, %add3A_4, %dma_wait3A_579] : memref<50x4096x128xf32, #tpu.memory_space<hbm>> -> memref<1x64x128xf32, #tpu.memory_space<hbm>>
    %dma_wait3A_581 = tpu.memref_squeeze %dma_wait3A_580 : memref<1x64x128xf32, #tpu.memory_space<hbm>> -> memref<64x128xf32, #tpu.memory_space<hbm>>
    tpu.wait_dma2 semaphore(%arg23 : memref<!tpu.dma_semaphore, #tpu.memory_space<semaphore_mem>>) src(%dma_wait3A_581 : memref<64x128xf32, #tpu.memory_space<hbm>>) dst(%arg11 : memref<64x128xf32, #tpu.memory_space<vmem>>)
    %dma_start3A_582 = arith.constant 3328 : i32
    %dma_start3A_583 = tpu.memref_slice %arg4[%add3A_4, %dma_start3A_582] : memref<4096x6400xf32, #tpu.memory_space<hbm>> -> memref<64x128xf32, #tpu.memory_space<hbm>>
    %dma_start3A_584 = arith.constant 3328 : i32
    %dma_start3A_585 = tpu.memref_slice %arg4[%add3A_4, %dma_start3A_584] : memref<4096x6400xf32, #tpu.memory_space<hbm>> -> memref<64x128xf32, #tpu.memory_space<hbm>>
    tpu.enqueue_dma source(%arg11 : memref<64x128xf32, #tpu.memory_space<vmem>>) target(%dma_start3A_585 : memref<64x128xf32, #tpu.memory_space<hbm>>) target_semaphore(%arg27 : memref<!tpu.dma_semaphore, #tpu.memory_space<semaphore_mem>>)
    %dma_wait3A_586 = arith.constant 3072 : i32
    %dma_wait3A_587 = tpu.memref_slice %arg4[%add3A_4, %dma_wait3A_586] : memref<4096x6400xf32, #tpu.memory_space<hbm>> -> memref<64x128xf32, #tpu.memory_space<hbm>>
    %dma_wait3A_588 = arith.constant 3072 : i32
    %dma_wait3A_589 = tpu.memref_slice %arg4[%add3A_4, %dma_wait3A_588] : memref<4096x6400xf32, #tpu.memory_space<hbm>> -> memref<64x128xf32, #tpu.memory_space<hbm>>
    tpu.wait_dma2 semaphore(%arg25 : memref<!tpu.dma_semaphore, #tpu.memory_space<semaphore_mem>>) src(%arg9 : memref<64x128xf32, #tpu.memory_space<vmem>>) dst(%dma_wait3A_589 : memref<64x128xf32, #tpu.memory_space<hbm>>)
    %dma_start3A_590 = arith.constant 27 : i32
    %dma_start3A_591 = arith.constant 0 : i32
    %dma_start3A_592 = tpu.memref_slice %arg2[%dma_start3A_590, %add3A_4, %dma_start3A_591] : memref<50x4096x128xf32, #tpu.memory_space<hbm>> -> memref<1x64x128xf32, #tpu.memory_space<hbm>>
    %dma_start3A_593 = tpu.memref_squeeze %dma_start3A_592 : memref<1x64x128xf32, #tpu.memory_space<hbm>> -> memref<64x128xf32, #tpu.memory_space<hbm>>
    %dma_start3A_594 = arith.constant 0 : i32
    %dma_start3A_595 = tpu.memref_slice %arg2[%dma_start3A_590, %add3A_4, %dma_start3A_594] : memref<50x4096x128xf32, #tpu.memory_space<hbm>> -> memref<1x64x128xf32, #tpu.memory_space<hbm>>
    %dma_start3A_596 = tpu.memref_squeeze %dma_start3A_595 : memref<1x64x128xf32, #tpu.memory_space<hbm>> -> memref<64x128xf32, #tpu.memory_space<hbm>>
    tpu.enqueue_dma source(%dma_start3A_596 : memref<64x128xf32, #tpu.memory_space<hbm>>) target(%arg9 : memref<64x128xf32, #tpu.memory_space<vmem>>) target_semaphore(%arg21 : memref<!tpu.dma_semaphore, #tpu.memory_space<semaphore_mem>>)
    %dma_wait3A_597 = arith.constant 26 : i32
    %dma_wait3A_598 = arith.constant 0 : i32
    %dma_wait3A_599 = tpu.memref_slice %arg2[%dma_wait3A_597, %add3A_4, %dma_wait3A_598] : memref<50x4096x128xf32, #tpu.memory_space<hbm>> -> memref<1x64x128xf32, #tpu.memory_space<hbm>>
    %dma_wait3A_600 = tpu.memref_squeeze %dma_wait3A_599 : memref<1x64x128xf32, #tpu.memory_space<hbm>> -> memref<64x128xf32, #tpu.memory_space<hbm>>
    %dma_wait3A_601 = arith.constant 0 : i32
    %dma_wait3A_602 = tpu.memref_slice %arg2[%dma_wait3A_597, %add3A_4, %dma_wait3A_601] : memref<50x4096x128xf32, #tpu.memory_space<hbm>> -> memref<1x64x128xf32, #tpu.memory_space<hbm>>
    %dma_wait3A_603 = tpu.memref_squeeze %dma_wait3A_602 : memref<1x64x128xf32, #tpu.memory_space<hbm>> -> memref<64x128xf32, #tpu.memory_space<hbm>>
    tpu.wait_dma2 semaphore(%arg24 : memref<!tpu.dma_semaphore, #tpu.memory_space<semaphore_mem>>) src(%dma_wait3A_603 : memref<64x128xf32, #tpu.memory_space<hbm>>) dst(%arg12 : memref<64x128xf32, #tpu.memory_space<vmem>>)
    %dma_start3A_604 = arith.constant 3456 : i32
    %dma_start3A_605 = tpu.memref_slice %arg4[%add3A_4, %dma_start3A_604] : memref<4096x6400xf32, #tpu.memory_space<hbm>> -> memref<64x128xf32, #tpu.memory_space<hbm>>
    %dma_start3A_606 = arith.constant 3456 : i32
    %dma_start3A_607 = tpu.memref_slice %arg4[%add3A_4, %dma_start3A_606] : memref<4096x6400xf32, #tpu.memory_space<hbm>> -> memref<64x128xf32, #tpu.memory_space<hbm>>
    tpu.enqueue_dma source(%arg12 : memref<64x128xf32, #tpu.memory_space<vmem>>) target(%dma_start3A_607 : memref<64x128xf32, #tpu.memory_space<hbm>>) target_semaphore(%arg28 : memref<!tpu.dma_semaphore, #tpu.memory_space<semaphore_mem>>)
    %dma_wait3A_608 = arith.constant 3200 : i32
    %dma_wait3A_609 = tpu.memref_slice %arg4[%add3A_4, %dma_wait3A_608] : memref<4096x6400xf32, #tpu.memory_space<hbm>> -> memref<64x128xf32, #tpu.memory_space<hbm>>
    %dma_wait3A_610 = arith.constant 3200 : i32
    %dma_wait3A_611 = tpu.memref_slice %arg4[%add3A_4, %dma_wait3A_610] : memref<4096x6400xf32, #tpu.memory_space<hbm>> -> memref<64x128xf32, #tpu.memory_space<hbm>>
    tpu.wait_dma2 semaphore(%arg26 : memref<!tpu.dma_semaphore, #tpu.memory_space<semaphore_mem>>) src(%arg10 : memref<64x128xf32, #tpu.memory_space<vmem>>) dst(%dma_wait3A_611 : memref<64x128xf32, #tpu.memory_space<hbm>>)
    %dma_start3A_612 = arith.constant 28 : i32
    %dma_start3A_613 = arith.constant 0 : i32
    %dma_start3A_614 = tpu.memref_slice %arg2[%dma_start3A_612, %add3A_4, %dma_start3A_613] : memref<50x4096x128xf32, #tpu.memory_space<hbm>> -> memref<1x64x128xf32, #tpu.memory_space<hbm>>
    %dma_start3A_615 = tpu.memref_squeeze %dma_start3A_614 : memref<1x64x128xf32, #tpu.memory_space<hbm>> -> memref<64x128xf32, #tpu.memory_space<hbm>>
    %dma_start3A_616 = arith.constant 0 : i32
    %dma_start3A_617 = tpu.memref_slice %arg2[%dma_start3A_612, %add3A_4, %dma_start3A_616] : memref<50x4096x128xf32, #tpu.memory_space<hbm>> -> memref<1x64x128xf32, #tpu.memory_space<hbm>>
    %dma_start3A_618 = tpu.memref_squeeze %dma_start3A_617 : memref<1x64x128xf32, #tpu.memory_space<hbm>> -> memref<64x128xf32, #tpu.memory_space<hbm>>
    tpu.enqueue_dma source(%dma_start3A_618 : memref<64x128xf32, #tpu.memory_space<hbm>>) target(%arg10 : memref<64x128xf32, #tpu.memory_space<vmem>>) target_semaphore(%arg22 : memref<!tpu.dma_semaphore, #tpu.memory_space<semaphore_mem>>)
    %dma_wait3A_619 = arith.constant 27 : i32
    %dma_wait3A_620 = arith.constant 0 : i32
    %dma_wait3A_621 = tpu.memref_slice %arg2[%dma_wait3A_619, %add3A_4, %dma_wait3A_620] : memref<50x4096x128xf32, #tpu.memory_space<hbm>> -> memref<1x64x128xf32, #tpu.memory_space<hbm>>
    %dma_wait3A_622 = tpu.memref_squeeze %dma_wait3A_621 : memref<1x64x128xf32, #tpu.memory_space<hbm>> -> memref<64x128xf32, #tpu.memory_space<hbm>>
    %dma_wait3A_623 = arith.constant 0 : i32
    %dma_wait3A_624 = tpu.memref_slice %arg2[%dma_wait3A_619, %add3A_4, %dma_wait3A_623] : memref<50x4096x128xf32, #tpu.memory_space<hbm>> -> memref<1x64x128xf32, #tpu.memory_space<hbm>>
    %dma_wait3A_625 = tpu.memref_squeeze %dma_wait3A_624 : memref<1x64x128xf32, #tpu.memory_space<hbm>> -> memref<64x128xf32, #tpu.memory_space<hbm>>
    tpu.wait_dma2 semaphore(%arg21 : memref<!tpu.dma_semaphore, #tpu.memory_space<semaphore_mem>>) src(%dma_wait3A_625 : memref<64x128xf32, #tpu.memory_space<hbm>>) dst(%arg9 : memref<64x128xf32, #tpu.memory_space<vmem>>)
    %dma_start3A_626 = arith.constant 3584 : i32
    %dma_start3A_627 = tpu.memref_slice %arg4[%add3A_4, %dma_start3A_626] : memref<4096x6400xf32, #tpu.memory_space<hbm>> -> memref<64x128xf32, #tpu.memory_space<hbm>>
    %dma_start3A_628 = arith.constant 3584 : i32
    %dma_start3A_629 = tpu.memref_slice %arg4[%add3A_4, %dma_start3A_628] : memref<4096x6400xf32, #tpu.memory_space<hbm>> -> memref<64x128xf32, #tpu.memory_space<hbm>>
    tpu.enqueue_dma source(%arg9 : memref<64x128xf32, #tpu.memory_space<vmem>>) target(%dma_start3A_629 : memref<64x128xf32, #tpu.memory_space<hbm>>) target_semaphore(%arg25 : memref<!tpu.dma_semaphore, #tpu.memory_space<semaphore_mem>>)
    %dma_wait3A_630 = arith.constant 3328 : i32
    %dma_wait3A_631 = tpu.memref_slice %arg4[%add3A_4, %dma_wait3A_630] : memref<4096x6400xf32, #tpu.memory_space<hbm>> -> memref<64x128xf32, #tpu.memory_space<hbm>>
    %dma_wait3A_632 = arith.constant 3328 : i32
    %dma_wait3A_633 = tpu.memref_slice %arg4[%add3A_4, %dma_wait3A_632] : memref<4096x6400xf32, #tpu.memory_space<hbm>> -> memref<64x128xf32, #tpu.memory_space<hbm>>
    tpu.wait_dma2 semaphore(%arg27 : memref<!tpu.dma_semaphore, #tpu.memory_space<semaphore_mem>>) src(%arg11 : memref<64x128xf32, #tpu.memory_space<vmem>>) dst(%dma_wait3A_633 : memref<64x128xf32, #tpu.memory_space<hbm>>)
    %dma_start3A_634 = arith.constant 29 : i32
    %dma_start3A_635 = arith.constant 0 : i32
    %dma_start3A_636 = tpu.memref_slice %arg2[%dma_start3A_634, %add3A_4, %dma_start3A_635] : memref<50x4096x128xf32, #tpu.memory_space<hbm>> -> memref<1x64x128xf32, #tpu.memory_space<hbm>>
    %dma_start3A_637 = tpu.memref_squeeze %dma_start3A_636 : memref<1x64x128xf32, #tpu.memory_space<hbm>> -> memref<64x128xf32, #tpu.memory_space<hbm>>
    %dma_start3A_638 = arith.constant 0 : i32
    %dma_start3A_639 = tpu.memref_slice %arg2[%dma_start3A_634, %add3A_4, %dma_start3A_638] : memref<50x4096x128xf32, #tpu.memory_space<hbm>> -> memref<1x64x128xf32, #tpu.memory_space<hbm>>
    %dma_start3A_640 = tpu.memref_squeeze %dma_start3A_639 : memref<1x64x128xf32, #tpu.memory_space<hbm>> -> memref<64x128xf32, #tpu.memory_space<hbm>>
    tpu.enqueue_dma source(%dma_start3A_640 : memref<64x128xf32, #tpu.memory_space<hbm>>) target(%arg11 : memref<64x128xf32, #tpu.memory_space<vmem>>) target_semaphore(%arg23 : memref<!tpu.dma_semaphore, #tpu.memory_space<semaphore_mem>>)
    %dma_wait3A_641 = arith.constant 28 : i32
    %dma_wait3A_642 = arith.constant 0 : i32
    %dma_wait3A_643 = tpu.memref_slice %arg2[%dma_wait3A_641, %add3A_4, %dma_wait3A_642] : memref<50x4096x128xf32, #tpu.memory_space<hbm>> -> memref<1x64x128xf32, #tpu.memory_space<hbm>>
    %dma_wait3A_644 = tpu.memref_squeeze %dma_wait3A_643 : memref<1x64x128xf32, #tpu.memory_space<hbm>> -> memref<64x128xf32, #tpu.memory_space<hbm>>
    %dma_wait3A_645 = arith.constant 0 : i32
    %dma_wait3A_646 = tpu.memref_slice %arg2[%dma_wait3A_641, %add3A_4, %dma_wait3A_645] : memref<50x4096x128xf32, #tpu.memory_space<hbm>> -> memref<1x64x128xf32, #tpu.memory_space<hbm>>
    %dma_wait3A_647 = tpu.memref_squeeze %dma_wait3A_646 : memref<1x64x128xf32, #tpu.memory_space<hbm>> -> memref<64x128xf32, #tpu.memory_space<hbm>>
    tpu.wait_dma2 semaphore(%arg22 : memref<!tpu.dma_semaphore, #tpu.memory_space<semaphore_mem>>) src(%dma_wait3A_647 : memref<64x128xf32, #tpu.memory_space<hbm>>) dst(%arg10 : memref<64x128xf32, #tpu.memory_space<vmem>>)
    %dma_start3A_648 = arith.constant 3712 : i32
    %dma_start3A_649 = tpu.memref_slice %arg4[%add3A_4, %dma_start3A_648] : memref<4096x6400xf32, #tpu.memory_space<hbm>> -> memref<64x128xf32, #tpu.memory_space<hbm>>
    %dma_start3A_650 = arith.constant 3712 : i32
    %dma_start3A_651 = tpu.memref_slice %arg4[%add3A_4, %dma_start3A_650] : memref<4096x6400xf32, #tpu.memory_space<hbm>> -> memref<64x128xf32, #tpu.memory_space<hbm>>
    tpu.enqueue_dma source(%arg10 : memref<64x128xf32, #tpu.memory_space<vmem>>) target(%dma_start3A_651 : memref<64x128xf32, #tpu.memory_space<hbm>>) target_semaphore(%arg26 : memref<!tpu.dma_semaphore, #tpu.memory_space<semaphore_mem>>)
    %dma_wait3A_652 = arith.constant 3456 : i32
    %dma_wait3A_653 = tpu.memref_slice %arg4[%add3A_4, %dma_wait3A_652] : memref<4096x6400xf32, #tpu.memory_space<hbm>> -> memref<64x128xf32, #tpu.memory_space<hbm>>
    %dma_wait3A_654 = arith.constant 3456 : i32
    %dma_wait3A_655 = tpu.memref_slice %arg4[%add3A_4, %dma_wait3A_654] : memref<4096x6400xf32, #tpu.memory_space<hbm>> -> memref<64x128xf32, #tpu.memory_space<hbm>>
    tpu.wait_dma2 semaphore(%arg28 : memref<!tpu.dma_semaphore, #tpu.memory_space<semaphore_mem>>) src(%arg12 : memref<64x128xf32, #tpu.memory_space<vmem>>) dst(%dma_wait3A_655 : memref<64x128xf32, #tpu.memory_space<hbm>>)
    %dma_start3A_656 = arith.constant 30 : i32
    %dma_start3A_657 = arith.constant 0 : i32
    %dma_start3A_658 = tpu.memref_slice %arg2[%dma_start3A_656, %add3A_4, %dma_start3A_657] : memref<50x4096x128xf32, #tpu.memory_space<hbm>> -> memref<1x64x128xf32, #tpu.memory_space<hbm>>
    %dma_start3A_659 = tpu.memref_squeeze %dma_start3A_658 : memref<1x64x128xf32, #tpu.memory_space<hbm>> -> memref<64x128xf32, #tpu.memory_space<hbm>>
    %dma_start3A_660 = arith.constant 0 : i32
    %dma_start3A_661 = tpu.memref_slice %arg2[%dma_start3A_656, %add3A_4, %dma_start3A_660] : memref<50x4096x128xf32, #tpu.memory_space<hbm>> -> memref<1x64x128xf32, #tpu.memory_space<hbm>>
    %dma_start3A_662 = tpu.memref_squeeze %dma_start3A_661 : memref<1x64x128xf32, #tpu.memory_space<hbm>> -> memref<64x128xf32, #tpu.memory_space<hbm>>
    tpu.enqueue_dma source(%dma_start3A_662 : memref<64x128xf32, #tpu.memory_space<hbm>>) target(%arg12 : memref<64x128xf32, #tpu.memory_space<vmem>>) target_semaphore(%arg24 : memref<!tpu.dma_semaphore, #tpu.memory_space<semaphore_mem>>)
    %dma_wait3A_663 = arith.constant 29 : i32
    %dma_wait3A_664 = arith.constant 0 : i32
    %dma_wait3A_665 = tpu.memref_slice %arg2[%dma_wait3A_663, %add3A_4, %dma_wait3A_664] : memref<50x4096x128xf32, #tpu.memory_space<hbm>> -> memref<1x64x128xf32, #tpu.memory_space<hbm>>
    %dma_wait3A_666 = tpu.memref_squeeze %dma_wait3A_665 : memref<1x64x128xf32, #tpu.memory_space<hbm>> -> memref<64x128xf32, #tpu.memory_space<hbm>>
    %dma_wait3A_667 = arith.constant 0 : i32
    %dma_wait3A_668 = tpu.memref_slice %arg2[%dma_wait3A_663, %add3A_4, %dma_wait3A_667] : memref<50x4096x128xf32, #tpu.memory_space<hbm>> -> memref<1x64x128xf32, #tpu.memory_space<hbm>>
    %dma_wait3A_669 = tpu.memref_squeeze %dma_wait3A_668 : memref<1x64x128xf32, #tpu.memory_space<hbm>> -> memref<64x128xf32, #tpu.memory_space<hbm>>
    tpu.wait_dma2 semaphore(%arg23 : memref<!tpu.dma_semaphore, #tpu.memory_space<semaphore_mem>>) src(%dma_wait3A_669 : memref<64x128xf32, #tpu.memory_space<hbm>>) dst(%arg11 : memref<64x128xf32, #tpu.memory_space<vmem>>)
    %dma_start3A_670 = arith.constant 3840 : i32
    %dma_start3A_671 = tpu.memref_slice %arg4[%add3A_4, %dma_start3A_670] : memref<4096x6400xf32, #tpu.memory_space<hbm>> -> memref<64x128xf32, #tpu.memory_space<hbm>>
    %dma_start3A_672 = arith.constant 3840 : i32
    %dma_start3A_673 = tpu.memref_slice %arg4[%add3A_4, %dma_start3A_672] : memref<4096x6400xf32, #tpu.memory_space<hbm>> -> memref<64x128xf32, #tpu.memory_space<hbm>>
    tpu.enqueue_dma source(%arg11 : memref<64x128xf32, #tpu.memory_space<vmem>>) target(%dma_start3A_673 : memref<64x128xf32, #tpu.memory_space<hbm>>) target_semaphore(%arg27 : memref<!tpu.dma_semaphore, #tpu.memory_space<semaphore_mem>>)
    %dma_wait3A_674 = arith.constant 3584 : i32
    %dma_wait3A_675 = tpu.memref_slice %arg4[%add3A_4, %dma_wait3A_674] : memref<4096x6400xf32, #tpu.memory_space<hbm>> -> memref<64x128xf32, #tpu.memory_space<hbm>>
    %dma_wait3A_676 = arith.constant 3584 : i32
    %dma_wait3A_677 = tpu.memref_slice %arg4[%add3A_4, %dma_wait3A_676] : memref<4096x6400xf32, #tpu.memory_space<hbm>> -> memref<64x128xf32, #tpu.memory_space<hbm>>
    tpu.wait_dma2 semaphore(%arg25 : memref<!tpu.dma_semaphore, #tpu.memory_space<semaphore_mem>>) src(%arg9 : memref<64x128xf32, #tpu.memory_space<vmem>>) dst(%dma_wait3A_677 : memref<64x128xf32, #tpu.memory_space<hbm>>)
    %dma_start3A_678 = arith.constant 31 : i32
    %dma_start3A_679 = arith.constant 0 : i32
    %dma_start3A_680 = tpu.memref_slice %arg2[%dma_start3A_678, %add3A_4, %dma_start3A_679] : memref<50x4096x128xf32, #tpu.memory_space<hbm>> -> memref<1x64x128xf32, #tpu.memory_space<hbm>>
    %dma_start3A_681 = tpu.memref_squeeze %dma_start3A_680 : memref<1x64x128xf32, #tpu.memory_space<hbm>> -> memref<64x128xf32, #tpu.memory_space<hbm>>
    %dma_start3A_682 = arith.constant 0 : i32
    %dma_start3A_683 = tpu.memref_slice %arg2[%dma_start3A_678, %add3A_4, %dma_start3A_682] : memref<50x4096x128xf32, #tpu.memory_space<hbm>> -> memref<1x64x128xf32, #tpu.memory_space<hbm>>
    %dma_start3A_684 = tpu.memref_squeeze %dma_start3A_683 : memref<1x64x128xf32, #tpu.memory_space<hbm>> -> memref<64x128xf32, #tpu.memory_space<hbm>>
    tpu.enqueue_dma source(%dma_start3A_684 : memref<64x128xf32, #tpu.memory_space<hbm>>) target(%arg9 : memref<64x128xf32, #tpu.memory_space<vmem>>) target_semaphore(%arg21 : memref<!tpu.dma_semaphore, #tpu.memory_space<semaphore_mem>>)
    %dma_wait3A_685 = arith.constant 30 : i32
    %dma_wait3A_686 = arith.constant 0 : i32
    %dma_wait3A_687 = tpu.memref_slice %arg2[%dma_wait3A_685, %add3A_4, %dma_wait3A_686] : memref<50x4096x128xf32, #tpu.memory_space<hbm>> -> memref<1x64x128xf32, #tpu.memory_space<hbm>>
    %dma_wait3A_688 = tpu.memref_squeeze %dma_wait3A_687 : memref<1x64x128xf32, #tpu.memory_space<hbm>> -> memref<64x128xf32, #tpu.memory_space<hbm>>
    %dma_wait3A_689 = arith.constant 0 : i32
    %dma_wait3A_690 = tpu.memref_slice %arg2[%dma_wait3A_685, %add3A_4, %dma_wait3A_689] : memref<50x4096x128xf32, #tpu.memory_space<hbm>> -> memref<1x64x128xf32, #tpu.memory_space<hbm>>
    %dma_wait3A_691 = tpu.memref_squeeze %dma_wait3A_690 : memref<1x64x128xf32, #tpu.memory_space<hbm>> -> memref<64x128xf32, #tpu.memory_space<hbm>>
    tpu.wait_dma2 semaphore(%arg24 : memref<!tpu.dma_semaphore, #tpu.memory_space<semaphore_mem>>) src(%dma_wait3A_691 : memref<64x128xf32, #tpu.memory_space<hbm>>) dst(%arg12 : memref<64x128xf32, #tpu.memory_space<vmem>>)
    %dma_start3A_692 = arith.constant 3968 : i32
    %dma_start3A_693 = tpu.memref_slice %arg4[%add3A_4, %dma_start3A_692] : memref<4096x6400xf32, #tpu.memory_space<hbm>> -> memref<64x128xf32, #tpu.memory_space<hbm>>
    %dma_start3A_694 = arith.constant 3968 : i32
    %dma_start3A_695 = tpu.memref_slice %arg4[%add3A_4, %dma_start3A_694] : memref<4096x6400xf32, #tpu.memory_space<hbm>> -> memref<64x128xf32, #tpu.memory_space<hbm>>
    tpu.enqueue_dma source(%arg12 : memref<64x128xf32, #tpu.memory_space<vmem>>) target(%dma_start3A_695 : memref<64x128xf32, #tpu.memory_space<hbm>>) target_semaphore(%arg28 : memref<!tpu.dma_semaphore, #tpu.memory_space<semaphore_mem>>)
    %dma_wait3A_696 = arith.constant 3712 : i32
    %dma_wait3A_697 = tpu.memref_slice %arg4[%add3A_4, %dma_wait3A_696] : memref<4096x6400xf32, #tpu.memory_space<hbm>> -> memref<64x128xf32, #tpu.memory_space<hbm>>
    %dma_wait3A_698 = arith.constant 3712 : i32
    %dma_wait3A_699 = tpu.memref_slice %arg4[%add3A_4, %dma_wait3A_698] : memref<4096x6400xf32, #tpu.memory_space<hbm>> -> memref<64x128xf32, #tpu.memory_space<hbm>>
    tpu.wait_dma2 semaphore(%arg26 : memref<!tpu.dma_semaphore, #tpu.memory_space<semaphore_mem>>) src(%arg10 : memref<64x128xf32, #tpu.memory_space<vmem>>) dst(%dma_wait3A_699 : memref<64x128xf32, #tpu.memory_space<hbm>>)
    %dma_start3A_700 = arith.constant 32 : i32
    %dma_start3A_701 = arith.constant 0 : i32
    %dma_start3A_702 = tpu.memref_slice %arg2[%dma_start3A_700, %add3A_4, %dma_start3A_701] : memref<50x4096x128xf32, #tpu.memory_space<hbm>> -> memref<1x64x128xf32, #tpu.memory_space<hbm>>
    %dma_start3A_703 = tpu.memref_squeeze %dma_start3A_702 : memref<1x64x128xf32, #tpu.memory_space<hbm>> -> memref<64x128xf32, #tpu.memory_space<hbm>>
    %dma_start3A_704 = arith.constant 0 : i32
    %dma_start3A_705 = tpu.memref_slice %arg2[%dma_start3A_700, %add3A_4, %dma_start3A_704] : memref<50x4096x128xf32, #tpu.memory_space<hbm>> -> memref<1x64x128xf32, #tpu.memory_space<hbm>>
    %dma_start3A_706 = tpu.memref_squeeze %dma_start3A_705 : memref<1x64x128xf32, #tpu.memory_space<hbm>> -> memref<64x128xf32, #tpu.memory_space<hbm>>
    tpu.enqueue_dma source(%dma_start3A_706 : memref<64x128xf32, #tpu.memory_space<hbm>>) target(%arg10 : memref<64x128xf32, #tpu.memory_space<vmem>>) target_semaphore(%arg22 : memref<!tpu.dma_semaphore, #tpu.memory_space<semaphore_mem>>)
    %dma_wait3A_707 = arith.constant 31 : i32
    %dma_wait3A_708 = arith.constant 0 : i32
    %dma_wait3A_709 = tpu.memref_slice %arg2[%dma_wait3A_707, %add3A_4, %dma_wait3A_708] : memref<50x4096x128xf32, #tpu.memory_space<hbm>> -> memref<1x64x128xf32, #tpu.memory_space<hbm>>
    %dma_wait3A_710 = tpu.memref_squeeze %dma_wait3A_709 : memref<1x64x128xf32, #tpu.memory_space<hbm>> -> memref<64x128xf32, #tpu.memory_space<hbm>>
    %dma_wait3A_711 = arith.constant 0 : i32
    %dma_wait3A_712 = tpu.memref_slice %arg2[%dma_wait3A_707, %add3A_4, %dma_wait3A_711] : memref<50x4096x128xf32, #tpu.memory_space<hbm>> -> memref<1x64x128xf32, #tpu.memory_space<hbm>>
    %dma_wait3A_713 = tpu.memref_squeeze %dma_wait3A_712 : memref<1x64x128xf32, #tpu.memory_space<hbm>> -> memref<64x128xf32, #tpu.memory_space<hbm>>
    tpu.wait_dma2 semaphore(%arg21 : memref<!tpu.dma_semaphore, #tpu.memory_space<semaphore_mem>>) src(%dma_wait3A_713 : memref<64x128xf32, #tpu.memory_space<hbm>>) dst(%arg9 : memref<64x128xf32, #tpu.memory_space<vmem>>)
    %dma_start3A_714 = arith.constant 4096 : i32
    %dma_start3A_715 = tpu.memref_slice %arg4[%add3A_4, %dma_start3A_714] : memref<4096x6400xf32, #tpu.memory_space<hbm>> -> memref<64x128xf32, #tpu.memory_space<hbm>>
    %dma_start3A_716 = arith.constant 4096 : i32
    %dma_start3A_717 = tpu.memref_slice %arg4[%add3A_4, %dma_start3A_716] : memref<4096x6400xf32, #tpu.memory_space<hbm>> -> memref<64x128xf32, #tpu.memory_space<hbm>>
    tpu.enqueue_dma source(%arg9 : memref<64x128xf32, #tpu.memory_space<vmem>>) target(%dma_start3A_717 : memref<64x128xf32, #tpu.memory_space<hbm>>) target_semaphore(%arg25 : memref<!tpu.dma_semaphore, #tpu.memory_space<semaphore_mem>>)
    %dma_wait3A_718 = arith.constant 3840 : i32
    %dma_wait3A_719 = tpu.memref_slice %arg4[%add3A_4, %dma_wait3A_718] : memref<4096x6400xf32, #tpu.memory_space<hbm>> -> memref<64x128xf32, #tpu.memory_space<hbm>>
    %dma_wait3A_720 = arith.constant 3840 : i32
    %dma_wait3A_721 = tpu.memref_slice %arg4[%add3A_4, %dma_wait3A_720] : memref<4096x6400xf32, #tpu.memory_space<hbm>> -> memref<64x128xf32, #tpu.memory_space<hbm>>
    tpu.wait_dma2 semaphore(%arg27 : memref<!tpu.dma_semaphore, #tpu.memory_space<semaphore_mem>>) src(%arg11 : memref<64x128xf32, #tpu.memory_space<vmem>>) dst(%dma_wait3A_721 : memref<64x128xf32, #tpu.memory_space<hbm>>)
    %dma_start3A_722 = arith.constant 33 : i32
    %dma_start3A_723 = arith.constant 0 : i32
    %dma_start3A_724 = tpu.memref_slice %arg2[%dma_start3A_722, %add3A_4, %dma_start3A_723] : memref<50x4096x128xf32, #tpu.memory_space<hbm>> -> memref<1x64x128xf32, #tpu.memory_space<hbm>>
    %dma_start3A_725 = tpu.memref_squeeze %dma_start3A_724 : memref<1x64x128xf32, #tpu.memory_space<hbm>> -> memref<64x128xf32, #tpu.memory_space<hbm>>
    %dma_start3A_726 = arith.constant 0 : i32
    %dma_start3A_727 = tpu.memref_slice %arg2[%dma_start3A_722, %add3A_4, %dma_start3A_726] : memref<50x4096x128xf32, #tpu.memory_space<hbm>> -> memref<1x64x128xf32, #tpu.memory_space<hbm>>
    %dma_start3A_728 = tpu.memref_squeeze %dma_start3A_727 : memref<1x64x128xf32, #tpu.memory_space<hbm>> -> memref<64x128xf32, #tpu.memory_space<hbm>>
    tpu.enqueue_dma source(%dma_start3A_728 : memref<64x128xf32, #tpu.memory_space<hbm>>) target(%arg11 : memref<64x128xf32, #tpu.memory_space<vmem>>) target_semaphore(%arg23 : memref<!tpu.dma_semaphore, #tpu.memory_space<semaphore_mem>>)
    %dma_wait3A_729 = arith.constant 32 : i32
    %dma_wait3A_730 = arith.constant 0 : i32
    %dma_wait3A_731 = tpu.memref_slice %arg2[%dma_wait3A_729, %add3A_4, %dma_wait3A_730] : memref<50x4096x128xf32, #tpu.memory_space<hbm>> -> memref<1x64x128xf32, #tpu.memory_space<hbm>>
    %dma_wait3A_732 = tpu.memref_squeeze %dma_wait3A_731 : memref<1x64x128xf32, #tpu.memory_space<hbm>> -> memref<64x128xf32, #tpu.memory_space<hbm>>
    %dma_wait3A_733 = arith.constant 0 : i32
    %dma_wait3A_734 = tpu.memref_slice %arg2[%dma_wait3A_729, %add3A_4, %dma_wait3A_733] : memref<50x4096x128xf32, #tpu.memory_space<hbm>> -> memref<1x64x128xf32, #tpu.memory_space<hbm>>
    %dma_wait3A_735 = tpu.memref_squeeze %dma_wait3A_734 : memref<1x64x128xf32, #tpu.memory_space<hbm>> -> memref<64x128xf32, #tpu.memory_space<hbm>>
    tpu.wait_dma2 semaphore(%arg22 : memref<!tpu.dma_semaphore, #tpu.memory_space<semaphore_mem>>) src(%dma_wait3A_735 : memref<64x128xf32, #tpu.memory_space<hbm>>) dst(%arg10 : memref<64x128xf32, #tpu.memory_space<vmem>>)
    %dma_start3A_736 = arith.constant 4224 : i32
    %dma_start3A_737 = tpu.memref_slice %arg4[%add3A_4, %dma_start3A_736] : memref<4096x6400xf32, #tpu.memory_space<hbm>> -> memref<64x128xf32, #tpu.memory_space<hbm>>
    %dma_start3A_738 = arith.constant 4224 : i32
    %dma_start3A_739 = tpu.memref_slice %arg4[%add3A_4, %dma_start3A_738] : memref<4096x6400xf32, #tpu.memory_space<hbm>> -> memref<64x128xf32, #tpu.memory_space<hbm>>
    tpu.enqueue_dma source(%arg10 : memref<64x128xf32, #tpu.memory_space<vmem>>) target(%dma_start3A_739 : memref<64x128xf32, #tpu.memory_space<hbm>>) target_semaphore(%arg26 : memref<!tpu.dma_semaphore, #tpu.memory_space<semaphore_mem>>)
    %dma_wait3A_740 = arith.constant 3968 : i32
    %dma_wait3A_741 = tpu.memref_slice %arg4[%add3A_4, %dma_wait3A_740] : memref<4096x6400xf32, #tpu.memory_space<hbm>> -> memref<64x128xf32, #tpu.memory_space<hbm>>
    %dma_wait3A_742 = arith.constant 3968 : i32
    %dma_wait3A_743 = tpu.memref_slice %arg4[%add3A_4, %dma_wait3A_742] : memref<4096x6400xf32, #tpu.memory_space<hbm>> -> memref<64x128xf32, #tpu.memory_space<hbm>>
    tpu.wait_dma2 semaphore(%arg28 : memref<!tpu.dma_semaphore, #tpu.memory_space<semaphore_mem>>) src(%arg12 : memref<64x128xf32, #tpu.memory_space<vmem>>) dst(%dma_wait3A_743 : memref<64x128xf32, #tpu.memory_space<hbm>>)
    %dma_start3A_744 = arith.constant 34 : i32
    %dma_start3A_745 = arith.constant 0 : i32
    %dma_start3A_746 = tpu.memref_slice %arg2[%dma_start3A_744, %add3A_4, %dma_start3A_745] : memref<50x4096x128xf32, #tpu.memory_space<hbm>> -> memref<1x64x128xf32, #tpu.memory_space<hbm>>
    %dma_start3A_747 = tpu.memref_squeeze %dma_start3A_746 : memref<1x64x128xf32, #tpu.memory_space<hbm>> -> memref<64x128xf32, #tpu.memory_space<hbm>>
    %dma_start3A_748 = arith.constant 0 : i32
    %dma_start3A_749 = tpu.memref_slice %arg2[%dma_start3A_744, %add3A_4, %dma_start3A_748] : memref<50x4096x128xf32, #tpu.memory_space<hbm>> -> memref<1x64x128xf32, #tpu.memory_space<hbm>>
    %dma_start3A_750 = tpu.memref_squeeze %dma_start3A_749 : memref<1x64x128xf32, #tpu.memory_space<hbm>> -> memref<64x128xf32, #tpu.memory_space<hbm>>
    tpu.enqueue_dma source(%dma_start3A_750 : memref<64x128xf32, #tpu.memory_space<hbm>>) target(%arg12 : memref<64x128xf32, #tpu.memory_space<vmem>>) target_semaphore(%arg24 : memref<!tpu.dma_semaphore, #tpu.memory_space<semaphore_mem>>)
    %dma_wait3A_751 = arith.constant 33 : i32
    %dma_wait3A_752 = arith.constant 0 : i32
    %dma_wait3A_753 = tpu.memref_slice %arg2[%dma_wait3A_751, %add3A_4, %dma_wait3A_752] : memref<50x4096x128xf32, #tpu.memory_space<hbm>> -> memref<1x64x128xf32, #tpu.memory_space<hbm>>
    %dma_wait3A_754 = tpu.memref_squeeze %dma_wait3A_753 : memref<1x64x128xf32, #tpu.memory_space<hbm>> -> memref<64x128xf32, #tpu.memory_space<hbm>>
    %dma_wait3A_755 = arith.constant 0 : i32
    %dma_wait3A_756 = tpu.memref_slice %arg2[%dma_wait3A_751, %add3A_4, %dma_wait3A_755] : memref<50x4096x128xf32, #tpu.memory_space<hbm>> -> memref<1x64x128xf32, #tpu.memory_space<hbm>>
    %dma_wait3A_757 = tpu.memref_squeeze %dma_wait3A_756 : memref<1x64x128xf32, #tpu.memory_space<hbm>> -> memref<64x128xf32, #tpu.memory_space<hbm>>
    tpu.wait_dma2 semaphore(%arg23 : memref<!tpu.dma_semaphore, #tpu.memory_space<semaphore_mem>>) src(%dma_wait3A_757 : memref<64x128xf32, #tpu.memory_space<hbm>>) dst(%arg11 : memref<64x128xf32, #tpu.memory_space<vmem>>)
    %dma_start3A_758 = arith.constant 4352 : i32
    %dma_start3A_759 = tpu.memref_slice %arg4[%add3A_4, %dma_start3A_758] : memref<4096x6400xf32, #tpu.memory_space<hbm>> -> memref<64x128xf32, #tpu.memory_space<hbm>>
    %dma_start3A_760 = arith.constant 4352 : i32
    %dma_start3A_761 = tpu.memref_slice %arg4[%add3A_4, %dma_start3A_760] : memref<4096x6400xf32, #tpu.memory_space<hbm>> -> memref<64x128xf32, #tpu.memory_space<hbm>>
    tpu.enqueue_dma source(%arg11 : memref<64x128xf32, #tpu.memory_space<vmem>>) target(%dma_start3A_761 : memref<64x128xf32, #tpu.memory_space<hbm>>) target_semaphore(%arg27 : memref<!tpu.dma_semaphore, #tpu.memory_space<semaphore_mem>>)
    %dma_wait3A_762 = arith.constant 4096 : i32
    %dma_wait3A_763 = tpu.memref_slice %arg4[%add3A_4, %dma_wait3A_762] : memref<4096x6400xf32, #tpu.memory_space<hbm>> -> memref<64x128xf32, #tpu.memory_space<hbm>>
    %dma_wait3A_764 = arith.constant 4096 : i32
    %dma_wait3A_765 = tpu.memref_slice %arg4[%add3A_4, %dma_wait3A_764] : memref<4096x6400xf32, #tpu.memory_space<hbm>> -> memref<64x128xf32, #tpu.memory_space<hbm>>
    tpu.wait_dma2 semaphore(%arg25 : memref<!tpu.dma_semaphore, #tpu.memory_space<semaphore_mem>>) src(%arg9 : memref<64x128xf32, #tpu.memory_space<vmem>>) dst(%dma_wait3A_765 : memref<64x128xf32, #tpu.memory_space<hbm>>)
    %dma_start3A_766 = arith.constant 35 : i32
    %dma_start3A_767 = arith.constant 0 : i32
    %dma_start3A_768 = tpu.memref_slice %arg2[%dma_start3A_766, %add3A_4, %dma_start3A_767] : memref<50x4096x128xf32, #tpu.memory_space<hbm>> -> memref<1x64x128xf32, #tpu.memory_space<hbm>>
    %dma_start3A_769 = tpu.memref_squeeze %dma_start3A_768 : memref<1x64x128xf32, #tpu.memory_space<hbm>> -> memref<64x128xf32, #tpu.memory_space<hbm>>
    %dma_start3A_770 = arith.constant 0 : i32
    %dma_start3A_771 = tpu.memref_slice %arg2[%dma_start3A_766, %add3A_4, %dma_start3A_770] : memref<50x4096x128xf32, #tpu.memory_space<hbm>> -> memref<1x64x128xf32, #tpu.memory_space<hbm>>
    %dma_start3A_772 = tpu.memref_squeeze %dma_start3A_771 : memref<1x64x128xf32, #tpu.memory_space<hbm>> -> memref<64x128xf32, #tpu.memory_space<hbm>>
    tpu.enqueue_dma source(%dma_start3A_772 : memref<64x128xf32, #tpu.memory_space<hbm>>) target(%arg9 : memref<64x128xf32, #tpu.memory_space<vmem>>) target_semaphore(%arg21 : memref<!tpu.dma_semaphore, #tpu.memory_space<semaphore_mem>>)
    %dma_wait3A_773 = arith.constant 34 : i32
    %dma_wait3A_774 = arith.constant 0 : i32
    %dma_wait3A_775 = tpu.memref_slice %arg2[%dma_wait3A_773, %add3A_4, %dma_wait3A_774] : memref<50x4096x128xf32, #tpu.memory_space<hbm>> -> memref<1x64x128xf32, #tpu.memory_space<hbm>>
    %dma_wait3A_776 = tpu.memref_squeeze %dma_wait3A_775 : memref<1x64x128xf32, #tpu.memory_space<hbm>> -> memref<64x128xf32, #tpu.memory_space<hbm>>
    %dma_wait3A_777 = arith.constant 0 : i32
    %dma_wait3A_778 = tpu.memref_slice %arg2[%dma_wait3A_773, %add3A_4, %dma_wait3A_777] : memref<50x4096x128xf32, #tpu.memory_space<hbm>> -> memref<1x64x128xf32, #tpu.memory_space<hbm>>
    %dma_wait3A_779 = tpu.memref_squeeze %dma_wait3A_778 : memref<1x64x128xf32, #tpu.memory_space<hbm>> -> memref<64x128xf32, #tpu.memory_space<hbm>>
    tpu.wait_dma2 semaphore(%arg24 : memref<!tpu.dma_semaphore, #tpu.memory_space<semaphore_mem>>) src(%dma_wait3A_779 : memref<64x128xf32, #tpu.memory_space<hbm>>) dst(%arg12 : memref<64x128xf32, #tpu.memory_space<vmem>>)
    %dma_start3A_780 = arith.constant 4480 : i32
    %dma_start3A_781 = tpu.memref_slice %arg4[%add3A_4, %dma_start3A_780] : memref<4096x6400xf32, #tpu.memory_space<hbm>> -> memref<64x128xf32, #tpu.memory_space<hbm>>
    %dma_start3A_782 = arith.constant 4480 : i32
    %dma_start3A_783 = tpu.memref_slice %arg4[%add3A_4, %dma_start3A_782] : memref<4096x6400xf32, #tpu.memory_space<hbm>> -> memref<64x128xf32, #tpu.memory_space<hbm>>
    tpu.enqueue_dma source(%arg12 : memref<64x128xf32, #tpu.memory_space<vmem>>) target(%dma_start3A_783 : memref<64x128xf32, #tpu.memory_space<hbm>>) target_semaphore(%arg28 : memref<!tpu.dma_semaphore, #tpu.memory_space<semaphore_mem>>)
    %dma_wait3A_784 = arith.constant 4224 : i32
    %dma_wait3A_785 = tpu.memref_slice %arg4[%add3A_4, %dma_wait3A_784] : memref<4096x6400xf32, #tpu.memory_space<hbm>> -> memref<64x128xf32, #tpu.memory_space<hbm>>
    %dma_wait3A_786 = arith.constant 4224 : i32
    %dma_wait3A_787 = tpu.memref_slice %arg4[%add3A_4, %dma_wait3A_786] : memref<4096x6400xf32, #tpu.memory_space<hbm>> -> memref<64x128xf32, #tpu.memory_space<hbm>>
    tpu.wait_dma2 semaphore(%arg26 : memref<!tpu.dma_semaphore, #tpu.memory_space<semaphore_mem>>) src(%arg10 : memref<64x128xf32, #tpu.memory_space<vmem>>) dst(%dma_wait3A_787 : memref<64x128xf32, #tpu.memory_space<hbm>>)
    %dma_start3A_788 = arith.constant 36 : i32
    %dma_start3A_789 = arith.constant 0 : i32
    %dma_start3A_790 = tpu.memref_slice %arg2[%dma_start3A_788, %add3A_4, %dma_start3A_789] : memref<50x4096x128xf32, #tpu.memory_space<hbm>> -> memref<1x64x128xf32, #tpu.memory_space<hbm>>
    %dma_start3A_791 = tpu.memref_squeeze %dma_start3A_790 : memref<1x64x128xf32, #tpu.memory_space<hbm>> -> memref<64x128xf32, #tpu.memory_space<hbm>>
    %dma_start3A_792 = arith.constant 0 : i32
    %dma_start3A_793 = tpu.memref_slice %arg2[%dma_start3A_788, %add3A_4, %dma_start3A_792] : memref<50x4096x128xf32, #tpu.memory_space<hbm>> -> memref<1x64x128xf32, #tpu.memory_space<hbm>>
    %dma_start3A_794 = tpu.memref_squeeze %dma_start3A_793 : memref<1x64x128xf32, #tpu.memory_space<hbm>> -> memref<64x128xf32, #tpu.memory_space<hbm>>
    tpu.enqueue_dma source(%dma_start3A_794 : memref<64x128xf32, #tpu.memory_space<hbm>>) target(%arg10 : memref<64x128xf32, #tpu.memory_space<vmem>>) target_semaphore(%arg22 : memref<!tpu.dma_semaphore, #tpu.memory_space<semaphore_mem>>)
    %dma_wait3A_795 = arith.constant 35 : i32
    %dma_wait3A_796 = arith.constant 0 : i32
    %dma_wait3A_797 = tpu.memref_slice %arg2[%dma_wait3A_795, %add3A_4, %dma_wait3A_796] : memref<50x4096x128xf32, #tpu.memory_space<hbm>> -> memref<1x64x128xf32, #tpu.memory_space<hbm>>
    %dma_wait3A_798 = tpu.memref_squeeze %dma_wait3A_797 : memref<1x64x128xf32, #tpu.memory_space<hbm>> -> memref<64x128xf32, #tpu.memory_space<hbm>>
    %dma_wait3A_799 = arith.constant 0 : i32
    %dma_wait3A_800 = tpu.memref_slice %arg2[%dma_wait3A_795, %add3A_4, %dma_wait3A_799] : memref<50x4096x128xf32, #tpu.memory_space<hbm>> -> memref<1x64x128xf32, #tpu.memory_space<hbm>>
    %dma_wait3A_801 = tpu.memref_squeeze %dma_wait3A_800 : memref<1x64x128xf32, #tpu.memory_space<hbm>> -> memref<64x128xf32, #tpu.memory_space<hbm>>
    tpu.wait_dma2 semaphore(%arg21 : memref<!tpu.dma_semaphore, #tpu.memory_space<semaphore_mem>>) src(%dma_wait3A_801 : memref<64x128xf32, #tpu.memory_space<hbm>>) dst(%arg9 : memref<64x128xf32, #tpu.memory_space<vmem>>)
    %dma_start3A_802 = arith.constant 4608 : i32
    %dma_start3A_803 = tpu.memref_slice %arg4[%add3A_4, %dma_start3A_802] : memref<4096x6400xf32, #tpu.memory_space<hbm>> -> memref<64x128xf32, #tpu.memory_space<hbm>>
    %dma_start3A_804 = arith.constant 4608 : i32
    %dma_start3A_805 = tpu.memref_slice %arg4[%add3A_4, %dma_start3A_804] : memref<4096x6400xf32, #tpu.memory_space<hbm>> -> memref<64x128xf32, #tpu.memory_space<hbm>>
    tpu.enqueue_dma source(%arg9 : memref<64x128xf32, #tpu.memory_space<vmem>>) target(%dma_start3A_805 : memref<64x128xf32, #tpu.memory_space<hbm>>) target_semaphore(%arg25 : memref<!tpu.dma_semaphore, #tpu.memory_space<semaphore_mem>>)
    %dma_wait3A_806 = arith.constant 4352 : i32
    %dma_wait3A_807 = tpu.memref_slice %arg4[%add3A_4, %dma_wait3A_806] : memref<4096x6400xf32, #tpu.memory_space<hbm>> -> memref<64x128xf32, #tpu.memory_space<hbm>>
    %dma_wait3A_808 = arith.constant 4352 : i32
    %dma_wait3A_809 = tpu.memref_slice %arg4[%add3A_4, %dma_wait3A_808] : memref<4096x6400xf32, #tpu.memory_space<hbm>> -> memref<64x128xf32, #tpu.memory_space<hbm>>
    tpu.wait_dma2 semaphore(%arg27 : memref<!tpu.dma_semaphore, #tpu.memory_space<semaphore_mem>>) src(%arg11 : memref<64x128xf32, #tpu.memory_space<vmem>>) dst(%dma_wait3A_809 : memref<64x128xf32, #tpu.memory_space<hbm>>)
    %dma_start3A_810 = arith.constant 37 : i32
    %dma_start3A_811 = arith.constant 0 : i32
    %dma_start3A_812 = tpu.memref_slice %arg2[%dma_start3A_810, %add3A_4, %dma_start3A_811] : memref<50x4096x128xf32, #tpu.memory_space<hbm>> -> memref<1x64x128xf32, #tpu.memory_space<hbm>>
    %dma_start3A_813 = tpu.memref_squeeze %dma_start3A_812 : memref<1x64x128xf32, #tpu.memory_space<hbm>> -> memref<64x128xf32, #tpu.memory_space<hbm>>
    %dma_start3A_814 = arith.constant 0 : i32
    %dma_start3A_815 = tpu.memref_slice %arg2[%dma_start3A_810, %add3A_4, %dma_start3A_814] : memref<50x4096x128xf32, #tpu.memory_space<hbm>> -> memref<1x64x128xf32, #tpu.memory_space<hbm>>
    %dma_start3A_816 = tpu.memref_squeeze %dma_start3A_815 : memref<1x64x128xf32, #tpu.memory_space<hbm>> -> memref<64x128xf32, #tpu.memory_space<hbm>>
    tpu.enqueue_dma source(%dma_start3A_816 : memref<64x128xf32, #tpu.memory_space<hbm>>) target(%arg11 : memref<64x128xf32, #tpu.memory_space<vmem>>) target_semaphore(%arg23 : memref<!tpu.dma_semaphore, #tpu.memory_space<semaphore_mem>>)
    %dma_wait3A_817 = arith.constant 36 : i32
    %dma_wait3A_818 = arith.constant 0 : i32
    %dma_wait3A_819 = tpu.memref_slice %arg2[%dma_wait3A_817, %add3A_4, %dma_wait3A_818] : memref<50x4096x128xf32, #tpu.memory_space<hbm>> -> memref<1x64x128xf32, #tpu.memory_space<hbm>>
    %dma_wait3A_820 = tpu.memref_squeeze %dma_wait3A_819 : memref<1x64x128xf32, #tpu.memory_space<hbm>> -> memref<64x128xf32, #tpu.memory_space<hbm>>
    %dma_wait3A_821 = arith.constant 0 : i32
    %dma_wait3A_822 = tpu.memref_slice %arg2[%dma_wait3A_817, %add3A_4, %dma_wait3A_821] : memref<50x4096x128xf32, #tpu.memory_space<hbm>> -> memref<1x64x128xf32, #tpu.memory_space<hbm>>
    %dma_wait3A_823 = tpu.memref_squeeze %dma_wait3A_822 : memref<1x64x128xf32, #tpu.memory_space<hbm>> -> memref<64x128xf32, #tpu.memory_space<hbm>>
    tpu.wait_dma2 semaphore(%arg22 : memref<!tpu.dma_semaphore, #tpu.memory_space<semaphore_mem>>) src(%dma_wait3A_823 : memref<64x128xf32, #tpu.memory_space<hbm>>) dst(%arg10 : memref<64x128xf32, #tpu.memory_space<vmem>>)
    %dma_start3A_824 = arith.constant 4736 : i32
    %dma_start3A_825 = tpu.memref_slice %arg4[%add3A_4, %dma_start3A_824] : memref<4096x6400xf32, #tpu.memory_space<hbm>> -> memref<64x128xf32, #tpu.memory_space<hbm>>
    %dma_start3A_826 = arith.constant 4736 : i32
    %dma_start3A_827 = tpu.memref_slice %arg4[%add3A_4, %dma_start3A_826] : memref<4096x6400xf32, #tpu.memory_space<hbm>> -> memref<64x128xf32, #tpu.memory_space<hbm>>
    tpu.enqueue_dma source(%arg10 : memref<64x128xf32, #tpu.memory_space<vmem>>) target(%dma_start3A_827 : memref<64x128xf32, #tpu.memory_space<hbm>>) target_semaphore(%arg26 : memref<!tpu.dma_semaphore, #tpu.memory_space<semaphore_mem>>)
    %dma_wait3A_828 = arith.constant 4480 : i32
    %dma_wait3A_829 = tpu.memref_slice %arg4[%add3A_4, %dma_wait3A_828] : memref<4096x6400xf32, #tpu.memory_space<hbm>> -> memref<64x128xf32, #tpu.memory_space<hbm>>
    %dma_wait3A_830 = arith.constant 4480 : i32
    %dma_wait3A_831 = tpu.memref_slice %arg4[%add3A_4, %dma_wait3A_830] : memref<4096x6400xf32, #tpu.memory_space<hbm>> -> memref<64x128xf32, #tpu.memory_space<hbm>>
    tpu.wait_dma2 semaphore(%arg28 : memref<!tpu.dma_semaphore, #tpu.memory_space<semaphore_mem>>) src(%arg12 : memref<64x128xf32, #tpu.memory_space<vmem>>) dst(%dma_wait3A_831 : memref<64x128xf32, #tpu.memory_space<hbm>>)
    %dma_start3A_832 = arith.constant 38 : i32
    %dma_start3A_833 = arith.constant 0 : i32
    %dma_start3A_834 = tpu.memref_slice %arg2[%dma_start3A_832, %add3A_4, %dma_start3A_833] : memref<50x4096x128xf32, #tpu.memory_space<hbm>> -> memref<1x64x128xf32, #tpu.memory_space<hbm>>
    %dma_start3A_835 = tpu.memref_squeeze %dma_start3A_834 : memref<1x64x128xf32, #tpu.memory_space<hbm>> -> memref<64x128xf32, #tpu.memory_space<hbm>>
    %dma_start3A_836 = arith.constant 0 : i32
    %dma_start3A_837 = tpu.memref_slice %arg2[%dma_start3A_832, %add3A_4, %dma_start3A_836] : memref<50x4096x128xf32, #tpu.memory_space<hbm>> -> memref<1x64x128xf32, #tpu.memory_space<hbm>>
    %dma_start3A_838 = tpu.memref_squeeze %dma_start3A_837 : memref<1x64x128xf32, #tpu.memory_space<hbm>> -> memref<64x128xf32, #tpu.memory_space<hbm>>
    tpu.enqueue_dma source(%dma_start3A_838 : memref<64x128xf32, #tpu.memory_space<hbm>>) target(%arg12 : memref<64x128xf32, #tpu.memory_space<vmem>>) target_semaphore(%arg24 : memref<!tpu.dma_semaphore, #tpu.memory_space<semaphore_mem>>)
    %dma_wait3A_839 = arith.constant 37 : i32
    %dma_wait3A_840 = arith.constant 0 : i32
    %dma_wait3A_841 = tpu.memref_slice %arg2[%dma_wait3A_839, %add3A_4, %dma_wait3A_840] : memref<50x4096x128xf32, #tpu.memory_space<hbm>> -> memref<1x64x128xf32, #tpu.memory_space<hbm>>
    %dma_wait3A_842 = tpu.memref_squeeze %dma_wait3A_841 : memref<1x64x128xf32, #tpu.memory_space<hbm>> -> memref<64x128xf32, #tpu.memory_space<hbm>>
    %dma_wait3A_843 = arith.constant 0 : i32
    %dma_wait3A_844 = tpu.memref_slice %arg2[%dma_wait3A_839, %add3A_4, %dma_wait3A_843] : memref<50x4096x128xf32, #tpu.memory_space<hbm>> -> memref<1x64x128xf32, #tpu.memory_space<hbm>>
    %dma_wait3A_845 = tpu.memref_squeeze %dma_wait3A_844 : memref<1x64x128xf32, #tpu.memory_space<hbm>> -> memref<64x128xf32, #tpu.memory_space<hbm>>
    tpu.wait_dma2 semaphore(%arg23 : memref<!tpu.dma_semaphore, #tpu.memory_space<semaphore_mem>>) src(%dma_wait3A_845 : memref<64x128xf32, #tpu.memory_space<hbm>>) dst(%arg11 : memref<64x128xf32, #tpu.memory_space<vmem>>)
    %dma_start3A_846 = arith.constant 4864 : i32
    %dma_start3A_847 = tpu.memref_slice %arg4[%add3A_4, %dma_start3A_846] : memref<4096x6400xf32, #tpu.memory_space<hbm>> -> memref<64x128xf32, #tpu.memory_space<hbm>>
    %dma_start3A_848 = arith.constant 4864 : i32
    %dma_start3A_849 = tpu.memref_slice %arg4[%add3A_4, %dma_start3A_848] : memref<4096x6400xf32, #tpu.memory_space<hbm>> -> memref<64x128xf32, #tpu.memory_space<hbm>>
    tpu.enqueue_dma source(%arg11 : memref<64x128xf32, #tpu.memory_space<vmem>>) target(%dma_start3A_849 : memref<64x128xf32, #tpu.memory_space<hbm>>) target_semaphore(%arg27 : memref<!tpu.dma_semaphore, #tpu.memory_space<semaphore_mem>>)
    %dma_wait3A_850 = arith.constant 4608 : i32
    %dma_wait3A_851 = tpu.memref_slice %arg4[%add3A_4, %dma_wait3A_850] : memref<4096x6400xf32, #tpu.memory_space<hbm>> -> memref<64x128xf32, #tpu.memory_space<hbm>>
    %dma_wait3A_852 = arith.constant 4608 : i32
    %dma_wait3A_853 = tpu.memref_slice %arg4[%add3A_4, %dma_wait3A_852] : memref<4096x6400xf32, #tpu.memory_space<hbm>> -> memref<64x128xf32, #tpu.memory_space<hbm>>
    tpu.wait_dma2 semaphore(%arg25 : memref<!tpu.dma_semaphore, #tpu.memory_space<semaphore_mem>>) src(%arg9 : memref<64x128xf32, #tpu.memory_space<vmem>>) dst(%dma_wait3A_853 : memref<64x128xf32, #tpu.memory_space<hbm>>)
    %dma_start3A_854 = arith.constant 39 : i32
    %dma_start3A_855 = arith.constant 0 : i32
    %dma_start3A_856 = tpu.memref_slice %arg2[%dma_start3A_854, %add3A_4, %dma_start3A_855] : memref<50x4096x128xf32, #tpu.memory_space<hbm>> -> memref<1x64x128xf32, #tpu.memory_space<hbm>>
    %dma_start3A_857 = tpu.memref_squeeze %dma_start3A_856 : memref<1x64x128xf32, #tpu.memory_space<hbm>> -> memref<64x128xf32, #tpu.memory_space<hbm>>
    %dma_start3A_858 = arith.constant 0 : i32
    %dma_start3A_859 = tpu.memref_slice %arg2[%dma_start3A_854, %add3A_4, %dma_start3A_858] : memref<50x4096x128xf32, #tpu.memory_space<hbm>> -> memref<1x64x128xf32, #tpu.memory_space<hbm>>
    %dma_start3A_860 = tpu.memref_squeeze %dma_start3A_859 : memref<1x64x128xf32, #tpu.memory_space<hbm>> -> memref<64x128xf32, #tpu.memory_space<hbm>>
    tpu.enqueue_dma source(%dma_start3A_860 : memref<64x128xf32, #tpu.memory_space<hbm>>) target(%arg9 : memref<64x128xf32, #tpu.memory_space<vmem>>) target_semaphore(%arg21 : memref<!tpu.dma_semaphore, #tpu.memory_space<semaphore_mem>>)
    %dma_wait3A_861 = arith.constant 38 : i32
    %dma_wait3A_862 = arith.constant 0 : i32
    %dma_wait3A_863 = tpu.memref_slice %arg2[%dma_wait3A_861, %add3A_4, %dma_wait3A_862] : memref<50x4096x128xf32, #tpu.memory_space<hbm>> -> memref<1x64x128xf32, #tpu.memory_space<hbm>>
    %dma_wait3A_864 = tpu.memref_squeeze %dma_wait3A_863 : memref<1x64x128xf32, #tpu.memory_space<hbm>> -> memref<64x128xf32, #tpu.memory_space<hbm>>
    %dma_wait3A_865 = arith.constant 0 : i32
    %dma_wait3A_866 = tpu.memref_slice %arg2[%dma_wait3A_861, %add3A_4, %dma_wait3A_865] : memref<50x4096x128xf32, #tpu.memory_space<hbm>> -> memref<1x64x128xf32, #tpu.memory_space<hbm>>
    %dma_wait3A_867 = tpu.memref_squeeze %dma_wait3A_866 : memref<1x64x128xf32, #tpu.memory_space<hbm>> -> memref<64x128xf32, #tpu.memory_space<hbm>>
    tpu.wait_dma2 semaphore(%arg24 : memref<!tpu.dma_semaphore, #tpu.memory_space<semaphore_mem>>) src(%dma_wait3A_867 : memref<64x128xf32, #tpu.memory_space<hbm>>) dst(%arg12 : memref<64x128xf32, #tpu.memory_space<vmem>>)
    %dma_start3A_868 = arith.constant 4992 : i32
    %dma_start3A_869 = tpu.memref_slice %arg4[%add3A_4, %dma_start3A_868] : memref<4096x6400xf32, #tpu.memory_space<hbm>> -> memref<64x128xf32, #tpu.memory_space<hbm>>
    %dma_start3A_870 = arith.constant 4992 : i32
    %dma_start3A_871 = tpu.memref_slice %arg4[%add3A_4, %dma_start3A_870] : memref<4096x6400xf32, #tpu.memory_space<hbm>> -> memref<64x128xf32, #tpu.memory_space<hbm>>
    tpu.enqueue_dma source(%arg12 : memref<64x128xf32, #tpu.memory_space<vmem>>) target(%dma_start3A_871 : memref<64x128xf32, #tpu.memory_space<hbm>>) target_semaphore(%arg28 : memref<!tpu.dma_semaphore, #tpu.memory_space<semaphore_mem>>)
    %dma_wait3A_872 = arith.constant 4736 : i32
    %dma_wait3A_873 = tpu.memref_slice %arg4[%add3A_4, %dma_wait3A_872] : memref<4096x6400xf32, #tpu.memory_space<hbm>> -> memref<64x128xf32, #tpu.memory_space<hbm>>
    %dma_wait3A_874 = arith.constant 4736 : i32
    %dma_wait3A_875 = tpu.memref_slice %arg4[%add3A_4, %dma_wait3A_874] : memref<4096x6400xf32, #tpu.memory_space<hbm>> -> memref<64x128xf32, #tpu.memory_space<hbm>>
    tpu.wait_dma2 semaphore(%arg26 : memref<!tpu.dma_semaphore, #tpu.memory_space<semaphore_mem>>) src(%arg10 : memref<64x128xf32, #tpu.memory_space<vmem>>) dst(%dma_wait3A_875 : memref<64x128xf32, #tpu.memory_space<hbm>>)
    %dma_start3A_876 = arith.constant 40 : i32
    %dma_start3A_877 = arith.constant 0 : i32
    %dma_start3A_878 = tpu.memref_slice %arg2[%dma_start3A_876, %add3A_4, %dma_start3A_877] : memref<50x4096x128xf32, #tpu.memory_space<hbm>> -> memref<1x64x128xf32, #tpu.memory_space<hbm>>
    %dma_start3A_879 = tpu.memref_squeeze %dma_start3A_878 : memref<1x64x128xf32, #tpu.memory_space<hbm>> -> memref<64x128xf32, #tpu.memory_space<hbm>>
    %dma_start3A_880 = arith.constant 0 : i32
    %dma_start3A_881 = tpu.memref_slice %arg2[%dma_start3A_876, %add3A_4, %dma_start3A_880] : memref<50x4096x128xf32, #tpu.memory_space<hbm>> -> memref<1x64x128xf32, #tpu.memory_space<hbm>>
    %dma_start3A_882 = tpu.memref_squeeze %dma_start3A_881 : memref<1x64x128xf32, #tpu.memory_space<hbm>> -> memref<64x128xf32, #tpu.memory_space<hbm>>
    tpu.enqueue_dma source(%dma_start3A_882 : memref<64x128xf32, #tpu.memory_space<hbm>>) target(%arg10 : memref<64x128xf32, #tpu.memory_space<vmem>>) target_semaphore(%arg22 : memref<!tpu.dma_semaphore, #tpu.memory_space<semaphore_mem>>)
    %dma_wait3A_883 = arith.constant 39 : i32
    %dma_wait3A_884 = arith.constant 0 : i32
    %dma_wait3A_885 = tpu.memref_slice %arg2[%dma_wait3A_883, %add3A_4, %dma_wait3A_884] : memref<50x4096x128xf32, #tpu.memory_space<hbm>> -> memref<1x64x128xf32, #tpu.memory_space<hbm>>
    %dma_wait3A_886 = tpu.memref_squeeze %dma_wait3A_885 : memref<1x64x128xf32, #tpu.memory_space<hbm>> -> memref<64x128xf32, #tpu.memory_space<hbm>>
    %dma_wait3A_887 = arith.constant 0 : i32
    %dma_wait3A_888 = tpu.memref_slice %arg2[%dma_wait3A_883, %add3A_4, %dma_wait3A_887] : memref<50x4096x128xf32, #tpu.memory_space<hbm>> -> memref<1x64x128xf32, #tpu.memory_space<hbm>>
    %dma_wait3A_889 = tpu.memref_squeeze %dma_wait3A_888 : memref<1x64x128xf32, #tpu.memory_space<hbm>> -> memref<64x128xf32, #tpu.memory_space<hbm>>
    tpu.wait_dma2 semaphore(%arg21 : memref<!tpu.dma_semaphore, #tpu.memory_space<semaphore_mem>>) src(%dma_wait3A_889 : memref<64x128xf32, #tpu.memory_space<hbm>>) dst(%arg9 : memref<64x128xf32, #tpu.memory_space<vmem>>)
    %dma_start3A_890 = arith.constant 5120 : i32
    %dma_start3A_891 = tpu.memref_slice %arg4[%add3A_4, %dma_start3A_890] : memref<4096x6400xf32, #tpu.memory_space<hbm>> -> memref<64x128xf32, #tpu.memory_space<hbm>>
    %dma_start3A_892 = arith.constant 5120 : i32
    %dma_start3A_893 = tpu.memref_slice %arg4[%add3A_4, %dma_start3A_892] : memref<4096x6400xf32, #tpu.memory_space<hbm>> -> memref<64x128xf32, #tpu.memory_space<hbm>>
    tpu.enqueue_dma source(%arg9 : memref<64x128xf32, #tpu.memory_space<vmem>>) target(%dma_start3A_893 : memref<64x128xf32, #tpu.memory_space<hbm>>) target_semaphore(%arg25 : memref<!tpu.dma_semaphore, #tpu.memory_space<semaphore_mem>>)
    %dma_wait3A_894 = arith.constant 4864 : i32
    %dma_wait3A_895 = tpu.memref_slice %arg4[%add3A_4, %dma_wait3A_894] : memref<4096x6400xf32, #tpu.memory_space<hbm>> -> memref<64x128xf32, #tpu.memory_space<hbm>>
    %dma_wait3A_896 = arith.constant 4864 : i32
    %dma_wait3A_897 = tpu.memref_slice %arg4[%add3A_4, %dma_wait3A_896] : memref<4096x6400xf32, #tpu.memory_space<hbm>> -> memref<64x128xf32, #tpu.memory_space<hbm>>
    tpu.wait_dma2 semaphore(%arg27 : memref<!tpu.dma_semaphore, #tpu.memory_space<semaphore_mem>>) src(%arg11 : memref<64x128xf32, #tpu.memory_space<vmem>>) dst(%dma_wait3A_897 : memref<64x128xf32, #tpu.memory_space<hbm>>)
    %dma_start3A_898 = arith.constant 41 : i32
    %dma_start3A_899 = arith.constant 0 : i32
    %dma_start3A_900 = tpu.memref_slice %arg2[%dma_start3A_898, %add3A_4, %dma_start3A_899] : memref<50x4096x128xf32, #tpu.memory_space<hbm>> -> memref<1x64x128xf32, #tpu.memory_space<hbm>>
    %dma_start3A_901 = tpu.memref_squeeze %dma_start3A_900 : memref<1x64x128xf32, #tpu.memory_space<hbm>> -> memref<64x128xf32, #tpu.memory_space<hbm>>
    %dma_start3A_902 = arith.constant 0 : i32
    %dma_start3A_903 = tpu.memref_slice %arg2[%dma_start3A_898, %add3A_4, %dma_start3A_902] : memref<50x4096x128xf32, #tpu.memory_space<hbm>> -> memref<1x64x128xf32, #tpu.memory_space<hbm>>
    %dma_start3A_904 = tpu.memref_squeeze %dma_start3A_903 : memref<1x64x128xf32, #tpu.memory_space<hbm>> -> memref<64x128xf32, #tpu.memory_space<hbm>>
    tpu.enqueue_dma source(%dma_start3A_904 : memref<64x128xf32, #tpu.memory_space<hbm>>) target(%arg11 : memref<64x128xf32, #tpu.memory_space<vmem>>) target_semaphore(%arg23 : memref<!tpu.dma_semaphore, #tpu.memory_space<semaphore_mem>>)
    %dma_wait3A_905 = arith.constant 40 : i32
    %dma_wait3A_906 = arith.constant 0 : i32
    %dma_wait3A_907 = tpu.memref_slice %arg2[%dma_wait3A_905, %add3A_4, %dma_wait3A_906] : memref<50x4096x128xf32, #tpu.memory_space<hbm>> -> memref<1x64x128xf32, #tpu.memory_space<hbm>>
    %dma_wait3A_908 = tpu.memref_squeeze %dma_wait3A_907 : memref<1x64x128xf32, #tpu.memory_space<hbm>> -> memref<64x128xf32, #tpu.memory_space<hbm>>
    %dma_wait3A_909 = arith.constant 0 : i32
    %dma_wait3A_910 = tpu.memref_slice %arg2[%dma_wait3A_905, %add3A_4, %dma_wait3A_909] : memref<50x4096x128xf32, #tpu.memory_space<hbm>> -> memref<1x64x128xf32, #tpu.memory_space<hbm>>
    %dma_wait3A_911 = tpu.memref_squeeze %dma_wait3A_910 : memref<1x64x128xf32, #tpu.memory_space<hbm>> -> memref<64x128xf32, #tpu.memory_space<hbm>>
    tpu.wait_dma2 semaphore(%arg22 : memref<!tpu.dma_semaphore, #tpu.memory_space<semaphore_mem>>) src(%dma_wait3A_911 : memref<64x128xf32, #tpu.memory_space<hbm>>) dst(%arg10 : memref<64x128xf32, #tpu.memory_space<vmem>>)
    %dma_start3A_912 = arith.constant 5248 : i32
    %dma_start3A_913 = tpu.memref_slice %arg4[%add3A_4, %dma_start3A_912] : memref<4096x6400xf32, #tpu.memory_space<hbm>> -> memref<64x128xf32, #tpu.memory_space<hbm>>
    %dma_start3A_914 = arith.constant 5248 : i32
    %dma_start3A_915 = tpu.memref_slice %arg4[%add3A_4, %dma_start3A_914] : memref<4096x6400xf32, #tpu.memory_space<hbm>> -> memref<64x128xf32, #tpu.memory_space<hbm>>
    tpu.enqueue_dma source(%arg10 : memref<64x128xf32, #tpu.memory_space<vmem>>) target(%dma_start3A_915 : memref<64x128xf32, #tpu.memory_space<hbm>>) target_semaphore(%arg26 : memref<!tpu.dma_semaphore, #tpu.memory_space<semaphore_mem>>)
    %dma_wait3A_916 = arith.constant 4992 : i32
    %dma_wait3A_917 = tpu.memref_slice %arg4[%add3A_4, %dma_wait3A_916] : memref<4096x6400xf32, #tpu.memory_space<hbm>> -> memref<64x128xf32, #tpu.memory_space<hbm>>
    %dma_wait3A_918 = arith.constant 4992 : i32
    %dma_wait3A_919 = tpu.memref_slice %arg4[%add3A_4, %dma_wait3A_918] : memref<4096x6400xf32, #tpu.memory_space<hbm>> -> memref<64x128xf32, #tpu.memory_space<hbm>>
    tpu.wait_dma2 semaphore(%arg28 : memref<!tpu.dma_semaphore, #tpu.memory_space<semaphore_mem>>) src(%arg12 : memref<64x128xf32, #tpu.memory_space<vmem>>) dst(%dma_wait3A_919 : memref<64x128xf32, #tpu.memory_space<hbm>>)
    %dma_start3A_920 = arith.constant 42 : i32
    %dma_start3A_921 = arith.constant 0 : i32
    %dma_start3A_922 = tpu.memref_slice %arg2[%dma_start3A_920, %add3A_4, %dma_start3A_921] : memref<50x4096x128xf32, #tpu.memory_space<hbm>> -> memref<1x64x128xf32, #tpu.memory_space<hbm>>
    %dma_start3A_923 = tpu.memref_squeeze %dma_start3A_922 : memref<1x64x128xf32, #tpu.memory_space<hbm>> -> memref<64x128xf32, #tpu.memory_space<hbm>>
    %dma_start3A_924 = arith.constant 0 : i32
    %dma_start3A_925 = tpu.memref_slice %arg2[%dma_start3A_920, %add3A_4, %dma_start3A_924] : memref<50x4096x128xf32, #tpu.memory_space<hbm>> -> memref<1x64x128xf32, #tpu.memory_space<hbm>>
    %dma_start3A_926 = tpu.memref_squeeze %dma_start3A_925 : memref<1x64x128xf32, #tpu.memory_space<hbm>> -> memref<64x128xf32, #tpu.memory_space<hbm>>
    tpu.enqueue_dma source(%dma_start3A_926 : memref<64x128xf32, #tpu.memory_space<hbm>>) target(%arg12 : memref<64x128xf32, #tpu.memory_space<vmem>>) target_semaphore(%arg24 : memref<!tpu.dma_semaphore, #tpu.memory_space<semaphore_mem>>)
    %dma_wait3A_927 = arith.constant 41 : i32
    %dma_wait3A_928 = arith.constant 0 : i32
    %dma_wait3A_929 = tpu.memref_slice %arg2[%dma_wait3A_927, %add3A_4, %dma_wait3A_928] : memref<50x4096x128xf32, #tpu.memory_space<hbm>> -> memref<1x64x128xf32, #tpu.memory_space<hbm>>
    %dma_wait3A_930 = tpu.memref_squeeze %dma_wait3A_929 : memref<1x64x128xf32, #tpu.memory_space<hbm>> -> memref<64x128xf32, #tpu.memory_space<hbm>>
    %dma_wait3A_931 = arith.constant 0 : i32
    %dma_wait3A_932 = tpu.memref_slice %arg2[%dma_wait3A_927, %add3A_4, %dma_wait3A_931] : memref<50x4096x128xf32, #tpu.memory_space<hbm>> -> memref<1x64x128xf32, #tpu.memory_space<hbm>>
    %dma_wait3A_933 = tpu.memref_squeeze %dma_wait3A_932 : memref<1x64x128xf32, #tpu.memory_space<hbm>> -> memref<64x128xf32, #tpu.memory_space<hbm>>
    tpu.wait_dma2 semaphore(%arg23 : memref<!tpu.dma_semaphore, #tpu.memory_space<semaphore_mem>>) src(%dma_wait3A_933 : memref<64x128xf32, #tpu.memory_space<hbm>>) dst(%arg11 : memref<64x128xf32, #tpu.memory_space<vmem>>)
    %dma_start3A_934 = arith.constant 5376 : i32
    %dma_start3A_935 = tpu.memref_slice %arg4[%add3A_4, %dma_start3A_934] : memref<4096x6400xf32, #tpu.memory_space<hbm>> -> memref<64x128xf32, #tpu.memory_space<hbm>>
    %dma_start3A_936 = arith.constant 5376 : i32
    %dma_start3A_937 = tpu.memref_slice %arg4[%add3A_4, %dma_start3A_936] : memref<4096x6400xf32, #tpu.memory_space<hbm>> -> memref<64x128xf32, #tpu.memory_space<hbm>>
    tpu.enqueue_dma source(%arg11 : memref<64x128xf32, #tpu.memory_space<vmem>>) target(%dma_start3A_937 : memref<64x128xf32, #tpu.memory_space<hbm>>) target_semaphore(%arg27 : memref<!tpu.dma_semaphore, #tpu.memory_space<semaphore_mem>>)
    %dma_wait3A_938 = arith.constant 5120 : i32
    %dma_wait3A_939 = tpu.memref_slice %arg4[%add3A_4, %dma_wait3A_938] : memref<4096x6400xf32, #tpu.memory_space<hbm>> -> memref<64x128xf32, #tpu.memory_space<hbm>>
    %dma_wait3A_940 = arith.constant 5120 : i32
    %dma_wait3A_941 = tpu.memref_slice %arg4[%add3A_4, %dma_wait3A_940] : memref<4096x6400xf32, #tpu.memory_space<hbm>> -> memref<64x128xf32, #tpu.memory_space<hbm>>
    tpu.wait_dma2 semaphore(%arg25 : memref<!tpu.dma_semaphore, #tpu.memory_space<semaphore_mem>>) src(%arg9 : memref<64x128xf32, #tpu.memory_space<vmem>>) dst(%dma_wait3A_941 : memref<64x128xf32, #tpu.memory_space<hbm>>)
    %dma_start3A_942 = arith.constant 43 : i32
    %dma_start3A_943 = arith.constant 0 : i32
    %dma_start3A_944 = tpu.memref_slice %arg2[%dma_start3A_942, %add3A_4, %dma_start3A_943] : memref<50x4096x128xf32, #tpu.memory_space<hbm>> -> memref<1x64x128xf32, #tpu.memory_space<hbm>>
    %dma_start3A_945 = tpu.memref_squeeze %dma_start3A_944 : memref<1x64x128xf32, #tpu.memory_space<hbm>> -> memref<64x128xf32, #tpu.memory_space<hbm>>
    %dma_start3A_946 = arith.constant 0 : i32
    %dma_start3A_947 = tpu.memref_slice %arg2[%dma_start3A_942, %add3A_4, %dma_start3A_946] : memref<50x4096x128xf32, #tpu.memory_space<hbm>> -> memref<1x64x128xf32, #tpu.memory_space<hbm>>
    %dma_start3A_948 = tpu.memref_squeeze %dma_start3A_947 : memref<1x64x128xf32, #tpu.memory_space<hbm>> -> memref<64x128xf32, #tpu.memory_space<hbm>>
    tpu.enqueue_dma source(%dma_start3A_948 : memref<64x128xf32, #tpu.memory_space<hbm>>) target(%arg9 : memref<64x128xf32, #tpu.memory_space<vmem>>) target_semaphore(%arg21 : memref<!tpu.dma_semaphore, #tpu.memory_space<semaphore_mem>>)
    %dma_wait3A_949 = arith.constant 42 : i32
    %dma_wait3A_950 = arith.constant 0 : i32
    %dma_wait3A_951 = tpu.memref_slice %arg2[%dma_wait3A_949, %add3A_4, %dma_wait3A_950] : memref<50x4096x128xf32, #tpu.memory_space<hbm>> -> memref<1x64x128xf32, #tpu.memory_space<hbm>>
    %dma_wait3A_952 = tpu.memref_squeeze %dma_wait3A_951 : memref<1x64x128xf32, #tpu.memory_space<hbm>> -> memref<64x128xf32, #tpu.memory_space<hbm>>
    %dma_wait3A_953 = arith.constant 0 : i32
    %dma_wait3A_954 = tpu.memref_slice %arg2[%dma_wait3A_949, %add3A_4, %dma_wait3A_953] : memref<50x4096x128xf32, #tpu.memory_space<hbm>> -> memref<1x64x128xf32, #tpu.memory_space<hbm>>
    %dma_wait3A_955 = tpu.memref_squeeze %dma_wait3A_954 : memref<1x64x128xf32, #tpu.memory_space<hbm>> -> memref<64x128xf32, #tpu.memory_space<hbm>>
    tpu.wait_dma2 semaphore(%arg24 : memref<!tpu.dma_semaphore, #tpu.memory_space<semaphore_mem>>) src(%dma_wait3A_955 : memref<64x128xf32, #tpu.memory_space<hbm>>) dst(%arg12 : memref<64x128xf32, #tpu.memory_space<vmem>>)
    %dma_start3A_956 = arith.constant 5504 : i32
    %dma_start3A_957 = tpu.memref_slice %arg4[%add3A_4, %dma_start3A_956] : memref<4096x6400xf32, #tpu.memory_space<hbm>> -> memref<64x128xf32, #tpu.memory_space<hbm>>
    %dma_start3A_958 = arith.constant 5504 : i32
    %dma_start3A_959 = tpu.memref_slice %arg4[%add3A_4, %dma_start3A_958] : memref<4096x6400xf32, #tpu.memory_space<hbm>> -> memref<64x128xf32, #tpu.memory_space<hbm>>
    tpu.enqueue_dma source(%arg12 : memref<64x128xf32, #tpu.memory_space<vmem>>) target(%dma_start3A_959 : memref<64x128xf32, #tpu.memory_space<hbm>>) target_semaphore(%arg28 : memref<!tpu.dma_semaphore, #tpu.memory_space<semaphore_mem>>)
    %dma_wait3A_960 = arith.constant 5248 : i32
    %dma_wait3A_961 = tpu.memref_slice %arg4[%add3A_4, %dma_wait3A_960] : memref<4096x6400xf32, #tpu.memory_space<hbm>> -> memref<64x128xf32, #tpu.memory_space<hbm>>
    %dma_wait3A_962 = arith.constant 5248 : i32
    %dma_wait3A_963 = tpu.memref_slice %arg4[%add3A_4, %dma_wait3A_962] : memref<4096x6400xf32, #tpu.memory_space<hbm>> -> memref<64x128xf32, #tpu.memory_space<hbm>>
    tpu.wait_dma2 semaphore(%arg26 : memref<!tpu.dma_semaphore, #tpu.memory_space<semaphore_mem>>) src(%arg10 : memref<64x128xf32, #tpu.memory_space<vmem>>) dst(%dma_wait3A_963 : memref<64x128xf32, #tpu.memory_space<hbm>>)
    %dma_start3A_964 = arith.constant 44 : i32
    %dma_start3A_965 = arith.constant 0 : i32
    %dma_start3A_966 = tpu.memref_slice %arg2[%dma_start3A_964, %add3A_4, %dma_start3A_965] : memref<50x4096x128xf32, #tpu.memory_space<hbm>> -> memref<1x64x128xf32, #tpu.memory_space<hbm>>
    %dma_start3A_967 = tpu.memref_squeeze %dma_start3A_966 : memref<1x64x128xf32, #tpu.memory_space<hbm>> -> memref<64x128xf32, #tpu.memory_space<hbm>>
    %dma_start3A_968 = arith.constant 0 : i32
    %dma_start3A_969 = tpu.memref_slice %arg2[%dma_start3A_964, %add3A_4, %dma_start3A_968] : memref<50x4096x128xf32, #tpu.memory_space<hbm>> -> memref<1x64x128xf32, #tpu.memory_space<hbm>>
    %dma_start3A_970 = tpu.memref_squeeze %dma_start3A_969 : memref<1x64x128xf32, #tpu.memory_space<hbm>> -> memref<64x128xf32, #tpu.memory_space<hbm>>
    tpu.enqueue_dma source(%dma_start3A_970 : memref<64x128xf32, #tpu.memory_space<hbm>>) target(%arg10 : memref<64x128xf32, #tpu.memory_space<vmem>>) target_semaphore(%arg22 : memref<!tpu.dma_semaphore, #tpu.memory_space<semaphore_mem>>)
    %dma_wait3A_971 = arith.constant 43 : i32
    %dma_wait3A_972 = arith.constant 0 : i32
    %dma_wait3A_973 = tpu.memref_slice %arg2[%dma_wait3A_971, %add3A_4, %dma_wait3A_972] : memref<50x4096x128xf32, #tpu.memory_space<hbm>> -> memref<1x64x128xf32, #tpu.memory_space<hbm>>
    %dma_wait3A_974 = tpu.memref_squeeze %dma_wait3A_973 : memref<1x64x128xf32, #tpu.memory_space<hbm>> -> memref<64x128xf32, #tpu.memory_space<hbm>>
    %dma_wait3A_975 = arith.constant 0 : i32
    %dma_wait3A_976 = tpu.memref_slice %arg2[%dma_wait3A_971, %add3A_4, %dma_wait3A_975] : memref<50x4096x128xf32, #tpu.memory_space<hbm>> -> memref<1x64x128xf32, #tpu.memory_space<hbm>>
    %dma_wait3A_977 = tpu.memref_squeeze %dma_wait3A_976 : memref<1x64x128xf32, #tpu.memory_space<hbm>> -> memref<64x128xf32, #tpu.memory_space<hbm>>
    tpu.wait_dma2 semaphore(%arg21 : memref<!tpu.dma_semaphore, #tpu.memory_space<semaphore_mem>>) src(%dma_wait3A_977 : memref<64x128xf32, #tpu.memory_space<hbm>>) dst(%arg9 : memref<64x128xf32, #tpu.memory_space<vmem>>)
    %dma_start3A_978 = arith.constant 5632 : i32
    %dma_start3A_979 = tpu.memref_slice %arg4[%add3A_4, %dma_start3A_978] : memref<4096x6400xf32, #tpu.memory_space<hbm>> -> memref<64x128xf32, #tpu.memory_space<hbm>>
    %dma_start3A_980 = arith.constant 5632 : i32
    %dma_start3A_981 = tpu.memref_slice %arg4[%add3A_4, %dma_start3A_980] : memref<4096x6400xf32, #tpu.memory_space<hbm>> -> memref<64x128xf32, #tpu.memory_space<hbm>>
    tpu.enqueue_dma source(%arg9 : memref<64x128xf32, #tpu.memory_space<vmem>>) target(%dma_start3A_981 : memref<64x128xf32, #tpu.memory_space<hbm>>) target_semaphore(%arg25 : memref<!tpu.dma_semaphore, #tpu.memory_space<semaphore_mem>>)
    %dma_wait3A_982 = arith.constant 5376 : i32
    %dma_wait3A_983 = tpu.memref_slice %arg4[%add3A_4, %dma_wait3A_982] : memref<4096x6400xf32, #tpu.memory_space<hbm>> -> memref<64x128xf32, #tpu.memory_space<hbm>>
    %dma_wait3A_984 = arith.constant 5376 : i32
    %dma_wait3A_985 = tpu.memref_slice %arg4[%add3A_4, %dma_wait3A_984] : memref<4096x6400xf32, #tpu.memory_space<hbm>> -> memref<64x128xf32, #tpu.memory_space<hbm>>
    tpu.wait_dma2 semaphore(%arg27 : memref<!tpu.dma_semaphore, #tpu.memory_space<semaphore_mem>>) src(%arg11 : memref<64x128xf32, #tpu.memory_space<vmem>>) dst(%dma_wait3A_985 : memref<64x128xf32, #tpu.memory_space<hbm>>)
    %dma_start3A_986 = arith.constant 45 : i32
    %dma_start3A_987 = arith.constant 0 : i32
    %dma_start3A_988 = tpu.memref_slice %arg2[%dma_start3A_986, %add3A_4, %dma_start3A_987] : memref<50x4096x128xf32, #tpu.memory_space<hbm>> -> memref<1x64x128xf32, #tpu.memory_space<hbm>>
    %dma_start3A_989 = tpu.memref_squeeze %dma_start3A_988 : memref<1x64x128xf32, #tpu.memory_space<hbm>> -> memref<64x128xf32, #tpu.memory_space<hbm>>
    %dma_start3A_990 = arith.constant 0 : i32
    %dma_start3A_991 = tpu.memref_slice %arg2[%dma_start3A_986, %add3A_4, %dma_start3A_990] : memref<50x4096x128xf32, #tpu.memory_space<hbm>> -> memref<1x64x128xf32, #tpu.memory_space<hbm>>
    %dma_start3A_992 = tpu.memref_squeeze %dma_start3A_991 : memref<1x64x128xf32, #tpu.memory_space<hbm>> -> memref<64x128xf32, #tpu.memory_space<hbm>>
    tpu.enqueue_dma source(%dma_start3A_992 : memref<64x128xf32, #tpu.memory_space<hbm>>) target(%arg11 : memref<64x128xf32, #tpu.memory_space<vmem>>) target_semaphore(%arg23 : memref<!tpu.dma_semaphore, #tpu.memory_space<semaphore_mem>>)
    %dma_wait3A_993 = arith.constant 44 : i32
    %dma_wait3A_994 = arith.constant 0 : i32
    %dma_wait3A_995 = tpu.memref_slice %arg2[%dma_wait3A_993, %add3A_4, %dma_wait3A_994] : memref<50x4096x128xf32, #tpu.memory_space<hbm>> -> memref<1x64x128xf32, #tpu.memory_space<hbm>>
    %dma_wait3A_996 = tpu.memref_squeeze %dma_wait3A_995 : memref<1x64x128xf32, #tpu.memory_space<hbm>> -> memref<64x128xf32, #tpu.memory_space<hbm>>
    %dma_wait3A_997 = arith.constant 0 : i32
    %dma_wait3A_998 = tpu.memref_slice %arg2[%dma_wait3A_993, %add3A_4, %dma_wait3A_997] : memref<50x4096x128xf32, #tpu.memory_space<hbm>> -> memref<1x64x128xf32, #tpu.memory_space<hbm>>
    %dma_wait3A_999 = tpu.memref_squeeze %dma_wait3A_998 : memref<1x64x128xf32, #tpu.memory_space<hbm>> -> memref<64x128xf32, #tpu.memory_space<hbm>>
    tpu.wait_dma2 semaphore(%arg22 : memref<!tpu.dma_semaphore, #tpu.memory_space<semaphore_mem>>) src(%dma_wait3A_999 : memref<64x128xf32, #tpu.memory_space<hbm>>) dst(%arg10 : memref<64x128xf32, #tpu.memory_space<vmem>>)
    %dma_start3A_1000 = arith.constant 5760 : i32
    %dma_start3A_1001 = tpu.memref_slice %arg4[%add3A_4, %dma_start3A_1000] : memref<4096x6400xf32, #tpu.memory_space<hbm>> -> memref<64x128xf32, #tpu.memory_space<hbm>>
    %dma_start3A_1002 = arith.constant 5760 : i32
    %dma_start3A_1003 = tpu.memref_slice %arg4[%add3A_4, %dma_start3A_1002] : memref<4096x6400xf32, #tpu.memory_space<hbm>> -> memref<64x128xf32, #tpu.memory_space<hbm>>
    tpu.enqueue_dma source(%arg10 : memref<64x128xf32, #tpu.memory_space<vmem>>) target(%dma_start3A_1003 : memref<64x128xf32, #tpu.memory_space<hbm>>) target_semaphore(%arg26 : memref<!tpu.dma_semaphore, #tpu.memory_space<semaphore_mem>>)
    %dma_wait3A_1004 = arith.constant 5504 : i32
    %dma_wait3A_1005 = tpu.memref_slice %arg4[%add3A_4, %dma_wait3A_1004] : memref<4096x6400xf32, #tpu.memory_space<hbm>> -> memref<64x128xf32, #tpu.memory_space<hbm>>
    %dma_wait3A_1006 = arith.constant 5504 : i32
    %dma_wait3A_1007 = tpu.memref_slice %arg4[%add3A_4, %dma_wait3A_1006] : memref<4096x6400xf32, #tpu.memory_space<hbm>> -> memref<64x128xf32, #tpu.memory_space<hbm>>
    tpu.wait_dma2 semaphore(%arg28 : memref<!tpu.dma_semaphore, #tpu.memory_space<semaphore_mem>>) src(%arg12 : memref<64x128xf32, #tpu.memory_space<vmem>>) dst(%dma_wait3A_1007 : memref<64x128xf32, #tpu.memory_space<hbm>>)
    %dma_start3A_1008 = arith.constant 46 : i32
    %dma_start3A_1009 = arith.constant 0 : i32
    %dma_start3A_1010 = tpu.memref_slice %arg2[%dma_start3A_1008, %add3A_4, %dma_start3A_1009] : memref<50x4096x128xf32, #tpu.memory_space<hbm>> -> memref<1x64x128xf32, #tpu.memory_space<hbm>>
    %dma_start3A_1011 = tpu.memref_squeeze %dma_start3A_1010 : memref<1x64x128xf32, #tpu.memory_space<hbm>> -> memref<64x128xf32, #tpu.memory_space<hbm>>
    %dma_start3A_1012 = arith.constant 0 : i32
    %dma_start3A_1013 = tpu.memref_slice %arg2[%dma_start3A_1008, %add3A_4, %dma_start3A_1012] : memref<50x4096x128xf32, #tpu.memory_space<hbm>> -> memref<1x64x128xf32, #tpu.memory_space<hbm>>
    %dma_start3A_1014 = tpu.memref_squeeze %dma_start3A_1013 : memref<1x64x128xf32, #tpu.memory_space<hbm>> -> memref<64x128xf32, #tpu.memory_space<hbm>>
    tpu.enqueue_dma source(%dma_start3A_1014 : memref<64x128xf32, #tpu.memory_space<hbm>>) target(%arg12 : memref<64x128xf32, #tpu.memory_space<vmem>>) target_semaphore(%arg24 : memref<!tpu.dma_semaphore, #tpu.memory_space<semaphore_mem>>)
    %dma_wait3A_1015 = arith.constant 45 : i32
    %dma_wait3A_1016 = arith.constant 0 : i32
    %dma_wait3A_1017 = tpu.memref_slice %arg2[%dma_wait3A_1015, %add3A_4, %dma_wait3A_1016] : memref<50x4096x128xf32, #tpu.memory_space<hbm>> -> memref<1x64x128xf32, #tpu.memory_space<hbm>>
    %dma_wait3A_1018 = tpu.memref_squeeze %dma_wait3A_1017 : memref<1x64x128xf32, #tpu.memory_space<hbm>> -> memref<64x128xf32, #tpu.memory_space<hbm>>
    %dma_wait3A_1019 = arith.constant 0 : i32
    %dma_wait3A_1020 = tpu.memref_slice %arg2[%dma_wait3A_1015, %add3A_4, %dma_wait3A_1019] : memref<50x4096x128xf32, #tpu.memory_space<hbm>> -> memref<1x64x128xf32, #tpu.memory_space<hbm>>
    %dma_wait3A_1021 = tpu.memref_squeeze %dma_wait3A_1020 : memref<1x64x128xf32, #tpu.memory_space<hbm>> -> memref<64x128xf32, #tpu.memory_space<hbm>>
    tpu.wait_dma2 semaphore(%arg23 : memref<!tpu.dma_semaphore, #tpu.memory_space<semaphore_mem>>) src(%dma_wait3A_1021 : memref<64x128xf32, #tpu.memory_space<hbm>>) dst(%arg11 : memref<64x128xf32, #tpu.memory_space<vmem>>)
    %dma_start3A_1022 = arith.constant 5888 : i32
    %dma_start3A_1023 = tpu.memref_slice %arg4[%add3A_4, %dma_start3A_1022] : memref<4096x6400xf32, #tpu.memory_space<hbm>> -> memref<64x128xf32, #tpu.memory_space<hbm>>
    %dma_start3A_1024 = arith.constant 5888 : i32
    %dma_start3A_1025 = tpu.memref_slice %arg4[%add3A_4, %dma_start3A_1024] : memref<4096x6400xf32, #tpu.memory_space<hbm>> -> memref<64x128xf32, #tpu.memory_space<hbm>>
    tpu.enqueue_dma source(%arg11 : memref<64x128xf32, #tpu.memory_space<vmem>>) target(%dma_start3A_1025 : memref<64x128xf32, #tpu.memory_space<hbm>>) target_semaphore(%arg27 : memref<!tpu.dma_semaphore, #tpu.memory_space<semaphore_mem>>)
    %dma_wait3A_1026 = arith.constant 5632 : i32
    %dma_wait3A_1027 = tpu.memref_slice %arg4[%add3A_4, %dma_wait3A_1026] : memref<4096x6400xf32, #tpu.memory_space<hbm>> -> memref<64x128xf32, #tpu.memory_space<hbm>>
    %dma_wait3A_1028 = arith.constant 5632 : i32
    %dma_wait3A_1029 = tpu.memref_slice %arg4[%add3A_4, %dma_wait3A_1028] : memref<4096x6400xf32, #tpu.memory_space<hbm>> -> memref<64x128xf32, #tpu.memory_space<hbm>>
    tpu.wait_dma2 semaphore(%arg25 : memref<!tpu.dma_semaphore, #tpu.memory_space<semaphore_mem>>) src(%arg9 : memref<64x128xf32, #tpu.memory_space<vmem>>) dst(%dma_wait3A_1029 : memref<64x128xf32, #tpu.memory_space<hbm>>)
    %dma_start3A_1030 = arith.constant 47 : i32
    %dma_start3A_1031 = arith.constant 0 : i32
    %dma_start3A_1032 = tpu.memref_slice %arg2[%dma_start3A_1030, %add3A_4, %dma_start3A_1031] : memref<50x4096x128xf32, #tpu.memory_space<hbm>> -> memref<1x64x128xf32, #tpu.memory_space<hbm>>
    %dma_start3A_1033 = tpu.memref_squeeze %dma_start3A_1032 : memref<1x64x128xf32, #tpu.memory_space<hbm>> -> memref<64x128xf32, #tpu.memory_space<hbm>>
    %dma_start3A_1034 = arith.constant 0 : i32
    %dma_start3A_1035 = tpu.memref_slice %arg2[%dma_start3A_1030, %add3A_4, %dma_start3A_1034] : memref<50x4096x128xf32, #tpu.memory_space<hbm>> -> memref<1x64x128xf32, #tpu.memory_space<hbm>>
    %dma_start3A_1036 = tpu.memref_squeeze %dma_start3A_1035 : memref<1x64x128xf32, #tpu.memory_space<hbm>> -> memref<64x128xf32, #tpu.memory_space<hbm>>
    tpu.enqueue_dma source(%dma_start3A_1036 : memref<64x128xf32, #tpu.memory_space<hbm>>) target(%arg9 : memref<64x128xf32, #tpu.memory_space<vmem>>) target_semaphore(%arg21 : memref<!tpu.dma_semaphore, #tpu.memory_space<semaphore_mem>>)
    %dma_wait3A_1037 = arith.constant 46 : i32
    %dma_wait3A_1038 = arith.constant 0 : i32
    %dma_wait3A_1039 = tpu.memref_slice %arg2[%dma_wait3A_1037, %add3A_4, %dma_wait3A_1038] : memref<50x4096x128xf32, #tpu.memory_space<hbm>> -> memref<1x64x128xf32, #tpu.memory_space<hbm>>
    %dma_wait3A_1040 = tpu.memref_squeeze %dma_wait3A_1039 : memref<1x64x128xf32, #tpu.memory_space<hbm>> -> memref<64x128xf32, #tpu.memory_space<hbm>>
    %dma_wait3A_1041 = arith.constant 0 : i32
    %dma_wait3A_1042 = tpu.memref_slice %arg2[%dma_wait3A_1037, %add3A_4, %dma_wait3A_1041] : memref<50x4096x128xf32, #tpu.memory_space<hbm>> -> memref<1x64x128xf32, #tpu.memory_space<hbm>>
    %dma_wait3A_1043 = tpu.memref_squeeze %dma_wait3A_1042 : memref<1x64x128xf32, #tpu.memory_space<hbm>> -> memref<64x128xf32, #tpu.memory_space<hbm>>
    tpu.wait_dma2 semaphore(%arg24 : memref<!tpu.dma_semaphore, #tpu.memory_space<semaphore_mem>>) src(%dma_wait3A_1043 : memref<64x128xf32, #tpu.memory_space<hbm>>) dst(%arg12 : memref<64x128xf32, #tpu.memory_space<vmem>>)
    %dma_start3A_1044 = arith.constant 6016 : i32
    %dma_start3A_1045 = tpu.memref_slice %arg4[%add3A_4, %dma_start3A_1044] : memref<4096x6400xf32, #tpu.memory_space<hbm>> -> memref<64x128xf32, #tpu.memory_space<hbm>>
    %dma_start3A_1046 = arith.constant 6016 : i32
    %dma_start3A_1047 = tpu.memref_slice %arg4[%add3A_4, %dma_start3A_1046] : memref<4096x6400xf32, #tpu.memory_space<hbm>> -> memref<64x128xf32, #tpu.memory_space<hbm>>
    tpu.enqueue_dma source(%arg12 : memref<64x128xf32, #tpu.memory_space<vmem>>) target(%dma_start3A_1047 : memref<64x128xf32, #tpu.memory_space<hbm>>) target_semaphore(%arg28 : memref<!tpu.dma_semaphore, #tpu.memory_space<semaphore_mem>>)
    %dma_wait3A_1048 = arith.constant 5760 : i32
    %dma_wait3A_1049 = tpu.memref_slice %arg4[%add3A_4, %dma_wait3A_1048] : memref<4096x6400xf32, #tpu.memory_space<hbm>> -> memref<64x128xf32, #tpu.memory_space<hbm>>
    %dma_wait3A_1050 = arith.constant 5760 : i32
    %dma_wait3A_1051 = tpu.memref_slice %arg4[%add3A_4, %dma_wait3A_1050] : memref<4096x6400xf32, #tpu.memory_space<hbm>> -> memref<64x128xf32, #tpu.memory_space<hbm>>
    tpu.wait_dma2 semaphore(%arg26 : memref<!tpu.dma_semaphore, #tpu.memory_space<semaphore_mem>>) src(%arg10 : memref<64x128xf32, #tpu.memory_space<vmem>>) dst(%dma_wait3A_1051 : memref<64x128xf32, #tpu.memory_space<hbm>>)
    %dma_start3A_1052 = arith.constant 48 : i32
    %dma_start3A_1053 = arith.constant 0 : i32
    %dma_start3A_1054 = tpu.memref_slice %arg2[%dma_start3A_1052, %add3A_4, %dma_start3A_1053] : memref<50x4096x128xf32, #tpu.memory_space<hbm>> -> memref<1x64x128xf32, #tpu.memory_space<hbm>>
    %dma_start3A_1055 = tpu.memref_squeeze %dma_start3A_1054 : memref<1x64x128xf32, #tpu.memory_space<hbm>> -> memref<64x128xf32, #tpu.memory_space<hbm>>
    %dma_start3A_1056 = arith.constant 0 : i32
    %dma_start3A_1057 = tpu.memref_slice %arg2[%dma_start3A_1052, %add3A_4, %dma_start3A_1056] : memref<50x4096x128xf32, #tpu.memory_space<hbm>> -> memref<1x64x128xf32, #tpu.memory_space<hbm>>
    %dma_start3A_1058 = tpu.memref_squeeze %dma_start3A_1057 : memref<1x64x128xf32, #tpu.memory_space<hbm>> -> memref<64x128xf32, #tpu.memory_space<hbm>>
    tpu.enqueue_dma source(%dma_start3A_1058 : memref<64x128xf32, #tpu.memory_space<hbm>>) target(%arg10 : memref<64x128xf32, #tpu.memory_space<vmem>>) target_semaphore(%arg22 : memref<!tpu.dma_semaphore, #tpu.memory_space<semaphore_mem>>)
    %dma_wait3A_1059 = arith.constant 47 : i32
    %dma_wait3A_1060 = arith.constant 0 : i32
    %dma_wait3A_1061 = tpu.memref_slice %arg2[%dma_wait3A_1059, %add3A_4, %dma_wait3A_1060] : memref<50x4096x128xf32, #tpu.memory_space<hbm>> -> memref<1x64x128xf32, #tpu.memory_space<hbm>>
    %dma_wait3A_1062 = tpu.memref_squeeze %dma_wait3A_1061 : memref<1x64x128xf32, #tpu.memory_space<hbm>> -> memref<64x128xf32, #tpu.memory_space<hbm>>
    %dma_wait3A_1063 = arith.constant 0 : i32
    %dma_wait3A_1064 = tpu.memref_slice %arg2[%dma_wait3A_1059, %add3A_4, %dma_wait3A_1063] : memref<50x4096x128xf32, #tpu.memory_space<hbm>> -> memref<1x64x128xf32, #tpu.memory_space<hbm>>
    %dma_wait3A_1065 = tpu.memref_squeeze %dma_wait3A_1064 : memref<1x64x128xf32, #tpu.memory_space<hbm>> -> memref<64x128xf32, #tpu.memory_space<hbm>>
    tpu.wait_dma2 semaphore(%arg21 : memref<!tpu.dma_semaphore, #tpu.memory_space<semaphore_mem>>) src(%dma_wait3A_1065 : memref<64x128xf32, #tpu.memory_space<hbm>>) dst(%arg9 : memref<64x128xf32, #tpu.memory_space<vmem>>)
    %dma_start3A_1066 = arith.constant 6144 : i32
    %dma_start3A_1067 = tpu.memref_slice %arg4[%add3A_4, %dma_start3A_1066] : memref<4096x6400xf32, #tpu.memory_space<hbm>> -> memref<64x128xf32, #tpu.memory_space<hbm>>
    %dma_start3A_1068 = arith.constant 6144 : i32
    %dma_start3A_1069 = tpu.memref_slice %arg4[%add3A_4, %dma_start3A_1068] : memref<4096x6400xf32, #tpu.memory_space<hbm>> -> memref<64x128xf32, #tpu.memory_space<hbm>>
    tpu.enqueue_dma source(%arg9 : memref<64x128xf32, #tpu.memory_space<vmem>>) target(%dma_start3A_1069 : memref<64x128xf32, #tpu.memory_space<hbm>>) target_semaphore(%arg25 : memref<!tpu.dma_semaphore, #tpu.memory_space<semaphore_mem>>)
    %dma_wait3A_1070 = arith.constant 48 : i32
    %dma_wait3A_1071 = arith.constant 0 : i32
    %dma_wait3A_1072 = tpu.memref_slice %arg2[%dma_wait3A_1070, %add3A_4, %dma_wait3A_1071] : memref<50x4096x128xf32, #tpu.memory_space<hbm>> -> memref<1x64x128xf32, #tpu.memory_space<hbm>>
    %dma_wait3A_1073 = tpu.memref_squeeze %dma_wait3A_1072 : memref<1x64x128xf32, #tpu.memory_space<hbm>> -> memref<64x128xf32, #tpu.memory_space<hbm>>
    %dma_wait3A_1074 = arith.constant 0 : i32
    %dma_wait3A_1075 = tpu.memref_slice %arg2[%dma_wait3A_1070, %add3A_4, %dma_wait3A_1074] : memref<50x4096x128xf32, #tpu.memory_space<hbm>> -> memref<1x64x128xf32, #tpu.memory_space<hbm>>
    %dma_wait3A_1076 = tpu.memref_squeeze %dma_wait3A_1075 : memref<1x64x128xf32, #tpu.memory_space<hbm>> -> memref<64x128xf32, #tpu.memory_space<hbm>>
    tpu.wait_dma2 semaphore(%arg22 : memref<!tpu.dma_semaphore, #tpu.memory_space<semaphore_mem>>) src(%dma_wait3A_1076 : memref<64x128xf32, #tpu.memory_space<hbm>>) dst(%arg10 : memref<64x128xf32, #tpu.memory_space<vmem>>)
    %dma_start3A_1077 = arith.constant 6272 : i32
    %dma_start3A_1078 = tpu.memref_slice %arg4[%add3A_4, %dma_start3A_1077] : memref<4096x6400xf32, #tpu.memory_space<hbm>> -> memref<64x128xf32, #tpu.memory_space<hbm>>
    %dma_start3A_1079 = arith.constant 6272 : i32
    %dma_start3A_1080 = tpu.memref_slice %arg4[%add3A_4, %dma_start3A_1079] : memref<4096x6400xf32, #tpu.memory_space<hbm>> -> memref<64x128xf32, #tpu.memory_space<hbm>>
    tpu.enqueue_dma source(%arg10 : memref<64x128xf32, #tpu.memory_space<vmem>>) target(%dma_start3A_1080 : memref<64x128xf32, #tpu.memory_space<hbm>>) target_semaphore(%arg26 : memref<!tpu.dma_semaphore, #tpu.memory_space<semaphore_mem>>)
    %dma_wait3A_1081 = arith.constant 5888 : i32
    %dma_wait3A_1082 = tpu.memref_slice %arg4[%add3A_4, %dma_wait3A_1081] : memref<4096x6400xf32, #tpu.memory_space<hbm>> -> memref<64x128xf32, #tpu.memory_space<hbm>>
    %dma_wait3A_1083 = arith.constant 5888 : i32
    %dma_wait3A_1084 = tpu.memref_slice %arg4[%add3A_4, %dma_wait3A_1083] : memref<4096x6400xf32, #tpu.memory_space<hbm>> -> memref<64x128xf32, #tpu.memory_space<hbm>>
    tpu.wait_dma2 semaphore(%arg27 : memref<!tpu.dma_semaphore, #tpu.memory_space<semaphore_mem>>) src(%arg11 : memref<64x128xf32, #tpu.memory_space<vmem>>) dst(%dma_wait3A_1084 : memref<64x128xf32, #tpu.memory_space<hbm>>)
    %dma_wait3A_1085 = arith.constant 6016 : i32
    %dma_wait3A_1086 = tpu.memref_slice %arg4[%add3A_4, %dma_wait3A_1085] : memref<4096x6400xf32, #tpu.memory_space<hbm>> -> memref<64x128xf32, #tpu.memory_space<hbm>>
    %dma_wait3A_1087 = arith.constant 6016 : i32
    %dma_wait3A_1088 = tpu.memref_slice %arg4[%add3A_4, %dma_wait3A_1087] : memref<4096x6400xf32, #tpu.memory_space<hbm>> -> memref<64x128xf32, #tpu.memory_space<hbm>>
    tpu.wait_dma2 semaphore(%arg28 : memref<!tpu.dma_semaphore, #tpu.memory_space<semaphore_mem>>) src(%arg12 : memref<64x128xf32, #tpu.memory_space<vmem>>) dst(%dma_wait3A_1088 : memref<64x128xf32, #tpu.memory_space<hbm>>)
    %dma_wait3A_1089 = arith.constant 6144 : i32
    %dma_wait3A_1090 = tpu.memref_slice %arg4[%add3A_4, %dma_wait3A_1089] : memref<4096x6400xf32, #tpu.memory_space<hbm>> -> memref<64x128xf32, #tpu.memory_space<hbm>>
    %dma_wait3A_1091 = arith.constant 6144 : i32
    %dma_wait3A_1092 = tpu.memref_slice %arg4[%add3A_4, %dma_wait3A_1091] : memref<4096x6400xf32, #tpu.memory_space<hbm>> -> memref<64x128xf32, #tpu.memory_space<hbm>>
    tpu.wait_dma2 semaphore(%arg25 : memref<!tpu.dma_semaphore, #tpu.memory_space<semaphore_mem>>) src(%arg9 : memref<64x128xf32, #tpu.memory_space<vmem>>) dst(%dma_wait3A_1092 : memref<64x128xf32, #tpu.memory_space<hbm>>)
    %dma_wait3A_1093 = arith.constant 6272 : i32
    %dma_wait3A_1094 = tpu.memref_slice %arg4[%add3A_4, %dma_wait3A_1093] : memref<4096x6400xf32, #tpu.memory_space<hbm>> -> memref<64x128xf32, #tpu.memory_space<hbm>>
    %dma_wait3A_1095 = arith.constant 6272 : i32
    %dma_wait3A_1096 = tpu.memref_slice %arg4[%add3A_4, %dma_wait3A_1095] : memref<4096x6400xf32, #tpu.memory_space<hbm>> -> memref<64x128xf32, #tpu.memory_space<hbm>>
    tpu.wait_dma2 semaphore(%arg26 : memref<!tpu.dma_semaphore, #tpu.memory_space<semaphore_mem>>) src(%arg10 : memref<64x128xf32, #tpu.memory_space<vmem>>) dst(%dma_wait3A_1096 : memref<64x128xf32, #tpu.memory_space<hbm>>)
    return
  }
}

</mosaic_0001>

<sc_bundles>
// kernel: kernel.3.cloned.1.call-start
scs
__scs_entry_jumppad:
0x0: {  	(pc) =	sbr.rel $0x88, $3  }
0x1: {  	(tag) =	ssettag $0x0;
	lr =	simm.s32 $0x1  }
0x2: {  	[smem:$0x3F9F] =	sst lr;
	_ =	strace $0xD0000000  }
0x3: {  	_ = 	snop  }
0x4: {  	_ = 	snop  }
0x5: {  	_ = 	snop  }
0x6: {  	_ = 	snop  }
0x7: {  	_ = 	snop  }
__scs_overlays_trampoline_lowered:
0x8: {  	[smem:$0x3FAE] =	sst s0  }
0x9: {  	[smem:$0x3FAF] =	sst s1  }
0xa: {  	[smem:$0x3FB0] =	sst s2  }
0xb: {  	[smem:$0x3FB1] =	sst s3  }
0xc: {  	[smem:$0x3FB2] =	sst s4  }
0xd: {  	[smem:$0x3FB3] =	sst s5  }
0xe: {  	[smem:$0x3FB4] =	sst s6  }
0xf: {  	[smem:$0x3FB5] =	sst s7  }
0x10: {  	[smem:$0x3FB6] =	sst s8  }
0x11: {  	[smem:$0x3FB7] =	sst s9;
	s0 =	simm.s32 @!p0 $0x0  }
0x12: {  	s1 =	sld [smem:$0x3F9D];
	s0 =	simm.s32 @p0 $0x1  }
0x13: {  	[smem:$0x3FB8] =	sst s0;
	s0 =	simm.s32 @!p1 $0x0  }
0x14: {  	s2 =	sld [smem:$0x3F9C];
	s0 =	simm.s32 @p1 $0x1  }
0x15: {  	[smem:$0x3FB9] =	sst s0;
	s0 =	simm.s32 @!p2 $0x0  }
0x16: {  	s3 =	sld [smem:$0x3FDB];
	s0 =	simm.s32 @p2 $0x1  }
0x17: {  	s4 =	simm.s32 $0x1BF5;
	[smem:$0x3FBB] =	sst s0  }
0x18: {  	s0 =	sld [smem:$0x3F9E];
	_ =	swait.ge [sflag:s4], $0x0  }
0x19: {  	s7 =	sld [smem:$0x3F9F]  }
0x1a: {  	s8 =	sadd.s32 $0xFFFFE003, lr  }
0x1b: {  	s9 =	sadd.s32 $0xFFFFFEF7, lr;
	s5 =	simm.s32 $0xFFFFFFFF;
	p2 =	slt.u32 s8, $0xFFFFF086  }
0x1c: {  	p1 =	slt.u32 s9, $0xF7A;
	s5 =	simm.s32 @!p2 $0x0  }
0x1d: {  	s5 =	simm.s32 @p1 $0x1;
	p0 =	seq.s32 s7, s2  }
0x1e: {  	s7 =	smul.u32 @!p0 $0xF7A, s2;
	p2 =	seq.s32 @!p0 s5, $0x0  }
0x1f: {  	s9 =	smul.u32 $0xF7A, s1;
	s8 =	simm.s32 @!p0 $0x1BF5;
	p2 =	por !p2, p0  }
0x20: {  	[sflag:s8] =	ssyncset.s32 @!p0 $0xFFFFF086;
	s6 =	sadd.s32 @!p0 s3, s7;
	s7 =	simm.s32 @!p0 $0x108  }
0x21: {  	s3 =	sadd.s32 s3, s9;
	s6 =	sadd.s32 @!p0 $0x88, s6;
	s7 =	simm.s32 @p2 $0x1082  }
0x22: {  	[simem:s7], [sflag:s8] =	dma.local @!p0 [hbm:s6], $0xF7A  }
0x23: {  	s9 =	sor.u32 $0xD0000000, s2;
	s6 =	simm.s32 $0x108;
	_ =	swait.ge @!p0 [sflag:s8], $0x0  }
0x24: {  	s3 =	sadd.s32 $0x88, s3;
	s6 =	simm.s32 @!p1 $0x1082;
	[sflag:s4] =	ssyncset.s32 $0xFFFFF086  }
0x25: {  	[simem:s6], [sflag:s4] =	dma.local [hbm:s3], $0xF7A  }
0x26: {  	[smem:$0x3F9F] =	sst s1;
	(tag) =	ssettag s2;
	_ =	strace s9  }
0x27: {  	s1 =	sld [smem:$0x3FAF]  }
0x28: {  	s2 =	sld [smem:$0x3FB0]  }
0x29: {  	s4 =	sld [smem:$0x3FB2]  }
0x2a: {  	p0 =	seq.s32 s5, $0x0;
	s5 =	sld [smem:$0x3FB3]  }
0x2b: {  	s6 =	sld [smem:$0x3FB4]  }
0x2c: {  	s7 =	sld [smem:$0x3FB5]  }
0x2d: {  	s3 =	simm.s32 $0x108;
	s8 =	sld [smem:$0x3FB6]  }
0x2e: {  	s3 =	simm.s32 @!p0 $0x1082;
	s9 =	sld [smem:$0x3FB7]  }
0x2f: {  	lr =	sadd.s32 s0, s3;
	s0 =	sld [smem:$0x3FAE]  }
0x30: {  	s3 =	sld [smem:$0x3FB1]  }
0x31: {  	[smem:$0x3FBA] =	sst s10  }
0x32: {  	s10 =	sld [smem:$0x3FB8];
	_ =	sdelay $0x3  }
0x33: {  	p0 =	seq.s32 s10, $0x1;
	s10 =	sld [smem:$0x3FBA];
	_ =	sdelay $0x3  }
0x34: {  	[smem:$0x3FBA] =	sst s10  }
0x35: {  	s10 =	sld [smem:$0x3FB9];
	_ =	sdelay $0x3  }
0x36: {  	p1 =	seq.s32 s10, $0x1;
	s10 =	sld [smem:$0x3FBA];
	_ =	sdelay $0x3  }
0x37: {  	[smem:$0x3FBA] =	sst s10  }
0x38: {  	s10 =	sld [smem:$0x3FBB]  }
0x39: {  	_ = 	snop;
	(pc) =	sbr.ind lr, $3  }
0x3a: {  	_ = 	snop  }
0x3b: {  	_ = 	snop  }
0x3c: {  	p2 =	seq.s32 s10, $0x1;
	s10 =	sld [smem:$0x3FBA]  }
0x3d: {  	_ =	shalt  }
0x3e: {  	_ =	shalt  }
0x3f: {  	_ =	shalt  }
0x40: {  	_ =	shalt  }
0x41: {  	_ =	shalt  }
0x42: {  	_ =	shalt  }
0x43: {  	_ =	shalt  }
0x44: {  	_ =	shalt  }
0x45: {  	_ =	shalt  }
0x46: {  	_ =	shalt  }
0x47: {  	_ =	shalt  }
0x48: {  	_ =	shalt  }
0x49: {  	_ =	shalt  }
0x4a: {  	_ =	shalt  }
0x4b: {  	_ =	shalt  }
0x4c: {  	_ =	shalt  }
0x4d: {  	_ =	shalt  }
0x4e: {  	_ =	shalt  }
0x4f: {  	_ =	shalt  }
0x50: {  	_ =	shalt  }
0x51: {  	_ =	shalt  }
0x52: {  	_ =	shalt  }
0x53: {  	_ =	shalt  }
0x54: {  	_ =	shalt  }
0x55: {  	_ =	shalt  }
0x56: {  	_ =	shalt  }
0x57: {  	_ =	shalt  }
0x58: {  	_ =	shalt  }
0x59: {  	_ =	shalt  }
0x5a: {  	_ =	shalt  }
0x5b: {  	_ =	shalt  }
0x5c: {  	_ =	shalt  }
0x5d: {  	_ =	shalt  }
0x5e: {  	_ =	shalt  }
0x5f: {  	_ =	shalt  }
0x60: {  	_ =	shalt  }
0x61: {  	_ =	shalt  }
0x62: {  	_ =	shalt  }
0x63: {  	_ =	shalt  }
0x64: {  	_ =	shalt  }
0x65: {  	_ =	shalt  }
0x66: {  	_ =	shalt  }
0x67: {  	_ =	shalt  }
0x68: {  	_ =	shalt  }
0x69: {  	_ =	shalt  }
0x6a: {  	_ =	shalt  }
0x6b: {  	_ =	shalt  }
0x6c: {  	_ =	shalt  }
0x6d: {  	_ =	shalt  }
0x6e: {  	_ =	shalt  }
0x6f: {  	_ =	shalt  }
0x70: {  	_ =	shalt  }
0x71: {  	_ =	shalt  }
0x72: {  	_ =	shalt  }
0x73: {  	_ =	shalt  }
0x74: {  	_ =	shalt  }
0x75: {  	_ =	shalt  }
0x76: {  	_ =	shalt  }
0x77: {  	_ =	shalt  }
0x78: {  	_ =	shalt  }
0x79: {  	_ =	shalt  }
0x7a: {  	_ =	shalt  }
0x7b: {  	_ =	shalt  }
0x7c: {  	_ =	shalt  }
0x7d: {  	_ =	shalt  }
0x7e: {  	_ =	shalt  }
0x7f: {  	_ =	shalt  }
0x80: {  	_ =	shalt  }
0x81: {  	_ =	shalt  }
0x82: {  	_ =	shalt  }
0x83: {  	_ =	shalt  }
0x84: {  	_ =	shalt  }
0x85: {  	_ =	shalt  }
0x86: {  	_ =	shalt  }
0x87: {  	_ =	shalt  }
.Lfunc_end0:
.L_simem_size_0:
called_computation_lowered:
.L_overlay_start_0:
0x88: {  	s1 =	sld [smem:$0x3FD9]  }
0x89: {  	s3 =	sld [smem:$0x3FFE];
	_ =	sdelay $0x1  }
0x8a: {  	s2 =	srdreg.scid  }
0x8b: {  	s0 =	sand.u32 $0x1, s2  }
0x8c: {  	s14 =	sshll.u32 s0, $0xA;
	s1 =	sadd.s32 s3, s1  }
0x8d: {  	s1 =	sadd.s32 s1, s14  }
0x8e: {  	[smem:$0x3FC6] =	sst s1  }
0x8f: {  	_ = 	snop  }
0x90: {  	s15 =	sld [smem:$0x3FC9]  }
0x91: {  	s1 =	simm.s32 $0x0;
	s4 =	sld [smem:$0x3FC8]  }
0x92: {  	[smem:$0xF] =	sst s1  }
0x93: {  	s5 =	sld [smem:$0x3FD0];
	(tm) =	ssettm $0x1  }
0x94: {  	s6 =	sld [smem:$0x3FFB];
	_ =	sdelay $0x3  }
0x95: {  	_ =	strace s6  }
0x96: {  	s6 =	sld [smem:$0x3FFC];
	_ =	sdelay $0x3  }
0x97: {  	_ =	strace s6  }
0x98: {  	s6 =	sld [smem:$0x3FFD];
	_ =	sdelay $0x3  }
0x99: {  	_ =	strace s6  }
0x9a: {  	_ =	strace $0x8FFFFFFF  }
0x9b: {  	s16 =	sld [smem:$0x3FDB];
	_ =	sdelay $0x2  }
0x9c: {  	s7 =	simm.s32 $_scs_section_size;
	s8 =	simm.s32 $_tile_overlayer_lowered  }
0x9d: {  	s17 =	simm.s32 $_size__tile_overlayer_lowered;
	s8 =	sshll.u32 s8, $0x1;
	s6 =	sadd.s32 s7, s16  }
0x9e: {  	s9 =	simm.s32 $0x1BFF;
	s7 =	sshll.u32 s17, $0x1;
	s8 =	sadd.s32 s8, s6  }
0x9f: {  	[timem:s1], [sflag:s9] =	dma.local [hbm:s8], s7  }
0xa0: {  	_ =	swait.ge [sflag:s9], s7  }
0xa1: {  	s7 =	ssub.s32 $0x0, s7;
	[sflag:s9] =	ssyncset.done $0x0  }
0xa2: {  	[sflag:s9] =	ssyncadd.s32 s7;
	_ =	sdelay $0x1  }
0xa3: {  	s18 =	simm.s32 $0x1B8B  }
0xa4: {  	_ =	swait.ge [sflag:s18], $0x1  }
0xa5: {  	[sflag:s18] =	ssyncset.done $0x0  }
0xa6: {  	s19 =	simm.s32 $0x1B8E;
	[sflag:s18] =	ssyncadd.s32 $0xFFFFFFFF  }
0xa7: {  	s20 =	simm.s32 $execute0_lowered;
	[smem:$0x3FD2] =	sst s19  }
0xa8: {  	s7 =	sshll.u32 s20, $0x1;
	_ =	strace $0x80000046;
	[dreg:$0x1] =	wrdreg $0xFFFFFFFF  }
0xa9: {  	s21 =	simm.s32 $_size_execute0_lowered;
	s6 =	sadd.s32 s6, s7;
	[dreg:$0x0] =	wrdreg $0x0  }
0xaa: {  	s7 =	sshll.u32 s21, $0x1;
	[dreg:$0x2] =	wrdreg s6  }
0xab: {  	[dreg:$0x3] =	wrdreg s7  }
0xac: {  	[dreg:$0x4] =	wrdreg $0xC0  }
0xad: {  	_ =	task [dreg:s1], $0x5FFFF  }
0xae: {  	[dreg:$0x1] =	wrdreg $0xFFFFFFFF  }
0xaf: {  	[dreg:$0x0] =	wrdreg $0x60  }
0xb0: {  	[dreg:$0x2] =	wrdreg s15  }
0xb1: {  	[dreg:$0x3] =	wrdreg s4  }
0xb2: {  	s12 =	simm.s32 $0x80;
	s22 =	sshll.u32 s0, $0xE;
	[dreg:$0x4] =	wrdreg s5  }
0xb3: {  	s23 =	smul.u32 $0xC8000, s0;
	s11 =	sadd.s32 s22, s15;
	[dreg:$0x5] =	wrdreg $0x9  }
0xb4: {  	s6 =	simm.s32 $0xA;
	s4 =	sadd.s32 s22, s4;
	_ =	task.clear_ibuf [dreg:s1], $0x6FFFF  }
0xb5: {  	[spmem:s1], [sflag:s6] =	dma.local [hbm:s4], $0x4000  }
0xb6: {  	s3 =	simm.s32 $0x4000;
	s10 =	sadd.s32 $0x10000, s11;
	s4 =	simm.s32 $0xB  }
0xb7: {  	[spmem:s3], [sflag:s4] =	dma.local [hbm:s11], $0x4000  }
0xb8: {  	s17 =	simm.s32 $0xC;
	s8 =	simm.s32 $0x8;
	_ =	swait.ge [sflag:s6], $0x4000  }
0xb9: {  	s9 =	simm.s32 $0x1900;
	s7 =	sadd.s32 s23, s5;
	[sflag:s6] =	ssyncset.done $0x0  }
0xba: {  	s15 =	simm.s32 $0x8000;
	s5 =	simm.s32 $0xE;
	[sflag:s6] =	ssyncadd.s32 $0xFFFFC000  }
0xbb: {  	[hbm:s7@s9], [sflag:s5] =	dma.strided [spmem:s1@s12], $0x4000, s8, $0x10   }
0xbc: {  	[spmem:s15], [sflag:s17] =	dma.local [hbm:s10], $0x4000  }
0xbd: {  	s24 =	sadd.s32 $0x20000, s11;
	_ =	swait.ge [sflag:s4], $0x4000  }
0xbe: {  	s16 =	simm.s32 $0xC000;
	s18 =	simm.s32 $0xD;
	[sflag:s4] =	ssyncset.done $0x0  }
0xbf: {  	s13 =	sadd.s32 $0x80, s7;
	s10 =	simm.s32 $0xF;
	[sflag:s4] =	ssyncadd.s32 $0xFFFFC000  }
0xc0: {  	[hbm:s13@s9], [sflag:s10] =	dma.strided [spmem:s3@s12], $0x4000, s8, $0x10   }
0xc1: {  	[spmem:s16], [sflag:s18] =	dma.local [hbm:s24], $0x4000  }
0xc2: {  	_ =	swait.ge [sflag:s17], $0x4000  }
0xc3: {  	[sflag:s17] =	ssyncset.done $0x0  }
0xc4: {  	[sflag:s17] =	ssyncadd.s32 $0xFFFFC000  }
0xc5: {  	s14 =	sadd.s32 $0x100, s7;
	s13 =	simm.s32 $0x10  }
0xc6: {  	[hbm:s14@s9], [sflag:s13] =	dma.strided [spmem:s15@s12], $0x4000, s8, $0x10   }
0xc7: {  	_ =	swait.ge [sflag:s5], $0x4000  }
0xc8: {  	[sflag:s5] =	ssyncset.done $0x0  }
0xc9: {  	[sflag:s5] =	ssyncadd.s32 $0xFFFFC000  }
0xca: {  	s25 =	sadd.s32 $0x30000, s11  }
0xcb: {  	[spmem:s1], [sflag:s6] =	dma.local [hbm:s25], $0x4000  }
0xcc: {  	_ =	swait.ge [sflag:s18], $0x4000  }
0xcd: {  	[sflag:s18] =	ssyncset.done $0x0  }
0xce: {  	[sflag:s18] =	ssyncadd.s32 $0xFFFFC000  }
0xcf: {  	s19 =	sadd.s32 $0x180, s7;
	s14 =	simm.s32 $0x11  }
0xd0: {  	[hbm:s19@s9], [sflag:s14] =	dma.strided [spmem:s16@s12], $0x4000, s8, $0x10   }
0xd1: {  	_ =	swait.ge [sflag:s10], $0x4000  }
0xd2: {  	[sflag:s10] =	ssyncset.done $0x0  }
0xd3: {  	[sflag:s10] =	ssyncadd.s32 $0xFFFFC000  }
0xd4: {  	s26 =	sadd.s32 $0x40000, s11  }
0xd5: {  	[spmem:s3], [sflag:s4] =	dma.local [hbm:s26], $0x4000  }
0xd6: {  	_ =	swait.ge [sflag:s6], $0x4000  }
0xd7: {  	[sflag:s6] =	ssyncset.done $0x0  }
0xd8: {  	[sflag:s6] =	ssyncadd.s32 $0xFFFFC000  }
0xd9: {  	s28 =	sadd.s32 $0x200, s7  }
0xda: {  	[hbm:s28@s9], [sflag:s5] =	dma.strided [spmem:s1@s12], $0x4000, s8, $0x10   }
0xdb: {  	_ =	swait.ge [sflag:s13], $0x4000  }
0xdc: {  	[sflag:s13] =	ssyncset.done $0x0  }
0xdd: {  	[sflag:s13] =	ssyncadd.s32 $0xFFFFC000  }
0xde: {  	s29 =	sadd.s32 $0x50000, s11  }
0xdf: {  	[spmem:s15], [sflag:s17] =	dma.local [hbm:s29], $0x4000  }
0xe0: {  	_ =	swait.ge [sflag:s4], $0x4000  }
0xe1: {  	[sflag:s4] =	ssyncset.done $0x0  }
0xe2: {  	[sflag:s4] =	ssyncadd.s32 $0xFFFFC000  }
0xe3: {  	s30 =	sadd.s32 $0x280, s7  }
0xe4: {  	[hbm:s30@s9], [sflag:s10] =	dma.strided [spmem:s3@s12], $0x4000, s8, $0x10   }
0xe5: {  	_ =	swait.ge [sflag:s14], $0x4000  }
0xe6: {  	[sflag:s14] =	ssyncset.done $0x0  }
0xe7: {  	[sflag:s14] =	ssyncadd.s32 $0xFFFFC000  }
0xe8: {  	s31 =	sadd.s32 $0x60000, s11  }
0xe9: {  	[spmem:s16], [sflag:s18] =	dma.local [hbm:s31], $0x4000  }
0xea: {  	_ =	swait.ge [sflag:s17], $0x4000  }
0xeb: {  	[sflag:s17] =	ssyncset.done $0x0  }
0xec: {  	[sflag:s17] =	ssyncadd.s32 $0xFFFFC000  }
0xed: {  	s20 =	sadd.s32 $0x300, s7  }
0xee: {  	[hbm:s20@s9], [sflag:s13] =	dma.strided [spmem:s15@s12], $0x4000, s8, $0x10   }
0xef: {  	_ =	swait.ge [sflag:s5], $0x4000  }
0xf0: {  	[sflag:s5] =	ssyncset.done $0x0  }
0xf1: {  	[sflag:s5] =	ssyncadd.s32 $0xFFFFC000  }
0xf2: {  	s21 =	sadd.s32 $0x70000, s11  }
0xf3: {  	[spmem:s1], [sflag:s6] =	dma.local [hbm:s21], $0x4000  }
0xf4: {  	_ =	swait.ge [sflag:s18], $0x4000  }
0xf5: {  	[sflag:s18] =	ssyncset.done $0x0  }
0xf6: {  	[sflag:s18] =	ssyncadd.s32 $0xFFFFC000  }
0xf7: {  	s22 =	sadd.s32 $0x380, s7  }
0xf8: {  	[hbm:s22@s9], [sflag:s14] =	dma.strided [spmem:s16@s12], $0x4000, s8, $0x10   }
0xf9: {  	_ =	swait.ge [sflag:s10], $0x4000  }
0xfa: {  	[sflag:s10] =	ssyncset.done $0x0  }
0xfb: {  	[sflag:s10] =	ssyncadd.s32 $0xFFFFC000  }
0xfc: {  	s23 =	sadd.s32 $0x80000, s11  }
0xfd: {  	[spmem:s3], [sflag:s4] =	dma.local [hbm:s23], $0x4000  }
0xfe: {  	_ =	swait.ge [sflag:s6], $0x4000  }
0xff: {  	[sflag:s6] =	ssyncset.done $0x0  }
0x100: {  	[sflag:s6] =	ssyncadd.s32 $0xFFFFC000  }
0x101: {  	s24 =	sadd.s32 $0x400, s7  }
0x102: {  	[hbm:s24@s9], [sflag:s5] =	dma.strided [spmem:s1@s12], $0x4000, s8, $0x10   }
0x103: {  	_ =	swait.ge [sflag:s13], $0x4000  }
0x104: {  	[sflag:s13] =	ssyncset.done $0x0  }
0x105: {  	[sflag:s13] =	ssyncadd.s32 $0xFFFFC000  }
0x106: {  	s25 =	sadd.s32 $0x90000, s11  }
0x107: {  	[spmem:s15], [sflag:s17] =	dma.local [hbm:s25], $0x4000  }
0x108: {  	_ =	swait.ge [sflag:s4], $0x4000  }
0x109: {  	[sflag:s4] =	ssyncset.done $0x0  }
0x10a: {  	[sflag:s4] =	ssyncadd.s32 $0xFFFFC000  }
0x10b: {  	s26 =	sadd.s32 $0x480, s7  }
0x10c: {  	[hbm:s26@s9], [sflag:s10] =	dma.strided [spmem:s3@s12], $0x4000, s8, $0x10   }
0x10d: {  	_ =	swait.ge [sflag:s14], $0x4000  }
0x10e: {  	[sflag:s14] =	ssyncset.done $0x0  }
0x10f: {  	[sflag:s14] =	ssyncadd.s32 $0xFFFFC000  }
0x110: {  	s28 =	sadd.s32 $0xA0000, s11  }
0x111: {  	[spmem:s16], [sflag:s18] =	dma.local [hbm:s28], $0x4000  }
0x112: {  	_ =	swait.ge [sflag:s17], $0x4000  }
0x113: {  	[sflag:s17] =	ssyncset.done $0x0  }
0x114: {  	[sflag:s17] =	ssyncadd.s32 $0xFFFFC000  }
0x115: {  	s29 =	sadd.s32 $0x500, s7  }
0x116: {  	[hbm:s29@s9], [sflag:s13] =	dma.strided [spmem:s15@s12], $0x4000, s8, $0x10   }
0x117: {  	_ =	swait.ge [sflag:s5], $0x4000  }
0x118: {  	[sflag:s5] =	ssyncset.done $0x0  }
0x119: {  	[sflag:s5] =	ssyncadd.s32 $0xFFFFC000  }
0x11a: {  	s30 =	sadd.s32 $0xB0000, s11  }
0x11b: {  	[spmem:s1], [sflag:s6] =	dma.local [hbm:s30], $0x4000  }
0x11c: {  	_ =	swait.ge [sflag:s18], $0x4000  }
0x11d: {  	[sflag:s18] =	ssyncset.done $0x0  }
0x11e: {  	[sflag:s18] =	ssyncadd.s32 $0xFFFFC000  }
0x11f: {  	s31 =	sadd.s32 $0x580, s7  }
0x120: {  	[hbm:s31@s9], [sflag:s14] =	dma.strided [spmem:s16@s12], $0x4000, s8, $0x10   }
0x121: {  	_ =	swait.ge [sflag:s10], $0x4000  }
0x122: {  	[sflag:s10] =	ssyncset.done $0x0  }
0x123: {  	[sflag:s10] =	ssyncadd.s32 $0xFFFFC000  }
0x124: {  	s20 =	sadd.s32 $0xC0000, s11  }
0x125: {  	[spmem:s3], [sflag:s4] =	dma.local [hbm:s20], $0x4000  }
0x126: {  	_ =	swait.ge [sflag:s6], $0x4000  }
0x127: {  	[sflag:s6] =	ssyncset.done $0x0  }
0x128: {  	[sflag:s6] =	ssyncadd.s32 $0xFFFFC000  }
0x129: {  	s21 =	sadd.s32 $0x600, s7  }
0x12a: {  	[hbm:s21@s9], [sflag:s5] =	dma.strided [spmem:s1@s12], $0x4000, s8, $0x10   }
0x12b: {  	_ =	swait.ge [sflag:s13], $0x4000  }
0x12c: {  	[sflag:s13] =	ssyncset.done $0x0  }
0x12d: {  	[sflag:s13] =	ssyncadd.s32 $0xFFFFC000  }
0x12e: {  	s22 =	sadd.s32 $0xD0000, s11  }
0x12f: {  	[spmem:s15], [sflag:s17] =	dma.local [hbm:s22], $0x4000  }
0x130: {  	_ =	swait.ge [sflag:s4], $0x4000  }
0x131: {  	[sflag:s4] =	ssyncset.done $0x0  }
0x132: {  	[sflag:s4] =	ssyncadd.s32 $0xFFFFC000  }
0x133: {  	s23 =	sadd.s32 $0x680, s7  }
0x134: {  	[hbm:s23@s9], [sflag:s10] =	dma.strided [spmem:s3@s12], $0x4000, s8, $0x10   }
0x135: {  	_ =	swait.ge [sflag:s14], $0x4000  }
0x136: {  	[sflag:s14] =	ssyncset.done $0x0  }
0x137: {  	[sflag:s14] =	ssyncadd.s32 $0xFFFFC000  }
0x138: {  	s24 =	sadd.s32 $0xE0000, s11  }
0x139: {  	[spmem:s16], [sflag:s18] =	dma.local [hbm:s24], $0x4000  }
0x13a: {  	_ =	swait.ge [sflag:s17], $0x4000  }
0x13b: {  	[sflag:s17] =	ssyncset.done $0x0  }
0x13c: {  	[sflag:s17] =	ssyncadd.s32 $0xFFFFC000  }
0x13d: {  	s25 =	sadd.s32 $0x700, s7  }
0x13e: {  	[hbm:s25@s9], [sflag:s13] =	dma.strided [spmem:s15@s12], $0x4000, s8, $0x10   }
0x13f: {  	_ =	swait.ge [sflag:s5], $0x4000  }
0x140: {  	[sflag:s5] =	ssyncset.done $0x0  }
0x141: {  	[sflag:s5] =	ssyncadd.s32 $0xFFFFC000  }
0x142: {  	s26 =	sadd.s32 $0xF0000, s11  }
0x143: {  	[spmem:s1], [sflag:s6] =	dma.local [hbm:s26], $0x4000  }
0x144: {  	_ =	swait.ge [sflag:s18], $0x4000  }
0x145: {  	[sflag:s18] =	ssyncset.done $0x0  }
0x146: {  	[sflag:s18] =	ssyncadd.s32 $0xFFFFC000  }
0x147: {  	s28 =	sadd.s32 $0x780, s7  }
0x148: {  	[hbm:s28@s9], [sflag:s14] =	dma.strided [spmem:s16@s12], $0x4000, s8, $0x10   }
0x149: {  	_ =	swait.ge [sflag:s10], $0x4000  }
0x14a: {  	[sflag:s10] =	ssyncset.done $0x0  }
0x14b: {  	[sflag:s10] =	ssyncadd.s32 $0xFFFFC000  }
0x14c: {  	s29 =	sadd.s32 $0x100000, s11  }
0x14d: {  	[spmem:s3], [sflag:s4] =	dma.local [hbm:s29], $0x4000  }
0x14e: {  	_ =	swait.ge [sflag:s6], $0x4000  }
0x14f: {  	[sflag:s6] =	ssyncset.done $0x0  }
0x150: {  	[sflag:s6] =	ssyncadd.s32 $0xFFFFC000  }
0x151: {  	s30 =	sadd.s32 $0x800, s7  }
0x152: {  	[hbm:s30@s9], [sflag:s5] =	dma.strided [spmem:s1@s12], $0x4000, s8, $0x10   }
0x153: {  	_ =	swait.ge [sflag:s13], $0x4000  }
0x154: {  	[sflag:s13] =	ssyncset.done $0x0  }
0x155: {  	[sflag:s13] =	ssyncadd.s32 $0xFFFFC000  }
0x156: {  	s31 =	sadd.s32 $0x110000, s11  }
0x157: {  	[spmem:s15], [sflag:s17] =	dma.local [hbm:s31], $0x4000  }
0x158: {  	_ =	swait.ge [sflag:s4], $0x4000  }
0x159: {  	[sflag:s4] =	ssyncset.done $0x0  }
0x15a: {  	[sflag:s4] =	ssyncadd.s32 $0xFFFFC000  }
0x15b: {  	s20 =	sadd.s32 $0x880, s7  }
0x15c: {  	[hbm:s20@s9], [sflag:s10] =	dma.strided [spmem:s3@s12], $0x4000, s8, $0x10   }
0x15d: {  	_ =	swait.ge [sflag:s14], $0x4000  }
0x15e: {  	[sflag:s14] =	ssyncset.done $0x0  }
0x15f: {  	[sflag:s14] =	ssyncadd.s32 $0xFFFFC000  }
0x160: {  	s21 =	sadd.s32 $0x120000, s11  }
0x161: {  	[spmem:s16], [sflag:s18] =	dma.local [hbm:s21], $0x4000  }
0x162: {  	_ =	swait.ge [sflag:s17], $0x4000  }
0x163: {  	[sflag:s17] =	ssyncset.done $0x0  }
0x164: {  	[sflag:s17] =	ssyncadd.s32 $0xFFFFC000  }
0x165: {  	s22 =	sadd.s32 $0x900, s7  }
0x166: {  	[hbm:s22@s9], [sflag:s13] =	dma.strided [spmem:s15@s12], $0x4000, s8, $0x10   }
0x167: {  	_ =	swait.ge [sflag:s5], $0x4000  }
0x168: {  	[sflag:s5] =	ssyncset.done $0x0  }
0x169: {  	[sflag:s5] =	ssyncadd.s32 $0xFFFFC000  }
0x16a: {  	s23 =	sadd.s32 $0x130000, s11  }
0x16b: {  	[spmem:s1], [sflag:s6] =	dma.local [hbm:s23], $0x4000  }
0x16c: {  	_ =	swait.ge [sflag:s18], $0x4000  }
0x16d: {  	[sflag:s18] =	ssyncset.done $0x0  }
0x16e: {  	[sflag:s18] =	ssyncadd.s32 $0xFFFFC000  }
0x16f: {  	s24 =	sadd.s32 $0x980, s7  }
0x170: {  	[hbm:s24@s9], [sflag:s14] =	dma.strided [spmem:s16@s12], $0x4000, s8, $0x10   }
0x171: {  	_ =	swait.ge [sflag:s10], $0x4000  }
0x172: {  	[sflag:s10] =	ssyncset.done $0x0  }
0x173: {  	[sflag:s10] =	ssyncadd.s32 $0xFFFFC000  }
0x174: {  	s25 =	sadd.s32 $0x140000, s11  }
0x175: {  	[spmem:s3], [sflag:s4] =	dma.local [hbm:s25], $0x4000  }
0x176: {  	_ =	swait.ge [sflag:s6], $0x4000  }
0x177: {  	[sflag:s6] =	ssyncset.done $0x0  }
0x178: {  	[sflag:s6] =	ssyncadd.s32 $0xFFFFC000  }
0x179: {  	s26 =	sadd.s32 $0xA00, s7  }
0x17a: {  	[hbm:s26@s9], [sflag:s5] =	dma.strided [spmem:s1@s12], $0x4000, s8, $0x10   }
0x17b: {  	_ =	swait.ge [sflag:s13], $0x4000  }
0x17c: {  	[sflag:s13] =	ssyncset.done $0x0  }
0x17d: {  	[sflag:s13] =	ssyncadd.s32 $0xFFFFC000  }
0x17e: {  	s28 =	sadd.s32 $0x150000, s11  }
0x17f: {  	[spmem:s15], [sflag:s17] =	dma.local [hbm:s28], $0x4000  }
0x180: {  	_ =	swait.ge [sflag:s4], $0x4000  }
0x181: {  	[sflag:s4] =	ssyncset.done $0x0  }
0x182: {  	[sflag:s4] =	ssyncadd.s32 $0xFFFFC000  }
0x183: {  	s29 =	sadd.s32 $0xA80, s7  }
0x184: {  	[hbm:s29@s9], [sflag:s10] =	dma.strided [spmem:s3@s12], $0x4000, s8, $0x10   }
0x185: {  	_ =	swait.ge [sflag:s14], $0x4000  }
0x186: {  	[sflag:s14] =	ssyncset.done $0x0  }
0x187: {  	[sflag:s14] =	ssyncadd.s32 $0xFFFFC000  }
0x188: {  	s30 =	sadd.s32 $0x160000, s11  }
0x189: {  	[spmem:s16], [sflag:s18] =	dma.local [hbm:s30], $0x4000  }
0x18a: {  	_ =	swait.ge [sflag:s17], $0x4000  }
0x18b: {  	[sflag:s17] =	ssyncset.done $0x0  }
0x18c: {  	[sflag:s17] =	ssyncadd.s32 $0xFFFFC000  }
0x18d: {  	s31 =	sadd.s32 $0xB00, s7  }
0x18e: {  	[hbm:s31@s9], [sflag:s13] =	dma.strided [spmem:s15@s12], $0x4000, s8, $0x10   }
0x18f: {  	_ =	swait.ge [sflag:s5], $0x4000  }
0x190: {  	[sflag:s5] =	ssyncset.done $0x0  }
0x191: {  	[sflag:s5] =	ssyncadd.s32 $0xFFFFC000  }
0x192: {  	s20 =	sadd.s32 $0x170000, s11  }
0x193: {  	[spmem:s1], [sflag:s6] =	dma.local [hbm:s20], $0x4000  }
0x194: {  	_ =	swait.ge [sflag:s18], $0x4000  }
0x195: {  	[sflag:s18] =	ssyncset.done $0x0  }
0x196: {  	[sflag:s18] =	ssyncadd.s32 $0xFFFFC000  }
0x197: {  	s21 =	sadd.s32 $0xB80, s7  }
0x198: {  	[hbm:s21@s9], [sflag:s14] =	dma.strided [spmem:s16@s12], $0x4000, s8, $0x10   }
0x199: {  	_ =	swait.ge [sflag:s10], $0x4000  }
0x19a: {  	[sflag:s10] =	ssyncset.done $0x0  }
0x19b: {  	[sflag:s10] =	ssyncadd.s32 $0xFFFFC000  }
0x19c: {  	s22 =	sadd.s32 $0x180000, s11  }
0x19d: {  	[spmem:s3], [sflag:s4] =	dma.local [hbm:s22], $0x4000  }
0x19e: {  	_ =	swait.ge [sflag:s6], $0x4000  }
0x19f: {  	[sflag:s6] =	ssyncset.done $0x0  }
0x1a0: {  	[sflag:s6] =	ssyncadd.s32 $0xFFFFC000  }
0x1a1: {  	s23 =	sadd.s32 $0xC00, s7  }
0x1a2: {  	[hbm:s23@s9], [sflag:s5] =	dma.strided [spmem:s1@s12], $0x4000, s8, $0x10   }
0x1a3: {  	_ =	swait.ge [sflag:s13], $0x4000  }
0x1a4: {  	[sflag:s13] =	ssyncset.done $0x0  }
0x1a5: {  	[sflag:s13] =	ssyncadd.s32 $0xFFFFC000  }
0x1a6: {  	s24 =	sadd.s32 $0x190000, s11  }
0x1a7: {  	[spmem:s15], [sflag:s17] =	dma.local [hbm:s24], $0x4000  }
0x1a8: {  	_ =	swait.ge [sflag:s4], $0x4000  }
0x1a9: {  	[sflag:s4] =	ssyncset.done $0x0  }
0x1aa: {  	[sflag:s4] =	ssyncadd.s32 $0xFFFFC000  }
0x1ab: {  	s25 =	sadd.s32 $0xC80, s7  }
0x1ac: {  	[hbm:s25@s9], [sflag:s10] =	dma.strided [spmem:s3@s12], $0x4000, s8, $0x10   }
0x1ad: {  	_ =	swait.ge [sflag:s14], $0x4000  }
0x1ae: {  	[sflag:s14] =	ssyncset.done $0x0  }
0x1af: {  	[sflag:s14] =	ssyncadd.s32 $0xFFFFC000  }
0x1b0: {  	s26 =	sadd.s32 $0x1A0000, s11  }
0x1b1: {  	[spmem:s16], [sflag:s18] =	dma.local [hbm:s26], $0x4000  }
0x1b2: {  	_ =	swait.ge [sflag:s17], $0x4000  }
0x1b3: {  	[sflag:s17] =	ssyncset.done $0x0  }
0x1b4: {  	[sflag:s17] =	ssyncadd.s32 $0xFFFFC000  }
0x1b5: {  	s28 =	sadd.s32 $0xD00, s7  }
0x1b6: {  	[hbm:s28@s9], [sflag:s13] =	dma.strided [spmem:s15@s12], $0x4000, s8, $0x10   }
0x1b7: {  	_ =	swait.ge [sflag:s5], $0x4000  }
0x1b8: {  	[sflag:s5] =	ssyncset.done $0x0  }
0x1b9: {  	[sflag:s5] =	ssyncadd.s32 $0xFFFFC000  }
0x1ba: {  	s29 =	sadd.s32 $0x1B0000, s11  }
0x1bb: {  	[spmem:s1], [sflag:s6] =	dma.local [hbm:s29], $0x4000  }
0x1bc: {  	_ =	swait.ge [sflag:s18], $0x4000  }
0x1bd: {  	[sflag:s18] =	ssyncset.done $0x0  }
0x1be: {  	[sflag:s18] =	ssyncadd.s32 $0xFFFFC000  }
0x1bf: {  	s30 =	sadd.s32 $0xD80, s7  }
0x1c0: {  	[hbm:s30@s9], [sflag:s14] =	dma.strided [spmem:s16@s12], $0x4000, s8, $0x10   }
0x1c1: {  	_ =	swait.ge [sflag:s10], $0x4000  }
0x1c2: {  	[sflag:s10] =	ssyncset.done $0x0  }
0x1c3: {  	[sflag:s10] =	ssyncadd.s32 $0xFFFFC000  }
0x1c4: {  	s31 =	sadd.s32 $0x1C0000, s11  }
0x1c5: {  	[spmem:s3], [sflag:s4] =	dma.local [hbm:s31], $0x4000  }
0x1c6: {  	_ =	swait.ge [sflag:s6], $0x4000  }
0x1c7: {  	[sflag:s6] =	ssyncset.done $0x0  }
0x1c8: {  	[sflag:s6] =	ssyncadd.s32 $0xFFFFC000  }
0x1c9: {  	s20 =	sadd.s32 $0xE00, s7  }
0x1ca: {  	[hbm:s20@s9], [sflag:s5] =	dma.strided [spmem:s1@s12], $0x4000, s8, $0x10   }
0x1cb: {  	_ =	swait.ge [sflag:s13], $0x4000  }
0x1cc: {  	[sflag:s13] =	ssyncset.done $0x0  }
0x1cd: {  	[sflag:s13] =	ssyncadd.s32 $0xFFFFC000  }
0x1ce: {  	s21 =	sadd.s32 $0x1D0000, s11  }
0x1cf: {  	[spmem:s15], [sflag:s17] =	dma.local [hbm:s21], $0x4000  }
0x1d0: {  	_ =	swait.ge [sflag:s4], $0x4000  }
0x1d1: {  	[sflag:s4] =	ssyncset.done $0x0  }
0x1d2: {  	[sflag:s4] =	ssyncadd.s32 $0xFFFFC000  }
0x1d3: {  	s22 =	sadd.s32 $0xE80, s7  }
0x1d4: {  	[hbm:s22@s9], [sflag:s10] =	dma.strided [spmem:s3@s12], $0x4000, s8, $0x10   }
0x1d5: {  	_ =	swait.ge [sflag:s14], $0x4000  }
0x1d6: {  	[sflag:s14] =	ssyncset.done $0x0  }
0x1d7: {  	[sflag:s14] =	ssyncadd.s32 $0xFFFFC000  }
0x1d8: {  	s23 =	sadd.s32 $0x1E0000, s11  }
0x1d9: {  	[spmem:s16], [sflag:s18] =	dma.local [hbm:s23], $0x4000  }
0x1da: {  	_ =	swait.ge [sflag:s17], $0x4000  }
0x1db: {  	[sflag:s17] =	ssyncset.done $0x0  }
0x1dc: {  	[sflag:s17] =	ssyncadd.s32 $0xFFFFC000  }
0x1dd: {  	s24 =	sadd.s32 $0xF00, s7  }
0x1de: {  	[hbm:s24@s9], [sflag:s13] =	dma.strided [spmem:s15@s12], $0x4000, s8, $0x10   }
0x1df: {  	_ =	swait.ge [sflag:s5], $0x4000  }
0x1e0: {  	[sflag:s5] =	ssyncset.done $0x0  }
0x1e1: {  	[sflag:s5] =	ssyncadd.s32 $0xFFFFC000  }
0x1e2: {  	s25 =	sadd.s32 $0x1F0000, s11  }
0x1e3: {  	[spmem:s1], [sflag:s6] =	dma.local [hbm:s25], $0x4000  }
0x1e4: {  	_ =	swait.ge [sflag:s18], $0x4000  }
0x1e5: {  	[sflag:s18] =	ssyncset.done $0x0  }
0x1e6: {  	[sflag:s18] =	ssyncadd.s32 $0xFFFFC000  }
0x1e7: {  	s26 =	sadd.s32 $0xF80, s7  }
0x1e8: {  	[hbm:s26@s9], [sflag:s14] =	dma.strided [spmem:s16@s12], $0x4000, s8, $0x10   }
0x1e9: {  	_ =	swait.ge [sflag:s10], $0x4000  }
0x1ea: {  	[sflag:s10] =	ssyncset.done $0x0  }
0x1eb: {  	[sflag:s10] =	ssyncadd.s32 $0xFFFFC000  }
0x1ec: {  	s28 =	sadd.s32 $0x200000, s11  }
0x1ed: {  	[spmem:s3], [sflag:s4] =	dma.local [hbm:s28], $0x4000  }
0x1ee: {  	_ =	swait.ge [sflag:s6], $0x4000  }
0x1ef: {  	[sflag:s6] =	ssyncset.done $0x0  }
0x1f0: {  	[sflag:s6] =	ssyncadd.s32 $0xFFFFC000  }
0x1f1: {  	s29 =	sadd.s32 $0x1000, s7  }
0x1f2: {  	[hbm:s29@s9], [sflag:s5] =	dma.strided [spmem:s1@s12], $0x4000, s8, $0x10   }
0x1f3: {  	_ =	swait.ge [sflag:s13], $0x4000  }
0x1f4: {  	[sflag:s13] =	ssyncset.done $0x0  }
0x1f5: {  	[sflag:s13] =	ssyncadd.s32 $0xFFFFC000  }
0x1f6: {  	s30 =	sadd.s32 $0x210000, s11  }
0x1f7: {  	[spmem:s15], [sflag:s17] =	dma.local [hbm:s30], $0x4000  }
0x1f8: {  	_ =	swait.ge [sflag:s4], $0x4000  }
0x1f9: {  	[sflag:s4] =	ssyncset.done $0x0  }
0x1fa: {  	[sflag:s4] =	ssyncadd.s32 $0xFFFFC000  }
0x1fb: {  	s31 =	sadd.s32 $0x1080, s7  }
0x1fc: {  	[hbm:s31@s9], [sflag:s10] =	dma.strided [spmem:s3@s12], $0x4000, s8, $0x10   }
0x1fd: {  	_ =	swait.ge [sflag:s14], $0x4000  }
0x1fe: {  	[sflag:s14] =	ssyncset.done $0x0  }
0x1ff: {  	[sflag:s14] =	ssyncadd.s32 $0xFFFFC000  }
0x200: {  	s20 =	sadd.s32 $0x220000, s11  }
0x201: {  	[spmem:s16], [sflag:s18] =	dma.local [hbm:s20], $0x4000  }
0x202: {  	_ =	swait.ge [sflag:s17], $0x4000  }
0x203: {  	[sflag:s17] =	ssyncset.done $0x0  }
0x204: {  	[sflag:s17] =	ssyncadd.s32 $0xFFFFC000  }
0x205: {  	s21 =	sadd.s32 $0x1100, s7  }
0x206: {  	[hbm:s21@s9], [sflag:s13] =	dma.strided [spmem:s15@s12], $0x4000, s8, $0x10   }
0x207: {  	_ =	swait.ge [sflag:s5], $0x4000  }
0x208: {  	[sflag:s5] =	ssyncset.done $0x0  }
0x209: {  	[sflag:s5] =	ssyncadd.s32 $0xFFFFC000  }
0x20a: {  	s22 =	sadd.s32 $0x230000, s11  }
0x20b: {  	[spmem:s1], [sflag:s6] =	dma.local [hbm:s22], $0x4000  }
0x20c: {  	_ =	swait.ge [sflag:s18], $0x4000  }
0x20d: {  	[sflag:s18] =	ssyncset.done $0x0  }
0x20e: {  	[sflag:s18] =	ssyncadd.s32 $0xFFFFC000  }
0x20f: {  	s23 =	sadd.s32 $0x1180, s7  }
0x210: {  	[hbm:s23@s9], [sflag:s14] =	dma.strided [spmem:s16@s12], $0x4000, s8, $0x10   }
0x211: {  	_ =	swait.ge [sflag:s10], $0x4000  }
0x212: {  	[sflag:s10] =	ssyncset.done $0x0  }
0x213: {  	[sflag:s10] =	ssyncadd.s32 $0xFFFFC000  }
0x214: {  	s24 =	sadd.s32 $0x240000, s11  }
0x215: {  	[spmem:s3], [sflag:s4] =	dma.local [hbm:s24], $0x4000  }
0x216: {  	_ =	swait.ge [sflag:s6], $0x4000  }
0x217: {  	[sflag:s6] =	ssyncset.done $0x0  }
0x218: {  	[sflag:s6] =	ssyncadd.s32 $0xFFFFC000  }
0x219: {  	s25 =	sadd.s32 $0x1200, s7  }
0x21a: {  	[hbm:s25@s9], [sflag:s5] =	dma.strided [spmem:s1@s12], $0x4000, s8, $0x10   }
0x21b: {  	_ =	swait.ge [sflag:s13], $0x4000  }
0x21c: {  	[sflag:s13] =	ssyncset.done $0x0  }
0x21d: {  	[sflag:s13] =	ssyncadd.s32 $0xFFFFC000  }
0x21e: {  	s26 =	sadd.s32 $0x250000, s11  }
0x21f: {  	[spmem:s15], [sflag:s17] =	dma.local [hbm:s26], $0x4000  }
0x220: {  	_ =	swait.ge [sflag:s4], $0x4000  }
0x221: {  	[sflag:s4] =	ssyncset.done $0x0  }
0x222: {  	[sflag:s4] =	ssyncadd.s32 $0xFFFFC000  }
0x223: {  	s28 =	sadd.s32 $0x1280, s7  }
0x224: {  	[hbm:s28@s9], [sflag:s10] =	dma.strided [spmem:s3@s12], $0x4000, s8, $0x10   }
0x225: {  	_ =	swait.ge [sflag:s14], $0x4000  }
0x226: {  	[sflag:s14] =	ssyncset.done $0x0  }
0x227: {  	[sflag:s14] =	ssyncadd.s32 $0xFFFFC000  }
0x228: {  	s29 =	sadd.s32 $0x260000, s11  }
0x229: {  	[spmem:s16], [sflag:s18] =	dma.local [hbm:s29], $0x4000  }
0x22a: {  	_ =	swait.ge [sflag:s17], $0x4000  }
0x22b: {  	[sflag:s17] =	ssyncset.done $0x0  }
0x22c: {  	[sflag:s17] =	ssyncadd.s32 $0xFFFFC000  }
0x22d: {  	s30 =	sadd.s32 $0x1300, s7  }
0x22e: {  	[hbm:s30@s9], [sflag:s13] =	dma.strided [spmem:s15@s12], $0x4000, s8, $0x10   }
0x22f: {  	_ =	swait.ge [sflag:s5], $0x4000  }
0x230: {  	[sflag:s5] =	ssyncset.done $0x0  }
0x231: {  	[sflag:s5] =	ssyncadd.s32 $0xFFFFC000  }
0x232: {  	s31 =	sadd.s32 $0x270000, s11  }
0x233: {  	[spmem:s1], [sflag:s6] =	dma.local [hbm:s31], $0x4000  }
0x234: {  	_ =	swait.ge [sflag:s18], $0x4000  }
0x235: {  	[sflag:s18] =	ssyncset.done $0x0  }
0x236: {  	[sflag:s18] =	ssyncadd.s32 $0xFFFFC000  }
0x237: {  	s20 =	sadd.s32 $0x1380, s7  }
0x238: {  	[hbm:s20@s9], [sflag:s14] =	dma.strided [spmem:s16@s12], $0x4000, s8, $0x10   }
0x239: {  	_ =	swait.ge [sflag:s10], $0x4000  }
0x23a: {  	[sflag:s10] =	ssyncset.done $0x0  }
0x23b: {  	[sflag:s10] =	ssyncadd.s32 $0xFFFFC000  }
0x23c: {  	s21 =	sadd.s32 $0x280000, s11  }
0x23d: {  	[spmem:s3], [sflag:s4] =	dma.local [hbm:s21], $0x4000  }
0x23e: {  	_ =	swait.ge [sflag:s6], $0x4000  }
0x23f: {  	[sflag:s6] =	ssyncset.done $0x0  }
0x240: {  	[sflag:s6] =	ssyncadd.s32 $0xFFFFC000  }
0x241: {  	s22 =	sadd.s32 $0x1400, s7  }
0x242: {  	[hbm:s22@s9], [sflag:s5] =	dma.strided [spmem:s1@s12], $0x4000, s8, $0x10   }
0x243: {  	_ =	swait.ge [sflag:s13], $0x4000  }
0x244: {  	[sflag:s13] =	ssyncset.done $0x0  }
0x245: {  	[sflag:s13] =	ssyncadd.s32 $0xFFFFC000  }
0x246: {  	s23 =	sadd.s32 $0x290000, s11  }
0x247: {  	[spmem:s15], [sflag:s17] =	dma.local [hbm:s23], $0x4000  }
0x248: {  	_ =	swait.ge [sflag:s4], $0x4000  }
0x249: {  	[sflag:s4] =	ssyncset.done $0x0  }
0x24a: {  	[sflag:s4] =	ssyncadd.s32 $0xFFFFC000  }
0x24b: {  	s24 =	sadd.s32 $0x1480, s7  }
0x24c: {  	[hbm:s24@s9], [sflag:s10] =	dma.strided [spmem:s3@s12], $0x4000, s8, $0x10   }
0x24d: {  	_ =	swait.ge [sflag:s14], $0x4000  }
0x24e: {  	[sflag:s14] =	ssyncset.done $0x0  }
0x24f: {  	[sflag:s14] =	ssyncadd.s32 $0xFFFFC000  }
0x250: {  	s25 =	sadd.s32 $0x2A0000, s11  }
0x251: {  	[spmem:s16], [sflag:s18] =	dma.local [hbm:s25], $0x4000  }
0x252: {  	_ =	swait.ge [sflag:s17], $0x4000  }
0x253: {  	[sflag:s17] =	ssyncset.done $0x0  }
0x254: {  	[sflag:s17] =	ssyncadd.s32 $0xFFFFC000  }
0x255: {  	s26 =	sadd.s32 $0x1500, s7  }
0x256: {  	[hbm:s26@s9], [sflag:s13] =	dma.strided [spmem:s15@s12], $0x4000, s8, $0x10   }
0x257: {  	_ =	swait.ge [sflag:s5], $0x4000  }
0x258: {  	[sflag:s5] =	ssyncset.done $0x0  }
0x259: {  	[sflag:s5] =	ssyncadd.s32 $0xFFFFC000  }
0x25a: {  	s28 =	sadd.s32 $0x2B0000, s11  }
0x25b: {  	[spmem:s1], [sflag:s6] =	dma.local [hbm:s28], $0x4000  }
0x25c: {  	_ =	swait.ge [sflag:s18], $0x4000  }
0x25d: {  	[sflag:s18] =	ssyncset.done $0x0  }
0x25e: {  	[sflag:s18] =	ssyncadd.s32 $0xFFFFC000  }
0x25f: {  	s29 =	sadd.s32 $0x1580, s7  }
0x260: {  	[hbm:s29@s9], [sflag:s14] =	dma.strided [spmem:s16@s12], $0x4000, s8, $0x10   }
0x261: {  	_ =	swait.ge [sflag:s10], $0x4000  }
0x262: {  	[sflag:s10] =	ssyncset.done $0x0  }
0x263: {  	[sflag:s10] =	ssyncadd.s32 $0xFFFFC000  }
0x264: {  	s30 =	sadd.s32 $0x2C0000, s11  }
0x265: {  	[spmem:s3], [sflag:s4] =	dma.local [hbm:s30], $0x4000  }
0x266: {  	_ =	swait.ge [sflag:s6], $0x4000  }
0x267: {  	[sflag:s6] =	ssyncset.done $0x0  }
0x268: {  	[sflag:s6] =	ssyncadd.s32 $0xFFFFC000  }
0x269: {  	s31 =	sadd.s32 $0x1600, s7  }
0x26a: {  	[hbm:s31@s9], [sflag:s5] =	dma.strided [spmem:s1@s12], $0x4000, s8, $0x10   }
0x26b: {  	_ =	swait.ge [sflag:s13], $0x4000  }
0x26c: {  	[sflag:s13] =	ssyncset.done $0x0  }
0x26d: {  	[sflag:s13] =	ssyncadd.s32 $0xFFFFC000  }
0x26e: {  	s20 =	sadd.s32 $0x2D0000, s11  }
0x26f: {  	[spmem:s15], [sflag:s17] =	dma.local [hbm:s20], $0x4000  }
0x270: {  	_ =	swait.ge [sflag:s4], $0x4000  }
0x271: {  	[sflag:s4] =	ssyncset.done $0x0  }
0x272: {  	[sflag:s4] =	ssyncadd.s32 $0xFFFFC000  }
0x273: {  	s21 =	sadd.s32 $0x1680, s7  }
0x274: {  	[hbm:s21@s9], [sflag:s10] =	dma.strided [spmem:s3@s12], $0x4000, s8, $0x10   }
0x275: {  	_ =	swait.ge [sflag:s14], $0x4000  }
0x276: {  	[sflag:s14] =	ssyncset.done $0x0  }
0x277: {  	[sflag:s14] =	ssyncadd.s32 $0xFFFFC000  }
0x278: {  	s22 =	sadd.s32 $0x2E0000, s11  }
0x279: {  	[spmem:s16], [sflag:s18] =	dma.local [hbm:s22], $0x4000  }
0x27a: {  	_ =	swait.ge [sflag:s17], $0x4000  }
0x27b: {  	[sflag:s17] =	ssyncset.done $0x0  }
0x27c: {  	[sflag:s17] =	ssyncadd.s32 $0xFFFFC000  }
0x27d: {  	s23 =	sadd.s32 $0x1700, s7  }
0x27e: {  	[hbm:s23@s9], [sflag:s13] =	dma.strided [spmem:s15@s12], $0x4000, s8, $0x10   }
0x27f: {  	_ =	swait.ge [sflag:s5], $0x4000  }
0x280: {  	[sflag:s5] =	ssyncset.done $0x0  }
0x281: {  	[sflag:s5] =	ssyncadd.s32 $0xFFFFC000  }
0x282: {  	s24 =	sadd.s32 $0x2F0000, s11  }
0x283: {  	[spmem:s1], [sflag:s6] =	dma.local [hbm:s24], $0x4000  }
0x284: {  	_ =	swait.ge [sflag:s18], $0x4000  }
0x285: {  	[sflag:s18] =	ssyncset.done $0x0  }
0x286: {  	[sflag:s18] =	ssyncadd.s32 $0xFFFFC000  }
0x287: {  	s25 =	sadd.s32 $0x1780, s7  }
0x288: {  	[hbm:s25@s9], [sflag:s14] =	dma.strided [spmem:s16@s12], $0x4000, s8, $0x10   }
0x289: {  	_ =	swait.ge [sflag:s10], $0x4000  }
0x28a: {  	[sflag:s10] =	ssyncset.done $0x0  }
0x28b: {  	[sflag:s10] =	ssyncadd.s32 $0xFFFFC000  }
0x28c: {  	s11 =	sadd.s32 $0x300000, s11  }
0x28d: {  	[spmem:s3], [sflag:s4] =	dma.local [hbm:s11], $0x4000  }
0x28e: {  	_ =	swait.ge [sflag:s6], $0x4000  }
0x28f: {  	[sflag:s6] =	ssyncset.done $0x0  }
0x290: {  	[sflag:s6] =	ssyncadd.s32 $0xFFFFC000  }
0x291: {  	s26 =	sadd.s32 $0x1800, s7  }
0x292: {  	[hbm:s26@s9], [sflag:s5] =	dma.strided [spmem:s1@s12], $0x4000, s8, $0x10   }
0x293: {  	_ =	swait.ge [sflag:s4], $0x4000  }
0x294: {  	[sflag:s4] =	ssyncset.done $0x0  }
0x295: {  	[sflag:s4] =	ssyncadd.s32 $0xFFFFC000  }
0x296: {  	s28 =	sadd.s32 $0x1880, s7  }
0x297: {  	[hbm:s28@s9], [sflag:s10] =	dma.strided [spmem:s3@s12], $0x4000, s8, $0x10   }
0x298: {  	_ =	swait.ge [sflag:s13], $0x4000  }
0x299: {  	[sflag:s13] =	ssyncset.done $0x0  }
0x29a: {  	[sflag:s13] =	ssyncadd.s32 $0xFFFFC000;
	_ =	sdelay $0x2  }
0x29b: {  	_ =	swait.ge [sflag:s14], $0x4000  }
0x29c: {  	[sflag:s14] =	ssyncset.done $0x0  }
0x29d: {  	[sflag:s14] =	ssyncadd.s32 $0xFFFFC000;
	_ =	sdelay $0x2  }
0x29e: {  	_ =	swait.ge [sflag:s5], $0x4000  }
0x29f: {  	[sflag:s5] =	ssyncset.done $0x0  }
0x2a0: {  	[sflag:s5] =	ssyncadd.s32 $0xFFFFC000;
	_ =	sdelay $0x2  }
0x2a1: {  	_ =	swait.ge [sflag:s10], $0x4000  }
0x2a2: {  	[sflag:s10] =	ssyncset.done $0x0  }
0x2a3: {  	[sflag:s10] =	ssyncadd.s32 $0xFFFFC000  }
0x2a4: {  	_ =	strace $0x90000046  }
0x2a5: {  	s29 =	simm.s32 $0x9;
	_ =	strace $0x80000048  }
0x2a6: {  	_ =	swait.ge [sflag:s29], $0x1  }
0x2a7: {  	[sflag:s29] =	ssyncadd.s32 $0xFFFFFFFF  }
0x2a8: {  	_ =	strace $0x90000048  }
0x2a9: {  	_ =	sfence  }
0x2aa: {  	s30 =	sld [smem:$0x0];
	_ =	sdelay $0x2  }
0x2ab: {  	s31 =	sshll.u32 s2, $0xD;
	s2 =	sshrl.u32 s2, $0x2  }
0x2ac: {  	s4 =	sand.u32 $0x4000, s31;
	s2 =	sadd.s32 s2, s30  }
0x2ad: {  	s0 =	sor.u32 s4, s0;
	s2 =	sshll.u32 s2, $0x11  }
0x2ae: {  	s0 =	sor.u32 s2, s0  }
0x2af: {  	s0 =	sadd.s32 $0x8F2B, s0  }
0x2b0: {  	[sflag:s0] =	ssyncadd.remote.s32 $0x1  }
0x2b1: {  	_ =	sfence.sel $0xFFFF  }
0x2b2: {  	[dreg:$0x0] =	wrdreg $0xFFFFFFFF;
	(pc) =	sbr.abs _section_cstart, $3  }
0x2b3: {  	[dreg:$0x1] =	wrdreg $0xFFFFFFFF  }
0x2b4: {  	_ =	task.clear_ibuf [dreg:s1], $0x2FFFF;
	_ =	strace $0x9FFFFFFF  }
0x2b5: {  	(tm) =	ssettm $0x7FFFFFFF  }
tec
execute0_lowered:
.L_overlay_start_1:
0x0: {  	(tag) =	ssettag $0x1  }
0x1: {  	s0 =	srdreg.scid  }
0x2: {  	s2 =	stileid.u32;
	s1 =	sand.u32 $0x1, s0  }
0x3: {  	s8 =	rddreg [dreg:$0x0];
	s2 =	sshll.u32 s2, $0x7;
	s3 =	sshll.u32 s1, $0x6  }
0x4: {  	s4 =	rddreg [dreg:$0x1];
	s2 =	sor.u32 s3, s2  }
0x5: {  	s9 =	rddreg [dreg:$0x2];
	s5 =	sor.u32 $0x800, s2  }
0x6: {  	s2 =	simm.s32 $0x0;
	s6 =	sshrl.u32 s5, $0x3;
	s5 =	sshll.u32 s5, $0x4  }
0x7: {  	[smem:$0x7FF] =	sst s2;
	s4 =	sadd.s32 s4, s5;
	s31 =	sadd.s32 s8, s5  }
0x8: {  	_ =	strace $0x80000047;
	[dreg:$0x4] =	wrdreg s4;
	s11 =	sadd.s32 $0x10000, s31  }
0x9: {  	s13 =	sadd.s32 $0x20000, s31;
	[dreg:$0x5] =	wrdreg s11  }
0xa: {  	s15 =	sadd.s32 $0x30000, s31;
	[dreg:$0x7] =	wrdreg s13  }
0xb: {  	s17 =	sadd.s32 $0x40000, s31;
	[dreg:$0x9] =	wrdreg s15  }
0xc: {  	s19 =	sadd.s32 $0x50000, s31;
	[dreg:$0xb] =	wrdreg s17  }
0xd: {  	s21 =	sadd.s32 $0x60000, s31;
	[dreg:$0xd] =	wrdreg s19  }
0xe: {  	s23 =	sadd.s32 $0x70000, s31;
	[dreg:$0xf] =	wrdreg s21  }
0xf: {  	s25 =	sadd.s32 $0x80000, s31;
	[dreg:$0x11] =	wrdreg s23  }
0x10: {  	s3 =	sadd.s32 $0x90000, s31;
	[dreg:$0x13] =	wrdreg s25  }
0x11: {  	s5 =	sadd.s32 $0xA0000, s31;
	[dreg:$0x15] =	wrdreg s3  }
0x12: {  	s7 =	sadd.s32 $0xB0000, s31;
	[dreg:$0x17] =	wrdreg s5  }
0x13: {  	[dreg:$0x19] =	wrdreg s7  }
0x14: {  	s11 =	sadd.s32 $0xD0000, s31;
	s0 =	rddreg [dreg:$0x4]  }
0x15: {  	s13 =	sadd.s32 $0xE0000, s31;
	[dreg:$0x1d] =	wrdreg s11  }
0x16: {  	s15 =	sadd.s32 $0xF0000, s31;
	[dreg:$0x1f] =	wrdreg s13  }
0x17: {  	s17 =	sadd.s32 $0x100000, s31;
	[smem:$0x7C5] =	sst s15  }
0x18: {  	s19 =	sadd.s32 $0x110000, s31;
	[smem:$0x7C7] =	sst s17  }
0x19: {  	s21 =	sadd.s32 $0x120000, s31;
	[smem:$0x7C9] =	sst s19  }
0x1a: {  	s23 =	sadd.s32 $0x130000, s31;
	[smem:$0x7CB] =	sst s21  }
0x1b: {  	s25 =	sadd.s32 $0x140000, s31;
	[smem:$0x7CD] =	sst s23  }
0x1c: {  	s6 =	smul.u32 $0xC800, s6;
	s3 =	sadd.s32 $0x150000, s31;
	[smem:$0x7CF] =	sst s25  }
0x1d: {  	s5 =	sadd.s32 $0x160000, s31;
	[smem:$0x7D1] =	sst s3  }
0x1e: {  	s10 =	sshrl.u32 s6, $0x3;
	s7 =	sadd.s32 $0x170000, s31;
	[smem:$0x7D3] =	sst s5  }
0x1f: {  	s30 =	sadd.s32 s9, s10;
	s9 =	sadd.s32 $0xC0000, s31;
	[smem:$0x7D5] =	sst s7  }
0x20: {  	s11 =	sadd.s32 $0x190000, s31;
	[dreg:$0x1b] =	wrdreg s9  }
0x21: {  	s13 =	sadd.s32 $0x1A0000, s31;
	[smem:$0x7D9] =	sst s11  }
0x22: {  	s15 =	sadd.s32 $0x1B0000, s31;
	[smem:$0x7DB] =	sst s13  }
0x23: {  	s17 =	sadd.s32 $0x1C0000, s31;
	[smem:$0x7DD] =	sst s15  }
0x24: {  	s19 =	sadd.s32 $0x1D0000, s31;
	[smem:$0x7DF] =	sst s17  }
0x25: {  	s21 =	sadd.s32 $0x1E0000, s31;
	[smem:$0x7E1] =	sst s19  }
0x26: {  	s23 =	sadd.s32 $0x1F0000, s31;
	[smem:$0x7E3] =	sst s21  }
0x27: {  	s25 =	sadd.s32 $0x200000, s31;
	[smem:$0x7E5] =	sst s23  }
0x28: {  	s3 =	sadd.s32 $0x210000, s31;
	[smem:$0x7E7] =	sst s25  }
0x29: {  	s5 =	sadd.s32 $0x220000, s31;
	[smem:$0x7E9] =	sst s3  }
0x2a: {  	s7 =	sadd.s32 $0x230000, s31;
	[smem:$0x7EB] =	sst s5  }
0x2b: {  	s12 =	sadd.s32 $0x80, s30;
	[smem:$0x7ED] =	sst s7  }
0x2c: {  	s14 =	sadd.s32 $0x100, s30;
	[dreg:$0x6] =	wrdreg s12  }
0x2d: {  	s16 =	sadd.s32 $0x180, s30;
	[dreg:$0x8] =	wrdreg s14  }
0x2e: {  	s18 =	sadd.s32 $0x200, s30;
	[dreg:$0xa] =	wrdreg s16  }
0x2f: {  	s20 =	sadd.s32 $0x280, s30;
	[dreg:$0xc] =	wrdreg s18  }
0x30: {  	s22 =	sadd.s32 $0x300, s30;
	[dreg:$0xe] =	wrdreg s20  }
0x31: {  	s24 =	sadd.s32 $0x380, s30;
	[dreg:$0x10] =	wrdreg s22  }
0x32: {  	s26 =	sadd.s32 $0x400, s30;
	[dreg:$0x12] =	wrdreg s24  }
0x33: {  	s4 =	sadd.s32 $0x480, s30;
	[dreg:$0x14] =	wrdreg s26  }
0x34: {  	s6 =	sadd.s32 $0x500, s30;
	[dreg:$0x16] =	wrdreg s4  }
0x35: {  	s8 =	sadd.s32 $0x580, s30;
	[dreg:$0x18] =	wrdreg s6  }
0x36: {  	s10 =	sadd.s32 $0x600, s30;
	[dreg:$0x1a] =	wrdreg s8  }
0x37: {  	s9 =	sadd.s32 $0x180000, s31;
	[dreg:$0x1c] =	wrdreg s10  }
0x38: {  	s11 =	sadd.s32 $0x250000, s31;
	[smem:$0x7D7] =	sst s9  }
0x39: {  	s13 =	sadd.s32 $0x260000, s31;
	[smem:$0x7F1] =	sst s11  }
0x3a: {  	s15 =	sadd.s32 $0x270000, s31;
	[smem:$0x7F3] =	sst s13  }
0x3b: {  	s17 =	sadd.s32 $0x280000, s31;
	[smem:$0x7F5] =	sst s15  }
0x3c: {  	s19 =	sadd.s32 $0x290000, s31;
	[smem:$0x7F7] =	sst s17  }
0x3d: {  	s21 =	sadd.s32 $0x2A0000, s31;
	[smem:$0x7F9] =	sst s19  }
0x3e: {  	s12 =	sadd.s32 $0x680, s30;
	[smem:$0x7FB] =	sst s21  }
0x3f: {  	s14 =	sadd.s32 $0x700, s30;
	[dreg:$0x1e] =	wrdreg s12  }
0x40: {  	s16 =	sadd.s32 $0x780, s30;
	[smem:$0x7C4] =	sst s14  }
0x41: {  	s18 =	sadd.s32 $0x800, s30;
	[smem:$0x7C6] =	sst s16  }
0x42: {  	s20 =	sadd.s32 $0x880, s30;
	[smem:$0x7C8] =	sst s18  }
0x43: {  	s22 =	sadd.s32 $0x900, s30;
	[smem:$0x7CA] =	sst s20  }
0x44: {  	s24 =	sadd.s32 $0x980, s30;
	[smem:$0x7CC] =	sst s22  }
0x45: {  	s26 =	sadd.s32 $0xA00, s30;
	[smem:$0x7CE] =	sst s24  }
0x46: {  	s4 =	sadd.s32 $0xA80, s30;
	[smem:$0x7D0] =	sst s26  }
0x47: {  	p0 =	por $0x0, $0x0;
	s6 =	sadd.s32 $0xB00, s30;
	[smem:$0x7D2] =	sst s4  }
0x48: {  	s29 =	simm.s32 $0x3;
	s8 =	sadd.s32 $0xB80, s30;
	[smem:$0x7D4] =	sst s6  }
0x49: {  	s1 =	ssub.s32 $0x2, s1;
	s10 =	sadd.s32 $0xC00, s30;
	[smem:$0x7D6] =	sst s8  }
0x4a: {  	s23 =	sshrl.u32 s1, $0x1;
	s9 =	sadd.s32 $0x240000, s31;
	[smem:$0x7D8] =	sst s10  }
0x4b: {  	s28 =	sadd.s32 $0x1580, s30;
	s12 =	sadd.s32 $0xC80, s30;
	[smem:$0x7EF] =	sst s9  }
0x4c: {  	s3 =	sadd.s32 $0x1880, s30;
	s14 =	sadd.s32 $0xD00, s30;
	[smem:$0x7DA] =	sst s12  }
0x4d: {  	s5 =	simm.s32 $0xA000;
	s16 =	sadd.s32 $0xD80, s30;
	[smem:$0x7DC] =	sst s14  }
0x4e: {  	s7 =	simm.s32 $0x400;
	s18 =	sadd.s32 $0xE00, s30;
	[smem:$0x7DE] =	sst s16  }
0x4f: {  	s1 =	ssub.s32 s1, s23;
	s20 =	sadd.s32 $0xE80, s30;
	[smem:$0x7E0] =	sst s18  }
0x50: {  	s23 =	sadd.s32 $0x1600, s30;
	s22 =	sadd.s32 $0xF00, s30;
	[smem:$0x7E2] =	sst s20  }
0x51: {  	s19 =	sadd.s32 $0x2E0000, s31;
	s24 =	sadd.s32 $0xF80, s30;
	[smem:$0x7E4] =	sst s22  }
0x52: {  	s15 =	sadd.s32 $0x2F0000, s31;
	s26 =	sadd.s32 $0x1000, s30;
	[smem:$0x7E6] =	sst s24  }
0x53: {  	s13 =	simm.s32 $0x1;
	s4 =	sadd.s32 $0x1080, s30;
	[smem:$0x7E8] =	sst s26  }
0x54: {  	s11 =	simm.s32 $0xC800;
	s6 =	sadd.s32 $0x1100, s30;
	[smem:$0x7EA] =	sst s4  }
0x55: {  	s21 =	simm.s32 $0xE000;
	s8 =	sadd.s32 $0x1180, s30;
	[smem:$0x7EC] =	sst s6  }
0x56: {  	s17 =	simm.s32 $0x7;
	s10 =	sadd.s32 $0x1200, s30;
	[smem:$0x7EE] =	sst s8  }
0x57: {  	s9 =	sadd.s32 $0x300000, s31;
	s25 =	smax.u32 s1, $0x1;
	[smem:$0x7F0] =	sst s10  }
0x58: {  	s12 =	sadd.s32 $0x1280, s30;
	s14 =	sadd.s32 $0x1300, s30;
	s16 =	sadd.s32 $0x1380, s30  }
0x59: {  	s18 =	sadd.s32 $0x1400, s30;
	s20 =	sadd.s32 $0x1480, s30;
	[smem:$0x7F2] =	sst s12  }
0x5a: {  	s22 =	sadd.s32 $0x1500, s30;
	s24 =	sadd.s32 $0x2B0000, s31;
	[smem:$0x7F4] =	sst s14  }
0x5b: {  	s26 =	sadd.s32 $0x2C0000, s31;
	s4 =	sadd.s32 $0x1800, s30;
	[smem:$0x7F6] =	sst s16  }
0x5c: {  	s10 =	simm.s32 $0x8000;
	p1 =	sne.s32 s25, $0x1;
	[smem:$0x7F8] =	sst s18  }
.Ltmp0:
0x5d: {  	s1 =	sadd.s32 $0xFFFFFFFF, s25;
	[smem:$0x7FA] =	sst s20;
	(pc) =	sbr.rel @!p1 .LBB2_3-.Ltmp0, $4  }
0x5e: {  	s8 =	simm.s32 $0x5;
	s25 =	simm.s32 $0x4;
	[smem:$0x7FC] =	sst s22  }
0x5f: {  	s6 =	simm.s32 $0x6;
	[smem:$0x7FD] =	sst s24;
	s22 =	sadd.s32 $0x2D0000, s31  }
0x60: {  	s20 =	sadd.s32 $0x1680, s30;
	s18 =	sadd.s32 $0x1700, s30;
	s12 =	sadd.s32 $0x1780, s30  }
0x61: {  	s24 =	simm.s32 $0xC000;
	s14 =	simm.s32 $0x2;
	s16 =	simm.s32 $0x8  }
0x62: {  	[tilespmem:s10], [sflag:$0x1] =	stream.linear.gather [hbm4b:s0+s2], $0x2000, $0x38;
	[tilespmem:$0x10000] =	vst v63  }
0x63: {  	_ = 	snop  }
0x64: {  	[tilespmem:s5], [sflag:$0x2] =	stream.linear.gather [hbm4b:s31+s2], $0x2000, $0x38;
	[tilespmem:$0x10000] =	vst v63  }
0x65: {  	_ =	swait.ge [sflag:s13], $0x2000  }
0x66: {  	[sflag:s13] =	ssyncset.done $0x0  }
0x67: {  	[sflag:s13] =	ssyncadd.s32 $0xFFFFE000  }
0x68: {  	[hbm4b:s30+s7] =	stream.strided.scatter [tilespmem:s10], [sflag:$0x5], $0x2000, s11, s7, $0x38;
	[tilespmem:$0x10000] =	vst v63  }
0x69: {  	s0 =	rddreg [dreg:$0x5]  }
0x6a: {  	[tilespmem:s24], [sflag:$0x3] =	stream.linear.gather [hbm4b:s0+s2], $0x2000, $0x38;
	[tilespmem:$0x10000] =	vst v63  }
0x6b: {  	_ =	swait.ge [sflag:s14], $0x2000  }
0x6c: {  	s0 =	rddreg [dreg:$0x6];
	[sflag:s14] =	ssyncset.done $0x0  }
0x6d: {  	[smem:$0x7C3] =	sst s1;
	[sflag:s14] =	ssyncadd.s32 $0xFFFFE000  }
0x6e: {  	[hbm4b:s0+s7] =	stream.strided.scatter [tilespmem:s5], [sflag:$0x6], $0x2000, s11, s7, $0x38;
	[tilespmem:$0x10000] =	vst v63  }
0x6f: {  	s1 =	rddreg [dreg:$0x7]  }
0x70: {  	[tilespmem:s21], [sflag:$0x4] =	stream.linear.gather [hbm4b:s1+s2], $0x2000, $0x38;
	[tilespmem:$0x10000] =	vst v63  }
0x71: {  	_ =	swait.ge [sflag:s29], $0x2000  }
0x72: {  	[sflag:s29] =	ssyncset.done $0x0  }
0x73: {  	s1 =	rddreg [dreg:$0x8];
	[sflag:s29] =	ssyncadd.s32 $0xFFFFE000  }
0x74: {  	[hbm4b:s1+s7] =	stream.strided.scatter [tilespmem:s24], [sflag:$0x7], $0x2000, s11, s7, $0x38;
	[tilespmem:$0x10000] =	vst v63  }
0x75: {  	_ =	swait.ge [sflag:s8], $0x2000  }
0x76: {  	[sflag:s8] =	ssyncset.done $0x0  }
0x77: {  	s1 =	rddreg [dreg:$0x9];
	[sflag:s8] =	ssyncadd.s32 $0xFFFFE000  }
0x78: {  	[tilespmem:s10], [sflag:$0x1] =	stream.linear.gather [hbm4b:s1+s2], $0x2000, $0x38;
	[tilespmem:$0x10000] =	vst v63  }
0x79: {  	_ =	swait.ge [sflag:s25], $0x2000  }
0x7a: {  	[sflag:s25] =	ssyncset.done $0x0  }
0x7b: {  	s1 =	rddreg [dreg:$0xa];
	[sflag:s25] =	ssyncadd.s32 $0xFFFFE000  }
0x7c: {  	[hbm4b:s1+s7] =	stream.strided.scatter [tilespmem:s21], [sflag:$0x8], $0x2000, s11, s7, $0x38;
	[tilespmem:$0x10000] =	vst v63  }
0x7d: {  	_ =	swait.ge [sflag:s6], $0x2000  }
0x7e: {  	[sflag:s6] =	ssyncset.done $0x0  }
0x7f: {  	s1 =	rddreg [dreg:$0xb];
	[sflag:s6] =	ssyncadd.s32 $0xFFFFE000  }
0x80: {  	[tilespmem:s5], [sflag:$0x2] =	stream.linear.gather [hbm4b:s1+s2], $0x2000, $0x38;
	[tilespmem:$0x10000] =	vst v63  }
0x81: {  	_ =	swait.ge [sflag:s13], $0x2000  }
0x82: {  	[sflag:s13] =	ssyncset.done $0x0  }
0x83: {  	s1 =	rddreg [dreg:$0xc];
	[sflag:s13] =	ssyncadd.s32 $0xFFFFE000  }
0x84: {  	[hbm4b:s1+s7] =	stream.strided.scatter [tilespmem:s10], [sflag:$0x5], $0x2000, s11, s7, $0x38;
	[tilespmem:$0x10000] =	vst v63  }
0x85: {  	_ =	swait.ge [sflag:s17], $0x2000  }
0x86: {  	[sflag:s17] =	ssyncset.done $0x0  }
0x87: {  	s1 =	rddreg [dreg:$0xd];
	[sflag:s17] =	ssyncadd.s32 $0xFFFFE000  }
0x88: {  	[tilespmem:s24], [sflag:$0x3] =	stream.linear.gather [hbm4b:s1+s2], $0x2000, $0x38;
	[tilespmem:$0x10000] =	vst v63  }
0x89: {  	_ =	swait.ge [sflag:s14], $0x2000  }
0x8a: {  	[sflag:s14] =	ssyncset.done $0x0  }
0x8b: {  	s1 =	rddreg [dreg:$0xe];
	[sflag:s14] =	ssyncadd.s32 $0xFFFFE000  }
0x8c: {  	[hbm4b:s1+s7] =	stream.strided.scatter [tilespmem:s5], [sflag:$0x6], $0x2000, s11, s7, $0x38;
	[tilespmem:$0x10000] =	vst v63  }
0x8d: {  	_ =	swait.ge [sflag:s16], $0x2000  }
0x8e: {  	[sflag:s16] =	ssyncset.done $0x0  }
0x8f: {  	s1 =	rddreg [dreg:$0xf];
	[sflag:s16] =	ssyncadd.s32 $0xFFFFE000  }
0x90: {  	[tilespmem:s21], [sflag:$0x4] =	stream.linear.gather [hbm4b:s1+s2], $0x2000, $0x38;
	[tilespmem:$0x10000] =	vst v63  }
0x91: {  	_ =	swait.ge [sflag:s29], $0x2000  }
0x92: {  	[sflag:s29] =	ssyncset.done $0x0  }
0x93: {  	s1 =	rddreg [dreg:$0x10];
	[sflag:s29] =	ssyncadd.s32 $0xFFFFE000  }
0x94: {  	[hbm4b:s1+s7] =	stream.strided.scatter [tilespmem:s24], [sflag:$0x7], $0x2000, s11, s7, $0x38;
	[tilespmem:$0x10000] =	vst v63  }
0x95: {  	_ =	swait.ge [sflag:s8], $0x2000  }
0x96: {  	[sflag:s8] =	ssyncset.done $0x0  }
0x97: {  	s1 =	rddreg [dreg:$0x11];
	[sflag:s8] =	ssyncadd.s32 $0xFFFFE000  }
0x98: {  	[tilespmem:s10], [sflag:$0x1] =	stream.linear.gather [hbm4b:s1+s2], $0x2000, $0x38;
	[tilespmem:$0x10000] =	vst v63  }
0x99: {  	_ =	swait.ge [sflag:s25], $0x2000  }
0x9a: {  	[sflag:s25] =	ssyncset.done $0x0  }
0x9b: {  	s1 =	rddreg [dreg:$0x12];
	[sflag:s25] =	ssyncadd.s32 $0xFFFFE000  }
0x9c: {  	[hbm4b:s1+s7] =	stream.strided.scatter [tilespmem:s21], [sflag:$0x8], $0x2000, s11, s7, $0x38;
	[tilespmem:$0x10000] =	vst v63  }
0x9d: {  	_ =	swait.ge [sflag:s6], $0x2000  }
0x9e: {  	[sflag:s6] =	ssyncset.done $0x0  }
0x9f: {  	s1 =	rddreg [dreg:$0x13];
	[sflag:s6] =	ssyncadd.s32 $0xFFFFE000  }
0xa0: {  	[tilespmem:s5], [sflag:$0x2] =	stream.linear.gather [hbm4b:s1+s2], $0x2000, $0x38;
	[tilespmem:$0x10000] =	vst v63  }
0xa1: {  	_ =	swait.ge [sflag:s13], $0x2000  }
0xa2: {  	[sflag:s13] =	ssyncset.done $0x0  }
0xa3: {  	s1 =	rddreg [dreg:$0x14];
	[sflag:s13] =	ssyncadd.s32 $0xFFFFE000  }
0xa4: {  	[hbm4b:s1+s7] =	stream.strided.scatter [tilespmem:s10], [sflag:$0x5], $0x2000, s11, s7, $0x38;
	[tilespmem:$0x10000] =	vst v63  }
0xa5: {  	_ =	swait.ge [sflag:s17], $0x2000  }
0xa6: {  	[sflag:s17] =	ssyncset.done $0x0  }
0xa7: {  	s1 =	rddreg [dreg:$0x15];
	[sflag:s17] =	ssyncadd.s32 $0xFFFFE000  }
0xa8: {  	[tilespmem:s24], [sflag:$0x3] =	stream.linear.gather [hbm4b:s1+s2], $0x2000, $0x38;
	[tilespmem:$0x10000] =	vst v63  }
0xa9: {  	_ =	swait.ge [sflag:s14], $0x2000  }
0xaa: {  	[sflag:s14] =	ssyncset.done $0x0  }
0xab: {  	s1 =	rddreg [dreg:$0x16];
	[sflag:s14] =	ssyncadd.s32 $0xFFFFE000  }
0xac: {  	[hbm4b:s1+s7] =	stream.strided.scatter [tilespmem:s5], [sflag:$0x6], $0x2000, s11, s7, $0x38;
	[tilespmem:$0x10000] =	vst v63  }
0xad: {  	_ =	swait.ge [sflag:s16], $0x2000  }
0xae: {  	[sflag:s16] =	ssyncset.done $0x0  }
0xaf: {  	s1 =	rddreg [dreg:$0x17];
	[sflag:s16] =	ssyncadd.s32 $0xFFFFE000  }
0xb0: {  	[tilespmem:s21], [sflag:$0x4] =	stream.linear.gather [hbm4b:s1+s2], $0x2000, $0x38;
	[tilespmem:$0x10000] =	vst v63  }
0xb1: {  	_ =	swait.ge [sflag:s29], $0x2000  }
0xb2: {  	[sflag:s29] =	ssyncset.done $0x0  }
0xb3: {  	s1 =	rddreg [dreg:$0x18];
	[sflag:s29] =	ssyncadd.s32 $0xFFFFE000  }
0xb4: {  	[hbm4b:s1+s7] =	stream.strided.scatter [tilespmem:s24], [sflag:$0x7], $0x2000, s11, s7, $0x38;
	[tilespmem:$0x10000] =	vst v63  }
0xb5: {  	_ =	swait.ge [sflag:s8], $0x2000  }
0xb6: {  	[sflag:s8] =	ssyncset.done $0x0  }
0xb7: {  	s1 =	rddreg [dreg:$0x19];
	[sflag:s8] =	ssyncadd.s32 $0xFFFFE000  }
0xb8: {  	[tilespmem:s10], [sflag:$0x1] =	stream.linear.gather [hbm4b:s1+s2], $0x2000, $0x38;
	[tilespmem:$0x10000] =	vst v63  }
0xb9: {  	_ =	swait.ge [sflag:s25], $0x2000  }
0xba: {  	[sflag:s25] =	ssyncset.done $0x0  }
0xbb: {  	s1 =	rddreg [dreg:$0x1a];
	[sflag:s25] =	ssyncadd.s32 $0xFFFFE000  }
0xbc: {  	[hbm4b:s1+s7] =	stream.strided.scatter [tilespmem:s21], [sflag:$0x8], $0x2000, s11, s7, $0x38;
	[tilespmem:$0x10000] =	vst v63  }
0xbd: {  	_ =	swait.ge [sflag:s6], $0x2000  }
0xbe: {  	[sflag:s6] =	ssyncset.done $0x0  }
0xbf: {  	s1 =	rddreg [dreg:$0x1b];
	[sflag:s6] =	ssyncadd.s32 $0xFFFFE000  }
0xc0: {  	[tilespmem:s5], [sflag:$0x2] =	stream.linear.gather [hbm4b:s1+s2], $0x2000, $0x38;
	[tilespmem:$0x10000] =	vst v63  }
0xc1: {  	_ =	swait.ge [sflag:s13], $0x2000  }
0xc2: {  	[sflag:s13] =	ssyncset.done $0x0  }
0xc3: {  	s1 =	rddreg [dreg:$0x1c];
	[sflag:s13] =	ssyncadd.s32 $0xFFFFE000  }
0xc4: {  	[hbm4b:s1+s7] =	stream.strided.scatter [tilespmem:s10], [sflag:$0x5], $0x2000, s11, s7, $0x38;
	[tilespmem:$0x10000] =	vst v63  }
0xc5: {  	_ =	swait.ge [sflag:s17], $0x2000  }
0xc6: {  	[sflag:s17] =	ssyncset.done $0x0  }
0xc7: {  	s1 =	rddreg [dreg:$0x1d];
	[sflag:s17] =	ssyncadd.s32 $0xFFFFE000  }
0xc8: {  	[tilespmem:s24], [sflag:$0x3] =	stream.linear.gather [hbm4b:s1+s2], $0x2000, $0x38;
	[tilespmem:$0x10000] =	vst v63  }
0xc9: {  	_ =	swait.ge [sflag:s14], $0x2000  }
0xca: {  	[sflag:s14] =	ssyncset.done $0x0  }
0xcb: {  	s1 =	rddreg [dreg:$0x1e];
	[sflag:s14] =	ssyncadd.s32 $0xFFFFE000  }
0xcc: {  	[hbm4b:s1+s7] =	stream.strided.scatter [tilespmem:s5], [sflag:$0x6], $0x2000, s11, s7, $0x38;
	[tilespmem:$0x10000] =	vst v63  }
0xcd: {  	_ =	swait.ge [sflag:s16], $0x2000  }
0xce: {  	[sflag:s16] =	ssyncset.done $0x0  }
0xcf: {  	s1 =	rddreg [dreg:$0x1f];
	[sflag:s16] =	ssyncadd.s32 $0xFFFFE000  }
0xd0: {  	[tilespmem:s21], [sflag:$0x4] =	stream.linear.gather [hbm4b:s1+s2], $0x2000, $0x38;
	[tilespmem:$0x10000] =	vst v63  }
0xd1: {  	_ =	swait.ge [sflag:s29], $0x2000  }
0xd2: {  	s1 =	sld [smem:$0x7C4]  }
0xd3: {  	[sflag:s29] =	ssyncset.done $0x0  }
0xd4: {  	[sflag:s29] =	ssyncadd.s32 $0xFFFFE000  }
0xd5: {  	[hbm4b:s1+s7] =	stream.strided.scatter [tilespmem:s24], [sflag:$0x7], $0x2000, s11, s7, $0x38;
	[tilespmem:$0x10000] =	vst v63  }
0xd6: {  	_ =	swait.ge [sflag:s8], $0x2000  }
0xd7: {  	s1 =	sld [smem:$0x7C5]  }
0xd8: {  	[sflag:s8] =	ssyncset.done $0x0  }
0xd9: {  	[sflag:s8] =	ssyncadd.s32 $0xFFFFE000  }
0xda: {  	[tilespmem:s10], [sflag:$0x1] =	stream.linear.gather [hbm4b:s1+s2], $0x2000, $0x38;
	[tilespmem:$0x10000] =	vst v63  }
0xdb: {  	_ =	swait.ge [sflag:s25], $0x2000  }
0xdc: {  	s1 =	sld [smem:$0x7C6]  }
0xdd: {  	[sflag:s25] =	ssyncset.done $0x0  }
0xde: {  	[sflag:s25] =	ssyncadd.s32 $0xFFFFE000  }
0xdf: {  	[hbm4b:s1+s7] =	stream.strided.scatter [tilespmem:s21], [sflag:$0x8], $0x2000, s11, s7, $0x38;
	[tilespmem:$0x10000] =	vst v63  }
0xe0: {  	_ =	swait.ge [sflag:s6], $0x2000  }
0xe1: {  	s1 =	sld [smem:$0x7C7]  }
0xe2: {  	[sflag:s6] =	ssyncset.done $0x0  }
0xe3: {  	[sflag:s6] =	ssyncadd.s32 $0xFFFFE000  }
0xe4: {  	[tilespmem:s5], [sflag:$0x2] =	stream.linear.gather [hbm4b:s1+s2], $0x2000, $0x38;
	[tilespmem:$0x10000] =	vst v63  }
0xe5: {  	_ =	swait.ge [sflag:s13], $0x2000  }
0xe6: {  	s1 =	sld [smem:$0x7C8]  }
0xe7: {  	[sflag:s13] =	ssyncset.done $0x0  }
0xe8: {  	[sflag:s13] =	ssyncadd.s32 $0xFFFFE000  }
0xe9: {  	[hbm4b:s1+s7] =	stream.strided.scatter [tilespmem:s10], [sflag:$0x5], $0x2000, s11, s7, $0x38;
	[tilespmem:$0x10000] =	vst v63  }
0xea: {  	_ =	swait.ge [sflag:s17], $0x2000  }
0xeb: {  	s1 =	sld [smem:$0x7C9]  }
0xec: {  	[sflag:s17] =	ssyncset.done $0x0  }
0xed: {  	[sflag:s17] =	ssyncadd.s32 $0xFFFFE000  }
0xee: {  	[tilespmem:s24], [sflag:$0x3] =	stream.linear.gather [hbm4b:s1+s2], $0x2000, $0x38;
	[tilespmem:$0x10000] =	vst v63  }
0xef: {  	_ =	swait.ge [sflag:s14], $0x2000  }
0xf0: {  	s1 =	sld [smem:$0x7CA]  }
0xf1: {  	[sflag:s14] =	ssyncset.done $0x0  }
0xf2: {  	[sflag:s14] =	ssyncadd.s32 $0xFFFFE000  }
0xf3: {  	[hbm4b:s1+s7] =	stream.strided.scatter [tilespmem:s5], [sflag:$0x6], $0x2000, s11, s7, $0x38;
	[tilespmem:$0x10000] =	vst v63  }
0xf4: {  	_ =	swait.ge [sflag:s16], $0x2000  }
0xf5: {  	s1 =	sld [smem:$0x7CB]  }
0xf6: {  	[sflag:s16] =	ssyncset.done $0x0  }
0xf7: {  	[sflag:s16] =	ssyncadd.s32 $0xFFFFE000  }
0xf8: {  	[tilespmem:s21], [sflag:$0x4] =	stream.linear.gather [hbm4b:s1+s2], $0x2000, $0x38;
	[tilespmem:$0x10000] =	vst v63  }
0xf9: {  	_ =	swait.ge [sflag:s29], $0x2000  }
0xfa: {  	s1 =	sld [smem:$0x7CC]  }
0xfb: {  	[sflag:s29] =	ssyncset.done $0x0  }
0xfc: {  	[sflag:s29] =	ssyncadd.s32 $0xFFFFE000  }
0xfd: {  	[hbm4b:s1+s7] =	stream.strided.scatter [tilespmem:s24], [sflag:$0x7], $0x2000, s11, s7, $0x38;
	[tilespmem:$0x10000] =	vst v63  }
0xfe: {  	_ =	swait.ge [sflag:s8], $0x2000  }
0xff: {  	s1 =	sld [smem:$0x7CD]  }
0x100: {  	[sflag:s8] =	ssyncset.done $0x0  }
0x101: {  	[sflag:s8] =	ssyncadd.s32 $0xFFFFE000  }
0x102: {  	[tilespmem:s10], [sflag:$0x1] =	stream.linear.gather [hbm4b:s1+s2], $0x2000, $0x38;
	[tilespmem:$0x10000] =	vst v63  }
0x103: {  	_ =	swait.ge [sflag:s25], $0x2000  }
0x104: {  	s1 =	sld [smem:$0x7CE]  }
0x105: {  	[sflag:s25] =	ssyncset.done $0x0  }
0x106: {  	[sflag:s25] =	ssyncadd.s32 $0xFFFFE000  }
0x107: {  	[hbm4b:s1+s7] =	stream.strided.scatter [tilespmem:s21], [sflag:$0x8], $0x2000, s11, s7, $0x38;
	[tilespmem:$0x10000] =	vst v63  }
0x108: {  	_ =	swait.ge [sflag:s6], $0x2000  }
0x109: {  	s1 =	sld [smem:$0x7CF]  }
0x10a: {  	[sflag:s6] =	ssyncset.done $0x0  }
0x10b: {  	[sflag:s6] =	ssyncadd.s32 $0xFFFFE000  }
0x10c: {  	[tilespmem:s5], [sflag:$0x2] =	stream.linear.gather [hbm4b:s1+s2], $0x2000, $0x38;
	[tilespmem:$0x10000] =	vst v63  }
0x10d: {  	_ =	swait.ge [sflag:s13], $0x2000  }
0x10e: {  	s1 =	sld [smem:$0x7D0]  }
0x10f: {  	[sflag:s13] =	ssyncset.done $0x0  }
0x110: {  	[sflag:s13] =	ssyncadd.s32 $0xFFFFE000  }
0x111: {  	[hbm4b:s1+s7] =	stream.strided.scatter [tilespmem:s10], [sflag:$0x5], $0x2000, s11, s7, $0x38;
	[tilespmem:$0x10000] =	vst v63  }
0x112: {  	_ =	swait.ge [sflag:s17], $0x2000  }
0x113: {  	s1 =	sld [smem:$0x7D1]  }
0x114: {  	[sflag:s17] =	ssyncset.done $0x0  }
0x115: {  	[sflag:s17] =	ssyncadd.s32 $0xFFFFE000  }
0x116: {  	[tilespmem:s24], [sflag:$0x3] =	stream.linear.gather [hbm4b:s1+s2], $0x2000, $0x38;
	[tilespmem:$0x10000] =	vst v63  }
0x117: {  	_ =	swait.ge [sflag:s14], $0x2000  }
0x118: {  	s1 =	sld [smem:$0x7D2]  }
0x119: {  	[sflag:s14] =	ssyncset.done $0x0  }
0x11a: {  	[sflag:s14] =	ssyncadd.s32 $0xFFFFE000  }
0x11b: {  	[hbm4b:s1+s7] =	stream.strided.scatter [tilespmem:s5], [sflag:$0x6], $0x2000, s11, s7, $0x38;
	[tilespmem:$0x10000] =	vst v63  }
0x11c: {  	_ =	swait.ge [sflag:s16], $0x2000  }
0x11d: {  	s1 =	sld [smem:$0x7D3]  }
0x11e: {  	[sflag:s16] =	ssyncset.done $0x0  }
0x11f: {  	[sflag:s16] =	ssyncadd.s32 $0xFFFFE000  }
0x120: {  	[tilespmem:s21], [sflag:$0x4] =	stream.linear.gather [hbm4b:s1+s2], $0x2000, $0x38;
	[tilespmem:$0x10000] =	vst v63  }
0x121: {  	_ =	swait.ge [sflag:s29], $0x2000  }
0x122: {  	s1 =	sld [smem:$0x7D4]  }
0x123: {  	[sflag:s29] =	ssyncset.done $0x0  }
0x124: {  	[sflag:s29] =	ssyncadd.s32 $0xFFFFE000  }
0x125: {  	[hbm4b:s1+s7] =	stream.strided.scatter [tilespmem:s24], [sflag:$0x7], $0x2000, s11, s7, $0x38;
	[tilespmem:$0x10000] =	vst v63  }
0x126: {  	_ =	swait.ge [sflag:s8], $0x2000  }
0x127: {  	s1 =	sld [smem:$0x7D5]  }
0x128: {  	[sflag:s8] =	ssyncset.done $0x0  }
0x129: {  	[sflag:s8] =	ssyncadd.s32 $0xFFFFE000  }
0x12a: {  	[tilespmem:s10], [sflag:$0x1] =	stream.linear.gather [hbm4b:s1+s2], $0x2000, $0x38;
	[tilespmem:$0x10000] =	vst v63  }
0x12b: {  	_ =	swait.ge [sflag:s25], $0x2000  }
0x12c: {  	s1 =	sld [smem:$0x7D6]  }
0x12d: {  	[sflag:s25] =	ssyncset.done $0x0  }
0x12e: {  	[sflag:s25] =	ssyncadd.s32 $0xFFFFE000  }
0x12f: {  	[hbm4b:s1+s7] =	stream.strided.scatter [tilespmem:s21], [sflag:$0x8], $0x2000, s11, s7, $0x38;
	[tilespmem:$0x10000] =	vst v63  }
0x130: {  	_ =	swait.ge [sflag:s6], $0x2000  }
0x131: {  	s1 =	sld [smem:$0x7D7]  }
0x132: {  	[sflag:s6] =	ssyncset.done $0x0  }
0x133: {  	[sflag:s6] =	ssyncadd.s32 $0xFFFFE000  }
0x134: {  	[tilespmem:s5], [sflag:$0x2] =	stream.linear.gather [hbm4b:s1+s2], $0x2000, $0x38;
	[tilespmem:$0x10000] =	vst v63  }
0x135: {  	_ =	swait.ge [sflag:s13], $0x2000  }
0x136: {  	s1 =	sld [smem:$0x7D8]  }
0x137: {  	[sflag:s13] =	ssyncset.done $0x0  }
0x138: {  	[sflag:s13] =	ssyncadd.s32 $0xFFFFE000  }
0x139: {  	[hbm4b:s1+s7] =	stream.strided.scatter [tilespmem:s10], [sflag:$0x5], $0x2000, s11, s7, $0x38;
	[tilespmem:$0x10000] =	vst v63  }
0x13a: {  	_ =	swait.ge [sflag:s17], $0x2000  }
0x13b: {  	s1 =	sld [smem:$0x7D9]  }
0x13c: {  	[sflag:s17] =	ssyncset.done $0x0  }
0x13d: {  	[sflag:s17] =	ssyncadd.s32 $0xFFFFE000  }
0x13e: {  	[tilespmem:s24], [sflag:$0x3] =	stream.linear.gather [hbm4b:s1+s2], $0x2000, $0x38;
	[tilespmem:$0x10000] =	vst v63  }
0x13f: {  	_ =	swait.ge [sflag:s14], $0x2000  }
0x140: {  	s1 =	sld [smem:$0x7DA]  }
0x141: {  	[sflag:s14] =	ssyncset.done $0x0  }
0x142: {  	[sflag:s14] =	ssyncadd.s32 $0xFFFFE000  }
0x143: {  	[hbm4b:s1+s7] =	stream.strided.scatter [tilespmem:s5], [sflag:$0x6], $0x2000, s11, s7, $0x38;
	[tilespmem:$0x10000] =	vst v63  }
0x144: {  	_ =	swait.ge [sflag:s16], $0x2000  }
0x145: {  	s1 =	sld [smem:$0x7DB]  }
0x146: {  	[sflag:s16] =	ssyncset.done $0x0  }
0x147: {  	[sflag:s16] =	ssyncadd.s32 $0xFFFFE000  }
0x148: {  	[tilespmem:s21], [sflag:$0x4] =	stream.linear.gather [hbm4b:s1+s2], $0x2000, $0x38;
	[tilespmem:$0x10000] =	vst v63  }
0x149: {  	_ =	swait.ge [sflag:s29], $0x2000  }
0x14a: {  	s1 =	sld [smem:$0x7DC]  }
0x14b: {  	[sflag:s29] =	ssyncset.done $0x0  }
0x14c: {  	[sflag:s29] =	ssyncadd.s32 $0xFFFFE000  }
0x14d: {  	[hbm4b:s1+s7] =	stream.strided.scatter [tilespmem:s24], [sflag:$0x7], $0x2000, s11, s7, $0x38;
	[tilespmem:$0x10000] =	vst v63  }
0x14e: {  	_ =	swait.ge [sflag:s8], $0x2000  }
0x14f: {  	s1 =	sld [smem:$0x7DD]  }
0x150: {  	[sflag:s8] =	ssyncset.done $0x0  }
0x151: {  	[sflag:s8] =	ssyncadd.s32 $0xFFFFE000  }
0x152: {  	[tilespmem:s10], [sflag:$0x1] =	stream.linear.gather [hbm4b:s1+s2], $0x2000, $0x38;
	[tilespmem:$0x10000] =	vst v63  }
0x153: {  	_ =	swait.ge [sflag:s25], $0x2000  }
0x154: {  	s1 =	sld [smem:$0x7DE]  }
0x155: {  	[sflag:s25] =	ssyncset.done $0x0  }
0x156: {  	[sflag:s25] =	ssyncadd.s32 $0xFFFFE000  }
0x157: {  	[hbm4b:s1+s7] =	stream.strided.scatter [tilespmem:s21], [sflag:$0x8], $0x2000, s11, s7, $0x38;
	[tilespmem:$0x10000] =	vst v63  }
0x158: {  	_ =	swait.ge [sflag:s6], $0x2000  }
0x159: {  	s1 =	sld [smem:$0x7DF]  }
0x15a: {  	[sflag:s6] =	ssyncset.done $0x0  }
0x15b: {  	[sflag:s6] =	ssyncadd.s32 $0xFFFFE000  }
0x15c: {  	[tilespmem:s5], [sflag:$0x2] =	stream.linear.gather [hbm4b:s1+s2], $0x2000, $0x38;
	[tilespmem:$0x10000] =	vst v63  }
0x15d: {  	_ =	swait.ge [sflag:s13], $0x2000  }
0x15e: {  	s1 =	sld [smem:$0x7E0]  }
0x15f: {  	[sflag:s13] =	ssyncset.done $0x0  }
0x160: {  	[sflag:s13] =	ssyncadd.s32 $0xFFFFE000  }
0x161: {  	[hbm4b:s1+s7] =	stream.strided.scatter [tilespmem:s10], [sflag:$0x5], $0x2000, s11, s7, $0x38;
	[tilespmem:$0x10000] =	vst v63  }
0x162: {  	_ =	swait.ge [sflag:s17], $0x2000  }
0x163: {  	s1 =	sld [smem:$0x7E1]  }
0x164: {  	[sflag:s17] =	ssyncset.done $0x0  }
0x165: {  	[sflag:s17] =	ssyncadd.s32 $0xFFFFE000  }
0x166: {  	[tilespmem:s24], [sflag:$0x3] =	stream.linear.gather [hbm4b:s1+s2], $0x2000, $0x38;
	[tilespmem:$0x10000] =	vst v63  }
0x167: {  	_ =	swait.ge [sflag:s14], $0x2000  }
0x168: {  	s1 =	sld [smem:$0x7E2]  }
0x169: {  	[sflag:s14] =	ssyncset.done $0x0  }
0x16a: {  	[sflag:s14] =	ssyncadd.s32 $0xFFFFE000  }
0x16b: {  	[hbm4b:s1+s7] =	stream.strided.scatter [tilespmem:s5], [sflag:$0x6], $0x2000, s11, s7, $0x38;
	[tilespmem:$0x10000] =	vst v63  }
0x16c: {  	_ =	swait.ge [sflag:s16], $0x2000  }
0x16d: {  	s1 =	sld [smem:$0x7E3]  }
0x16e: {  	[sflag:s16] =	ssyncset.done $0x0  }
0x16f: {  	[sflag:s16] =	ssyncadd.s32 $0xFFFFE000  }
0x170: {  	[tilespmem:s21], [sflag:$0x4] =	stream.linear.gather [hbm4b:s1+s2], $0x2000, $0x38;
	[tilespmem:$0x10000] =	vst v63  }
0x171: {  	_ =	swait.ge [sflag:s29], $0x2000  }
0x172: {  	s1 =	sld [smem:$0x7E4]  }
0x173: {  	[sflag:s29] =	ssyncset.done $0x0  }
0x174: {  	[sflag:s29] =	ssyncadd.s32 $0xFFFFE000  }
0x175: {  	[hbm4b:s1+s7] =	stream.strided.scatter [tilespmem:s24], [sflag:$0x7], $0x2000, s11, s7, $0x38;
	[tilespmem:$0x10000] =	vst v63  }
0x176: {  	_ =	swait.ge [sflag:s8], $0x2000  }
0x177: {  	s1 =	sld [smem:$0x7E5]  }
0x178: {  	[sflag:s8] =	ssyncset.done $0x0  }
0x179: {  	[sflag:s8] =	ssyncadd.s32 $0xFFFFE000  }
0x17a: {  	[tilespmem:s10], [sflag:$0x1] =	stream.linear.gather [hbm4b:s1+s2], $0x2000, $0x38;
	[tilespmem:$0x10000] =	vst v63  }
0x17b: {  	_ =	swait.ge [sflag:s25], $0x2000  }
0x17c: {  	s1 =	sld [smem:$0x7E6]  }
0x17d: {  	[sflag:s25] =	ssyncset.done $0x0  }
0x17e: {  	[sflag:s25] =	ssyncadd.s32 $0xFFFFE000  }
0x17f: {  	[hbm4b:s1+s7] =	stream.strided.scatter [tilespmem:s21], [sflag:$0x8], $0x2000, s11, s7, $0x38;
	[tilespmem:$0x10000] =	vst v63  }
0x180: {  	_ =	swait.ge [sflag:s6], $0x2000  }
0x181: {  	s1 =	sld [smem:$0x7E7]  }
0x182: {  	[sflag:s6] =	ssyncset.done $0x0  }
0x183: {  	[sflag:s6] =	ssyncadd.s32 $0xFFFFE000  }
0x184: {  	[tilespmem:s5], [sflag:$0x2] =	stream.linear.gather [hbm4b:s1+s2], $0x2000, $0x38;
	[tilespmem:$0x10000] =	vst v63  }
0x185: {  	_ =	swait.ge [sflag:s13], $0x2000  }
0x186: {  	s1 =	sld [smem:$0x7E8]  }
0x187: {  	[sflag:s13] =	ssyncset.done $0x0  }
0x188: {  	[sflag:s13] =	ssyncadd.s32 $0xFFFFE000  }
0x189: {  	[hbm4b:s1+s7] =	stream.strided.scatter [tilespmem:s10], [sflag:$0x5], $0x2000, s11, s7, $0x38;
	[tilespmem:$0x10000] =	vst v63  }
0x18a: {  	_ =	swait.ge [sflag:s17], $0x2000  }
0x18b: {  	s1 =	sld [smem:$0x7E9]  }
0x18c: {  	[sflag:s17] =	ssyncset.done $0x0  }
0x18d: {  	[sflag:s17] =	ssyncadd.s32 $0xFFFFE000  }
0x18e: {  	[tilespmem:s24], [sflag:$0x3] =	stream.linear.gather [hbm4b:s1+s2], $0x2000, $0x38;
	[tilespmem:$0x10000] =	vst v63  }
0x18f: {  	_ =	swait.ge [sflag:s14], $0x2000  }
0x190: {  	s1 =	sld [smem:$0x7EA]  }
0x191: {  	[sflag:s14] =	ssyncset.done $0x0  }
0x192: {  	[sflag:s14] =	ssyncadd.s32 $0xFFFFE000  }
0x193: {  	[hbm4b:s1+s7] =	stream.strided.scatter [tilespmem:s5], [sflag:$0x6], $0x2000, s11, s7, $0x38;
	[tilespmem:$0x10000] =	vst v63  }
0x194: {  	_ =	swait.ge [sflag:s16], $0x2000  }
0x195: {  	s1 =	sld [smem:$0x7EB]  }
0x196: {  	[sflag:s16] =	ssyncset.done $0x0  }
0x197: {  	[sflag:s16] =	ssyncadd.s32 $0xFFFFE000  }
0x198: {  	[tilespmem:s21], [sflag:$0x4] =	stream.linear.gather [hbm4b:s1+s2], $0x2000, $0x38;
	[tilespmem:$0x10000] =	vst v63  }
0x199: {  	_ =	swait.ge [sflag:s29], $0x2000  }
0x19a: {  	s1 =	sld [smem:$0x7EC]  }
0x19b: {  	[sflag:s29] =	ssyncset.done $0x0  }
0x19c: {  	[sflag:s29] =	ssyncadd.s32 $0xFFFFE000  }
0x19d: {  	[hbm4b:s1+s7] =	stream.strided.scatter [tilespmem:s24], [sflag:$0x7], $0x2000, s11, s7, $0x38;
	[tilespmem:$0x10000] =	vst v63  }
0x19e: {  	_ =	swait.ge [sflag:s8], $0x2000  }
0x19f: {  	s1 =	sld [smem:$0x7ED]  }
0x1a0: {  	[sflag:s8] =	ssyncset.done $0x0  }
0x1a1: {  	[sflag:s8] =	ssyncadd.s32 $0xFFFFE000  }
0x1a2: {  	[tilespmem:s10], [sflag:$0x1] =	stream.linear.gather [hbm4b:s1+s2], $0x2000, $0x38;
	[tilespmem:$0x10000] =	vst v63  }
0x1a3: {  	_ =	swait.ge [sflag:s25], $0x2000  }
0x1a4: {  	s1 =	sld [smem:$0x7EE]  }
0x1a5: {  	[sflag:s25] =	ssyncset.done $0x0  }
0x1a6: {  	[sflag:s25] =	ssyncadd.s32 $0xFFFFE000  }
0x1a7: {  	[hbm4b:s1+s7] =	stream.strided.scatter [tilespmem:s21], [sflag:$0x8], $0x2000, s11, s7, $0x38;
	[tilespmem:$0x10000] =	vst v63  }
0x1a8: {  	_ =	swait.ge [sflag:s6], $0x2000  }
0x1a9: {  	s1 =	sld [smem:$0x7EF]  }
0x1aa: {  	[sflag:s6] =	ssyncset.done $0x0  }
0x1ab: {  	[sflag:s6] =	ssyncadd.s32 $0xFFFFE000  }
0x1ac: {  	[tilespmem:s5], [sflag:$0x2] =	stream.linear.gather [hbm4b:s1+s2], $0x2000, $0x38;
	[tilespmem:$0x10000] =	vst v63  }
0x1ad: {  	_ =	swait.ge [sflag:s13], $0x2000  }
0x1ae: {  	s1 =	sld [smem:$0x7F0]  }
0x1af: {  	[sflag:s13] =	ssyncset.done $0x0  }
0x1b0: {  	[sflag:s13] =	ssyncadd.s32 $0xFFFFE000  }
0x1b1: {  	[hbm4b:s1+s7] =	stream.strided.scatter [tilespmem:s10], [sflag:$0x5], $0x2000, s11, s7, $0x38;
	[tilespmem:$0x10000] =	vst v63  }
0x1b2: {  	_ =	swait.ge [sflag:s17], $0x2000  }
0x1b3: {  	s1 =	sld [smem:$0x7F1]  }
0x1b4: {  	[sflag:s17] =	ssyncset.done $0x0  }
0x1b5: {  	[sflag:s17] =	ssyncadd.s32 $0xFFFFE000  }
0x1b6: {  	[tilespmem:s24], [sflag:$0x3] =	stream.linear.gather [hbm4b:s1+s2], $0x2000, $0x38;
	[tilespmem:$0x10000] =	vst v63  }
0x1b7: {  	_ =	swait.ge [sflag:s14], $0x2000  }
0x1b8: {  	s1 =	sld [smem:$0x7F2]  }
0x1b9: {  	[sflag:s14] =	ssyncset.done $0x0  }
0x1ba: {  	[sflag:s14] =	ssyncadd.s32 $0xFFFFE000  }
0x1bb: {  	[hbm4b:s1+s7] =	stream.strided.scatter [tilespmem:s5], [sflag:$0x6], $0x2000, s11, s7, $0x38;
	[tilespmem:$0x10000] =	vst v63  }
0x1bc: {  	_ =	swait.ge [sflag:s16], $0x2000  }
0x1bd: {  	s1 =	sld [smem:$0x7F3]  }
0x1be: {  	[sflag:s16] =	ssyncset.done $0x0  }
0x1bf: {  	[sflag:s16] =	ssyncadd.s32 $0xFFFFE000  }
0x1c0: {  	[tilespmem:s21], [sflag:$0x4] =	stream.linear.gather [hbm4b:s1+s2], $0x2000, $0x38;
	[tilespmem:$0x10000] =	vst v63  }
0x1c1: {  	_ =	swait.ge [sflag:s29], $0x2000  }
0x1c2: {  	s1 =	sld [smem:$0x7F4]  }
0x1c3: {  	[sflag:s29] =	ssyncset.done $0x0  }
0x1c4: {  	[sflag:s29] =	ssyncadd.s32 $0xFFFFE000  }
0x1c5: {  	[hbm4b:s1+s7] =	stream.strided.scatter [tilespmem:s24], [sflag:$0x7], $0x2000, s11, s7, $0x38;
	[tilespmem:$0x10000] =	vst v63  }
0x1c6: {  	_ =	swait.ge [sflag:s8], $0x2000  }
0x1c7: {  	s1 =	sld [smem:$0x7F5]  }
0x1c8: {  	[sflag:s8] =	ssyncset.done $0x0  }
0x1c9: {  	[sflag:s8] =	ssyncadd.s32 $0xFFFFE000  }
0x1ca: {  	[tilespmem:s10], [sflag:$0x1] =	stream.linear.gather [hbm4b:s1+s2], $0x2000, $0x38;
	[tilespmem:$0x10000] =	vst v63  }
0x1cb: {  	_ =	swait.ge [sflag:s25], $0x2000  }
0x1cc: {  	s1 =	sld [smem:$0x7F6]  }
0x1cd: {  	[sflag:s25] =	ssyncset.done $0x0  }
0x1ce: {  	[sflag:s25] =	ssyncadd.s32 $0xFFFFE000  }
0x1cf: {  	[hbm4b:s1+s7] =	stream.strided.scatter [tilespmem:s21], [sflag:$0x8], $0x2000, s11, s7, $0x38;
	[tilespmem:$0x10000] =	vst v63  }
0x1d0: {  	_ =	swait.ge [sflag:s6], $0x2000  }
0x1d1: {  	s1 =	sld [smem:$0x7F7]  }
0x1d2: {  	[sflag:s6] =	ssyncset.done $0x0  }
0x1d3: {  	[sflag:s6] =	ssyncadd.s32 $0xFFFFE000  }
0x1d4: {  	[tilespmem:s5], [sflag:$0x2] =	stream.linear.gather [hbm4b:s1+s2], $0x2000, $0x38;
	[tilespmem:$0x10000] =	vst v63  }
0x1d5: {  	_ =	swait.ge [sflag:s13], $0x2000  }
0x1d6: {  	s1 =	sld [smem:$0x7F8]  }
0x1d7: {  	[sflag:s13] =	ssyncset.done $0x0  }
0x1d8: {  	[sflag:s13] =	ssyncadd.s32 $0xFFFFE000  }
0x1d9: {  	[hbm4b:s1+s7] =	stream.strided.scatter [tilespmem:s10], [sflag:$0x5], $0x2000, s11, s7, $0x38;
	[tilespmem:$0x10000] =	vst v63  }
0x1da: {  	_ =	swait.ge [sflag:s17], $0x2000  }
0x1db: {  	s1 =	sld [smem:$0x7F9]  }
0x1dc: {  	[sflag:s17] =	ssyncset.done $0x0  }
0x1dd: {  	[sflag:s17] =	ssyncadd.s32 $0xFFFFE000  }
0x1de: {  	[tilespmem:s24], [sflag:$0x3] =	stream.linear.gather [hbm4b:s1+s2], $0x2000, $0x38;
	[tilespmem:$0x10000] =	vst v63  }
0x1df: {  	_ =	swait.ge [sflag:s14], $0x2000  }
0x1e0: {  	s1 =	sld [smem:$0x7FA]  }
0x1e1: {  	[sflag:s14] =	ssyncset.done $0x0  }
0x1e2: {  	[sflag:s14] =	ssyncadd.s32 $0xFFFFE000  }
0x1e3: {  	[hbm4b:s1+s7] =	stream.strided.scatter [tilespmem:s5], [sflag:$0x6], $0x2000, s11, s7, $0x38;
	[tilespmem:$0x10000] =	vst v63  }
0x1e4: {  	_ =	swait.ge [sflag:s16], $0x2000  }
0x1e5: {  	s1 =	sld [smem:$0x7FB]  }
0x1e6: {  	[sflag:s16] =	ssyncset.done $0x0  }
0x1e7: {  	[sflag:s16] =	ssyncadd.s32 $0xFFFFE000  }
0x1e8: {  	[tilespmem:s21], [sflag:$0x4] =	stream.linear.gather [hbm4b:s1+s2], $0x2000, $0x38;
	[tilespmem:$0x10000] =	vst v63  }
0x1e9: {  	_ =	swait.ge [sflag:s29], $0x2000  }
0x1ea: {  	s1 =	sld [smem:$0x7FC]  }
0x1eb: {  	[sflag:s29] =	ssyncset.done $0x0  }
0x1ec: {  	[sflag:s29] =	ssyncadd.s32 $0xFFFFE000  }
0x1ed: {  	[hbm4b:s1+s7] =	stream.strided.scatter [tilespmem:s24], [sflag:$0x7], $0x2000, s11, s7, $0x38;
	[tilespmem:$0x10000] =	vst v63  }
0x1ee: {  	_ =	swait.ge [sflag:s8], $0x2000  }
0x1ef: {  	s1 =	sld [smem:$0x7FD]  }
0x1f0: {  	[sflag:s8] =	ssyncset.done $0x0  }
0x1f1: {  	[sflag:s8] =	ssyncadd.s32 $0xFFFFE000  }
0x1f2: {  	[tilespmem:s10], [sflag:$0x1] =	stream.linear.gather [hbm4b:s1+s2], $0x2000, $0x38;
	[tilespmem:$0x10000] =	vst v63  }
0x1f3: {  	_ =	swait.ge [sflag:s25], $0x2000  }
0x1f4: {  	[sflag:s25] =	ssyncset.done $0x0  }
0x1f5: {  	[sflag:s25] =	ssyncadd.s32 $0xFFFFE000  }
0x1f6: {  	[hbm4b:s28+s7] =	stream.strided.scatter [tilespmem:s21], [sflag:$0x8], $0x2000, s11, s7, $0x38;
	[tilespmem:$0x10000] =	vst v63  }
0x1f7: {  	_ =	swait.ge [sflag:s6], $0x2000  }
0x1f8: {  	[sflag:s6] =	ssyncset.done $0x0  }
0x1f9: {  	[sflag:s6] =	ssyncadd.s32 $0xFFFFE000  }
0x1fa: {  	[tilespmem:s5], [sflag:$0x2] =	stream.linear.gather [hbm4b:s26+s2], $0x2000, $0x38;
	[tilespmem:$0x10000] =	vst v63  }
0x1fb: {  	_ =	swait.ge [sflag:s13], $0x2000  }
0x1fc: {  	[sflag:s13] =	ssyncset.done $0x0  }
0x1fd: {  	[sflag:s13] =	ssyncadd.s32 $0xFFFFE000  }
0x1fe: {  	[hbm4b:s23+s7] =	stream.strided.scatter [tilespmem:s10], [sflag:$0x5], $0x2000, s11, s7, $0x38;
	[tilespmem:$0x10000] =	vst v63  }
0x1ff: {  	_ =	swait.ge [sflag:s17], $0x2000  }
0x200: {  	[sflag:s17] =	ssyncset.done $0x0  }
0x201: {  	[sflag:s17] =	ssyncadd.s32 $0xFFFFE000  }
0x202: {  	[tilespmem:s24], [sflag:$0x3] =	stream.linear.gather [hbm4b:s22+s2], $0x2000, $0x38;
	[tilespmem:$0x10000] =	vst v63  }
0x203: {  	_ =	swait.ge [sflag:s14], $0x2000  }
0x204: {  	[sflag:s14] =	ssyncset.done $0x0  }
0x205: {  	[sflag:s14] =	ssyncadd.s32 $0xFFFFE000  }
0x206: {  	[hbm4b:s20+s7] =	stream.strided.scatter [tilespmem:s5], [sflag:$0x6], $0x2000, s11, s7, $0x38;
	[tilespmem:$0x10000] =	vst v63  }
0x207: {  	_ =	swait.ge [sflag:s16], $0x2000  }
0x208: {  	[sflag:s16] =	ssyncset.done $0x0  }
0x209: {  	[sflag:s16] =	ssyncadd.s32 $0xFFFFE000  }
0x20a: {  	[tilespmem:s21], [sflag:$0x4] =	stream.linear.gather [hbm4b:s19+s2], $0x2000, $0x38;
	[tilespmem:$0x10000] =	vst v63  }
0x20b: {  	_ =	swait.ge [sflag:s29], $0x2000  }
0x20c: {  	[sflag:s29] =	ssyncset.done $0x0  }
0x20d: {  	[sflag:s29] =	ssyncadd.s32 $0xFFFFE000  }
0x20e: {  	[hbm4b:s18+s7] =	stream.strided.scatter [tilespmem:s24], [sflag:$0x7], $0x2000, s11, s7, $0x38;
	[tilespmem:$0x10000] =	vst v63  }
0x20f: {  	_ =	swait.ge [sflag:s8], $0x2000  }
0x210: {  	[sflag:s8] =	ssyncset.done $0x0  }
0x211: {  	[sflag:s8] =	ssyncadd.s32 $0xFFFFE000  }
0x212: {  	[tilespmem:s10], [sflag:$0x1] =	stream.linear.gather [hbm4b:s15+s2], $0x2000, $0x38;
	[tilespmem:$0x10000] =	vst v63  }
0x213: {  	_ =	swait.ge [sflag:s25], $0x2000  }
0x214: {  	[sflag:s25] =	ssyncset.done $0x0  }
0x215: {  	[sflag:s25] =	ssyncadd.s32 $0xFFFFE000  }
0x216: {  	[hbm4b:s12+s7] =	stream.strided.scatter [tilespmem:s21], [sflag:$0x8], $0x2000, s11, s7, $0x38;
	[tilespmem:$0x10000] =	vst v63  }
0x217: {  	_ =	swait.ge [sflag:s6], $0x2000  }
0x218: {  	[sflag:s6] =	ssyncset.done $0x0  }
0x219: {  	[sflag:s6] =	ssyncadd.s32 $0xFFFFE000  }
0x21a: {  	[tilespmem:s5], [sflag:$0x2] =	stream.linear.gather [hbm4b:s9+s2], $0x2000, $0x38;
	[tilespmem:$0x10000] =	vst v63  }
0x21b: {  	_ =	swait.ge [sflag:s13], $0x2000  }
0x21c: {  	[sflag:s13] =	ssyncset.done $0x0  }
0x21d: {  	[sflag:s13] =	ssyncadd.s32 $0xFFFFE000  }
0x21e: {  	[hbm4b:s4+s7] =	stream.strided.scatter [tilespmem:s10], [sflag:$0x5], $0x2000, s11, s7, $0x38;
	[tilespmem:$0x10000] =	vst v63  }
0x21f: {  	_ =	swait.ge [sflag:s14], $0x2000  }
0x220: {  	[sflag:s14] =	ssyncset.done $0x0  }
0x221: {  	[sflag:s14] =	ssyncadd.s32 $0xFFFFE000  }
0x222: {  	[hbm4b:s3+s7] =	stream.strided.scatter [tilespmem:s5], [sflag:$0x6], $0x2000, s11, s7, $0x38;
	[tilespmem:$0x10000] =	vst v63  }
0x223: {  	_ =	swait.ge [sflag:s17], $0x2000  }
0x224: {  	[sflag:s17] =	ssyncset.done $0x0  }
0x225: {  	[sflag:s17] =	ssyncadd.s32 $0xFFFFE000  }
0x226: {  	_ =	swait.ge [sflag:s16], $0x2000  }
0x227: {  	[sflag:s16] =	ssyncset.done $0x0  }
0x228: {  	[sflag:s16] =	ssyncadd.s32 $0xFFFFE000  }
0x229: {  	_ =	swait.ge [sflag:s8], $0x2000  }
0x22a: {  	s1 =	sld [smem:$0x7C3];
	_ =	sdelay $0x2  }
0x22b: {  	p1 =	sne.s32 s1, $0x1  }
.Ltmp1:
0x22c: {  	_ = 	snop;
	(pc) =	sbr.rel @!p1 .LBB2_3-.Ltmp1, $4  }
0x22d: {  	[sflag:s8] =	ssyncset.done $0x0  }
0x22e: {  	[sflag:s8] =	ssyncadd.s32 $0xFFFFE000  }
0x22f: {  	p0 =	por $0x1, $0x1;
	_ =	swait.ge [sflag:s6], $0x2000  }
0x230: {  	s1 =	sadd.s32 $0xFFFFFFFF, s1;
	s0 =	rddreg [dreg:$0x4];
	[sflag:s6] =	ssyncset.done $0x0  }
.LBB2_2:
0x231: {  	[sflag:s6] =	ssyncadd.s32 $0xFFFFE000  }
0x232: {  	[tilespmem:s10], [sflag:$0x1] =	stream.linear.gather [hbm4b:s0+s2], $0x2000, $0x38;
	[tilespmem:$0x10000] =	vst v63  }
0x233: {  	_ = 	snop  }
0x234: {  	[tilespmem:s5], [sflag:$0x2] =	stream.linear.gather [hbm4b:s31+s2], $0x2000, $0x38;
	[tilespmem:$0x10000] =	vst v63  }
0x235: {  	_ =	swait.ge [sflag:s13], $0x2000  }
0x236: {  	[sflag:s13] =	ssyncset.done $0x0  }
0x237: {  	[sflag:s13] =	ssyncadd.s32 $0xFFFFE000  }
0x238: {  	[hbm4b:s30+s7] =	stream.strided.scatter [tilespmem:s10], [sflag:$0x5], $0x2000, s11, s7, $0x38;
	[tilespmem:$0x10000] =	vst v63  }
0x239: {  	s21 =	rddreg [dreg:$0x5]  }
0x23a: {  	[tilespmem:s24], [sflag:$0x3] =	stream.linear.gather [hbm4b:s21+s2], $0x2000, $0x38;
	[tilespmem:$0x10000] =	vst v63  }
0x23b: {  	s24 =	simm.s32 $0xE000;
	s21 =	smov.u32 s31  }
0x23c: {  	s31 =	smov.u32 s30;
	s30 =	smov.u32 s28;
	s28 =	smov.u32 s26  }
0x23d: {  	s26 =	smov.u32 s23;
	s23 =	smov.u32 s22;
	s22 =	smov.u32 s20  }
0x23e: {  	s20 =	smov.u32 s19;
	s19 =	smov.u32 s18;
	_ =	swait.ge [sflag:s14], $0x2000  }
0x23f: {  	s18 =	smov.u32 s15;
	s15 =	smov.u32 s12;
	[sflag:s14] =	ssyncset.done $0x0  }
0x240: {  	s12 =	smov.u32 s9;
	s0 =	rddreg [dreg:$0x6];
	[sflag:s14] =	ssyncadd.s32 $0xFFFFE000  }
0x241: {  	[hbm4b:s0+s7] =	stream.strided.scatter [tilespmem:s5], [sflag:$0x6], $0x2000, s11, s7, $0x38;
	[tilespmem:$0x10000] =	vst v63  }
0x242: {  	s9 =	smov.u32 s4;
	s4 =	smov.u32 s3;
	s3 =	rddreg [dreg:$0x7]  }
0x243: {  	[tilespmem:s24], [sflag:$0x4] =	stream.linear.gather [hbm4b:s3+s2], $0x2000, $0x38;
	[tilespmem:$0x10000] =	vst v63  }
0x244: {  	s24 =	simm.s32 $0xC000  }
0x245: {  	s3 =	smov.u32 s4;
	s4 =	smov.u32 s9;
	_ =	swait.ge [sflag:s29], $0x2000  }
0x246: {  	s9 =	smov.u32 s12;
	s12 =	smov.u32 s15;
	[sflag:s29] =	ssyncset.done $0x0  }
0x247: {  	s15 =	smov.u32 s18;
	s0 =	rddreg [dreg:$0x8];
	[sflag:s29] =	ssyncadd.s32 $0xFFFFE000  }
0x248: {  	[hbm4b:s0+s7] =	stream.strided.scatter [tilespmem:s24], [sflag:$0x7], $0x2000, s11, s7, $0x38;
	[tilespmem:$0x10000] =	vst v63  }
0x249: {  	s18 =	smov.u32 s19;
	s19 =	smov.u32 s20;
	_ =	swait.ge [sflag:s8], $0x2000  }
0x24a: {  	s20 =	smov.u32 s22;
	s22 =	smov.u32 s23;
	[sflag:s8] =	ssyncset.done $0x0  }
0x24b: {  	s23 =	smov.u32 s26;
	s0 =	rddreg [dreg:$0x9];
	[sflag:s8] =	ssyncadd.s32 $0xFFFFE000  }
0x24c: {  	[tilespmem:s10], [sflag:$0x1] =	stream.linear.gather [hbm4b:s0+s2], $0x2000, $0x38;
	[tilespmem:$0x10000] =	vst v63  }
0x24d: {  	s26 =	smov.u32 s28;
	s28 =	smov.u32 s30;
	_ =	swait.ge [sflag:s25], $0x2000  }
0x24e: {  	s30 =	smov.u32 s31;
	s31 =	smov.u32 s21;
	[sflag:s25] =	ssyncset.done $0x0  }
0x24f: {  	s21 =	simm.s32 $0xE000;
	s0 =	rddreg [dreg:$0xa];
	[sflag:s25] =	ssyncadd.s32 $0xFFFFE000  }
0x250: {  	[hbm4b:s0+s7] =	stream.strided.scatter [tilespmem:s21], [sflag:$0x8], $0x2000, s11, s7, $0x38;
	[tilespmem:$0x10000] =	vst v63  }
0x251: {  	_ =	swait.ge [sflag:s6], $0x2000  }
0x252: {  	[sflag:s6] =	ssyncset.done $0x0  }
0x253: {  	s0 =	rddreg [dreg:$0xb];
	[sflag:s6] =	ssyncadd.s32 $0xFFFFE000  }
0x254: {  	[tilespmem:s5], [sflag:$0x2] =	stream.linear.gather [hbm4b:s0+s2], $0x2000, $0x38;
	[tilespmem:$0x10000] =	vst v63  }
0x255: {  	_ =	swait.ge [sflag:s13], $0x2000  }
0x256: {  	[sflag:s13] =	ssyncset.done $0x0  }
0x257: {  	s0 =	rddreg [dreg:$0xc];
	[sflag:s13] =	ssyncadd.s32 $0xFFFFE000  }
0x258: {  	[hbm4b:s0+s7] =	stream.strided.scatter [tilespmem:s10], [sflag:$0x5], $0x2000, s11, s7, $0x38;
	[tilespmem:$0x10000] =	vst v63  }
0x259: {  	_ =	swait.ge [sflag:s17], $0x2000  }
0x25a: {  	[sflag:s17] =	ssyncset.done $0x0  }
0x25b: {  	s0 =	rddreg [dreg:$0xd];
	[sflag:s17] =	ssyncadd.s32 $0xFFFFE000  }
0x25c: {  	[tilespmem:s24], [sflag:$0x3] =	stream.linear.gather [hbm4b:s0+s2], $0x2000, $0x38;
	[tilespmem:$0x10000] =	vst v63  }
0x25d: {  	_ =	swait.ge [sflag:s14], $0x2000  }
0x25e: {  	[sflag:s14] =	ssyncset.done $0x0  }
0x25f: {  	s0 =	rddreg [dreg:$0xe];
	[sflag:s14] =	ssyncadd.s32 $0xFFFFE000  }
0x260: {  	[hbm4b:s0+s7] =	stream.strided.scatter [tilespmem:s5], [sflag:$0x6], $0x2000, s11, s7, $0x38;
	[tilespmem:$0x10000] =	vst v63  }
0x261: {  	_ =	swait.ge [sflag:s16], $0x2000  }
0x262: {  	[sflag:s16] =	ssyncset.done $0x0  }
0x263: {  	s0 =	rddreg [dreg:$0xf];
	[sflag:s16] =	ssyncadd.s32 $0xFFFFE000  }
0x264: {  	[tilespmem:s21], [sflag:$0x4] =	stream.linear.gather [hbm4b:s0+s2], $0x2000, $0x38;
	[tilespmem:$0x10000] =	vst v63  }
0x265: {  	_ =	swait.ge [sflag:s29], $0x2000  }
0x266: {  	[sflag:s29] =	ssyncset.done $0x0  }
0x267: {  	s0 =	rddreg [dreg:$0x10];
	[sflag:s29] =	ssyncadd.s32 $0xFFFFE000  }
0x268: {  	[hbm4b:s0+s7] =	stream.strided.scatter [tilespmem:s24], [sflag:$0x7], $0x2000, s11, s7, $0x38;
	[tilespmem:$0x10000] =	vst v63  }
0x269: {  	_ =	swait.ge [sflag:s8], $0x2000  }
0x26a: {  	[sflag:s8] =	ssyncset.done $0x0  }
0x26b: {  	s0 =	rddreg [dreg:$0x11];
	[sflag:s8] =	ssyncadd.s32 $0xFFFFE000  }
0x26c: {  	[tilespmem:s10], [sflag:$0x1] =	stream.linear.gather [hbm4b:s0+s2], $0x2000, $0x38;
	[tilespmem:$0x10000] =	vst v63  }
0x26d: {  	_ =	swait.ge [sflag:s25], $0x2000  }
0x26e: {  	[sflag:s25] =	ssyncset.done $0x0  }
0x26f: {  	s0 =	rddreg [dreg:$0x12];
	[sflag:s25] =	ssyncadd.s32 $0xFFFFE000  }
0x270: {  	[hbm4b:s0+s7] =	stream.strided.scatter [tilespmem:s21], [sflag:$0x8], $0x2000, s11, s7, $0x38;
	[tilespmem:$0x10000] =	vst v63  }
0x271: {  	_ =	swait.ge [sflag:s6], $0x2000  }
0x272: {  	[sflag:s6] =	ssyncset.done $0x0  }
0x273: {  	s0 =	rddreg [dreg:$0x13];
	[sflag:s6] =	ssyncadd.s32 $0xFFFFE000  }
0x274: {  	[tilespmem:s5], [sflag:$0x2] =	stream.linear.gather [hbm4b:s0+s2], $0x2000, $0x38;
	[tilespmem:$0x10000] =	vst v63  }
0x275: {  	_ =	swait.ge [sflag:s13], $0x2000  }
0x276: {  	[sflag:s13] =	ssyncset.done $0x0  }
0x277: {  	s0 =	rddreg [dreg:$0x14];
	[sflag:s13] =	ssyncadd.s32 $0xFFFFE000  }
0x278: {  	[hbm4b:s0+s7] =	stream.strided.scatter [tilespmem:s10], [sflag:$0x5], $0x2000, s11, s7, $0x38;
	[tilespmem:$0x10000] =	vst v63  }
0x279: {  	_ =	swait.ge [sflag:s17], $0x2000  }
0x27a: {  	[sflag:s17] =	ssyncset.done $0x0  }
0x27b: {  	s0 =	rddreg [dreg:$0x15];
	[sflag:s17] =	ssyncadd.s32 $0xFFFFE000  }
0x27c: {  	[tilespmem:s24], [sflag:$0x3] =	stream.linear.gather [hbm4b:s0+s2], $0x2000, $0x38;
	[tilespmem:$0x10000] =	vst v63  }
0x27d: {  	_ =	swait.ge [sflag:s14], $0x2000  }
0x27e: {  	[sflag:s14] =	ssyncset.done $0x0  }
0x27f: {  	s0 =	rddreg [dreg:$0x16];
	[sflag:s14] =	ssyncadd.s32 $0xFFFFE000  }
0x280: {  	[hbm4b:s0+s7] =	stream.strided.scatter [tilespmem:s5], [sflag:$0x6], $0x2000, s11, s7, $0x38;
	[tilespmem:$0x10000] =	vst v63  }
0x281: {  	_ =	swait.ge [sflag:s16], $0x2000  }
0x282: {  	[sflag:s16] =	ssyncset.done $0x0  }
0x283: {  	s0 =	rddreg [dreg:$0x17];
	[sflag:s16] =	ssyncadd.s32 $0xFFFFE000  }
0x284: {  	[tilespmem:s21], [sflag:$0x4] =	stream.linear.gather [hbm4b:s0+s2], $0x2000, $0x38;
	[tilespmem:$0x10000] =	vst v63  }
0x285: {  	_ =	swait.ge [sflag:s29], $0x2000  }
0x286: {  	[sflag:s29] =	ssyncset.done $0x0  }
0x287: {  	s0 =	rddreg [dreg:$0x18];
	[sflag:s29] =	ssyncadd.s32 $0xFFFFE000  }
0x288: {  	[hbm4b:s0+s7] =	stream.strided.scatter [tilespmem:s24], [sflag:$0x7], $0x2000, s11, s7, $0x38;
	[tilespmem:$0x10000] =	vst v63  }
0x289: {  	_ =	swait.ge [sflag:s8], $0x2000  }
0x28a: {  	[sflag:s8] =	ssyncset.done $0x0  }
0x28b: {  	s0 =	rddreg [dreg:$0x19];
	[sflag:s8] =	ssyncadd.s32 $0xFFFFE000  }
0x28c: {  	[tilespmem:s10], [sflag:$0x1] =	stream.linear.gather [hbm4b:s0+s2], $0x2000, $0x38;
	[tilespmem:$0x10000] =	vst v63  }
0x28d: {  	_ =	swait.ge [sflag:s25], $0x2000  }
0x28e: {  	[sflag:s25] =	ssyncset.done $0x0  }
0x28f: {  	s0 =	rddreg [dreg:$0x1a];
	[sflag:s25] =	ssyncadd.s32 $0xFFFFE000  }
0x290: {  	[hbm4b:s0+s7] =	stream.strided.scatter [tilespmem:s21], [sflag:$0x8], $0x2000, s11, s7, $0x38;
	[tilespmem:$0x10000] =	vst v63  }
0x291: {  	_ =	swait.ge [sflag:s6], $0x2000  }
0x292: {  	[sflag:s6] =	ssyncset.done $0x0  }
0x293: {  	s0 =	rddreg [dreg:$0x1b];
	[sflag:s6] =	ssyncadd.s32 $0xFFFFE000  }
0x294: {  	[tilespmem:s5], [sflag:$0x2] =	stream.linear.gather [hbm4b:s0+s2], $0x2000, $0x38;
	[tilespmem:$0x10000] =	vst v63  }
0x295: {  	_ =	swait.ge [sflag:s13], $0x2000  }
0x296: {  	[sflag:s13] =	ssyncset.done $0x0  }
0x297: {  	s0 =	rddreg [dreg:$0x1c];
	[sflag:s13] =	ssyncadd.s32 $0xFFFFE000  }
0x298: {  	[hbm4b:s0+s7] =	stream.strided.scatter [tilespmem:s10], [sflag:$0x5], $0x2000, s11, s7, $0x38;
	[tilespmem:$0x10000] =	vst v63  }
0x299: {  	_ =	swait.ge [sflag:s17], $0x2000  }
0x29a: {  	[sflag:s17] =	ssyncset.done $0x0  }
0x29b: {  	s0 =	rddreg [dreg:$0x1d];
	[sflag:s17] =	ssyncadd.s32 $0xFFFFE000  }
0x29c: {  	[tilespmem:s24], [sflag:$0x3] =	stream.linear.gather [hbm4b:s0+s2], $0x2000, $0x38;
	[tilespmem:$0x10000] =	vst v63  }
0x29d: {  	_ =	swait.ge [sflag:s14], $0x2000  }
0x29e: {  	[sflag:s14] =	ssyncset.done $0x0  }
0x29f: {  	s0 =	rddreg [dreg:$0x1e];
	[sflag:s14] =	ssyncadd.s32 $0xFFFFE000  }
0x2a0: {  	[hbm4b:s0+s7] =	stream.strided.scatter [tilespmem:s5], [sflag:$0x6], $0x2000, s11, s7, $0x38;
	[tilespmem:$0x10000] =	vst v63  }
0x2a1: {  	_ =	swait.ge [sflag:s16], $0x2000  }
0x2a2: {  	[sflag:s16] =	ssyncset.done $0x0  }
0x2a3: {  	s0 =	rddreg [dreg:$0x1f];
	[sflag:s16] =	ssyncadd.s32 $0xFFFFE000  }
0x2a4: {  	[tilespmem:s21], [sflag:$0x4] =	stream.linear.gather [hbm4b:s0+s2], $0x2000, $0x38;
	[tilespmem:$0x10000] =	vst v63  }
0x2a5: {  	_ =	swait.ge [sflag:s29], $0x2000  }
0x2a6: {  	s0 =	sld [smem:$0x7C4]  }
0x2a7: {  	[sflag:s29] =	ssyncset.done $0x0  }
0x2a8: {  	[sflag:s29] =	ssyncadd.s32 $0xFFFFE000  }
0x2a9: {  	[hbm4b:s0+s7] =	stream.strided.scatter [tilespmem:s24], [sflag:$0x7], $0x2000, s11, s7, $0x38;
	[tilespmem:$0x10000] =	vst v63  }
0x2aa: {  	_ =	swait.ge [sflag:s8], $0x2000  }
0x2ab: {  	s0 =	sld [smem:$0x7C5]  }
0x2ac: {  	[sflag:s8] =	ssyncset.done $0x0  }
0x2ad: {  	[sflag:s8] =	ssyncadd.s32 $0xFFFFE000  }
0x2ae: {  	[tilespmem:s10], [sflag:$0x1] =	stream.linear.gather [hbm4b:s0+s2], $0x2000, $0x38;
	[tilespmem:$0x10000] =	vst v63  }
0x2af: {  	_ =	swait.ge [sflag:s25], $0x2000  }
0x2b0: {  	s0 =	sld [smem:$0x7C6]  }
0x2b1: {  	[sflag:s25] =	ssyncset.done $0x0  }
0x2b2: {  	[sflag:s25] =	ssyncadd.s32 $0xFFFFE000  }
0x2b3: {  	[hbm4b:s0+s7] =	stream.strided.scatter [tilespmem:s21], [sflag:$0x8], $0x2000, s11, s7, $0x38;
	[tilespmem:$0x10000] =	vst v63  }
0x2b4: {  	_ =	swait.ge [sflag:s6], $0x2000  }
0x2b5: {  	s0 =	sld [smem:$0x7C7]  }
0x2b6: {  	[sflag:s6] =	ssyncset.done $0x0  }
0x2b7: {  	[sflag:s6] =	ssyncadd.s32 $0xFFFFE000  }
0x2b8: {  	[tilespmem:s5], [sflag:$0x2] =	stream.linear.gather [hbm4b:s0+s2], $0x2000, $0x38;
	[tilespmem:$0x10000] =	vst v63  }
0x2b9: {  	_ =	swait.ge [sflag:s13], $0x2000  }
0x2ba: {  	s0 =	sld [smem:$0x7C8]  }
0x2bb: {  	[sflag:s13] =	ssyncset.done $0x0  }
0x2bc: {  	[sflag:s13] =	ssyncadd.s32 $0xFFFFE000  }
0x2bd: {  	[hbm4b:s0+s7] =	stream.strided.scatter [tilespmem:s10], [sflag:$0x5], $0x2000, s11, s7, $0x38;
	[tilespmem:$0x10000] =	vst v63  }
0x2be: {  	_ =	swait.ge [sflag:s17], $0x2000  }
0x2bf: {  	s0 =	sld [smem:$0x7C9]  }
0x2c0: {  	[sflag:s17] =	ssyncset.done $0x0  }
0x2c1: {  	[sflag:s17] =	ssyncadd.s32 $0xFFFFE000  }
0x2c2: {  	[tilespmem:s24], [sflag:$0x3] =	stream.linear.gather [hbm4b:s0+s2], $0x2000, $0x38;
	[tilespmem:$0x10000] =	vst v63  }
0x2c3: {  	_ =	swait.ge [sflag:s14], $0x2000  }
0x2c4: {  	s0 =	sld [smem:$0x7CA]  }
0x2c5: {  	[sflag:s14] =	ssyncset.done $0x0  }
0x2c6: {  	[sflag:s14] =	ssyncadd.s32 $0xFFFFE000  }
0x2c7: {  	[hbm4b:s0+s7] =	stream.strided.scatter [tilespmem:s5], [sflag:$0x6], $0x2000, s11, s7, $0x38;
	[tilespmem:$0x10000] =	vst v63  }
0x2c8: {  	_ =	swait.ge [sflag:s16], $0x2000  }
0x2c9: {  	s0 =	sld [smem:$0x7CB]  }
0x2ca: {  	[sflag:s16] =	ssyncset.done $0x0  }
0x2cb: {  	[sflag:s16] =	ssyncadd.s32 $0xFFFFE000  }
0x2cc: {  	[tilespmem:s21], [sflag:$0x4] =	stream.linear.gather [hbm4b:s0+s2], $0x2000, $0x38;
	[tilespmem:$0x10000] =	vst v63  }
0x2cd: {  	_ =	swait.ge [sflag:s29], $0x2000  }
0x2ce: {  	s0 =	sld [smem:$0x7CC]  }
0x2cf: {  	[sflag:s29] =	ssyncset.done $0x0  }
0x2d0: {  	[sflag:s29] =	ssyncadd.s32 $0xFFFFE000  }
0x2d1: {  	[hbm4b:s0+s7] =	stream.strided.scatter [tilespmem:s24], [sflag:$0x7], $0x2000, s11, s7, $0x38;
	[tilespmem:$0x10000] =	vst v63  }
0x2d2: {  	_ =	swait.ge [sflag:s8], $0x2000  }
0x2d3: {  	s0 =	sld [smem:$0x7CD]  }
0x2d4: {  	[sflag:s8] =	ssyncset.done $0x0  }
0x2d5: {  	[sflag:s8] =	ssyncadd.s32 $0xFFFFE000  }
0x2d6: {  	[tilespmem:s10], [sflag:$0x1] =	stream.linear.gather [hbm4b:s0+s2], $0x2000, $0x38;
	[tilespmem:$0x10000] =	vst v63  }
0x2d7: {  	_ =	swait.ge [sflag:s25], $0x2000  }
0x2d8: {  	s0 =	sld [smem:$0x7CE]  }
0x2d9: {  	[sflag:s25] =	ssyncset.done $0x0  }
0x2da: {  	[sflag:s25] =	ssyncadd.s32 $0xFFFFE000  }
0x2db: {  	[hbm4b:s0+s7] =	stream.strided.scatter [tilespmem:s21], [sflag:$0x8], $0x2000, s11, s7, $0x38;
	[tilespmem:$0x10000] =	vst v63  }
0x2dc: {  	_ =	swait.ge [sflag:s6], $0x2000  }
0x2dd: {  	s0 =	sld [smem:$0x7CF]  }
0x2de: {  	[sflag:s6] =	ssyncset.done $0x0  }
0x2df: {  	[sflag:s6] =	ssyncadd.s32 $0xFFFFE000  }
0x2e0: {  	[tilespmem:s5], [sflag:$0x2] =	stream.linear.gather [hbm4b:s0+s2], $0x2000, $0x38;
	[tilespmem:$0x10000] =	vst v63  }
0x2e1: {  	_ =	swait.ge [sflag:s13], $0x2000  }
0x2e2: {  	s0 =	sld [smem:$0x7D0]  }
0x2e3: {  	[sflag:s13] =	ssyncset.done $0x0  }
0x2e4: {  	[sflag:s13] =	ssyncadd.s32 $0xFFFFE000  }
0x2e5: {  	[hbm4b:s0+s7] =	stream.strided.scatter [tilespmem:s10], [sflag:$0x5], $0x2000, s11, s7, $0x38;
	[tilespmem:$0x10000] =	vst v63  }
0x2e6: {  	_ =	swait.ge [sflag:s17], $0x2000  }
0x2e7: {  	s0 =	sld [smem:$0x7D1]  }
0x2e8: {  	[sflag:s17] =	ssyncset.done $0x0  }
0x2e9: {  	[sflag:s17] =	ssyncadd.s32 $0xFFFFE000  }
0x2ea: {  	[tilespmem:s24], [sflag:$0x3] =	stream.linear.gather [hbm4b:s0+s2], $0x2000, $0x38;
	[tilespmem:$0x10000] =	vst v63  }
0x2eb: {  	_ =	swait.ge [sflag:s14], $0x2000  }
0x2ec: {  	s0 =	sld [smem:$0x7D2]  }
0x2ed: {  	[sflag:s14] =	ssyncset.done $0x0  }
0x2ee: {  	[sflag:s14] =	ssyncadd.s32 $0xFFFFE000  }
0x2ef: {  	[hbm4b:s0+s7] =	stream.strided.scatter [tilespmem:s5], [sflag:$0x6], $0x2000, s11, s7, $0x38;
	[tilespmem:$0x10000] =	vst v63  }
0x2f0: {  	_ =	swait.ge [sflag:s16], $0x2000  }
0x2f1: {  	s0 =	sld [smem:$0x7D3]  }
0x2f2: {  	[sflag:s16] =	ssyncset.done $0x0  }
0x2f3: {  	[sflag:s16] =	ssyncadd.s32 $0xFFFFE000  }
0x2f4: {  	[tilespmem:s21], [sflag:$0x4] =	stream.linear.gather [hbm4b:s0+s2], $0x2000, $0x38;
	[tilespmem:$0x10000] =	vst v63  }
0x2f5: {  	_ =	swait.ge [sflag:s29], $0x2000  }
0x2f6: {  	s0 =	sld [smem:$0x7D4]  }
0x2f7: {  	[sflag:s29] =	ssyncset.done $0x0  }
0x2f8: {  	[sflag:s29] =	ssyncadd.s32 $0xFFFFE000  }
0x2f9: {  	[hbm4b:s0+s7] =	stream.strided.scatter [tilespmem:s24], [sflag:$0x7], $0x2000, s11, s7, $0x38;
	[tilespmem:$0x10000] =	vst v63  }
0x2fa: {  	_ =	swait.ge [sflag:s8], $0x2000  }
0x2fb: {  	s0 =	sld [smem:$0x7D5]  }
0x2fc: {  	[sflag:s8] =	ssyncset.done $0x0  }
0x2fd: {  	[sflag:s8] =	ssyncadd.s32 $0xFFFFE000  }
0x2fe: {  	[tilespmem:s10], [sflag:$0x1] =	stream.linear.gather [hbm4b:s0+s2], $0x2000, $0x38;
	[tilespmem:$0x10000] =	vst v63  }
0x2ff: {  	_ =	swait.ge [sflag:s25], $0x2000  }
0x300: {  	s0 =	sld [smem:$0x7D6]  }
0x301: {  	[sflag:s25] =	ssyncset.done $0x0  }
0x302: {  	[sflag:s25] =	ssyncadd.s32 $0xFFFFE000  }
0x303: {  	[hbm4b:s0+s7] =	stream.strided.scatter [tilespmem:s21], [sflag:$0x8], $0x2000, s11, s7, $0x38;
	[tilespmem:$0x10000] =	vst v63  }
0x304: {  	_ =	swait.ge [sflag:s6], $0x2000  }
0x305: {  	s0 =	sld [smem:$0x7D7]  }
0x306: {  	[sflag:s6] =	ssyncset.done $0x0  }
0x307: {  	[sflag:s6] =	ssyncadd.s32 $0xFFFFE000  }
0x308: {  	[tilespmem:s5], [sflag:$0x2] =	stream.linear.gather [hbm4b:s0+s2], $0x2000, $0x38;
	[tilespmem:$0x10000] =	vst v63  }
0x309: {  	_ =	swait.ge [sflag:s13], $0x2000  }
0x30a: {  	s0 =	sld [smem:$0x7D8]  }
0x30b: {  	[sflag:s13] =	ssyncset.done $0x0  }
0x30c: {  	[sflag:s13] =	ssyncadd.s32 $0xFFFFE000  }
0x30d: {  	[hbm4b:s0+s7] =	stream.strided.scatter [tilespmem:s10], [sflag:$0x5], $0x2000, s11, s7, $0x38;
	[tilespmem:$0x10000] =	vst v63  }
0x30e: {  	_ =	swait.ge [sflag:s17], $0x2000  }
0x30f: {  	s0 =	sld [smem:$0x7D9]  }
0x310: {  	[sflag:s17] =	ssyncset.done $0x0  }
0x311: {  	[sflag:s17] =	ssyncadd.s32 $0xFFFFE000  }
0x312: {  	[tilespmem:s24], [sflag:$0x3] =	stream.linear.gather [hbm4b:s0+s2], $0x2000, $0x38;
	[tilespmem:$0x10000] =	vst v63  }
0x313: {  	_ =	swait.ge [sflag:s14], $0x2000  }
0x314: {  	s0 =	sld [smem:$0x7DA]  }
0x315: {  	[sflag:s14] =	ssyncset.done $0x0  }
0x316: {  	[sflag:s14] =	ssyncadd.s32 $0xFFFFE000  }
0x317: {  	[hbm4b:s0+s7] =	stream.strided.scatter [tilespmem:s5], [sflag:$0x6], $0x2000, s11, s7, $0x38;
	[tilespmem:$0x10000] =	vst v63  }
0x318: {  	_ =	swait.ge [sflag:s16], $0x2000  }
0x319: {  	s0 =	sld [smem:$0x7DB]  }
0x31a: {  	[sflag:s16] =	ssyncset.done $0x0  }
0x31b: {  	[sflag:s16] =	ssyncadd.s32 $0xFFFFE000  }
0x31c: {  	[tilespmem:s21], [sflag:$0x4] =	stream.linear.gather [hbm4b:s0+s2], $0x2000, $0x38;
	[tilespmem:$0x10000] =	vst v63  }
0x31d: {  	_ =	swait.ge [sflag:s29], $0x2000  }
0x31e: {  	s0 =	sld [smem:$0x7DC]  }
0x31f: {  	[sflag:s29] =	ssyncset.done $0x0  }
0x320: {  	[sflag:s29] =	ssyncadd.s32 $0xFFFFE000  }
0x321: {  	[hbm4b:s0+s7] =	stream.strided.scatter [tilespmem:s24], [sflag:$0x7], $0x2000, s11, s7, $0x38;
	[tilespmem:$0x10000] =	vst v63  }
0x322: {  	_ =	swait.ge [sflag:s8], $0x2000  }
0x323: {  	s0 =	sld [smem:$0x7DD]  }
0x324: {  	[sflag:s8] =	ssyncset.done $0x0  }
0x325: {  	[sflag:s8] =	ssyncadd.s32 $0xFFFFE000  }
0x326: {  	[tilespmem:s10], [sflag:$0x1] =	stream.linear.gather [hbm4b:s0+s2], $0x2000, $0x38;
	[tilespmem:$0x10000] =	vst v63  }
0x327: {  	_ =	swait.ge [sflag:s25], $0x2000  }
0x328: {  	s0 =	sld [smem:$0x7DE]  }
0x329: {  	[sflag:s25] =	ssyncset.done $0x0  }
0x32a: {  	[sflag:s25] =	ssyncadd.s32 $0xFFFFE000  }
0x32b: {  	[hbm4b:s0+s7] =	stream.strided.scatter [tilespmem:s21], [sflag:$0x8], $0x2000, s11, s7, $0x38;
	[tilespmem:$0x10000] =	vst v63  }
0x32c: {  	_ =	swait.ge [sflag:s6], $0x2000  }
0x32d: {  	s0 =	sld [smem:$0x7DF]  }
0x32e: {  	[sflag:s6] =	ssyncset.done $0x0  }
0x32f: {  	[sflag:s6] =	ssyncadd.s32 $0xFFFFE000  }
0x330: {  	[tilespmem:s5], [sflag:$0x2] =	stream.linear.gather [hbm4b:s0+s2], $0x2000, $0x38;
	[tilespmem:$0x10000] =	vst v63  }
0x331: {  	_ =	swait.ge [sflag:s13], $0x2000  }
0x332: {  	s0 =	sld [smem:$0x7E0]  }
0x333: {  	[sflag:s13] =	ssyncset.done $0x0  }
0x334: {  	[sflag:s13] =	ssyncadd.s32 $0xFFFFE000  }
0x335: {  	[hbm4b:s0+s7] =	stream.strided.scatter [tilespmem:s10], [sflag:$0x5], $0x2000, s11, s7, $0x38;
	[tilespmem:$0x10000] =	vst v63  }
0x336: {  	_ =	swait.ge [sflag:s17], $0x2000  }
0x337: {  	s0 =	sld [smem:$0x7E1]  }
0x338: {  	[sflag:s17] =	ssyncset.done $0x0  }
0x339: {  	[sflag:s17] =	ssyncadd.s32 $0xFFFFE000  }
0x33a: {  	[tilespmem:s24], [sflag:$0x3] =	stream.linear.gather [hbm4b:s0+s2], $0x2000, $0x38;
	[tilespmem:$0x10000] =	vst v63  }
0x33b: {  	_ =	swait.ge [sflag:s14], $0x2000  }
0x33c: {  	s0 =	sld [smem:$0x7E2]  }
0x33d: {  	[sflag:s14] =	ssyncset.done $0x0  }
0x33e: {  	[sflag:s14] =	ssyncadd.s32 $0xFFFFE000  }
0x33f: {  	[hbm4b:s0+s7] =	stream.strided.scatter [tilespmem:s5], [sflag:$0x6], $0x2000, s11, s7, $0x38;
	[tilespmem:$0x10000] =	vst v63  }
0x340: {  	_ =	swait.ge [sflag:s16], $0x2000  }
0x341: {  	s0 =	sld [smem:$0x7E3]  }
0x342: {  	[sflag:s16] =	ssyncset.done $0x0  }
0x343: {  	[sflag:s16] =	ssyncadd.s32 $0xFFFFE000  }
0x344: {  	[tilespmem:s21], [sflag:$0x4] =	stream.linear.gather [hbm4b:s0+s2], $0x2000, $0x38;
	[tilespmem:$0x10000] =	vst v63  }
0x345: {  	_ =	swait.ge [sflag:s29], $0x2000  }
0x346: {  	s0 =	sld [smem:$0x7E4]  }
0x347: {  	[sflag:s29] =	ssyncset.done $0x0  }
0x348: {  	[sflag:s29] =	ssyncadd.s32 $0xFFFFE000  }
0x349: {  	[hbm4b:s0+s7] =	stream.strided.scatter [tilespmem:s24], [sflag:$0x7], $0x2000, s11, s7, $0x38;
	[tilespmem:$0x10000] =	vst v63  }
0x34a: {  	_ =	swait.ge [sflag:s8], $0x2000  }
0x34b: {  	s0 =	sld [smem:$0x7E5]  }
0x34c: {  	[sflag:s8] =	ssyncset.done $0x0  }
0x34d: {  	[sflag:s8] =	ssyncadd.s32 $0xFFFFE000  }
0x34e: {  	[tilespmem:s10], [sflag:$0x1] =	stream.linear.gather [hbm4b:s0+s2], $0x2000, $0x38;
	[tilespmem:$0x10000] =	vst v63  }
0x34f: {  	_ =	swait.ge [sflag:s25], $0x2000  }
0x350: {  	s0 =	sld [smem:$0x7E6]  }
0x351: {  	[sflag:s25] =	ssyncset.done $0x0  }
0x352: {  	[sflag:s25] =	ssyncadd.s32 $0xFFFFE000  }
0x353: {  	[hbm4b:s0+s7] =	stream.strided.scatter [tilespmem:s21], [sflag:$0x8], $0x2000, s11, s7, $0x38;
	[tilespmem:$0x10000] =	vst v63  }
0x354: {  	_ =	swait.ge [sflag:s6], $0x2000  }
0x355: {  	s0 =	sld [smem:$0x7E7]  }
0x356: {  	[sflag:s6] =	ssyncset.done $0x0  }
0x357: {  	[sflag:s6] =	ssyncadd.s32 $0xFFFFE000  }
0x358: {  	[tilespmem:s5], [sflag:$0x2] =	stream.linear.gather [hbm4b:s0+s2], $0x2000, $0x38;
	[tilespmem:$0x10000] =	vst v63  }
0x359: {  	_ =	swait.ge [sflag:s13], $0x2000  }
0x35a: {  	s0 =	sld [smem:$0x7E8]  }
0x35b: {  	[sflag:s13] =	ssyncset.done $0x0  }
0x35c: {  	[sflag:s13] =	ssyncadd.s32 $0xFFFFE000  }
0x35d: {  	[hbm4b:s0+s7] =	stream.strided.scatter [tilespmem:s10], [sflag:$0x5], $0x2000, s11, s7, $0x38;
	[tilespmem:$0x10000] =	vst v63  }
0x35e: {  	_ =	swait.ge [sflag:s17], $0x2000  }
0x35f: {  	s0 =	sld [smem:$0x7E9]  }
0x360: {  	[sflag:s17] =	ssyncset.done $0x0  }
0x361: {  	[sflag:s17] =	ssyncadd.s32 $0xFFFFE000  }
0x362: {  	[tilespmem:s24], [sflag:$0x3] =	stream.linear.gather [hbm4b:s0+s2], $0x2000, $0x38;
	[tilespmem:$0x10000] =	vst v63  }
0x363: {  	_ =	swait.ge [sflag:s14], $0x2000  }
0x364: {  	s0 =	sld [smem:$0x7EA]  }
0x365: {  	[sflag:s14] =	ssyncset.done $0x0  }
0x366: {  	[sflag:s14] =	ssyncadd.s32 $0xFFFFE000  }
0x367: {  	[hbm4b:s0+s7] =	stream.strided.scatter [tilespmem:s5], [sflag:$0x6], $0x2000, s11, s7, $0x38;
	[tilespmem:$0x10000] =	vst v63  }
0x368: {  	_ =	swait.ge [sflag:s16], $0x2000  }
0x369: {  	s0 =	sld [smem:$0x7EB]  }
0x36a: {  	[sflag:s16] =	ssyncset.done $0x0  }
0x36b: {  	[sflag:s16] =	ssyncadd.s32 $0xFFFFE000  }
0x36c: {  	[tilespmem:s21], [sflag:$0x4] =	stream.linear.gather [hbm4b:s0+s2], $0x2000, $0x38;
	[tilespmem:$0x10000] =	vst v63  }
0x36d: {  	_ =	swait.ge [sflag:s29], $0x2000  }
0x36e: {  	s0 =	sld [smem:$0x7EC]  }
0x36f: {  	[sflag:s29] =	ssyncset.done $0x0  }
0x370: {  	[sflag:s29] =	ssyncadd.s32 $0xFFFFE000  }
0x371: {  	[hbm4b:s0+s7] =	stream.strided.scatter [tilespmem:s24], [sflag:$0x7], $0x2000, s11, s7, $0x38;
	[tilespmem:$0x10000] =	vst v63  }
0x372: {  	_ =	swait.ge [sflag:s8], $0x2000  }
0x373: {  	s0 =	sld [smem:$0x7ED]  }
0x374: {  	[sflag:s8] =	ssyncset.done $0x0  }
0x375: {  	[sflag:s8] =	ssyncadd.s32 $0xFFFFE000  }
0x376: {  	[tilespmem:s10], [sflag:$0x1] =	stream.linear.gather [hbm4b:s0+s2], $0x2000, $0x38;
	[tilespmem:$0x10000] =	vst v63  }
0x377: {  	_ =	swait.ge [sflag:s25], $0x2000  }
0x378: {  	s0 =	sld [smem:$0x7EE]  }
0x379: {  	[sflag:s25] =	ssyncset.done $0x0  }
0x37a: {  	[sflag:s25] =	ssyncadd.s32 $0xFFFFE000  }
0x37b: {  	[hbm4b:s0+s7] =	stream.strided.scatter [tilespmem:s21], [sflag:$0x8], $0x2000, s11, s7, $0x38;
	[tilespmem:$0x10000] =	vst v63  }
0x37c: {  	_ =	swait.ge [sflag:s6], $0x2000  }
0x37d: {  	s0 =	sld [smem:$0x7EF]  }
0x37e: {  	[sflag:s6] =	ssyncset.done $0x0  }
0x37f: {  	[sflag:s6] =	ssyncadd.s32 $0xFFFFE000  }
0x380: {  	[tilespmem:s5], [sflag:$0x2] =	stream.linear.gather [hbm4b:s0+s2], $0x2000, $0x38;
	[tilespmem:$0x10000] =	vst v63  }
0x381: {  	_ =	swait.ge [sflag:s13], $0x2000  }
0x382: {  	s0 =	sld [smem:$0x7F0]  }
0x383: {  	[sflag:s13] =	ssyncset.done $0x0  }
0x384: {  	[sflag:s13] =	ssyncadd.s32 $0xFFFFE000  }
0x385: {  	[hbm4b:s0+s7] =	stream.strided.scatter [tilespmem:s10], [sflag:$0x5], $0x2000, s11, s7, $0x38;
	[tilespmem:$0x10000] =	vst v63  }
0x386: {  	_ =	swait.ge [sflag:s17], $0x2000  }
0x387: {  	s0 =	sld [smem:$0x7F1]  }
0x388: {  	[sflag:s17] =	ssyncset.done $0x0  }
0x389: {  	[sflag:s17] =	ssyncadd.s32 $0xFFFFE000  }
0x38a: {  	[tilespmem:s24], [sflag:$0x3] =	stream.linear.gather [hbm4b:s0+s2], $0x2000, $0x38;
	[tilespmem:$0x10000] =	vst v63  }
0x38b: {  	_ =	swait.ge [sflag:s14], $0x2000  }
0x38c: {  	s0 =	sld [smem:$0x7F2]  }
0x38d: {  	[sflag:s14] =	ssyncset.done $0x0  }
0x38e: {  	[sflag:s14] =	ssyncadd.s32 $0xFFFFE000  }
0x38f: {  	[hbm4b:s0+s7] =	stream.strided.scatter [tilespmem:s5], [sflag:$0x6], $0x2000, s11, s7, $0x38;
	[tilespmem:$0x10000] =	vst v63  }
0x390: {  	_ =	swait.ge [sflag:s16], $0x2000  }
0x391: {  	s0 =	sld [smem:$0x7F3]  }
0x392: {  	[sflag:s16] =	ssyncset.done $0x0  }
0x393: {  	[sflag:s16] =	ssyncadd.s32 $0xFFFFE000  }
0x394: {  	[tilespmem:s21], [sflag:$0x4] =	stream.linear.gather [hbm4b:s0+s2], $0x2000, $0x38;
	[tilespmem:$0x10000] =	vst v63  }
0x395: {  	_ =	swait.ge [sflag:s29], $0x2000  }
0x396: {  	s0 =	sld [smem:$0x7F4]  }
0x397: {  	[sflag:s29] =	ssyncset.done $0x0  }
0x398: {  	[sflag:s29] =	ssyncadd.s32 $0xFFFFE000  }
0x399: {  	[hbm4b:s0+s7] =	stream.strided.scatter [tilespmem:s24], [sflag:$0x7], $0x2000, s11, s7, $0x38;
	[tilespmem:$0x10000] =	vst v63  }
0x39a: {  	_ =	swait.ge [sflag:s8], $0x2000  }
0x39b: {  	s0 =	sld [smem:$0x7F5]  }
0x39c: {  	[sflag:s8] =	ssyncset.done $0x0  }
0x39d: {  	[sflag:s8] =	ssyncadd.s32 $0xFFFFE000  }
0x39e: {  	[tilespmem:s10], [sflag:$0x1] =	stream.linear.gather [hbm4b:s0+s2], $0x2000, $0x38;
	[tilespmem:$0x10000] =	vst v63  }
0x39f: {  	_ =	swait.ge [sflag:s25], $0x2000  }
0x3a0: {  	s0 =	sld [smem:$0x7F6]  }
0x3a1: {  	[sflag:s25] =	ssyncset.done $0x0  }
0x3a2: {  	[sflag:s25] =	ssyncadd.s32 $0xFFFFE000  }
0x3a3: {  	[hbm4b:s0+s7] =	stream.strided.scatter [tilespmem:s21], [sflag:$0x8], $0x2000, s11, s7, $0x38;
	[tilespmem:$0x10000] =	vst v63  }
0x3a4: {  	_ =	swait.ge [sflag:s6], $0x2000  }
0x3a5: {  	s0 =	sld [smem:$0x7F7]  }
0x3a6: {  	[sflag:s6] =	ssyncset.done $0x0  }
0x3a7: {  	[sflag:s6] =	ssyncadd.s32 $0xFFFFE000  }
0x3a8: {  	[tilespmem:s5], [sflag:$0x2] =	stream.linear.gather [hbm4b:s0+s2], $0x2000, $0x38;
	[tilespmem:$0x10000] =	vst v63  }
0x3a9: {  	_ =	swait.ge [sflag:s13], $0x2000  }
0x3aa: {  	s0 =	sld [smem:$0x7F8]  }
0x3ab: {  	[sflag:s13] =	ssyncset.done $0x0  }
0x3ac: {  	[sflag:s13] =	ssyncadd.s32 $0xFFFFE000  }
0x3ad: {  	[hbm4b:s0+s7] =	stream.strided.scatter [tilespmem:s10], [sflag:$0x5], $0x2000, s11, s7, $0x38;
	[tilespmem:$0x10000] =	vst v63  }
0x3ae: {  	_ =	swait.ge [sflag:s17], $0x2000  }
0x3af: {  	s0 =	sld [smem:$0x7F9]  }
0x3b0: {  	[sflag:s17] =	ssyncset.done $0x0  }
0x3b1: {  	[sflag:s17] =	ssyncadd.s32 $0xFFFFE000  }
0x3b2: {  	[tilespmem:s24], [sflag:$0x3] =	stream.linear.gather [hbm4b:s0+s2], $0x2000, $0x38;
	[tilespmem:$0x10000] =	vst v63  }
0x3b3: {  	_ =	swait.ge [sflag:s14], $0x2000  }
0x3b4: {  	s0 =	sld [smem:$0x7FA]  }
0x3b5: {  	[sflag:s14] =	ssyncset.done $0x0  }
0x3b6: {  	[sflag:s14] =	ssyncadd.s32 $0xFFFFE000  }
0x3b7: {  	[hbm4b:s0+s7] =	stream.strided.scatter [tilespmem:s5], [sflag:$0x6], $0x2000, s11, s7, $0x38;
	[tilespmem:$0x10000] =	vst v63  }
0x3b8: {  	_ =	swait.ge [sflag:s16], $0x2000  }
0x3b9: {  	s0 =	sld [smem:$0x7FB]  }
0x3ba: {  	[sflag:s16] =	ssyncset.done $0x0  }
0x3bb: {  	[sflag:s16] =	ssyncadd.s32 $0xFFFFE000  }
0x3bc: {  	[tilespmem:s21], [sflag:$0x4] =	stream.linear.gather [hbm4b:s0+s2], $0x2000, $0x38;
	[tilespmem:$0x10000] =	vst v63  }
0x3bd: {  	_ =	swait.ge [sflag:s29], $0x2000  }
0x3be: {  	s0 =	sld [smem:$0x7FC]  }
0x3bf: {  	[sflag:s29] =	ssyncset.done $0x0  }
0x3c0: {  	[sflag:s29] =	ssyncadd.s32 $0xFFFFE000  }
0x3c1: {  	[hbm4b:s0+s7] =	stream.strided.scatter [tilespmem:s24], [sflag:$0x7], $0x2000, s11, s7, $0x38;
	[tilespmem:$0x10000] =	vst v63  }
0x3c2: {  	_ =	swait.ge [sflag:s8], $0x2000  }
0x3c3: {  	s0 =	sld [smem:$0x7FD]  }
0x3c4: {  	[sflag:s8] =	ssyncset.done $0x0  }
0x3c5: {  	[sflag:s8] =	ssyncadd.s32 $0xFFFFE000  }
0x3c6: {  	[tilespmem:s10], [sflag:$0x1] =	stream.linear.gather [hbm4b:s0+s2], $0x2000, $0x38;
	[tilespmem:$0x10000] =	vst v63  }
0x3c7: {  	_ =	swait.ge [sflag:s25], $0x2000  }
0x3c8: {  	[sflag:s25] =	ssyncset.done $0x0  }
0x3c9: {  	[sflag:s25] =	ssyncadd.s32 $0xFFFFE000  }
0x3ca: {  	[hbm4b:s28+s7] =	stream.strided.scatter [tilespmem:s21], [sflag:$0x8], $0x2000, s11, s7, $0x38;
	[tilespmem:$0x10000] =	vst v63  }
0x3cb: {  	_ =	swait.ge [sflag:s6], $0x2000  }
0x3cc: {  	[sflag:s6] =	ssyncset.done $0x0  }
0x3cd: {  	[sflag:s6] =	ssyncadd.s32 $0xFFFFE000  }
0x3ce: {  	[tilespmem:s5], [sflag:$0x2] =	stream.linear.gather [hbm4b:s26+s2], $0x2000, $0x38;
	[tilespmem:$0x10000] =	vst v63  }
0x3cf: {  	_ =	swait.ge [sflag:s13], $0x2000  }
0x3d0: {  	[sflag:s13] =	ssyncset.done $0x0  }
0x3d1: {  	[sflag:s13] =	ssyncadd.s32 $0xFFFFE000  }
0x3d2: {  	[hbm4b:s23+s7] =	stream.strided.scatter [tilespmem:s10], [sflag:$0x5], $0x2000, s11, s7, $0x38;
	[tilespmem:$0x10000] =	vst v63  }
0x3d3: {  	_ =	swait.ge [sflag:s17], $0x2000  }
0x3d4: {  	[sflag:s17] =	ssyncset.done $0x0  }
0x3d5: {  	[sflag:s17] =	ssyncadd.s32 $0xFFFFE000  }
0x3d6: {  	[tilespmem:s24], [sflag:$0x3] =	stream.linear.gather [hbm4b:s22+s2], $0x2000, $0x38;
	[tilespmem:$0x10000] =	vst v63  }
0x3d7: {  	_ =	swait.ge [sflag:s14], $0x2000  }
0x3d8: {  	[sflag:s14] =	ssyncset.done $0x0  }
0x3d9: {  	[sflag:s14] =	ssyncadd.s32 $0xFFFFE000  }
0x3da: {  	[hbm4b:s20+s7] =	stream.strided.scatter [tilespmem:s5], [sflag:$0x6], $0x2000, s11, s7, $0x38;
	[tilespmem:$0x10000] =	vst v63  }
0x3db: {  	_ =	swait.ge [sflag:s16], $0x2000  }
0x3dc: {  	[sflag:s16] =	ssyncset.done $0x0  }
0x3dd: {  	[sflag:s16] =	ssyncadd.s32 $0xFFFFE000  }
0x3de: {  	[tilespmem:s21], [sflag:$0x4] =	stream.linear.gather [hbm4b:s19+s2], $0x2000, $0x38;
	[tilespmem:$0x10000] =	vst v63  }
0x3df: {  	_ =	swait.ge [sflag:s29], $0x2000  }
0x3e0: {  	[sflag:s29] =	ssyncset.done $0x0  }
0x3e1: {  	[sflag:s29] =	ssyncadd.s32 $0xFFFFE000  }
0x3e2: {  	[hbm4b:s18+s7] =	stream.strided.scatter [tilespmem:s24], [sflag:$0x7], $0x2000, s11, s7, $0x38;
	[tilespmem:$0x10000] =	vst v63  }
0x3e3: {  	_ =	swait.ge [sflag:s8], $0x2000  }
0x3e4: {  	[sflag:s8] =	ssyncset.done $0x0  }
0x3e5: {  	[sflag:s8] =	ssyncadd.s32 $0xFFFFE000  }
0x3e6: {  	[tilespmem:s10], [sflag:$0x1] =	stream.linear.gather [hbm4b:s15+s2], $0x2000, $0x38;
	[tilespmem:$0x10000] =	vst v63  }
0x3e7: {  	_ =	swait.ge [sflag:s25], $0x2000  }
0x3e8: {  	[sflag:s25] =	ssyncset.done $0x0  }
0x3e9: {  	[sflag:s25] =	ssyncadd.s32 $0xFFFFE000  }
0x3ea: {  	[hbm4b:s12+s7] =	stream.strided.scatter [tilespmem:s21], [sflag:$0x8], $0x2000, s11, s7, $0x38;
	[tilespmem:$0x10000] =	vst v63  }
0x3eb: {  	_ =	swait.ge [sflag:s6], $0x2000  }
0x3ec: {  	[sflag:s6] =	ssyncset.done $0x0  }
0x3ed: {  	[sflag:s6] =	ssyncadd.s32 $0xFFFFE000  }
0x3ee: {  	[tilespmem:s5], [sflag:$0x2] =	stream.linear.gather [hbm4b:s9+s2], $0x2000, $0x38;
	[tilespmem:$0x10000] =	vst v63  }
0x3ef: {  	_ =	swait.ge [sflag:s13], $0x2000  }
0x3f0: {  	[sflag:s13] =	ssyncset.done $0x0  }
0x3f1: {  	[sflag:s13] =	ssyncadd.s32 $0xFFFFE000  }
0x3f2: {  	[hbm4b:s4+s7] =	stream.strided.scatter [tilespmem:s10], [sflag:$0x5], $0x2000, s11, s7, $0x38;
	[tilespmem:$0x10000] =	vst v63  }
0x3f3: {  	_ =	swait.ge [sflag:s14], $0x2000  }
0x3f4: {  	[sflag:s14] =	ssyncset.done $0x0  }
0x3f5: {  	[sflag:s14] =	ssyncadd.s32 $0xFFFFE000  }
0x3f6: {  	[hbm4b:s3+s7] =	stream.strided.scatter [tilespmem:s5], [sflag:$0x6], $0x2000, s11, s7, $0x38;
	[tilespmem:$0x10000] =	vst v63  }
0x3f7: {  	_ =	swait.ge [sflag:s17], $0x2000  }
0x3f8: {  	[sflag:s17] =	ssyncset.done $0x0  }
0x3f9: {  	[sflag:s17] =	ssyncadd.s32 $0xFFFFE000  }
0x3fa: {  	_ =	swait.ge [sflag:s16], $0x2000  }
0x3fb: {  	[sflag:s16] =	ssyncset.done $0x0  }
0x3fc: {  	p1 =	sne.s32 s1, $0x1;
	[sflag:s16] =	ssyncadd.s32 $0xFFFFE000  }
.Ltmp2:
0x3fd: {  	_ =	swait.ge [sflag:s8], $0x2000;
	(pc) =	sbr.rel @p1 .LBB2_2-.Ltmp2, $4  }
0x3fe: {  	[sflag:s8] =	ssyncset.done $0x0  }
0x3ff: {  	[sflag:s8] =	ssyncadd.s32 $0xFFFFE000  }
0x400: {  	_ =	swait.ge [sflag:s6], $0x2000  }
0x401: {  	s1 =	sadd.s32 $0xFFFFFFFF, s1;
	s0 =	rddreg [dreg:$0x4];
	[sflag:s6] =	ssyncset.done $0x0  }
.LBB2_3:
0x402: {  	[sflag:s6] =	ssyncadd.s32 @p0 $0xFFFFE000  }
0x403: {  	[tilespmem:s10], [sflag:$0x1] =	stream.linear.gather [hbm4b:s0+s2], $0x2000, $0x38;
	[tilespmem:$0x10000] =	vst v63  }
0x404: {  	_ = 	snop  }
0x405: {  	[tilespmem:s5], [sflag:$0x2] =	stream.linear.gather [hbm4b:s31+s2], $0x2000, $0x38;
	[tilespmem:$0x10000] =	vst v63  }
0x406: {  	_ =	swait.ge [sflag:s13], $0x2000  }
0x407: {  	[sflag:s13] =	ssyncset.done $0x0  }
0x408: {  	[sflag:s13] =	ssyncadd.s32 $0xFFFFE000  }
0x409: {  	[hbm4b:s30+s7] =	stream.strided.scatter [tilespmem:s10], [sflag:$0x5], $0x2000, s11, s7, $0x38;
	[tilespmem:$0x10000] =	vst v63  }
0x40a: {  	s1 =	rddreg [dreg:$0x5]  }
0x40b: {  	[tilespmem:s24], [sflag:$0x3] =	stream.linear.gather [hbm4b:s1+s2], $0x2000, $0x38;
	[tilespmem:$0x10000] =	vst v63  }
0x40c: {  	_ =	swait.ge [sflag:s14], $0x2000  }
0x40d: {  	[sflag:s14] =	ssyncset.done $0x0  }
0x40e: {  	s31 =	rddreg [dreg:$0x6];
	[sflag:s14] =	ssyncadd.s32 $0xFFFFE000  }
0x40f: {  	[hbm4b:s31+s7] =	stream.strided.scatter [tilespmem:s5], [sflag:$0x6], $0x2000, s11, s7, $0x38;
	[tilespmem:$0x10000] =	vst v63  }
0x410: {  	s1 =	rddreg [dreg:$0x7]  }
0x411: {  	[tilespmem:s21], [sflag:$0x4] =	stream.linear.gather [hbm4b:s1+s2], $0x2000, $0x38;
	[tilespmem:$0x10000] =	vst v63  }
0x412: {  	_ =	swait.ge [sflag:s29], $0x2000  }
0x413: {  	[sflag:s29] =	ssyncset.done $0x0  }
0x414: {  	s30 =	rddreg [dreg:$0x8];
	[sflag:s29] =	ssyncadd.s32 $0xFFFFE000  }
0x415: {  	[hbm4b:s30+s7] =	stream.strided.scatter [tilespmem:s24], [sflag:$0x7], $0x2000, s11, s7, $0x38;
	[tilespmem:$0x10000] =	vst v63  }
0x416: {  	_ =	swait.ge [sflag:s8], $0x2000  }
0x417: {  	[sflag:s8] =	ssyncset.done $0x0  }
0x418: {  	s31 =	rddreg [dreg:$0x9];
	[sflag:s8] =	ssyncadd.s32 $0xFFFFE000  }
0x419: {  	[tilespmem:s10], [sflag:$0x1] =	stream.linear.gather [hbm4b:s31+s2], $0x2000, $0x38;
	[tilespmem:$0x10000] =	vst v63  }
0x41a: {  	_ =	swait.ge [sflag:s25], $0x2000  }
0x41b: {  	[sflag:s25] =	ssyncset.done $0x0  }
0x41c: {  	s1 =	rddreg [dreg:$0xa];
	[sflag:s25] =	ssyncadd.s32 $0xFFFFE000  }
0x41d: {  	[hbm4b:s1+s7] =	stream.strided.scatter [tilespmem:s21], [sflag:$0x8], $0x2000, s11, s7, $0x38;
	[tilespmem:$0x10000] =	vst v63  }
0x41e: {  	_ =	swait.ge [sflag:s6], $0x2000  }
0x41f: {  	[sflag:s6] =	ssyncset.done $0x0  }
0x420: {  	s30 =	rddreg [dreg:$0xb];
	[sflag:s6] =	ssyncadd.s32 $0xFFFFE000  }
0x421: {  	[tilespmem:s5], [sflag:$0x2] =	stream.linear.gather [hbm4b:s30+s2], $0x2000, $0x38;
	[tilespmem:$0x10000] =	vst v63  }
0x422: {  	_ =	swait.ge [sflag:s13], $0x2000  }
0x423: {  	[sflag:s13] =	ssyncset.done $0x0  }
0x424: {  	s31 =	rddreg [dreg:$0xc];
	[sflag:s13] =	ssyncadd.s32 $0xFFFFE000  }
0x425: {  	[hbm4b:s31+s7] =	stream.strided.scatter [tilespmem:s10], [sflag:$0x5], $0x2000, s11, s7, $0x38;
	[tilespmem:$0x10000] =	vst v63  }
0x426: {  	_ =	swait.ge [sflag:s17], $0x2000  }
0x427: {  	[sflag:s17] =	ssyncset.done $0x0  }
0x428: {  	s1 =	rddreg [dreg:$0xd];
	[sflag:s17] =	ssyncadd.s32 $0xFFFFE000  }
0x429: {  	[tilespmem:s24], [sflag:$0x3] =	stream.linear.gather [hbm4b:s1+s2], $0x2000, $0x38;
	[tilespmem:$0x10000] =	vst v63  }
0x42a: {  	_ =	swait.ge [sflag:s14], $0x2000  }
0x42b: {  	[sflag:s14] =	ssyncset.done $0x0  }
0x42c: {  	s30 =	rddreg [dreg:$0xe];
	[sflag:s14] =	ssyncadd.s32 $0xFFFFE000  }
0x42d: {  	[hbm4b:s30+s7] =	stream.strided.scatter [tilespmem:s5], [sflag:$0x6], $0x2000, s11, s7, $0x38;
	[tilespmem:$0x10000] =	vst v63  }
0x42e: {  	_ =	swait.ge [sflag:s16], $0x2000  }
0x42f: {  	[sflag:s16] =	ssyncset.done $0x0  }
0x430: {  	s31 =	rddreg [dreg:$0xf];
	[sflag:s16] =	ssyncadd.s32 $0xFFFFE000  }
0x431: {  	[tilespmem:s21], [sflag:$0x4] =	stream.linear.gather [hbm4b:s31+s2], $0x2000, $0x38;
	[tilespmem:$0x10000] =	vst v63  }
0x432: {  	_ =	swait.ge [sflag:s29], $0x2000  }
0x433: {  	[sflag:s29] =	ssyncset.done $0x0  }
0x434: {  	s1 =	rddreg [dreg:$0x10];
	[sflag:s29] =	ssyncadd.s32 $0xFFFFE000  }
0x435: {  	[hbm4b:s1+s7] =	stream.strided.scatter [tilespmem:s24], [sflag:$0x7], $0x2000, s11, s7, $0x38;
	[tilespmem:$0x10000] =	vst v63  }
0x436: {  	_ =	swait.ge [sflag:s8], $0x2000  }
0x437: {  	[sflag:s8] =	ssyncset.done $0x0  }
0x438: {  	s30 =	rddreg [dreg:$0x11];
	[sflag:s8] =	ssyncadd.s32 $0xFFFFE000  }
0x439: {  	[tilespmem:s10], [sflag:$0x1] =	stream.linear.gather [hbm4b:s30+s2], $0x2000, $0x38;
	[tilespmem:$0x10000] =	vst v63  }
0x43a: {  	_ =	swait.ge [sflag:s25], $0x2000  }
0x43b: {  	[sflag:s25] =	ssyncset.done $0x0  }
0x43c: {  	s31 =	rddreg [dreg:$0x12];
	[sflag:s25] =	ssyncadd.s32 $0xFFFFE000  }
0x43d: {  	[hbm4b:s31+s7] =	stream.strided.scatter [tilespmem:s21], [sflag:$0x8], $0x2000, s11, s7, $0x38;
	[tilespmem:$0x10000] =	vst v63  }
0x43e: {  	_ =	swait.ge [sflag:s6], $0x2000  }
0x43f: {  	[sflag:s6] =	ssyncset.done $0x0  }
0x440: {  	s1 =	rddreg [dreg:$0x13];
	[sflag:s6] =	ssyncadd.s32 $0xFFFFE000  }
0x441: {  	[tilespmem:s5], [sflag:$0x2] =	stream.linear.gather [hbm4b:s1+s2], $0x2000, $0x38;
	[tilespmem:$0x10000] =	vst v63  }
0x442: {  	_ =	swait.ge [sflag:s13], $0x2000  }
0x443: {  	[sflag:s13] =	ssyncset.done $0x0  }
0x444: {  	s30 =	rddreg [dreg:$0x14];
	[sflag:s13] =	ssyncadd.s32 $0xFFFFE000  }
0x445: {  	[hbm4b:s30+s7] =	stream.strided.scatter [tilespmem:s10], [sflag:$0x5], $0x2000, s11, s7, $0x38;
	[tilespmem:$0x10000] =	vst v63  }
0x446: {  	_ =	swait.ge [sflag:s17], $0x2000  }
0x447: {  	[sflag:s17] =	ssyncset.done $0x0  }
0x448: {  	s31 =	rddreg [dreg:$0x15];
	[sflag:s17] =	ssyncadd.s32 $0xFFFFE000  }
0x449: {  	[tilespmem:s24], [sflag:$0x3] =	stream.linear.gather [hbm4b:s31+s2], $0x2000, $0x38;
	[tilespmem:$0x10000] =	vst v63  }
0x44a: {  	_ =	swait.ge [sflag:s14], $0x2000  }
0x44b: {  	[sflag:s14] =	ssyncset.done $0x0  }
0x44c: {  	s1 =	rddreg [dreg:$0x16];
	[sflag:s14] =	ssyncadd.s32 $0xFFFFE000  }
0x44d: {  	[hbm4b:s1+s7] =	stream.strided.scatter [tilespmem:s5], [sflag:$0x6], $0x2000, s11, s7, $0x38;
	[tilespmem:$0x10000] =	vst v63  }
0x44e: {  	_ =	swait.ge [sflag:s16], $0x2000  }
0x44f: {  	[sflag:s16] =	ssyncset.done $0x0  }
0x450: {  	s30 =	rddreg [dreg:$0x17];
	[sflag:s16] =	ssyncadd.s32 $0xFFFFE000  }
0x451: {  	[tilespmem:s21], [sflag:$0x4] =	stream.linear.gather [hbm4b:s30+s2], $0x2000, $0x38;
	[tilespmem:$0x10000] =	vst v63  }
0x452: {  	_ =	swait.ge [sflag:s29], $0x2000  }
0x453: {  	[sflag:s29] =	ssyncset.done $0x0  }
0x454: {  	s31 =	rddreg [dreg:$0x18];
	[sflag:s29] =	ssyncadd.s32 $0xFFFFE000  }
0x455: {  	[hbm4b:s31+s7] =	stream.strided.scatter [tilespmem:s24], [sflag:$0x7], $0x2000, s11, s7, $0x38;
	[tilespmem:$0x10000] =	vst v63  }
0x456: {  	_ =	swait.ge [sflag:s8], $0x2000  }
0x457: {  	[sflag:s8] =	ssyncset.done $0x0  }
0x458: {  	s1 =	rddreg [dreg:$0x19];
	[sflag:s8] =	ssyncadd.s32 $0xFFFFE000  }
0x459: {  	[tilespmem:s10], [sflag:$0x1] =	stream.linear.gather [hbm4b:s1+s2], $0x2000, $0x38;
	[tilespmem:$0x10000] =	vst v63  }
0x45a: {  	_ =	swait.ge [sflag:s25], $0x2000  }
0x45b: {  	[sflag:s25] =	ssyncset.done $0x0  }
0x45c: {  	s30 =	rddreg [dreg:$0x1a];
	[sflag:s25] =	ssyncadd.s32 $0xFFFFE000  }
0x45d: {  	[hbm4b:s30+s7] =	stream.strided.scatter [tilespmem:s21], [sflag:$0x8], $0x2000, s11, s7, $0x38;
	[tilespmem:$0x10000] =	vst v63  }
0x45e: {  	_ =	swait.ge [sflag:s6], $0x2000  }
0x45f: {  	[sflag:s6] =	ssyncset.done $0x0  }
0x460: {  	s31 =	rddreg [dreg:$0x1b];
	[sflag:s6] =	ssyncadd.s32 $0xFFFFE000  }
0x461: {  	[tilespmem:s5], [sflag:$0x2] =	stream.linear.gather [hbm4b:s31+s2], $0x2000, $0x38;
	[tilespmem:$0x10000] =	vst v63  }
0x462: {  	_ =	swait.ge [sflag:s13], $0x2000  }
0x463: {  	[sflag:s13] =	ssyncset.done $0x0  }
0x464: {  	s1 =	rddreg [dreg:$0x1c];
	[sflag:s13] =	ssyncadd.s32 $0xFFFFE000  }
0x465: {  	[hbm4b:s1+s7] =	stream.strided.scatter [tilespmem:s10], [sflag:$0x5], $0x2000, s11, s7, $0x38;
	[tilespmem:$0x10000] =	vst v63  }
0x466: {  	_ =	swait.ge [sflag:s17], $0x2000  }
0x467: {  	[sflag:s17] =	ssyncset.done $0x0  }
0x468: {  	s30 =	rddreg [dreg:$0x1d];
	[sflag:s17] =	ssyncadd.s32 $0xFFFFE000  }
0x469: {  	[tilespmem:s24], [sflag:$0x3] =	stream.linear.gather [hbm4b:s30+s2], $0x2000, $0x38;
	[tilespmem:$0x10000] =	vst v63  }
0x46a: {  	_ =	swait.ge [sflag:s14], $0x2000  }
0x46b: {  	[sflag:s14] =	ssyncset.done $0x0  }
0x46c: {  	s31 =	rddreg [dreg:$0x1e];
	[sflag:s14] =	ssyncadd.s32 $0xFFFFE000  }
0x46d: {  	[hbm4b:s31+s7] =	stream.strided.scatter [tilespmem:s5], [sflag:$0x6], $0x2000, s11, s7, $0x38;
	[tilespmem:$0x10000] =	vst v63  }
0x46e: {  	_ =	swait.ge [sflag:s16], $0x2000  }
0x46f: {  	[sflag:s16] =	ssyncset.done $0x0  }
0x470: {  	s1 =	rddreg [dreg:$0x1f];
	[sflag:s16] =	ssyncadd.s32 $0xFFFFE000  }
0x471: {  	[tilespmem:s21], [sflag:$0x4] =	stream.linear.gather [hbm4b:s1+s2], $0x2000, $0x38;
	[tilespmem:$0x10000] =	vst v63  }
0x472: {  	_ =	swait.ge [sflag:s29], $0x2000  }
0x473: {  	s30 =	sld [smem:$0x7C4]  }
0x474: {  	[sflag:s29] =	ssyncset.done $0x0  }
0x475: {  	[sflag:s29] =	ssyncadd.s32 $0xFFFFE000  }
0x476: {  	[hbm4b:s30+s7] =	stream.strided.scatter [tilespmem:s24], [sflag:$0x7], $0x2000, s11, s7, $0x38;
	[tilespmem:$0x10000] =	vst v63  }
0x477: {  	_ =	swait.ge [sflag:s8], $0x2000  }
0x478: {  	s31 =	sld [smem:$0x7C5]  }
0x479: {  	[sflag:s8] =	ssyncset.done $0x0  }
0x47a: {  	[sflag:s8] =	ssyncadd.s32 $0xFFFFE000  }
0x47b: {  	[tilespmem:s10], [sflag:$0x1] =	stream.linear.gather [hbm4b:s31+s2], $0x2000, $0x38;
	[tilespmem:$0x10000] =	vst v63  }
0x47c: {  	_ =	swait.ge [sflag:s25], $0x2000  }
0x47d: {  	s1 =	sld [smem:$0x7C6]  }
0x47e: {  	[sflag:s25] =	ssyncset.done $0x0  }
0x47f: {  	[sflag:s25] =	ssyncadd.s32 $0xFFFFE000  }
0x480: {  	[hbm4b:s1+s7] =	stream.strided.scatter [tilespmem:s21], [sflag:$0x8], $0x2000, s11, s7, $0x38;
	[tilespmem:$0x10000] =	vst v63  }
0x481: {  	_ =	swait.ge [sflag:s6], $0x2000  }
0x482: {  	s30 =	sld [smem:$0x7C7]  }
0x483: {  	[sflag:s6] =	ssyncset.done $0x0  }
0x484: {  	[sflag:s6] =	ssyncadd.s32 $0xFFFFE000  }
0x485: {  	[tilespmem:s5], [sflag:$0x2] =	stream.linear.gather [hbm4b:s30+s2], $0x2000, $0x38;
	[tilespmem:$0x10000] =	vst v63  }
0x486: {  	_ =	swait.ge [sflag:s13], $0x2000  }
0x487: {  	s31 =	sld [smem:$0x7C8]  }
0x488: {  	[sflag:s13] =	ssyncset.done $0x0  }
0x489: {  	[sflag:s13] =	ssyncadd.s32 $0xFFFFE000  }
0x48a: {  	[hbm4b:s31+s7] =	stream.strided.scatter [tilespmem:s10], [sflag:$0x5], $0x2000, s11, s7, $0x38;
	[tilespmem:$0x10000] =	vst v63  }
0x48b: {  	_ =	swait.ge [sflag:s17], $0x2000  }
0x48c: {  	s1 =	sld [smem:$0x7C9]  }
0x48d: {  	[sflag:s17] =	ssyncset.done $0x0  }
0x48e: {  	[sflag:s17] =	ssyncadd.s32 $0xFFFFE000  }
0x48f: {  	[tilespmem:s24], [sflag:$0x3] =	stream.linear.gather [hbm4b:s1+s2], $0x2000, $0x38;
	[tilespmem:$0x10000] =	vst v63  }
0x490: {  	_ =	swait.ge [sflag:s14], $0x2000  }
0x491: {  	s30 =	sld [smem:$0x7CA]  }
0x492: {  	[sflag:s14] =	ssyncset.done $0x0  }
0x493: {  	[sflag:s14] =	ssyncadd.s32 $0xFFFFE000  }
0x494: {  	[hbm4b:s30+s7] =	stream.strided.scatter [tilespmem:s5], [sflag:$0x6], $0x2000, s11, s7, $0x38;
	[tilespmem:$0x10000] =	vst v63  }
0x495: {  	_ =	swait.ge [sflag:s16], $0x2000  }
0x496: {  	s31 =	sld [smem:$0x7CB]  }
0x497: {  	[sflag:s16] =	ssyncset.done $0x0  }
0x498: {  	[sflag:s16] =	ssyncadd.s32 $0xFFFFE000  }
0x499: {  	[tilespmem:s21], [sflag:$0x4] =	stream.linear.gather [hbm4b:s31+s2], $0x2000, $0x38;
	[tilespmem:$0x10000] =	vst v63  }
0x49a: {  	_ =	swait.ge [sflag:s29], $0x2000  }
0x49b: {  	s1 =	sld [smem:$0x7CC]  }
0x49c: {  	[sflag:s29] =	ssyncset.done $0x0  }
0x49d: {  	[sflag:s29] =	ssyncadd.s32 $0xFFFFE000  }
0x49e: {  	[hbm4b:s1+s7] =	stream.strided.scatter [tilespmem:s24], [sflag:$0x7], $0x2000, s11, s7, $0x38;
	[tilespmem:$0x10000] =	vst v63  }
0x49f: {  	_ =	swait.ge [sflag:s8], $0x2000  }
0x4a0: {  	s30 =	sld [smem:$0x7CD]  }
0x4a1: {  	[sflag:s8] =	ssyncset.done $0x0  }
0x4a2: {  	[sflag:s8] =	ssyncadd.s32 $0xFFFFE000  }
0x4a3: {  	[tilespmem:s10], [sflag:$0x1] =	stream.linear.gather [hbm4b:s30+s2], $0x2000, $0x38;
	[tilespmem:$0x10000] =	vst v63  }
0x4a4: {  	_ =	swait.ge [sflag:s25], $0x2000  }
0x4a5: {  	s31 =	sld [smem:$0x7CE]  }
0x4a6: {  	[sflag:s25] =	ssyncset.done $0x0  }
0x4a7: {  	[sflag:s25] =	ssyncadd.s32 $0xFFFFE000  }
0x4a8: {  	[hbm4b:s31+s7] =	stream.strided.scatter [tilespmem:s21], [sflag:$0x8], $0x2000, s11, s7, $0x38;
	[tilespmem:$0x10000] =	vst v63  }
0x4a9: {  	_ =	swait.ge [sflag:s6], $0x2000  }
0x4aa: {  	s1 =	sld [smem:$0x7CF]  }
0x4ab: {  	[sflag:s6] =	ssyncset.done $0x0  }
0x4ac: {  	[sflag:s6] =	ssyncadd.s32 $0xFFFFE000  }
0x4ad: {  	[tilespmem:s5], [sflag:$0x2] =	stream.linear.gather [hbm4b:s1+s2], $0x2000, $0x38;
	[tilespmem:$0x10000] =	vst v63  }
0x4ae: {  	_ =	swait.ge [sflag:s13], $0x2000  }
0x4af: {  	s30 =	sld [smem:$0x7D0]  }
0x4b0: {  	[sflag:s13] =	ssyncset.done $0x0  }
0x4b1: {  	[sflag:s13] =	ssyncadd.s32 $0xFFFFE000  }
0x4b2: {  	[hbm4b:s30+s7] =	stream.strided.scatter [tilespmem:s10], [sflag:$0x5], $0x2000, s11, s7, $0x38;
	[tilespmem:$0x10000] =	vst v63  }
0x4b3: {  	_ =	swait.ge [sflag:s17], $0x2000  }
0x4b4: {  	s31 =	sld [smem:$0x7D1]  }
0x4b5: {  	[sflag:s17] =	ssyncset.done $0x0  }
0x4b6: {  	[sflag:s17] =	ssyncadd.s32 $0xFFFFE000  }
0x4b7: {  	[tilespmem:s24], [sflag:$0x3] =	stream.linear.gather [hbm4b:s31+s2], $0x2000, $0x38;
	[tilespmem:$0x10000] =	vst v63  }
0x4b8: {  	_ =	swait.ge [sflag:s14], $0x2000  }
0x4b9: {  	s1 =	sld [smem:$0x7D2]  }
0x4ba: {  	[sflag:s14] =	ssyncset.done $0x0  }
0x4bb: {  	[sflag:s14] =	ssyncadd.s32 $0xFFFFE000  }
0x4bc: {  	[hbm4b:s1+s7] =	stream.strided.scatter [tilespmem:s5], [sflag:$0x6], $0x2000, s11, s7, $0x38;
	[tilespmem:$0x10000] =	vst v63  }
0x4bd: {  	_ =	swait.ge [sflag:s16], $0x2000  }
0x4be: {  	s30 =	sld [smem:$0x7D3]  }
0x4bf: {  	[sflag:s16] =	ssyncset.done $0x0  }
0x4c0: {  	[sflag:s16] =	ssyncadd.s32 $0xFFFFE000  }
0x4c1: {  	[tilespmem:s21], [sflag:$0x4] =	stream.linear.gather [hbm4b:s30+s2], $0x2000, $0x38;
	[tilespmem:$0x10000] =	vst v63  }
0x4c2: {  	_ =	swait.ge [sflag:s29], $0x2000  }
0x4c3: {  	s31 =	sld [smem:$0x7D4]  }
0x4c4: {  	[sflag:s29] =	ssyncset.done $0x0  }
0x4c5: {  	[sflag:s29] =	ssyncadd.s32 $0xFFFFE000  }
0x4c6: {  	[hbm4b:s31+s7] =	stream.strided.scatter [tilespmem:s24], [sflag:$0x7], $0x2000, s11, s7, $0x38;
	[tilespmem:$0x10000] =	vst v63  }
0x4c7: {  	_ =	swait.ge [sflag:s8], $0x2000  }
0x4c8: {  	s1 =	sld [smem:$0x7D5]  }
0x4c9: {  	[sflag:s8] =	ssyncset.done $0x0  }
0x4ca: {  	[sflag:s8] =	ssyncadd.s32 $0xFFFFE000  }
0x4cb: {  	[tilespmem:s10], [sflag:$0x1] =	stream.linear.gather [hbm4b:s1+s2], $0x2000, $0x38;
	[tilespmem:$0x10000] =	vst v63  }
0x4cc: {  	_ =	swait.ge [sflag:s25], $0x2000  }
0x4cd: {  	s30 =	sld [smem:$0x7D6]  }
0x4ce: {  	[sflag:s25] =	ssyncset.done $0x0  }
0x4cf: {  	[sflag:s25] =	ssyncadd.s32 $0xFFFFE000  }
0x4d0: {  	[hbm4b:s30+s7] =	stream.strided.scatter [tilespmem:s21], [sflag:$0x8], $0x2000, s11, s7, $0x38;
	[tilespmem:$0x10000] =	vst v63  }
0x4d1: {  	_ =	swait.ge [sflag:s6], $0x2000  }
0x4d2: {  	s31 =	sld [smem:$0x7D7]  }
0x4d3: {  	[sflag:s6] =	ssyncset.done $0x0  }
0x4d4: {  	[sflag:s6] =	ssyncadd.s32 $0xFFFFE000  }
0x4d5: {  	[tilespmem:s5], [sflag:$0x2] =	stream.linear.gather [hbm4b:s31+s2], $0x2000, $0x38;
	[tilespmem:$0x10000] =	vst v63  }
0x4d6: {  	_ =	swait.ge [sflag:s13], $0x2000  }
0x4d7: {  	s1 =	sld [smem:$0x7D8]  }
0x4d8: {  	[sflag:s13] =	ssyncset.done $0x0  }
0x4d9: {  	[sflag:s13] =	ssyncadd.s32 $0xFFFFE000  }
0x4da: {  	[hbm4b:s1+s7] =	stream.strided.scatter [tilespmem:s10], [sflag:$0x5], $0x2000, s11, s7, $0x38;
	[tilespmem:$0x10000] =	vst v63  }
0x4db: {  	_ =	swait.ge [sflag:s17], $0x2000  }
0x4dc: {  	s30 =	sld [smem:$0x7D9]  }
0x4dd: {  	[sflag:s17] =	ssyncset.done $0x0  }
0x4de: {  	[sflag:s17] =	ssyncadd.s32 $0xFFFFE000  }
0x4df: {  	[tilespmem:s24], [sflag:$0x3] =	stream.linear.gather [hbm4b:s30+s2], $0x2000, $0x38;
	[tilespmem:$0x10000] =	vst v63  }
0x4e0: {  	_ =	swait.ge [sflag:s14], $0x2000  }
0x4e1: {  	s31 =	sld [smem:$0x7DA]  }
0x4e2: {  	[sflag:s14] =	ssyncset.done $0x0  }
0x4e3: {  	[sflag:s14] =	ssyncadd.s32 $0xFFFFE000  }
0x4e4: {  	[hbm4b:s31+s7] =	stream.strided.scatter [tilespmem:s5], [sflag:$0x6], $0x2000, s11, s7, $0x38;
	[tilespmem:$0x10000] =	vst v63  }
0x4e5: {  	_ =	swait.ge [sflag:s16], $0x2000  }
0x4e6: {  	s1 =	sld [smem:$0x7DB]  }
0x4e7: {  	[sflag:s16] =	ssyncset.done $0x0  }
0x4e8: {  	[sflag:s16] =	ssyncadd.s32 $0xFFFFE000  }
0x4e9: {  	[tilespmem:s21], [sflag:$0x4] =	stream.linear.gather [hbm4b:s1+s2], $0x2000, $0x38;
	[tilespmem:$0x10000] =	vst v63  }
0x4ea: {  	_ =	swait.ge [sflag:s29], $0x2000  }
0x4eb: {  	s30 =	sld [smem:$0x7DC]  }
0x4ec: {  	[sflag:s29] =	ssyncset.done $0x0  }
0x4ed: {  	[sflag:s29] =	ssyncadd.s32 $0xFFFFE000  }
0x4ee: {  	[hbm4b:s30+s7] =	stream.strided.scatter [tilespmem:s24], [sflag:$0x7], $0x2000, s11, s7, $0x38;
	[tilespmem:$0x10000] =	vst v63  }
0x4ef: {  	_ =	swait.ge [sflag:s8], $0x2000  }
0x4f0: {  	s31 =	sld [smem:$0x7DD]  }
0x4f1: {  	[sflag:s8] =	ssyncset.done $0x0  }
0x4f2: {  	[sflag:s8] =	ssyncadd.s32 $0xFFFFE000  }
0x4f3: {  	[tilespmem:s10], [sflag:$0x1] =	stream.linear.gather [hbm4b:s31+s2], $0x2000, $0x38;
	[tilespmem:$0x10000] =	vst v63  }
0x4f4: {  	_ =	swait.ge [sflag:s25], $0x2000  }
0x4f5: {  	s1 =	sld [smem:$0x7DE]  }
0x4f6: {  	[sflag:s25] =	ssyncset.done $0x0  }
0x4f7: {  	[sflag:s25] =	ssyncadd.s32 $0xFFFFE000  }
0x4f8: {  	[hbm4b:s1+s7] =	stream.strided.scatter [tilespmem:s21], [sflag:$0x8], $0x2000, s11, s7, $0x38;
	[tilespmem:$0x10000] =	vst v63  }
0x4f9: {  	_ =	swait.ge [sflag:s6], $0x2000  }
0x4fa: {  	s30 =	sld [smem:$0x7DF]  }
0x4fb: {  	[sflag:s6] =	ssyncset.done $0x0  }
0x4fc: {  	[sflag:s6] =	ssyncadd.s32 $0xFFFFE000  }
0x4fd: {  	[tilespmem:s5], [sflag:$0x2] =	stream.linear.gather [hbm4b:s30+s2], $0x2000, $0x38;
	[tilespmem:$0x10000] =	vst v63  }
0x4fe: {  	_ =	swait.ge [sflag:s13], $0x2000  }
0x4ff: {  	s31 =	sld [smem:$0x7E0]  }
0x500: {  	[sflag:s13] =	ssyncset.done $0x0  }
0x501: {  	[sflag:s13] =	ssyncadd.s32 $0xFFFFE000  }
0x502: {  	[hbm4b:s31+s7] =	stream.strided.scatter [tilespmem:s10], [sflag:$0x5], $0x2000, s11, s7, $0x38;
	[tilespmem:$0x10000] =	vst v63  }
0x503: {  	_ =	swait.ge [sflag:s17], $0x2000  }
0x504: {  	s1 =	sld [smem:$0x7E1]  }
0x505: {  	[sflag:s17] =	ssyncset.done $0x0  }
0x506: {  	[sflag:s17] =	ssyncadd.s32 $0xFFFFE000  }
0x507: {  	[tilespmem:s24], [sflag:$0x3] =	stream.linear.gather [hbm4b:s1+s2], $0x2000, $0x38;
	[tilespmem:$0x10000] =	vst v63  }
0x508: {  	_ =	swait.ge [sflag:s14], $0x2000  }
0x509: {  	s30 =	sld [smem:$0x7E2]  }
0x50a: {  	[sflag:s14] =	ssyncset.done $0x0  }
0x50b: {  	[sflag:s14] =	ssyncadd.s32 $0xFFFFE000  }
0x50c: {  	[hbm4b:s30+s7] =	stream.strided.scatter [tilespmem:s5], [sflag:$0x6], $0x2000, s11, s7, $0x38;
	[tilespmem:$0x10000] =	vst v63  }
0x50d: {  	_ =	swait.ge [sflag:s16], $0x2000  }
0x50e: {  	s31 =	sld [smem:$0x7E3]  }
0x50f: {  	[sflag:s16] =	ssyncset.done $0x0  }
0x510: {  	[sflag:s16] =	ssyncadd.s32 $0xFFFFE000  }
0x511: {  	[tilespmem:s21], [sflag:$0x4] =	stream.linear.gather [hbm4b:s31+s2], $0x2000, $0x38;
	[tilespmem:$0x10000] =	vst v63  }
0x512: {  	_ =	swait.ge [sflag:s29], $0x2000  }
0x513: {  	s1 =	sld [smem:$0x7E4]  }
0x514: {  	[sflag:s29] =	ssyncset.done $0x0  }
0x515: {  	[sflag:s29] =	ssyncadd.s32 $0xFFFFE000  }
0x516: {  	[hbm4b:s1+s7] =	stream.strided.scatter [tilespmem:s24], [sflag:$0x7], $0x2000, s11, s7, $0x38;
	[tilespmem:$0x10000] =	vst v63  }
0x517: {  	_ =	swait.ge [sflag:s8], $0x2000  }
0x518: {  	s30 =	sld [smem:$0x7E5]  }
0x519: {  	[sflag:s8] =	ssyncset.done $0x0  }
0x51a: {  	[sflag:s8] =	ssyncadd.s32 $0xFFFFE000  }
0x51b: {  	[tilespmem:s10], [sflag:$0x1] =	stream.linear.gather [hbm4b:s30+s2], $0x2000, $0x38;
	[tilespmem:$0x10000] =	vst v63  }
0x51c: {  	_ =	swait.ge [sflag:s25], $0x2000  }
0x51d: {  	s31 =	sld [smem:$0x7E6]  }
0x51e: {  	[sflag:s25] =	ssyncset.done $0x0  }
0x51f: {  	[sflag:s25] =	ssyncadd.s32 $0xFFFFE000  }
0x520: {  	[hbm4b:s31+s7] =	stream.strided.scatter [tilespmem:s21], [sflag:$0x8], $0x2000, s11, s7, $0x38;
	[tilespmem:$0x10000] =	vst v63  }
0x521: {  	_ =	swait.ge [sflag:s6], $0x2000  }
0x522: {  	s1 =	sld [smem:$0x7E7]  }
0x523: {  	[sflag:s6] =	ssyncset.done $0x0  }
0x524: {  	[sflag:s6] =	ssyncadd.s32 $0xFFFFE000  }
0x525: {  	[tilespmem:s5], [sflag:$0x2] =	stream.linear.gather [hbm4b:s1+s2], $0x2000, $0x38;
	[tilespmem:$0x10000] =	vst v63  }
0x526: {  	_ =	swait.ge [sflag:s13], $0x2000  }
0x527: {  	s30 =	sld [smem:$0x7E8]  }
0x528: {  	[sflag:s13] =	ssyncset.done $0x0  }
0x529: {  	[sflag:s13] =	ssyncadd.s32 $0xFFFFE000  }
0x52a: {  	[hbm4b:s30+s7] =	stream.strided.scatter [tilespmem:s10], [sflag:$0x5], $0x2000, s11, s7, $0x38;
	[tilespmem:$0x10000] =	vst v63  }
0x52b: {  	_ =	swait.ge [sflag:s17], $0x2000  }
0x52c: {  	s31 =	sld [smem:$0x7E9]  }
0x52d: {  	[sflag:s17] =	ssyncset.done $0x0  }
0x52e: {  	[sflag:s17] =	ssyncadd.s32 $0xFFFFE000  }
0x52f: {  	[tilespmem:s24], [sflag:$0x3] =	stream.linear.gather [hbm4b:s31+s2], $0x2000, $0x38;
	[tilespmem:$0x10000] =	vst v63  }
0x530: {  	_ =	swait.ge [sflag:s14], $0x2000  }
0x531: {  	s1 =	sld [smem:$0x7EA]  }
0x532: {  	[sflag:s14] =	ssyncset.done $0x0  }
0x533: {  	[sflag:s14] =	ssyncadd.s32 $0xFFFFE000  }
0x534: {  	[hbm4b:s1+s7] =	stream.strided.scatter [tilespmem:s5], [sflag:$0x6], $0x2000, s11, s7, $0x38;
	[tilespmem:$0x10000] =	vst v63  }
0x535: {  	_ =	swait.ge [sflag:s16], $0x2000  }
0x536: {  	s30 =	sld [smem:$0x7EB]  }
0x537: {  	[sflag:s16] =	ssyncset.done $0x0  }
0x538: {  	[sflag:s16] =	ssyncadd.s32 $0xFFFFE000  }
0x539: {  	[tilespmem:s21], [sflag:$0x4] =	stream.linear.gather [hbm4b:s30+s2], $0x2000, $0x38;
	[tilespmem:$0x10000] =	vst v63  }
0x53a: {  	_ =	swait.ge [sflag:s29], $0x2000  }
0x53b: {  	s31 =	sld [smem:$0x7EC]  }
0x53c: {  	[sflag:s29] =	ssyncset.done $0x0  }
0x53d: {  	[sflag:s29] =	ssyncadd.s32 $0xFFFFE000  }
0x53e: {  	[hbm4b:s31+s7] =	stream.strided.scatter [tilespmem:s24], [sflag:$0x7], $0x2000, s11, s7, $0x38;
	[tilespmem:$0x10000] =	vst v63  }
0x53f: {  	_ =	swait.ge [sflag:s8], $0x2000  }
0x540: {  	s1 =	sld [smem:$0x7ED]  }
0x541: {  	[sflag:s8] =	ssyncset.done $0x0  }
0x542: {  	[sflag:s8] =	ssyncadd.s32 $0xFFFFE000  }
0x543: {  	[tilespmem:s10], [sflag:$0x1] =	stream.linear.gather [hbm4b:s1+s2], $0x2000, $0x38;
	[tilespmem:$0x10000] =	vst v63  }
0x544: {  	_ =	swait.ge [sflag:s25], $0x2000  }
0x545: {  	s30 =	sld [smem:$0x7EE]  }
0x546: {  	[sflag:s25] =	ssyncset.done $0x0  }
0x547: {  	[sflag:s25] =	ssyncadd.s32 $0xFFFFE000  }
0x548: {  	[hbm4b:s30+s7] =	stream.strided.scatter [tilespmem:s21], [sflag:$0x8], $0x2000, s11, s7, $0x38;
	[tilespmem:$0x10000] =	vst v63  }
0x549: {  	_ =	swait.ge [sflag:s6], $0x2000  }
0x54a: {  	s31 =	sld [smem:$0x7EF]  }
0x54b: {  	[sflag:s6] =	ssyncset.done $0x0  }
0x54c: {  	[sflag:s6] =	ssyncadd.s32 $0xFFFFE000  }
0x54d: {  	[tilespmem:s5], [sflag:$0x2] =	stream.linear.gather [hbm4b:s31+s2], $0x2000, $0x38;
	[tilespmem:$0x10000] =	vst v63  }
0x54e: {  	_ =	swait.ge [sflag:s13], $0x2000  }
0x54f: {  	s1 =	sld [smem:$0x7F0]  }
0x550: {  	[sflag:s13] =	ssyncset.done $0x0  }
0x551: {  	[sflag:s13] =	ssyncadd.s32 $0xFFFFE000  }
0x552: {  	[hbm4b:s1+s7] =	stream.strided.scatter [tilespmem:s10], [sflag:$0x5], $0x2000, s11, s7, $0x38;
	[tilespmem:$0x10000] =	vst v63  }
0x553: {  	_ =	swait.ge [sflag:s17], $0x2000  }
0x554: {  	s30 =	sld [smem:$0x7F1]  }
0x555: {  	[sflag:s17] =	ssyncset.done $0x0  }
0x556: {  	[sflag:s17] =	ssyncadd.s32 $0xFFFFE000  }
0x557: {  	[tilespmem:s24], [sflag:$0x3] =	stream.linear.gather [hbm4b:s30+s2], $0x2000, $0x38;
	[tilespmem:$0x10000] =	vst v63  }
0x558: {  	_ =	swait.ge [sflag:s14], $0x2000  }
0x559: {  	s31 =	sld [smem:$0x7F2]  }
0x55a: {  	[sflag:s14] =	ssyncset.done $0x0  }
0x55b: {  	[sflag:s14] =	ssyncadd.s32 $0xFFFFE000  }
0x55c: {  	[hbm4b:s31+s7] =	stream.strided.scatter [tilespmem:s5], [sflag:$0x6], $0x2000, s11, s7, $0x38;
	[tilespmem:$0x10000] =	vst v63  }
0x55d: {  	_ =	swait.ge [sflag:s16], $0x2000  }
0x55e: {  	s1 =	sld [smem:$0x7F3]  }
0x55f: {  	[sflag:s16] =	ssyncset.done $0x0  }
0x560: {  	[sflag:s16] =	ssyncadd.s32 $0xFFFFE000  }
0x561: {  	[tilespmem:s21], [sflag:$0x4] =	stream.linear.gather [hbm4b:s1+s2], $0x2000, $0x38;
	[tilespmem:$0x10000] =	vst v63  }
0x562: {  	_ =	swait.ge [sflag:s29], $0x2000  }
0x563: {  	s30 =	sld [smem:$0x7F4]  }
0x564: {  	[sflag:s29] =	ssyncset.done $0x0  }
0x565: {  	[sflag:s29] =	ssyncadd.s32 $0xFFFFE000  }
0x566: {  	[hbm4b:s30+s7] =	stream.strided.scatter [tilespmem:s24], [sflag:$0x7], $0x2000, s11, s7, $0x38;
	[tilespmem:$0x10000] =	vst v63  }
0x567: {  	_ =	swait.ge [sflag:s8], $0x2000  }
0x568: {  	s31 =	sld [smem:$0x7F5]  }
0x569: {  	[sflag:s8] =	ssyncset.done $0x0  }
0x56a: {  	[sflag:s8] =	ssyncadd.s32 $0xFFFFE000  }
0x56b: {  	[tilespmem:s10], [sflag:$0x1] =	stream.linear.gather [hbm4b:s31+s2], $0x2000, $0x38;
	[tilespmem:$0x10000] =	vst v63  }
0x56c: {  	_ =	swait.ge [sflag:s25], $0x2000  }
0x56d: {  	s1 =	sld [smem:$0x7F6]  }
0x56e: {  	[sflag:s25] =	ssyncset.done $0x0  }
0x56f: {  	[sflag:s25] =	ssyncadd.s32 $0xFFFFE000  }
0x570: {  	[hbm4b:s1+s7] =	stream.strided.scatter [tilespmem:s21], [sflag:$0x8], $0x2000, s11, s7, $0x38;
	[tilespmem:$0x10000] =	vst v63  }
0x571: {  	_ =	swait.ge [sflag:s6], $0x2000  }
0x572: {  	s30 =	sld [smem:$0x7F7]  }
0x573: {  	[sflag:s6] =	ssyncset.done $0x0  }
0x574: {  	[sflag:s6] =	ssyncadd.s32 $0xFFFFE000  }
0x575: {  	[tilespmem:s5], [sflag:$0x2] =	stream.linear.gather [hbm4b:s30+s2], $0x2000, $0x38;
	[tilespmem:$0x10000] =	vst v63  }
0x576: {  	_ =	swait.ge [sflag:s13], $0x2000  }
0x577: {  	s31 =	sld [smem:$0x7F8]  }
0x578: {  	[sflag:s13] =	ssyncset.done $0x0  }
0x579: {  	[sflag:s13] =	ssyncadd.s32 $0xFFFFE000  }
0x57a: {  	[hbm4b:s31+s7] =	stream.strided.scatter [tilespmem:s10], [sflag:$0x5], $0x2000, s11, s7, $0x38;
	[tilespmem:$0x10000] =	vst v63  }
0x57b: {  	_ =	swait.ge [sflag:s17], $0x2000  }
0x57c: {  	s1 =	sld [smem:$0x7F9]  }
0x57d: {  	[sflag:s17] =	ssyncset.done $0x0  }
0x57e: {  	[sflag:s17] =	ssyncadd.s32 $0xFFFFE000  }
0x57f: {  	[tilespmem:s24], [sflag:$0x3] =	stream.linear.gather [hbm4b:s1+s2], $0x2000, $0x38;
	[tilespmem:$0x10000] =	vst v63  }
0x580: {  	_ =	swait.ge [sflag:s14], $0x2000  }
0x581: {  	s30 =	sld [smem:$0x7FA]  }
0x582: {  	[sflag:s14] =	ssyncset.done $0x0  }
0x583: {  	[sflag:s14] =	ssyncadd.s32 $0xFFFFE000  }
0x584: {  	[hbm4b:s30+s7] =	stream.strided.scatter [tilespmem:s5], [sflag:$0x6], $0x2000, s11, s7, $0x38;
	[tilespmem:$0x10000] =	vst v63  }
0x585: {  	_ =	swait.ge [sflag:s16], $0x2000  }
0x586: {  	s31 =	sld [smem:$0x7FB]  }
0x587: {  	[sflag:s16] =	ssyncset.done $0x0  }
0x588: {  	[sflag:s16] =	ssyncadd.s32 $0xFFFFE000  }
0x589: {  	[tilespmem:s21], [sflag:$0x4] =	stream.linear.gather [hbm4b:s31+s2], $0x2000, $0x38;
	[tilespmem:$0x10000] =	vst v63  }
0x58a: {  	_ =	swait.ge [sflag:s29], $0x2000  }
0x58b: {  	s1 =	sld [smem:$0x7FC]  }
0x58c: {  	[sflag:s29] =	ssyncset.done $0x0  }
0x58d: {  	[sflag:s29] =	ssyncadd.s32 $0xFFFFE000  }
0x58e: {  	[hbm4b:s1+s7] =	stream.strided.scatter [tilespmem:s24], [sflag:$0x7], $0x2000, s11, s7, $0x38;
	[tilespmem:$0x10000] =	vst v63  }
0x58f: {  	_ =	swait.ge [sflag:s8], $0x2000  }
0x590: {  	s30 =	sld [smem:$0x7FD]  }
0x591: {  	[sflag:s8] =	ssyncset.done $0x0  }
0x592: {  	[sflag:s8] =	ssyncadd.s32 $0xFFFFE000  }
0x593: {  	[tilespmem:s10], [sflag:$0x1] =	stream.linear.gather [hbm4b:s30+s2], $0x2000, $0x38;
	[tilespmem:$0x10000] =	vst v63  }
0x594: {  	_ =	swait.ge [sflag:s25], $0x2000  }
0x595: {  	[sflag:s25] =	ssyncset.done $0x0  }
0x596: {  	[sflag:s25] =	ssyncadd.s32 $0xFFFFE000  }
0x597: {  	[hbm4b:s28+s7] =	stream.strided.scatter [tilespmem:s21], [sflag:$0x8], $0x2000, s11, s7, $0x38;
	[tilespmem:$0x10000] =	vst v63  }
0x598: {  	_ =	swait.ge [sflag:s6], $0x2000  }
0x599: {  	[sflag:s6] =	ssyncset.done $0x0  }
0x59a: {  	[sflag:s6] =	ssyncadd.s32 $0xFFFFE000  }
0x59b: {  	[tilespmem:s5], [sflag:$0x2] =	stream.linear.gather [hbm4b:s26+s2], $0x2000, $0x38;
	[tilespmem:$0x10000] =	vst v63  }
0x59c: {  	_ =	swait.ge [sflag:s13], $0x2000  }
0x59d: {  	[sflag:s13] =	ssyncset.done $0x0  }
0x59e: {  	[sflag:s13] =	ssyncadd.s32 $0xFFFFE000  }
0x59f: {  	[hbm4b:s23+s7] =	stream.strided.scatter [tilespmem:s10], [sflag:$0x5], $0x2000, s11, s7, $0x38;
	[tilespmem:$0x10000] =	vst v63  }
0x5a0: {  	_ =	swait.ge [sflag:s17], $0x2000  }
0x5a1: {  	[sflag:s17] =	ssyncset.done $0x0  }
0x5a2: {  	[sflag:s17] =	ssyncadd.s32 $0xFFFFE000  }
0x5a3: {  	[tilespmem:s24], [sflag:$0x3] =	stream.linear.gather [hbm4b:s22+s2], $0x2000, $0x38;
	[tilespmem:$0x10000] =	vst v63  }
0x5a4: {  	_ =	swait.ge [sflag:s14], $0x2000  }
0x5a5: {  	[sflag:s14] =	ssyncset.done $0x0  }
0x5a6: {  	[sflag:s14] =	ssyncadd.s32 $0xFFFFE000  }
0x5a7: {  	[hbm4b:s20+s7] =	stream.strided.scatter [tilespmem:s5], [sflag:$0x6], $0x2000, s11, s7, $0x38;
	[tilespmem:$0x10000] =	vst v63  }
0x5a8: {  	_ =	swait.ge [sflag:s16], $0x2000  }
0x5a9: {  	[sflag:s16] =	ssyncset.done $0x0  }
0x5aa: {  	[sflag:s16] =	ssyncadd.s32 $0xFFFFE000  }
0x5ab: {  	[tilespmem:s21], [sflag:$0x4] =	stream.linear.gather [hbm4b:s19+s2], $0x2000, $0x38;
	[tilespmem:$0x10000] =	vst v63  }
0x5ac: {  	_ =	swait.ge [sflag:s29], $0x2000  }
0x5ad: {  	[sflag:s29] =	ssyncset.done $0x0  }
0x5ae: {  	[sflag:s29] =	ssyncadd.s32 $0xFFFFE000  }
0x5af: {  	[hbm4b:s18+s7] =	stream.strided.scatter [tilespmem:s24], [sflag:$0x7], $0x2000, s11, s7, $0x38;
	[tilespmem:$0x10000] =	vst v63  }
0x5b0: {  	_ =	swait.ge [sflag:s8], $0x2000  }
0x5b1: {  	[sflag:s8] =	ssyncset.done $0x0  }
0x5b2: {  	[sflag:s8] =	ssyncadd.s32 $0xFFFFE000  }
0x5b3: {  	[tilespmem:s10], [sflag:$0x1] =	stream.linear.gather [hbm4b:s15+s2], $0x2000, $0x38;
	[tilespmem:$0x10000] =	vst v63  }
0x5b4: {  	_ =	swait.ge [sflag:s25], $0x2000  }
0x5b5: {  	[sflag:s25] =	ssyncset.done $0x0  }
0x5b6: {  	[sflag:s25] =	ssyncadd.s32 $0xFFFFE000  }
0x5b7: {  	[hbm4b:s12+s7] =	stream.strided.scatter [tilespmem:s21], [sflag:$0x8], $0x2000, s11, s7, $0x38;
	[tilespmem:$0x10000] =	vst v63  }
0x5b8: {  	_ =	swait.ge [sflag:s6], $0x2000  }
0x5b9: {  	[sflag:s6] =	ssyncset.done $0x0  }
0x5ba: {  	[sflag:s6] =	ssyncadd.s32 $0xFFFFE000  }
0x5bb: {  	[tilespmem:s5], [sflag:$0x2] =	stream.linear.gather [hbm4b:s9+s2], $0x2000, $0x38;
	[tilespmem:$0x10000] =	vst v63  }
0x5bc: {  	_ =	swait.ge [sflag:s13], $0x2000  }
0x5bd: {  	[sflag:s13] =	ssyncset.done $0x0  }
0x5be: {  	[sflag:s13] =	ssyncadd.s32 $0xFFFFE000  }
0x5bf: {  	[hbm4b:s4+s7] =	stream.strided.scatter [tilespmem:s10], [sflag:$0x5], $0x2000, s11, s7, $0x38;
	[tilespmem:$0x10000] =	vst v63  }
0x5c0: {  	_ =	swait.ge [sflag:s14], $0x2000  }
0x5c1: {  	[sflag:s14] =	ssyncset.done $0x0  }
0x5c2: {  	[sflag:s14] =	ssyncadd.s32 $0xFFFFE000  }
0x5c3: {  	[hbm4b:s3+s7] =	stream.strided.scatter [tilespmem:s5], [sflag:$0x6], $0x2000, s11, s7, $0x38;
	[tilespmem:$0x10000] =	vst v63  }
0x5c4: {  	_ =	swait.ge [sflag:s17], $0x2000  }
0x5c5: {  	[sflag:s17] =	ssyncset.done $0x0  }
0x5c6: {  	[sflag:s17] =	ssyncadd.s32 $0xFFFFE000  }
0x5c7: {  	_ =	swait.ge [sflag:s16], $0x2000  }
0x5c8: {  	[sflag:s16] =	ssyncset.done $0x0  }
0x5c9: {  	[sflag:s16] =	ssyncadd.s32 $0xFFFFE000  }
0x5ca: {  	_ =	swait.ge [sflag:s8], $0x2000  }
0x5cb: {  	[sflag:s8] =	ssyncset.done $0x0  }
0x5cc: {  	[sflag:s8] =	ssyncadd.s32 $0xFFFFE000  }
0x5cd: {  	_ =	swait.ge [sflag:s6], $0x2000  }
0x5ce: {  	[sflag:s6] =	ssyncset.done $0x0  }
0x5cf: {  	[sflag:s6] =	ssyncadd.s32 $0xFFFFE000  }
0x5d0: {  	_ =	sfence.sel $0x180000  }
0x5d1: {  	[bflag:$0x0] =	sbarrier.arrive $0xFFFF  }
0x5d2: {  	_ =	strace $0x90000047  }
0x5d3: {  	s31 =	stileid.u32;
	[bflag:$0x2] =	sbarrier.arrive $0xFFFF  }
0x5d4: {  	p0 =	sne.s32 s31, $0x0;
	s0 =	rddreg [dreg:$0x3]  }
0x5d5: {  	s0 =	sadd.s32 @!p0 $0x100000, s0  }
0x5d6: {  	[sflag:s0] =	ssyncadd.tile.s32 @!p0 $0x1;
	_ =	shalt  }
.Lfunc_end2:
_tile_overlayer_lowered:
.L_overlay_start_2:
0x5d7: {  	(tag) =	ssettag $0x2  }
0x5d8: {  	s0 =	rddreg [dreg:$0x0];
	s2 =	stileid.u32  }
0x5d9: {  	s1 =	rddreg [dreg:$0x1];
	p0 =	sne.s32 s2, $0x0  }
0x5da: {  	s3 =	rddreg [dreg:$0x2];
	[bflag:$0x3] =	sbarrier.arrive $0xFFFF;
	s2 =	simm.s32 @!p0 $0x1C09  }
0x5db: {  	[timem:s3], [sflag:s2] =	dma.local @!p0 [hbm:s0], s1  }
0x5dc: {  	s0 =	simm.s32 @!p0 $0x9  }
0x5dd: {  	_ =	swait.ge @!p0 [sflag:s0], s1  }
0x5de: {  	s1 =	ssub.s32 @!p0 $0x0, s1;
	[sflag:s0] =	ssyncset.done @!p0 $0x0  }
0x5df: {  	[sflag:s0] =	ssyncadd.s32 @!p0 s1  }
0x5e0: {  	[bflag:$0x3] =	sbarrier.arrive $0xFFFF  }
0x5e1: {  	_ =	shalt  }

</sc_bundles>
